<compile_context>
chip_gen: v7x
topology: tpu7x:2x2x1
jax: 0.10.2.dev20260603
libtpu: 0.0.44.dev20260713+nightly
codegen_flags: <defaults>
</compile_context>

<pallas_src>
import functools

import jax
import jax.numpy as jnp
from jax import lax
from jax.experimental import pallas as pl
from jax.experimental.pallas import tpu as pltpu
from jax.experimental.pallas import tpu_sc as plsc

N = 10000
D = 128
E = 320000
NC, NS = 2, 16
NW = NC * NS
NP = 10240
ER = 2560
RT = ER // NW
NPT = NP // NS

_mesh = plsc.VectorSubcoreMesh(
    core_axis_name="c", subcore_axis_name="s", num_cores=NC, num_subcores=NS)


def _set_identity(iidx, base):
    for j in range(8):
        iidx[pl.ds(j * 16, 16)] = lax.iota(jnp.int32, 16) + (base + j * 16)


@functools.partial(
    pl.kernel,
    out_type=jax.ShapeDtypeStruct((NC * NP, D), jnp.float32),
    mesh=_mesh,
    scratch_types=[
        pltpu.VMEM((128,), jnp.int32),
        pltpu.VMEM((128,), jnp.int32),
        pltpu.VMEM((128, D), jnp.float32),
        pltpu.VMEM((128, D), jnp.float32),
        pltpu.VMEM_SHARED((NP, D), jnp.float32),
        pltpu.SemaphoreType.DMA,
    ],
)
def _deg_kernel(col_hbm, ones_hbm, zeros_hbm, deg_out, iidx, cidx, ones_v,
                stage, deg_sh, sem):
    c = lax.axis_index("c")
    s = lax.axis_index("s")
    b = c * NS + s

    pltpu.sync_copy(zeros_hbm, stage)
    pltpu.sync_copy(ones_hbm, ones_v)
    for k in range(NPT // 128):
        _set_identity(iidx, s * NPT + k * 128)
        pltpu.sync_copy(stage, deg_sh.at[iidx])
    plsc.subcore_barrier()

    def body(j, carry):
        pltpu.sync_copy(col_hbm.at[b * RT + j], cidx)
        pltpu.sync_copy(ones_v, deg_sh.at[cidx], add=True)
        return carry

    lax.fori_loop(0, RT, body, 0, unroll=False)
    plsc.subcore_barrier()

    for k in range(NPT // 128):
        _set_identity(iidx, s * NPT + k * 128)
        pltpu.async_copy(deg_sh.at[iidx], stage, sem).wait()
        pltpu.sync_copy(stage, deg_out.at[pl.ds(b * NPT + k * 128, 128)])


@functools.partial(
    pl.kernel,
    out_type=jax.ShapeDtypeStruct((NC * NP, D), jnp.float32),
    mesh=_mesh,
    scratch_types=[
        pltpu.VMEM((128,), jnp.int32),
        [pltpu.VMEM((128,), jnp.int32) for _ in range(4)],
        [pltpu.VMEM((128,), jnp.int32) for _ in range(4)],
        [pltpu.VMEM((128, D), jnp.float32) for _ in range(2)],
        pltpu.VMEM_SHARED((NP, D), jnp.float32),
        pltpu.SemaphoreType.DMA,
        [pltpu.SemaphoreType.DMA for _ in range(4)],
        [pltpu.SemaphoreType.DMA for _ in range(2)],
        [pltpu.SemaphoreType.DMA for _ in range(2)],
    ],
)
def _edge_kernel(row_hbm, col_hbm, y_hbm, zeros_hbm, acc_out, iidx, ridx,
                 cidx, gbuf, acc_sh, sem, isem, gsem, ssem):
    c = lax.axis_index("c")
    s = lax.axis_index("s")
    b = c * NS + s

    pltpu.sync_copy(zeros_hbm, gbuf[0])
    for k in range(NPT // 128):
        _set_identity(iidx, s * NPT + k * 128)
        pltpu.sync_copy(gbuf[0], acc_sh.at[iidx])
    plsc.subcore_barrier()

    def start_idx(j, r):
        pltpu.async_copy(row_hbm.at[b * RT + j], ridx[r], isem[r])
        pltpu.async_copy(col_hbm.at[b * RT + j], cidx[r], isem[r])

    def wait_idx(r):
        pltpu.make_async_copy(row_hbm.at[0], ridx[r], isem[r]).wait()
        pltpu.make_async_copy(col_hbm.at[0], cidx[r], isem[r]).wait()

    def start_gather(r, p):
        pltpu.async_copy(y_hbm.at[ridx[r]], gbuf[p], gsem[p])

    def wait_gather(p):
        pltpu.make_async_copy(y_hbm.at[pl.ds(0, 128)], gbuf[p],
                              gsem[p]).wait()

    def start_scatter(r, p):
        pltpu.async_copy(gbuf[p], acc_sh.at[cidx[r]], ssem[p], add=True)

    def wait_scatter(p):
        pltpu.make_async_copy(y_hbm.at[pl.ds(0, 128)], gbuf[p],
                              ssem[p]).wait()

    def phase(jv, k, do_prev=True, do_g=True, do_i=True):
        p, q = k % 2, 1 - (k % 2)
        if do_prev:
            wait_scatter(q)
        if do_g:
            wait_idx((k + 1) % 4)
            start_gather((k + 1) % 4, q)
        if do_i:
            start_idx(jv + 3, (k + 3) % 4)
        wait_gather(p)
        start_scatter(k, p)

    for r in range(3):
        start_idx(r, r)
    wait_idx(0)
    start_gather(0, 0)

    phase(0, 0, do_prev=False)
    phase(1, 1)
    phase(2, 2)
    phase(3, 3)

    def body(t, carry):
        for k in range(4):
            phase(4 * t + k, k)
        return carry

    lax.fori_loop(1, RT // 4 - 1, body, 0, unroll=False)

    phase(RT - 4, 0)
    phase(RT - 3, 1, do_i=False)
    phase(RT - 2, 2, do_i=False)
    phase(RT - 1, 3, do_g=False, do_i=False)
    wait_scatter((RT - 1) % 2)
    plsc.subcore_barrier()

    for k in range(NPT // 128):
        _set_identity(iidx, s * NPT + k * 128)
        pltpu.async_copy(acc_sh.at[iidx], gbuf[0], sem).wait()
        pltpu.sync_copy(gbuf[0], acc_out.at[pl.ds(b * NPT + k * 128, 128)])


def _transform_body(x_ref, w_ref, d0_ref, d1_ref, y_ref):
    xw = lax.dot_general(x_ref[...], w_ref[...], (((1,), (1,)), ((), ())),
                         preferred_element_type=jnp.float32,
                         precision=lax.Precision.HIGHEST)
    deg = d0_ref[...] + d1_ref[...] + 1.0
    y_ref[...] = xw * lax.rsqrt(deg)


def _finalize_body(a0_ref, a1_ref, y_ref, d0_ref, d1_ref, b_ref, o_ref):
    deg = d0_ref[...] + d1_ref[...] + 1.0
    acc = a0_ref[...] + a1_ref[...] + y_ref[...]
    o_ref[...] = acc * lax.rsqrt(deg) + b_ref[...]


_BM = 2000


def _node_spec():
    return pl.BlockSpec((_BM, D), lambda i: (i, 0))


def kernel(x, edge_index, W, bias):
    ei = edge_index.astype(jnp.int32)
    pad = ER * 128 - E
    row = jnp.concatenate([ei[0], jnp.zeros((pad,), jnp.int32)])
    col = jnp.concatenate([ei[1], jnp.full((pad,), NP - 1, jnp.int32)])
    row2 = row.reshape(ER, 128)
    col2 = col.reshape(ER, 128)

    ones_s = jnp.ones((128, D), jnp.float32)
    zeros_s = jnp.zeros((128, D), jnp.float32)

    deg2 = _deg_kernel(col2, ones_s, zeros_s)
    d0 = deg2[:N]
    d1 = deg2[NP:NP + N]

    y = pl.pallas_call(
        _transform_body,
        grid=(N // _BM,),
        in_specs=[
            _node_spec(),
            pl.BlockSpec((D, D), lambda i: (0, 0)),
            _node_spec(),
            _node_spec(),
        ],
        out_specs=_node_spec(),
        out_shape=jax.ShapeDtypeStruct((N, D), jnp.float32),
    )(x, W, d0, d1)

    acc2 = _edge_kernel(row2, col2, y, zeros_s)
    a0 = acc2[:N]
    a1 = acc2[NP:NP + N]

    out = pl.pallas_call(
        _finalize_body,
        grid=(N // _BM,),
        in_specs=[
            _node_spec(),
            _node_spec(),
            _node_spec(),
            _node_spec(),
            _node_spec(),
            pl.BlockSpec((1, D), lambda i: (0, 0)),
        ],
        out_specs=_node_spec(),
        out_shape=jax.ShapeDtypeStruct((N, D), jnp.float32),
    )(a0, a1, y, d0, d1, bias.reshape(1, D))
    return out

# --- scband reference (transcript-rebuilt; emitter-appended) ---
"""Pipeline reference for scband-gcnconv-1554778161247 (READ-ONLY COPY).

The authoritative reference and input builder live on the scoring server;
editing this copy changes nothing except your own understanding.
"""

import jax, jax.numpy as jnp
import numpy as np

N_NODES = 10000
N_EDGES = 320000
D_IN = 128
D_OUT = 128


def setup_inputs(seed: int = 0) -> dict:
    key = jax.random.key(seed)
    k1, k2, k3 = jax.random.split(key, 3)
    x = jax.random.normal(k1, (N_NODES, D_IN), dtype=jnp.float32)
    edge_index = jax.random.randint(k2, (2, N_EDGES), 0, N_NODES, dtype=jnp.int64)
    # Linear weight (torch nn.Linear: [out, in]), xavier-uniform style init
    limit = float(np.sqrt(6.0 / (D_IN + D_OUT)))
    W = jax.random.uniform(k3, (D_OUT, D_IN), dtype=jnp.float32, minval=-limit, maxval=limit)
    bias = jnp.zeros((D_OUT,), dtype=jnp.float32)
    return {"x": x, "edge_index": edge_index, "W": W, "bias": bias}


def reference(x, edge_index, W, bias):
    num_nodes = x.shape[0]
    # add self loops
    loops = jnp.arange(num_nodes, dtype=edge_index.dtype)
    ei = jnp.concatenate([edge_index, jnp.stack([loops, loops], axis=0)], axis=1)
    row, col = ei[0], ei[1]
    # degree of destination nodes (col)
    deg = jnp.zeros((num_nodes,), dtype=x.dtype).at[col].add(1.0)
    deg_inv_sqrt = jnp.where(deg > 0, jax.lax.rsqrt(jnp.maximum(deg, 1e-30)), 0.0)
    norm = deg_inv_sqrt[row] * deg_inv_sqrt[col]
    # linear transform (no bias inside lin)
    xw = x @ W.T
    # gather messages from source nodes, scale, scatter-add into destinations
    msg = xw[row] * norm[:, None]
    out = jnp.zeros_like(xw).at[col].add(msg)
    return out + bias


if False:  # reference __main__ guard neutralized (emitter)
    inp = setup_inputs()
    y = reference(**inp)
    print(y.shape, y.dtype)

if __name__ == "__main__":
    import jax
    _d = setup_inputs()
    print(jax.jit(kernel)(*tuple(_d.values())))

</pallas_src>

<mosaic_0001>
#map = affine_map<(d0, d1) -> (0, 0)>
module attributes {stable_mosaic.version = 14 : i64} {
  func.func @_deg_kernel(%arg0: i32, %arg1: i32, %arg2: memref<2560x128xi32, #tpu.memory_space<hbm>>, %arg3: memref<128x128xf32, #tpu.memory_space<hbm>>, %arg4: memref<128x128xf32, #tpu.memory_space<hbm>>, %arg5: memref<20480x128xf32, #tpu.memory_space<hbm>>, %arg6: memref<128xi32, #tpu.memory_space<vmem>>, %arg7: memref<128xi32, #tpu.memory_space<vmem>>, %arg8: memref<128x128xf32, #tpu.memory_space<vmem>>, %arg9: memref<128x128xf32, #tpu.memory_space<vmem>>, %arg10: memref<10240x128xf32, #tpu.memory_space<vmem_shared>>, %arg11: memref<!tpu.dma_semaphore, #tpu.memory_space<semaphore_mem>>) attributes {dimension_semantics = [#tpu.dimension_semantics<core_parallel>, #tpu.dimension_semantics<subcore_parallel>], iteration_bounds = array<i64: 2, 16>, scalar_prefetch = 0 : i64, scratch_operands = 6 : i64, tpu.core_type = #tpu.core_type<sc_vector_subcore>, window_params = [{transform_indices = #map}, {transform_indices = #map}, {transform_indices = #map}, {transform_indices = #map}]} {
    %mul3A = arith.constant 16 : i32
    %mul3A_0 = arith.muli %arg0, %mul3A : i32
    %add3A = arith.addi %mul3A_0, %arg1 : i32
    "tpu.region"() ({
      %run_scoped3A = tpu.sem_alloc : memref<!tpu.dma_semaphore, #tpu.memory_space<semaphore_mem>>
      tpu.enqueue_dma source(%arg4 : memref<128x128xf32, #tpu.memory_space<hbm>>) target(%arg9 : memref<128x128xf32, #tpu.memory_space<vmem>>) target_semaphore(%run_scoped3A : memref<!tpu.dma_semaphore, #tpu.memory_space<semaphore_mem>>)
      tpu.wait_dma2 semaphore(%run_scoped3A : memref<!tpu.dma_semaphore, #tpu.memory_space<semaphore_mem>>) src(%arg4 : memref<128x128xf32, #tpu.memory_space<hbm>>) dst(%arg9 : memref<128x128xf32, #tpu.memory_space<vmem>>)
      tpu.yield
    }) : () -> ()
    "tpu.region"() ({
      %run_scoped3A = tpu.sem_alloc : memref<!tpu.dma_semaphore, #tpu.memory_space<semaphore_mem>>
      tpu.enqueue_dma source(%arg3 : memref<128x128xf32, #tpu.memory_space<hbm>>) target(%arg8 : memref<128x128xf32, #tpu.memory_space<vmem>>) target_semaphore(%run_scoped3A : memref<!tpu.dma_semaphore, #tpu.memory_space<semaphore_mem>>)
      tpu.wait_dma2 semaphore(%run_scoped3A : memref<!tpu.dma_semaphore, #tpu.memory_space<semaphore_mem>>) src(%arg3 : memref<128x128xf32, #tpu.memory_space<hbm>>) dst(%arg8 : memref<128x128xf32, #tpu.memory_space<vmem>>)
      tpu.yield
    }) : () -> ()
    %mul3A_1 = arith.constant 640 : i32
    %mul3A_2 = arith.muli %arg1, %mul3A_1 : i32
    %add3A_3 = arith.constant 0 : i32
    %add3A_4 = arith.addi %mul3A_2, %add3A_3 : i32
    %iota3A = tpu.iota {dimensions = array<i32: 0>} : vector<16xi32>
    %add3A_5 = arith.constant 0 : i32
    %add3A_6 = arith.addi %add3A_4, %add3A_5 : i32
    %add3A_7 = vector.broadcast %add3A_6 : i32 to vector<16xi32>
    %add3A_8 = arith.addi %iota3A, %add3A_7 : vector<16xi32>
    %swap3A = arith.constant 0 : index
    %swap3A_9 = tpu.vector_load %arg6[%swap3A] {strides = array<i32>} : memref<128xi32, #tpu.memory_space<vmem>>, vector<16xi32>,
    %swap3A_10 = vector.shape_cast %swap3A_9 : vector<16xi32> to vector<16xi32>
    %swap3A_11 = vector.shape_cast %add3A_8 : vector<16xi32> to vector<16xi32>
    tpu.vector_store %arg6[%swap3A], %swap3A_11 {strides = array<i32>} : memref<128xi32, #tpu.memory_space<vmem>>, vector<16xi32>,
    %iota3A_12 = tpu.iota {dimensions = array<i32: 0>} : vector<16xi32>
    %add3A_13 = arith.constant 16 : i32
    %add3A_14 = arith.addi %add3A_4, %add3A_13 : i32
    %add3A_15 = vector.broadcast %add3A_14 : i32 to vector<16xi32>
    %add3A_16 = arith.addi %iota3A_12, %add3A_15 : vector<16xi32>
    %swap3A_17 = arith.constant 16 : index
    %swap3A_18 = tpu.vector_load %arg6[%swap3A_17] {strides = array<i32>} : memref<128xi32, #tpu.memory_space<vmem>>, vector<16xi32>,
    %swap3A_19 = vector.shape_cast %swap3A_18 : vector<16xi32> to vector<16xi32>
    %swap3A_20 = vector.shape_cast %add3A_16 : vector<16xi32> to vector<16xi32>
    tpu.vector_store %arg6[%swap3A_17], %swap3A_20 {strides = array<i32>} : memref<128xi32, #tpu.memory_space<vmem>>, vector<16xi32>,
    %iota3A_21 = tpu.iota {dimensions = array<i32: 0>} : vector<16xi32>
    %add3A_22 = arith.constant 32 : i32
    %add3A_23 = arith.addi %add3A_4, %add3A_22 : i32
    %add3A_24 = vector.broadcast %add3A_23 : i32 to vector<16xi32>
    %add3A_25 = arith.addi %iota3A_21, %add3A_24 : vector<16xi32>
    %swap3A_26 = arith.constant 32 : index
    %swap3A_27 = tpu.vector_load %arg6[%swap3A_26] {strides = array<i32>} : memref<128xi32, #tpu.memory_space<vmem>>, vector<16xi32>,
    %swap3A_28 = vector.shape_cast %swap3A_27 : vector<16xi32> to vector<16xi32>
    %swap3A_29 = vector.shape_cast %add3A_25 : vector<16xi32> to vector<16xi32>
    tpu.vector_store %arg6[%swap3A_26], %swap3A_29 {strides = array<i32>} : memref<128xi32, #tpu.memory_space<vmem>>, vector<16xi32>,
    %iota3A_30 = tpu.iota {dimensions = array<i32: 0>} : vector<16xi32>
    %add3A_31 = arith.constant 48 : i32
    %add3A_32 = arith.addi %add3A_4, %add3A_31 : i32
    %add3A_33 = vector.broadcast %add3A_32 : i32 to vector<16xi32>
    %add3A_34 = arith.addi %iota3A_30, %add3A_33 : vector<16xi32>
    %swap3A_35 = arith.constant 48 : index
    %swap3A_36 = tpu.vector_load %arg6[%swap3A_35] {strides = array<i32>} : memref<128xi32, #tpu.memory_space<vmem>>, vector<16xi32>,
    %swap3A_37 = vector.shape_cast %swap3A_36 : vector<16xi32> to vector<16xi32>
    %swap3A_38 = vector.shape_cast %add3A_34 : vector<16xi32> to vector<16xi32>
    tpu.vector_store %arg6[%swap3A_35], %swap3A_38 {strides = array<i32>} : memref<128xi32, #tpu.memory_space<vmem>>, vector<16xi32>,
    %iota3A_39 = tpu.iota {dimensions = array<i32: 0>} : vector<16xi32>
    %add3A_40 = arith.constant 64 : i32
    %add3A_41 = arith.addi %add3A_4, %add3A_40 : i32
    %add3A_42 = vector.broadcast %add3A_41 : i32 to vector<16xi32>
    %add3A_43 = arith.addi %iota3A_39, %add3A_42 : vector<16xi32>
    %swap3A_44 = arith.constant 64 : index
    %swap3A_45 = tpu.vector_load %arg6[%swap3A_44] {strides = array<i32>} : memref<128xi32, #tpu.memory_space<vmem>>, vector<16xi32>,
    %swap3A_46 = vector.shape_cast %swap3A_45 : vector<16xi32> to vector<16xi32>
    %swap3A_47 = vector.shape_cast %add3A_43 : vector<16xi32> to vector<16xi32>
    tpu.vector_store %arg6[%swap3A_44], %swap3A_47 {strides = array<i32>} : memref<128xi32, #tpu.memory_space<vmem>>, vector<16xi32>,
    %iota3A_48 = tpu.iota {dimensions = array<i32: 0>} : vector<16xi32>
    %add3A_49 = arith.constant 80 : i32
    %add3A_50 = arith.addi %add3A_4, %add3A_49 : i32
    %add3A_51 = vector.broadcast %add3A_50 : i32 to vector<16xi32>
    %add3A_52 = arith.addi %iota3A_48, %add3A_51 : vector<16xi32>
    %swap3A_53 = arith.constant 80 : index
    %swap3A_54 = tpu.vector_load %arg6[%swap3A_53] {strides = array<i32>} : memref<128xi32, #tpu.memory_space<vmem>>, vector<16xi32>,
    %swap3A_55 = vector.shape_cast %swap3A_54 : vector<16xi32> to vector<16xi32>
    %swap3A_56 = vector.shape_cast %add3A_52 : vector<16xi32> to vector<16xi32>
    tpu.vector_store %arg6[%swap3A_53], %swap3A_56 {strides = array<i32>} : memref<128xi32, #tpu.memory_space<vmem>>, vector<16xi32>,
    %iota3A_57 = tpu.iota {dimensions = array<i32: 0>} : vector<16xi32>
    %add3A_58 = arith.constant 96 : i32
    %add3A_59 = arith.addi %add3A_4, %add3A_58 : i32
    %add3A_60 = vector.broadcast %add3A_59 : i32 to vector<16xi32>
    %add3A_61 = arith.addi %iota3A_57, %add3A_60 : vector<16xi32>
    %swap3A_62 = arith.constant 96 : index
    %swap3A_63 = tpu.vector_load %arg6[%swap3A_62] {strides = array<i32>} : memref<128xi32, #tpu.memory_space<vmem>>, vector<16xi32>,
    %swap3A_64 = vector.shape_cast %swap3A_63 : vector<16xi32> to vector<16xi32>
    %swap3A_65 = vector.shape_cast %add3A_61 : vector<16xi32> to vector<16xi32>
    tpu.vector_store %arg6[%swap3A_62], %swap3A_65 {strides = array<i32>} : memref<128xi32, #tpu.memory_space<vmem>>, vector<16xi32>,
    %iota3A_66 = tpu.iota {dimensions = array<i32: 0>} : vector<16xi32>
    %add3A_67 = arith.constant 112 : i32
    %add3A_68 = arith.addi %add3A_4, %add3A_67 : i32
    %add3A_69 = vector.broadcast %add3A_68 : i32 to vector<16xi32>
    %add3A_70 = arith.addi %iota3A_66, %add3A_69 : vector<16xi32>
    %swap3A_71 = arith.constant 112 : index
    %swap3A_72 = tpu.vector_load %arg6[%swap3A_71] {strides = array<i32>} : memref<128xi32, #tpu.memory_space<vmem>>, vector<16xi32>,
    %swap3A_73 = vector.shape_cast %swap3A_72 : vector<16xi32> to vector<16xi32>
    %swap3A_74 = vector.shape_cast %add3A_70 : vector<16xi32> to vector<16xi32>
    tpu.vector_store %arg6[%swap3A_71], %swap3A_74 {strides = array<i32>} : memref<128xi32, #tpu.memory_space<vmem>>, vector<16xi32>,
    "tpu.region"() ({
      %run_scoped3A = tpu.sem_alloc : memref<!tpu.dma_semaphore, #tpu.memory_space<semaphore_mem>>
      %dma_start3A_813 = arith.constant 0 : i32
      %dma_start3A_814 = arith.constant 0 : i32
      %dma_start3A_815 = tpu.memref_slice %arg10[%dma_start3A_813, %dma_start3A_814] : memref<10240x128xf32, #tpu.memory_space<vmem_shared>> -> memref<10240x128xf32, #tpu.memory_space<vmem_shared>>
      tpu.enqueue_indirect_dma source(%arg9 : memref<128x128xf32, #tpu.memory_space<vmem>>) target(%dma_start3A_815 : memref<10240x128xf32, #tpu.memory_space<vmem_shared>>) offsets(%arg6 : memref<128xi32, #tpu.memory_space<vmem>>) semaphore(%run_scoped3A : memref<!tpu.dma_semaphore, #tpu.memory_space<semaphore_mem>>)
      %dma_wait3A_816 = arith.constant 0 : i32
      %dma_wait3A_817 = arith.constant 0 : i32
      %dma_wait3A_818 = tpu.memref_slice %arg10[%dma_wait3A_816, %dma_wait3A_817] : memref<10240x128xf32, #tpu.memory_space<vmem_shared>> -> memref<10240x128xf32, #tpu.memory_space<vmem_shared>>
      tpu.wait_indirect_dma semaphore(%run_scoped3A : memref<!tpu.dma_semaphore, #tpu.memory_space<semaphore_mem>>) src(%arg9 : memref<128x128xf32, #tpu.memory_space<vmem>>) dst(%dma_wait3A_818 : memref<10240x128xf32, #tpu.memory_space<vmem_shared>>)
      tpu.yield
    }) : () -> ()
    %mul3A_75 = arith.constant 640 : i32
    %mul3A_76 = arith.muli %arg1, %mul3A_75 : i32
    %add3A_77 = arith.constant 128 : i32
    %add3A_78 = arith.addi %mul3A_76, %add3A_77 : i32
    %iota3A_79 = tpu.iota {dimensions = array<i32: 0>} : vector<16xi32>
    %add3A_80 = arith.constant 0 : i32
    %add3A_81 = arith.addi %add3A_78, %add3A_80 : i32
    %add3A_82 = vector.broadcast %add3A_81 : i32 to vector<16xi32>
    %add3A_83 = arith.addi %iota3A_79, %add3A_82 : vector<16xi32>
    %swap3A_84 = arith.constant 0 : index
    %swap3A_85 = tpu.vector_load %arg6[%swap3A_84] {strides = array<i32>} : memref<128xi32, #tpu.memory_space<vmem>>, vector<16xi32>,
    %swap3A_86 = vector.shape_cast %swap3A_85 : vector<16xi32> to vector<16xi32>
    %swap3A_87 = vector.shape_cast %add3A_83 : vector<16xi32> to vector<16xi32>
    tpu.vector_store %arg6[%swap3A_84], %swap3A_87 {strides = array<i32>} : memref<128xi32, #tpu.memory_space<vmem>>, vector<16xi32>,
    %iota3A_88 = tpu.iota {dimensions = array<i32: 0>} : vector<16xi32>
    %add3A_89 = arith.constant 16 : i32
    %add3A_90 = arith.addi %add3A_78, %add3A_89 : i32
    %add3A_91 = vector.broadcast %add3A_90 : i32 to vector<16xi32>
    %add3A_92 = arith.addi %iota3A_88, %add3A_91 : vector<16xi32>
    %swap3A_93 = arith.constant 16 : index
    %swap3A_94 = tpu.vector_load %arg6[%swap3A_93] {strides = array<i32>} : memref<128xi32, #tpu.memory_space<vmem>>, vector<16xi32>,
    %swap3A_95 = vector.shape_cast %swap3A_94 : vector<16xi32> to vector<16xi32>
    %swap3A_96 = vector.shape_cast %add3A_92 : vector<16xi32> to vector<16xi32>
    tpu.vector_store %arg6[%swap3A_93], %swap3A_96 {strides = array<i32>} : memref<128xi32, #tpu.memory_space<vmem>>, vector<16xi32>,
    %iota3A_97 = tpu.iota {dimensions = array<i32: 0>} : vector<16xi32>
    %add3A_98 = arith.constant 32 : i32
    %add3A_99 = arith.addi %add3A_78, %add3A_98 : i32
    %add3A_100 = vector.broadcast %add3A_99 : i32 to vector<16xi32>
    %add3A_101 = arith.addi %iota3A_97, %add3A_100 : vector<16xi32>
    %swap3A_102 = arith.constant 32 : index
    %swap3A_103 = tpu.vector_load %arg6[%swap3A_102] {strides = array<i32>} : memref<128xi32, #tpu.memory_space<vmem>>, vector<16xi32>,
    %swap3A_104 = vector.shape_cast %swap3A_103 : vector<16xi32> to vector<16xi32>
    %swap3A_105 = vector.shape_cast %add3A_101 : vector<16xi32> to vector<16xi32>
    tpu.vector_store %arg6[%swap3A_102], %swap3A_105 {strides = array<i32>} : memref<128xi32, #tpu.memory_space<vmem>>, vector<16xi32>,
    %iota3A_106 = tpu.iota {dimensions = array<i32: 0>} : vector<16xi32>
    %add3A_107 = arith.constant 48 : i32
    %add3A_108 = arith.addi %add3A_78, %add3A_107 : i32
    %add3A_109 = vector.broadcast %add3A_108 : i32 to vector<16xi32>
    %add3A_110 = arith.addi %iota3A_106, %add3A_109 : vector<16xi32>
    %swap3A_111 = arith.constant 48 : index
    %swap3A_112 = tpu.vector_load %arg6[%swap3A_111] {strides = array<i32>} : memref<128xi32, #tpu.memory_space<vmem>>, vector<16xi32>,
    %swap3A_113 = vector.shape_cast %swap3A_112 : vector<16xi32> to vector<16xi32>
    %swap3A_114 = vector.shape_cast %add3A_110 : vector<16xi32> to vector<16xi32>
    tpu.vector_store %arg6[%swap3A_111], %swap3A_114 {strides = array<i32>} : memref<128xi32, #tpu.memory_space<vmem>>, vector<16xi32>,
    %iota3A_115 = tpu.iota {dimensions = array<i32: 0>} : vector<16xi32>
    %add3A_116 = arith.constant 64 : i32
    %add3A_117 = arith.addi %add3A_78, %add3A_116 : i32
    %add3A_118 = vector.broadcast %add3A_117 : i32 to vector<16xi32>
    %add3A_119 = arith.addi %iota3A_115, %add3A_118 : vector<16xi32>
    %swap3A_120 = arith.constant 64 : index
    %swap3A_121 = tpu.vector_load %arg6[%swap3A_120] {strides = array<i32>} : memref<128xi32, #tpu.memory_space<vmem>>, vector<16xi32>,
    %swap3A_122 = vector.shape_cast %swap3A_121 : vector<16xi32> to vector<16xi32>
    %swap3A_123 = vector.shape_cast %add3A_119 : vector<16xi32> to vector<16xi32>
    tpu.vector_store %arg6[%swap3A_120], %swap3A_123 {strides = array<i32>} : memref<128xi32, #tpu.memory_space<vmem>>, vector<16xi32>,
    %iota3A_124 = tpu.iota {dimensions = array<i32: 0>} : vector<16xi32>
    %add3A_125 = arith.constant 80 : i32
    %add3A_126 = arith.addi %add3A_78, %add3A_125 : i32
    %add3A_127 = vector.broadcast %add3A_126 : i32 to vector<16xi32>
    %add3A_128 = arith.addi %iota3A_124, %add3A_127 : vector<16xi32>
    %swap3A_129 = arith.constant 80 : index
    %swap3A_130 = tpu.vector_load %arg6[%swap3A_129] {strides = array<i32>} : memref<128xi32, #tpu.memory_space<vmem>>, vector<16xi32>,
    %swap3A_131 = vector.shape_cast %swap3A_130 : vector<16xi32> to vector<16xi32>
    %swap3A_132 = vector.shape_cast %add3A_128 : vector<16xi32> to vector<16xi32>
    tpu.vector_store %arg6[%swap3A_129], %swap3A_132 {strides = array<i32>} : memref<128xi32, #tpu.memory_space<vmem>>, vector<16xi32>,
    %iota3A_133 = tpu.iota {dimensions = array<i32: 0>} : vector<16xi32>
    %add3A_134 = arith.constant 96 : i32
    %add3A_135 = arith.addi %add3A_78, %add3A_134 : i32
    %add3A_136 = vector.broadcast %add3A_135 : i32 to vector<16xi32>
    %add3A_137 = arith.addi %iota3A_133, %add3A_136 : vector<16xi32>
    %swap3A_138 = arith.constant 96 : index
    %swap3A_139 = tpu.vector_load %arg6[%swap3A_138] {strides = array<i32>} : memref<128xi32, #tpu.memory_space<vmem>>, vector<16xi32>,
    %swap3A_140 = vector.shape_cast %swap3A_139 : vector<16xi32> to vector<16xi32>
    %swap3A_141 = vector.shape_cast %add3A_137 : vector<16xi32> to vector<16xi32>
    tpu.vector_store %arg6[%swap3A_138], %swap3A_141 {strides = array<i32>} : memref<128xi32, #tpu.memory_space<vmem>>, vector<16xi32>,
    %iota3A_142 = tpu.iota {dimensions = array<i32: 0>} : vector<16xi32>
    %add3A_143 = arith.constant 112 : i32
    %add3A_144 = arith.addi %add3A_78, %add3A_143 : i32
    %add3A_145 = vector.broadcast %add3A_144 : i32 to vector<16xi32>
    %add3A_146 = arith.addi %iota3A_142, %add3A_145 : vector<16xi32>
    %swap3A_147 = arith.constant 112 : index
    %swap3A_148 = tpu.vector_load %arg6[%swap3A_147] {strides = array<i32>} : memref<128xi32, #tpu.memory_space<vmem>>, vector<16xi32>,
    %swap3A_149 = vector.shape_cast %swap3A_148 : vector<16xi32> to vector<16xi32>
    %swap3A_150 = vector.shape_cast %add3A_146 : vector<16xi32> to vector<16xi32>
    tpu.vector_store %arg6[%swap3A_147], %swap3A_150 {strides = array<i32>} : memref<128xi32, #tpu.memory_space<vmem>>, vector<16xi32>,
    "tpu.region"() ({
      %run_scoped3A = tpu.sem_alloc : memref<!tpu.dma_semaphore, #tpu.memory_space<semaphore_mem>>
      %dma_start3A_813 = arith.constant 0 : i32
      %dma_start3A_814 = arith.constant 0 : i32
      %dma_start3A_815 = tpu.memref_slice %arg10[%dma_start3A_813, %dma_start3A_814] : memref<10240x128xf32, #tpu.memory_space<vmem_shared>> -> memref<10240x128xf32, #tpu.memory_space<vmem_shared>>
      tpu.enqueue_indirect_dma source(%arg9 : memref<128x128xf32, #tpu.memory_space<vmem>>) target(%dma_start3A_815 : memref<10240x128xf32, #tpu.memory_space<vmem_shared>>) offsets(%arg6 : memref<128xi32, #tpu.memory_space<vmem>>) semaphore(%run_scoped3A : memref<!tpu.dma_semaphore, #tpu.memory_space<semaphore_mem>>)
      %dma_wait3A_816 = arith.constant 0 : i32
      %dma_wait3A_817 = arith.constant 0 : i32
      %dma_wait3A_818 = tpu.memref_slice %arg10[%dma_wait3A_816, %dma_wait3A_817] : memref<10240x128xf32, #tpu.memory_space<vmem_shared>> -> memref<10240x128xf32, #tpu.memory_space<vmem_shared>>
      tpu.wait_indirect_dma semaphore(%run_scoped3A : memref<!tpu.dma_semaphore, #tpu.memory_space<semaphore_mem>>) src(%arg9 : memref<128x128xf32, #tpu.memory_space<vmem>>) dst(%dma_wait3A_818 : memref<10240x128xf32, #tpu.memory_space<vmem_shared>>)
      tpu.yield
    }) : () -> ()
    %mul3A_151 = arith.constant 640 : i32
    %mul3A_152 = arith.muli %arg1, %mul3A_151 : i32
    %add3A_153 = arith.constant 256 : i32
    %add3A_154 = arith.addi %mul3A_152, %add3A_153 : i32
    %iota3A_155 = tpu.iota {dimensions = array<i32: 0>} : vector<16xi32>
    %add3A_156 = arith.constant 0 : i32
    %add3A_157 = arith.addi %add3A_154, %add3A_156 : i32
    %add3A_158 = vector.broadcast %add3A_157 : i32 to vector<16xi32>
    %add3A_159 = arith.addi %iota3A_155, %add3A_158 : vector<16xi32>
    %swap3A_160 = arith.constant 0 : index
    %swap3A_161 = tpu.vector_load %arg6[%swap3A_160] {strides = array<i32>} : memref<128xi32, #tpu.memory_space<vmem>>, vector<16xi32>,
    %swap3A_162 = vector.shape_cast %swap3A_161 : vector<16xi32> to vector<16xi32>
    %swap3A_163 = vector.shape_cast %add3A_159 : vector<16xi32> to vector<16xi32>
    tpu.vector_store %arg6[%swap3A_160], %swap3A_163 {strides = array<i32>} : memref<128xi32, #tpu.memory_space<vmem>>, vector<16xi32>,
    %iota3A_164 = tpu.iota {dimensions = array<i32: 0>} : vector<16xi32>
    %add3A_165 = arith.constant 16 : i32
    %add3A_166 = arith.addi %add3A_154, %add3A_165 : i32
    %add3A_167 = vector.broadcast %add3A_166 : i32 to vector<16xi32>
    %add3A_168 = arith.addi %iota3A_164, %add3A_167 : vector<16xi32>
    %swap3A_169 = arith.constant 16 : index
    %swap3A_170 = tpu.vector_load %arg6[%swap3A_169] {strides = array<i32>} : memref<128xi32, #tpu.memory_space<vmem>>, vector<16xi32>,
    %swap3A_171 = vector.shape_cast %swap3A_170 : vector<16xi32> to vector<16xi32>
    %swap3A_172 = vector.shape_cast %add3A_168 : vector<16xi32> to vector<16xi32>
    tpu.vector_store %arg6[%swap3A_169], %swap3A_172 {strides = array<i32>} : memref<128xi32, #tpu.memory_space<vmem>>, vector<16xi32>,
    %iota3A_173 = tpu.iota {dimensions = array<i32: 0>} : vector<16xi32>
    %add3A_174 = arith.constant 32 : i32
    %add3A_175 = arith.addi %add3A_154, %add3A_174 : i32
    %add3A_176 = vector.broadcast %add3A_175 : i32 to vector<16xi32>
    %add3A_177 = arith.addi %iota3A_173, %add3A_176 : vector<16xi32>
    %swap3A_178 = arith.constant 32 : index
    %swap3A_179 = tpu.vector_load %arg6[%swap3A_178] {strides = array<i32>} : memref<128xi32, #tpu.memory_space<vmem>>, vector<16xi32>,
    %swap3A_180 = vector.shape_cast %swap3A_179 : vector<16xi32> to vector<16xi32>
    %swap3A_181 = vector.shape_cast %add3A_177 : vector<16xi32> to vector<16xi32>
    tpu.vector_store %arg6[%swap3A_178], %swap3A_181 {strides = array<i32>} : memref<128xi32, #tpu.memory_space<vmem>>, vector<16xi32>,
    %iota3A_182 = tpu.iota {dimensions = array<i32: 0>} : vector<16xi32>
    %add3A_183 = arith.constant 48 : i32
    %add3A_184 = arith.addi %add3A_154, %add3A_183 : i32
    %add3A_185 = vector.broadcast %add3A_184 : i32 to vector<16xi32>
    %add3A_186 = arith.addi %iota3A_182, %add3A_185 : vector<16xi32>
    %swap3A_187 = arith.constant 48 : index
    %swap3A_188 = tpu.vector_load %arg6[%swap3A_187] {strides = array<i32>} : memref<128xi32, #tpu.memory_space<vmem>>, vector<16xi32>,
    %swap3A_189 = vector.shape_cast %swap3A_188 : vector<16xi32> to vector<16xi32>
    %swap3A_190 = vector.shape_cast %add3A_186 : vector<16xi32> to vector<16xi32>
    tpu.vector_store %arg6[%swap3A_187], %swap3A_190 {strides = array<i32>} : memref<128xi32, #tpu.memory_space<vmem>>, vector<16xi32>,
    %iota3A_191 = tpu.iota {dimensions = array<i32: 0>} : vector<16xi32>
    %add3A_192 = arith.constant 64 : i32
    %add3A_193 = arith.addi %add3A_154, %add3A_192 : i32
    %add3A_194 = vector.broadcast %add3A_193 : i32 to vector<16xi32>
    %add3A_195 = arith.addi %iota3A_191, %add3A_194 : vector<16xi32>
    %swap3A_196 = arith.constant 64 : index
    %swap3A_197 = tpu.vector_load %arg6[%swap3A_196] {strides = array<i32>} : memref<128xi32, #tpu.memory_space<vmem>>, vector<16xi32>,
    %swap3A_198 = vector.shape_cast %swap3A_197 : vector<16xi32> to vector<16xi32>
    %swap3A_199 = vector.shape_cast %add3A_195 : vector<16xi32> to vector<16xi32>
    tpu.vector_store %arg6[%swap3A_196], %swap3A_199 {strides = array<i32>} : memref<128xi32, #tpu.memory_space<vmem>>, vector<16xi32>,
    %iota3A_200 = tpu.iota {dimensions = array<i32: 0>} : vector<16xi32>
    %add3A_201 = arith.constant 80 : i32
    %add3A_202 = arith.addi %add3A_154, %add3A_201 : i32
    %add3A_203 = vector.broadcast %add3A_202 : i32 to vector<16xi32>
    %add3A_204 = arith.addi %iota3A_200, %add3A_203 : vector<16xi32>
    %swap3A_205 = arith.constant 80 : index
    %swap3A_206 = tpu.vector_load %arg6[%swap3A_205] {strides = array<i32>} : memref<128xi32, #tpu.memory_space<vmem>>, vector<16xi32>,
    %swap3A_207 = vector.shape_cast %swap3A_206 : vector<16xi32> to vector<16xi32>
    %swap3A_208 = vector.shape_cast %add3A_204 : vector<16xi32> to vector<16xi32>
    tpu.vector_store %arg6[%swap3A_205], %swap3A_208 {strides = array<i32>} : memref<128xi32, #tpu.memory_space<vmem>>, vector<16xi32>,
    %iota3A_209 = tpu.iota {dimensions = array<i32: 0>} : vector<16xi32>
    %add3A_210 = arith.constant 96 : i32
    %add3A_211 = arith.addi %add3A_154, %add3A_210 : i32
    %add3A_212 = vector.broadcast %add3A_211 : i32 to vector<16xi32>
    %add3A_213 = arith.addi %iota3A_209, %add3A_212 : vector<16xi32>
    %swap3A_214 = arith.constant 96 : index
    %swap3A_215 = tpu.vector_load %arg6[%swap3A_214] {strides = array<i32>} : memref<128xi32, #tpu.memory_space<vmem>>, vector<16xi32>,
    %swap3A_216 = vector.shape_cast %swap3A_215 : vector<16xi32> to vector<16xi32>
    %swap3A_217 = vector.shape_cast %add3A_213 : vector<16xi32> to vector<16xi32>
    tpu.vector_store %arg6[%swap3A_214], %swap3A_217 {strides = array<i32>} : memref<128xi32, #tpu.memory_space<vmem>>, vector<16xi32>,
    %iota3A_218 = tpu.iota {dimensions = array<i32: 0>} : vector<16xi32>
    %add3A_219 = arith.constant 112 : i32
    %add3A_220 = arith.addi %add3A_154, %add3A_219 : i32
    %add3A_221 = vector.broadcast %add3A_220 : i32 to vector<16xi32>
    %add3A_222 = arith.addi %iota3A_218, %add3A_221 : vector<16xi32>
    %swap3A_223 = arith.constant 112 : index
    %swap3A_224 = tpu.vector_load %arg6[%swap3A_223] {strides = array<i32>} : memref<128xi32, #tpu.memory_space<vmem>>, vector<16xi32>,
    %swap3A_225 = vector.shape_cast %swap3A_224 : vector<16xi32> to vector<16xi32>
    %swap3A_226 = vector.shape_cast %add3A_222 : vector<16xi32> to vector<16xi32>
    tpu.vector_store %arg6[%swap3A_223], %swap3A_226 {strides = array<i32>} : memref<128xi32, #tpu.memory_space<vmem>>, vector<16xi32>,
    "tpu.region"() ({
      %run_scoped3A = tpu.sem_alloc : memref<!tpu.dma_semaphore, #tpu.memory_space<semaphore_mem>>
      %dma_start3A_813 = arith.constant 0 : i32
      %dma_start3A_814 = arith.constant 0 : i32
      %dma_start3A_815 = tpu.memref_slice %arg10[%dma_start3A_813, %dma_start3A_814] : memref<10240x128xf32, #tpu.memory_space<vmem_shared>> -> memref<10240x128xf32, #tpu.memory_space<vmem_shared>>
      tpu.enqueue_indirect_dma source(%arg9 : memref<128x128xf32, #tpu.memory_space<vmem>>) target(%dma_start3A_815 : memref<10240x128xf32, #tpu.memory_space<vmem_shared>>) offsets(%arg6 : memref<128xi32, #tpu.memory_space<vmem>>) semaphore(%run_scoped3A : memref<!tpu.dma_semaphore, #tpu.memory_space<semaphore_mem>>)
      %dma_wait3A_816 = arith.constant 0 : i32
      %dma_wait3A_817 = arith.constant 0 : i32
      %dma_wait3A_818 = tpu.memref_slice %arg10[%dma_wait3A_816, %dma_wait3A_817] : memref<10240x128xf32, #tpu.memory_space<vmem_shared>> -> memref<10240x128xf32, #tpu.memory_space<vmem_shared>>
      tpu.wait_indirect_dma semaphore(%run_scoped3A : memref<!tpu.dma_semaphore, #tpu.memory_space<semaphore_mem>>) src(%arg9 : memref<128x128xf32, #tpu.memory_space<vmem>>) dst(%dma_wait3A_818 : memref<10240x128xf32, #tpu.memory_space<vmem_shared>>)
      tpu.yield
    }) : () -> ()
    %mul3A_227 = arith.constant 640 : i32
    %mul3A_228 = arith.muli %arg1, %mul3A_227 : i32
    %add3A_229 = arith.constant 384 : i32
    %add3A_230 = arith.addi %mul3A_228, %add3A_229 : i32
    %iota3A_231 = tpu.iota {dimensions = array<i32: 0>} : vector<16xi32>
    %add3A_232 = arith.constant 0 : i32
    %add3A_233 = arith.addi %add3A_230, %add3A_232 : i32
    %add3A_234 = vector.broadcast %add3A_233 : i32 to vector<16xi32>
    %add3A_235 = arith.addi %iota3A_231, %add3A_234 : vector<16xi32>
    %swap3A_236 = arith.constant 0 : index
    %swap3A_237 = tpu.vector_load %arg6[%swap3A_236] {strides = array<i32>} : memref<128xi32, #tpu.memory_space<vmem>>, vector<16xi32>,
    %swap3A_238 = vector.shape_cast %swap3A_237 : vector<16xi32> to vector<16xi32>
    %swap3A_239 = vector.shape_cast %add3A_235 : vector<16xi32> to vector<16xi32>
    tpu.vector_store %arg6[%swap3A_236], %swap3A_239 {strides = array<i32>} : memref<128xi32, #tpu.memory_space<vmem>>, vector<16xi32>,
    %iota3A_240 = tpu.iota {dimensions = array<i32: 0>} : vector<16xi32>
    %add3A_241 = arith.constant 16 : i32
    %add3A_242 = arith.addi %add3A_230, %add3A_241 : i32
    %add3A_243 = vector.broadcast %add3A_242 : i32 to vector<16xi32>
    %add3A_244 = arith.addi %iota3A_240, %add3A_243 : vector<16xi32>
    %swap3A_245 = arith.constant 16 : index
    %swap3A_246 = tpu.vector_load %arg6[%swap3A_245] {strides = array<i32>} : memref<128xi32, #tpu.memory_space<vmem>>, vector<16xi32>,
    %swap3A_247 = vector.shape_cast %swap3A_246 : vector<16xi32> to vector<16xi32>
    %swap3A_248 = vector.shape_cast %add3A_244 : vector<16xi32> to vector<16xi32>
    tpu.vector_store %arg6[%swap3A_245], %swap3A_248 {strides = array<i32>} : memref<128xi32, #tpu.memory_space<vmem>>, vector<16xi32>,
    %iota3A_249 = tpu.iota {dimensions = array<i32: 0>} : vector<16xi32>
    %add3A_250 = arith.constant 32 : i32
    %add3A_251 = arith.addi %add3A_230, %add3A_250 : i32
    %add3A_252 = vector.broadcast %add3A_251 : i32 to vector<16xi32>
    %add3A_253 = arith.addi %iota3A_249, %add3A_252 : vector<16xi32>
    %swap3A_254 = arith.constant 32 : index
    %swap3A_255 = tpu.vector_load %arg6[%swap3A_254] {strides = array<i32>} : memref<128xi32, #tpu.memory_space<vmem>>, vector<16xi32>,
    %swap3A_256 = vector.shape_cast %swap3A_255 : vector<16xi32> to vector<16xi32>
    %swap3A_257 = vector.shape_cast %add3A_253 : vector<16xi32> to vector<16xi32>
    tpu.vector_store %arg6[%swap3A_254], %swap3A_257 {strides = array<i32>} : memref<128xi32, #tpu.memory_space<vmem>>, vector<16xi32>,
    %iota3A_258 = tpu.iota {dimensions = array<i32: 0>} : vector<16xi32>
    %add3A_259 = arith.constant 48 : i32
    %add3A_260 = arith.addi %add3A_230, %add3A_259 : i32
    %add3A_261 = vector.broadcast %add3A_260 : i32 to vector<16xi32>
    %add3A_262 = arith.addi %iota3A_258, %add3A_261 : vector<16xi32>
    %swap3A_263 = arith.constant 48 : index
    %swap3A_264 = tpu.vector_load %arg6[%swap3A_263] {strides = array<i32>} : memref<128xi32, #tpu.memory_space<vmem>>, vector<16xi32>,
    %swap3A_265 = vector.shape_cast %swap3A_264 : vector<16xi32> to vector<16xi32>
    %swap3A_266 = vector.shape_cast %add3A_262 : vector<16xi32> to vector<16xi32>
    tpu.vector_store %arg6[%swap3A_263], %swap3A_266 {strides = array<i32>} : memref<128xi32, #tpu.memory_space<vmem>>, vector<16xi32>,
    %iota3A_267 = tpu.iota {dimensions = array<i32: 0>} : vector<16xi32>
    %add3A_268 = arith.constant 64 : i32
    %add3A_269 = arith.addi %add3A_230, %add3A_268 : i32
    %add3A_270 = vector.broadcast %add3A_269 : i32 to vector<16xi32>
    %add3A_271 = arith.addi %iota3A_267, %add3A_270 : vector<16xi32>
    %swap3A_272 = arith.constant 64 : index
    %swap3A_273 = tpu.vector_load %arg6[%swap3A_272] {strides = array<i32>} : memref<128xi32, #tpu.memory_space<vmem>>, vector<16xi32>,
    %swap3A_274 = vector.shape_cast %swap3A_273 : vector<16xi32> to vector<16xi32>
    %swap3A_275 = vector.shape_cast %add3A_271 : vector<16xi32> to vector<16xi32>
    tpu.vector_store %arg6[%swap3A_272], %swap3A_275 {strides = array<i32>} : memref<128xi32, #tpu.memory_space<vmem>>, vector<16xi32>,
    %iota3A_276 = tpu.iota {dimensions = array<i32: 0>} : vector<16xi32>
    %add3A_277 = arith.constant 80 : i32
    %add3A_278 = arith.addi %add3A_230, %add3A_277 : i32
    %add3A_279 = vector.broadcast %add3A_278 : i32 to vector<16xi32>
    %add3A_280 = arith.addi %iota3A_276, %add3A_279 : vector<16xi32>
    %swap3A_281 = arith.constant 80 : index
    %swap3A_282 = tpu.vector_load %arg6[%swap3A_281] {strides = array<i32>} : memref<128xi32, #tpu.memory_space<vmem>>, vector<16xi32>,
    %swap3A_283 = vector.shape_cast %swap3A_282 : vector<16xi32> to vector<16xi32>
    %swap3A_284 = vector.shape_cast %add3A_280 : vector<16xi32> to vector<16xi32>
    tpu.vector_store %arg6[%swap3A_281], %swap3A_284 {strides = array<i32>} : memref<128xi32, #tpu.memory_space<vmem>>, vector<16xi32>,
    %iota3A_285 = tpu.iota {dimensions = array<i32: 0>} : vector<16xi32>
    %add3A_286 = arith.constant 96 : i32
    %add3A_287 = arith.addi %add3A_230, %add3A_286 : i32
    %add3A_288 = vector.broadcast %add3A_287 : i32 to vector<16xi32>
    %add3A_289 = arith.addi %iota3A_285, %add3A_288 : vector<16xi32>
    %swap3A_290 = arith.constant 96 : index
    %swap3A_291 = tpu.vector_load %arg6[%swap3A_290] {strides = array<i32>} : memref<128xi32, #tpu.memory_space<vmem>>, vector<16xi32>,
    %swap3A_292 = vector.shape_cast %swap3A_291 : vector<16xi32> to vector<16xi32>
    %swap3A_293 = vector.shape_cast %add3A_289 : vector<16xi32> to vector<16xi32>
    tpu.vector_store %arg6[%swap3A_290], %swap3A_293 {strides = array<i32>} : memref<128xi32, #tpu.memory_space<vmem>>, vector<16xi32>,
    %iota3A_294 = tpu.iota {dimensions = array<i32: 0>} : vector<16xi32>
    %add3A_295 = arith.constant 112 : i32
    %add3A_296 = arith.addi %add3A_230, %add3A_295 : i32
    %add3A_297 = vector.broadcast %add3A_296 : i32 to vector<16xi32>
    %add3A_298 = arith.addi %iota3A_294, %add3A_297 : vector<16xi32>
    %swap3A_299 = arith.constant 112 : index
    %swap3A_300 = tpu.vector_load %arg6[%swap3A_299] {strides = array<i32>} : memref<128xi32, #tpu.memory_space<vmem>>, vector<16xi32>,
    %swap3A_301 = vector.shape_cast %swap3A_300 : vector<16xi32> to vector<16xi32>
    %swap3A_302 = vector.shape_cast %add3A_298 : vector<16xi32> to vector<16xi32>
    tpu.vector_store %arg6[%swap3A_299], %swap3A_302 {strides = array<i32>} : memref<128xi32, #tpu.memory_space<vmem>>, vector<16xi32>,
    "tpu.region"() ({
      %run_scoped3A = tpu.sem_alloc : memref<!tpu.dma_semaphore, #tpu.memory_space<semaphore_mem>>
      %dma_start3A_813 = arith.constant 0 : i32
      %dma_start3A_814 = arith.constant 0 : i32
      %dma_start3A_815 = tpu.memref_slice %arg10[%dma_start3A_813, %dma_start3A_814] : memref<10240x128xf32, #tpu.memory_space<vmem_shared>> -> memref<10240x128xf32, #tpu.memory_space<vmem_shared>>
      tpu.enqueue_indirect_dma source(%arg9 : memref<128x128xf32, #tpu.memory_space<vmem>>) target(%dma_start3A_815 : memref<10240x128xf32, #tpu.memory_space<vmem_shared>>) offsets(%arg6 : memref<128xi32, #tpu.memory_space<vmem>>) semaphore(%run_scoped3A : memref<!tpu.dma_semaphore, #tpu.memory_space<semaphore_mem>>)
      %dma_wait3A_816 = arith.constant 0 : i32
      %dma_wait3A_817 = arith.constant 0 : i32
      %dma_wait3A_818 = tpu.memref_slice %arg10[%dma_wait3A_816, %dma_wait3A_817] : memref<10240x128xf32, #tpu.memory_space<vmem_shared>> -> memref<10240x128xf32, #tpu.memory_space<vmem_shared>>
      tpu.wait_indirect_dma semaphore(%run_scoped3A : memref<!tpu.dma_semaphore, #tpu.memory_space<semaphore_mem>>) src(%arg9 : memref<128x128xf32, #tpu.memory_space<vmem>>) dst(%dma_wait3A_818 : memref<10240x128xf32, #tpu.memory_space<vmem_shared>>)
      tpu.yield
    }) : () -> ()
    %mul3A_303 = arith.constant 640 : i32
    %mul3A_304 = arith.muli %arg1, %mul3A_303 : i32
    %add3A_305 = arith.constant 512 : i32
    %add3A_306 = arith.addi %mul3A_304, %add3A_305 : i32
    %iota3A_307 = tpu.iota {dimensions = array<i32: 0>} : vector<16xi32>
    %add3A_308 = arith.constant 0 : i32
    %add3A_309 = arith.addi %add3A_306, %add3A_308 : i32
    %add3A_310 = vector.broadcast %add3A_309 : i32 to vector<16xi32>
    %add3A_311 = arith.addi %iota3A_307, %add3A_310 : vector<16xi32>
    %swap3A_312 = arith.constant 0 : index
    %swap3A_313 = tpu.vector_load %arg6[%swap3A_312] {strides = array<i32>} : memref<128xi32, #tpu.memory_space<vmem>>, vector<16xi32>,
    %swap3A_314 = vector.shape_cast %swap3A_313 : vector<16xi32> to vector<16xi32>
    %swap3A_315 = vector.shape_cast %add3A_311 : vector<16xi32> to vector<16xi32>
    tpu.vector_store %arg6[%swap3A_312], %swap3A_315 {strides = array<i32>} : memref<128xi32, #tpu.memory_space<vmem>>, vector<16xi32>,
    %iota3A_316 = tpu.iota {dimensions = array<i32: 0>} : vector<16xi32>
    %add3A_317 = arith.constant 16 : i32
    %add3A_318 = arith.addi %add3A_306, %add3A_317 : i32
    %add3A_319 = vector.broadcast %add3A_318 : i32 to vector<16xi32>
    %add3A_320 = arith.addi %iota3A_316, %add3A_319 : vector<16xi32>
    %swap3A_321 = arith.constant 16 : index
    %swap3A_322 = tpu.vector_load %arg6[%swap3A_321] {strides = array<i32>} : memref<128xi32, #tpu.memory_space<vmem>>, vector<16xi32>,
    %swap3A_323 = vector.shape_cast %swap3A_322 : vector<16xi32> to vector<16xi32>
    %swap3A_324 = vector.shape_cast %add3A_320 : vector<16xi32> to vector<16xi32>
    tpu.vector_store %arg6[%swap3A_321], %swap3A_324 {strides = array<i32>} : memref<128xi32, #tpu.memory_space<vmem>>, vector<16xi32>,
    %iota3A_325 = tpu.iota {dimensions = array<i32: 0>} : vector<16xi32>
    %add3A_326 = arith.constant 32 : i32
    %add3A_327 = arith.addi %add3A_306, %add3A_326 : i32
    %add3A_328 = vector.broadcast %add3A_327 : i32 to vector<16xi32>
    %add3A_329 = arith.addi %iota3A_325, %add3A_328 : vector<16xi32>
    %swap3A_330 = arith.constant 32 : index
    %swap3A_331 = tpu.vector_load %arg6[%swap3A_330] {strides = array<i32>} : memref<128xi32, #tpu.memory_space<vmem>>, vector<16xi32>,
    %swap3A_332 = vector.shape_cast %swap3A_331 : vector<16xi32> to vector<16xi32>
    %swap3A_333 = vector.shape_cast %add3A_329 : vector<16xi32> to vector<16xi32>
    tpu.vector_store %arg6[%swap3A_330], %swap3A_333 {strides = array<i32>} : memref<128xi32, #tpu.memory_space<vmem>>, vector<16xi32>,
    %iota3A_334 = tpu.iota {dimensions = array<i32: 0>} : vector<16xi32>
    %add3A_335 = arith.constant 48 : i32
    %add3A_336 = arith.addi %add3A_306, %add3A_335 : i32
    %add3A_337 = vector.broadcast %add3A_336 : i32 to vector<16xi32>
    %add3A_338 = arith.addi %iota3A_334, %add3A_337 : vector<16xi32>
    %swap3A_339 = arith.constant 48 : index
    %swap3A_340 = tpu.vector_load %arg6[%swap3A_339] {strides = array<i32>} : memref<128xi32, #tpu.memory_space<vmem>>, vector<16xi32>,
    %swap3A_341 = vector.shape_cast %swap3A_340 : vector<16xi32> to vector<16xi32>
    %swap3A_342 = vector.shape_cast %add3A_338 : vector<16xi32> to vector<16xi32>
    tpu.vector_store %arg6[%swap3A_339], %swap3A_342 {strides = array<i32>} : memref<128xi32, #tpu.memory_space<vmem>>, vector<16xi32>,
    %iota3A_343 = tpu.iota {dimensions = array<i32: 0>} : vector<16xi32>
    %add3A_344 = arith.constant 64 : i32
    %add3A_345 = arith.addi %add3A_306, %add3A_344 : i32
    %add3A_346 = vector.broadcast %add3A_345 : i32 to vector<16xi32>
    %add3A_347 = arith.addi %iota3A_343, %add3A_346 : vector<16xi32>
    %swap3A_348 = arith.constant 64 : index
    %swap3A_349 = tpu.vector_load %arg6[%swap3A_348] {strides = array<i32>} : memref<128xi32, #tpu.memory_space<vmem>>, vector<16xi32>,
    %swap3A_350 = vector.shape_cast %swap3A_349 : vector<16xi32> to vector<16xi32>
    %swap3A_351 = vector.shape_cast %add3A_347 : vector<16xi32> to vector<16xi32>
    tpu.vector_store %arg6[%swap3A_348], %swap3A_351 {strides = array<i32>} : memref<128xi32, #tpu.memory_space<vmem>>, vector<16xi32>,
    %iota3A_352 = tpu.iota {dimensions = array<i32: 0>} : vector<16xi32>
    %add3A_353 = arith.constant 80 : i32
    %add3A_354 = arith.addi %add3A_306, %add3A_353 : i32
    %add3A_355 = vector.broadcast %add3A_354 : i32 to vector<16xi32>
    %add3A_356 = arith.addi %iota3A_352, %add3A_355 : vector<16xi32>
    %swap3A_357 = arith.constant 80 : index
    %swap3A_358 = tpu.vector_load %arg6[%swap3A_357] {strides = array<i32>} : memref<128xi32, #tpu.memory_space<vmem>>, vector<16xi32>,
    %swap3A_359 = vector.shape_cast %swap3A_358 : vector<16xi32> to vector<16xi32>
    %swap3A_360 = vector.shape_cast %add3A_356 : vector<16xi32> to vector<16xi32>
    tpu.vector_store %arg6[%swap3A_357], %swap3A_360 {strides = array<i32>} : memref<128xi32, #tpu.memory_space<vmem>>, vector<16xi32>,
    %iota3A_361 = tpu.iota {dimensions = array<i32: 0>} : vector<16xi32>
    %add3A_362 = arith.constant 96 : i32
    %add3A_363 = arith.addi %add3A_306, %add3A_362 : i32
    %add3A_364 = vector.broadcast %add3A_363 : i32 to vector<16xi32>
    %add3A_365 = arith.addi %iota3A_361, %add3A_364 : vector<16xi32>
    %swap3A_366 = arith.constant 96 : index
    %swap3A_367 = tpu.vector_load %arg6[%swap3A_366] {strides = array<i32>} : memref<128xi32, #tpu.memory_space<vmem>>, vector<16xi32>,
    %swap3A_368 = vector.shape_cast %swap3A_367 : vector<16xi32> to vector<16xi32>
    %swap3A_369 = vector.shape_cast %add3A_365 : vector<16xi32> to vector<16xi32>
    tpu.vector_store %arg6[%swap3A_366], %swap3A_369 {strides = array<i32>} : memref<128xi32, #tpu.memory_space<vmem>>, vector<16xi32>,
    %iota3A_370 = tpu.iota {dimensions = array<i32: 0>} : vector<16xi32>
    %add3A_371 = arith.constant 112 : i32
    %add3A_372 = arith.addi %add3A_306, %add3A_371 : i32
    %add3A_373 = vector.broadcast %add3A_372 : i32 to vector<16xi32>
    %add3A_374 = arith.addi %iota3A_370, %add3A_373 : vector<16xi32>
    %swap3A_375 = arith.constant 112 : index
    %swap3A_376 = tpu.vector_load %arg6[%swap3A_375] {strides = array<i32>} : memref<128xi32, #tpu.memory_space<vmem>>, vector<16xi32>,
    %swap3A_377 = vector.shape_cast %swap3A_376 : vector<16xi32> to vector<16xi32>
    %swap3A_378 = vector.shape_cast %add3A_374 : vector<16xi32> to vector<16xi32>
    tpu.vector_store %arg6[%swap3A_375], %swap3A_378 {strides = array<i32>} : memref<128xi32, #tpu.memory_space<vmem>>, vector<16xi32>,
    "tpu.region"() ({
      %run_scoped3A = tpu.sem_alloc : memref<!tpu.dma_semaphore, #tpu.memory_space<semaphore_mem>>
      %dma_start3A_813 = arith.constant 0 : i32
      %dma_start3A_814 = arith.constant 0 : i32
      %dma_start3A_815 = tpu.memref_slice %arg10[%dma_start3A_813, %dma_start3A_814] : memref<10240x128xf32, #tpu.memory_space<vmem_shared>> -> memref<10240x128xf32, #tpu.memory_space<vmem_shared>>
      tpu.enqueue_indirect_dma source(%arg9 : memref<128x128xf32, #tpu.memory_space<vmem>>) target(%dma_start3A_815 : memref<10240x128xf32, #tpu.memory_space<vmem_shared>>) offsets(%arg6 : memref<128xi32, #tpu.memory_space<vmem>>) semaphore(%run_scoped3A : memref<!tpu.dma_semaphore, #tpu.memory_space<semaphore_mem>>)
      %dma_wait3A_816 = arith.constant 0 : i32
      %dma_wait3A_817 = arith.constant 0 : i32
      %dma_wait3A_818 = tpu.memref_slice %arg10[%dma_wait3A_816, %dma_wait3A_817] : memref<10240x128xf32, #tpu.memory_space<vmem_shared>> -> memref<10240x128xf32, #tpu.memory_space<vmem_shared>>
      tpu.wait_indirect_dma semaphore(%run_scoped3A : memref<!tpu.dma_semaphore, #tpu.memory_space<semaphore_mem>>) src(%arg9 : memref<128x128xf32, #tpu.memory_space<vmem>>) dst(%dma_wait3A_818 : memref<10240x128xf32, #tpu.memory_space<vmem_shared>>)
      tpu.yield
    }) : () -> ()
    %barrier3A = arith.constant 0 : index
    tpu.barrier barrier_id(%barrier3A)
    %scan3A = arith.constant 0 : i32
    %scan3A_379 = arith.constant 0 : i32
    %scan3A_380 = arith.constant 80 : i32
    %scan3A_381 = arith.addi %scan3A_379, %scan3A_380 : i32
    %scan3A_382 = arith.constant 1 : i32
    scf.for %scan3A_813 = %scan3A_379 to %scan3A_381 step %scan3A_382  : i32 {
      %mul3A_814 = arith.constant 80 : i32
      %mul3A_815 = arith.muli %add3A, %mul3A_814 : i32
      %add3A_816 = arith.addi %mul3A_815, %scan3A_813 : i32
      "tpu.region"() ({
        %run_scoped3A = tpu.sem_alloc : memref<!tpu.dma_semaphore, #tpu.memory_space<semaphore_mem>>
        %dma_start3A_817 = arith.constant 0 : i32
        %dma_start3A_818 = tpu.memref_slice %arg2[%add3A_816, %dma_start3A_817] : memref<2560x128xi32, #tpu.memory_space<hbm>> -> memref<1x128xi32, #tpu.memory_space<hbm>>
        %dma_start3A_819 = tpu.memref_squeeze %dma_start3A_818 : memref<1x128xi32, #tpu.memory_space<hbm>> -> memref<128xi32, #tpu.memory_space<hbm>>
        %dma_start3A_820 = arith.constant 0 : i32
        %dma_start3A_821 = tpu.memref_slice %arg2[%add3A_816, %dma_start3A_820] : memref<2560x128xi32, #tpu.memory_space<hbm>> -> memref<1x128xi32, #tpu.memory_space<hbm>>
        %dma_start3A_822 = tpu.memref_squeeze %dma_start3A_821 : memref<1x128xi32, #tpu.memory_space<hbm>> -> memref<128xi32, #tpu.memory_space<hbm>>
        tpu.enqueue_dma source(%dma_start3A_822 : memref<128xi32, #tpu.memory_space<hbm>>) target(%arg7 : memref<128xi32, #tpu.memory_space<vmem>>) target_semaphore(%run_scoped3A : memref<!tpu.dma_semaphore, #tpu.memory_space<semaphore_mem>>)
        %dma_wait3A_823 = arith.constant 0 : i32
        %dma_wait3A_824 = tpu.memref_slice %arg2[%add3A_816, %dma_wait3A_823] : memref<2560x128xi32, #tpu.memory_space<hbm>> -> memref<1x128xi32, #tpu.memory_space<hbm>>
        %dma_wait3A_825 = tpu.memref_squeeze %dma_wait3A_824 : memref<1x128xi32, #tpu.memory_space<hbm>> -> memref<128xi32, #tpu.memory_space<hbm>>
        %dma_wait3A_826 = arith.constant 0 : i32
        %dma_wait3A_827 = tpu.memref_slice %arg2[%add3A_816, %dma_wait3A_826] : memref<2560x128xi32, #tpu.memory_space<hbm>> -> memref<1x128xi32, #tpu.memory_space<hbm>>
        %dma_wait3A_828 = tpu.memref_squeeze %dma_wait3A_827 : memref<1x128xi32, #tpu.memory_space<hbm>> -> memref<128xi32, #tpu.memory_space<hbm>>
        tpu.wait_dma2 semaphore(%run_scoped3A : memref<!tpu.dma_semaphore, #tpu.memory_space<semaphore_mem>>) src(%dma_wait3A_828 : memref<128xi32, #tpu.memory_space<hbm>>) dst(%arg7 : memref<128xi32, #tpu.memory_space<vmem>>)
        tpu.yield
      }) : () -> ()
      "tpu.region"() ({
        %run_scoped3A = tpu.sem_alloc : memref<!tpu.dma_semaphore, #tpu.memory_space<semaphore_mem>>
        %dma_start3A_817 = arith.constant 0 : i32
        %dma_start3A_818 = arith.constant 0 : i32
        %dma_start3A_819 = tpu.memref_slice %arg10[%dma_start3A_817, %dma_start3A_818] : memref<10240x128xf32, #tpu.memory_space<vmem_shared>> -> memref<10240x128xf32, #tpu.memory_space<vmem_shared>>
        tpu.enqueue_indirect_dma source(%arg8 : memref<128x128xf32, #tpu.memory_space<vmem>>) target(%dma_start3A_819 : memref<10240x128xf32, #tpu.memory_space<vmem_shared>>) offsets(%arg7 : memref<128xi32, #tpu.memory_space<vmem>>) semaphore(%run_scoped3A : memref<!tpu.dma_semaphore, #tpu.memory_space<semaphore_mem>>) {add = true}
        %dma_wait3A_820 = arith.constant 0 : i32
        %dma_wait3A_821 = arith.constant 0 : i32
        %dma_wait3A_822 = tpu.memref_slice %arg10[%dma_wait3A_820, %dma_wait3A_821] : memref<10240x128xf32, #tpu.memory_space<vmem_shared>> -> memref<10240x128xf32, #tpu.memory_space<vmem_shared>>
        tpu.wait_indirect_dma semaphore(%run_scoped3A : memref<!tpu.dma_semaphore, #tpu.memory_space<semaphore_mem>>) src(%arg8 : memref<128x128xf32, #tpu.memory_space<vmem>>) dst(%dma_wait3A_822 : memref<10240x128xf32, #tpu.memory_space<vmem_shared>>)
        tpu.yield
      }) : () -> ()
    }
    %scan3A_383 = arith.constant 80 : i32
    %barrier3A_384 = arith.constant 0 : index
    tpu.barrier barrier_id(%barrier3A_384)
    %mul3A_385 = arith.constant 640 : i32
    %mul3A_386 = arith.muli %arg1, %mul3A_385 : i32
    %add3A_387 = arith.constant 0 : i32
    %add3A_388 = arith.addi %mul3A_386, %add3A_387 : i32
    %iota3A_389 = tpu.iota {dimensions = array<i32: 0>} : vector<16xi32>
    %add3A_390 = arith.constant 0 : i32
    %add3A_391 = arith.addi %add3A_388, %add3A_390 : i32
    %add3A_392 = vector.broadcast %add3A_391 : i32 to vector<16xi32>
    %add3A_393 = arith.addi %iota3A_389, %add3A_392 : vector<16xi32>
    %swap3A_394 = arith.constant 0 : index
    %swap3A_395 = tpu.vector_load %arg6[%swap3A_394] {strides = array<i32>} : memref<128xi32, #tpu.memory_space<vmem>>, vector<16xi32>,
    %swap3A_396 = vector.shape_cast %swap3A_395 : vector<16xi32> to vector<16xi32>
    %swap3A_397 = vector.shape_cast %add3A_393 : vector<16xi32> to vector<16xi32>
    tpu.vector_store %arg6[%swap3A_394], %swap3A_397 {strides = array<i32>} : memref<128xi32, #tpu.memory_space<vmem>>, vector<16xi32>,
    %iota3A_398 = tpu.iota {dimensions = array<i32: 0>} : vector<16xi32>
    %add3A_399 = arith.constant 16 : i32
    %add3A_400 = arith.addi %add3A_388, %add3A_399 : i32
    %add3A_401 = vector.broadcast %add3A_400 : i32 to vector<16xi32>
    %add3A_402 = arith.addi %iota3A_398, %add3A_401 : vector<16xi32>
    %swap3A_403 = arith.constant 16 : index
    %swap3A_404 = tpu.vector_load %arg6[%swap3A_403] {strides = array<i32>} : memref<128xi32, #tpu.memory_space<vmem>>, vector<16xi32>,
    %swap3A_405 = vector.shape_cast %swap3A_404 : vector<16xi32> to vector<16xi32>
    %swap3A_406 = vector.shape_cast %add3A_402 : vector<16xi32> to vector<16xi32>
    tpu.vector_store %arg6[%swap3A_403], %swap3A_406 {strides = array<i32>} : memref<128xi32, #tpu.memory_space<vmem>>, vector<16xi32>,
    %iota3A_407 = tpu.iota {dimensions = array<i32: 0>} : vector<16xi32>
    %add3A_408 = arith.constant 32 : i32
    %add3A_409 = arith.addi %add3A_388, %add3A_408 : i32
    %add3A_410 = vector.broadcast %add3A_409 : i32 to vector<16xi32>
    %add3A_411 = arith.addi %iota3A_407, %add3A_410 : vector<16xi32>
    %swap3A_412 = arith.constant 32 : index
    %swap3A_413 = tpu.vector_load %arg6[%swap3A_412] {strides = array<i32>} : memref<128xi32, #tpu.memory_space<vmem>>, vector<16xi32>,
    %swap3A_414 = vector.shape_cast %swap3A_413 : vector<16xi32> to vector<16xi32>
    %swap3A_415 = vector.shape_cast %add3A_411 : vector<16xi32> to vector<16xi32>
    tpu.vector_store %arg6[%swap3A_412], %swap3A_415 {strides = array<i32>} : memref<128xi32, #tpu.memory_space<vmem>>, vector<16xi32>,
    %iota3A_416 = tpu.iota {dimensions = array<i32: 0>} : vector<16xi32>
    %add3A_417 = arith.constant 48 : i32
    %add3A_418 = arith.addi %add3A_388, %add3A_417 : i32
    %add3A_419 = vector.broadcast %add3A_418 : i32 to vector<16xi32>
    %add3A_420 = arith.addi %iota3A_416, %add3A_419 : vector<16xi32>
    %swap3A_421 = arith.constant 48 : index
    %swap3A_422 = tpu.vector_load %arg6[%swap3A_421] {strides = array<i32>} : memref<128xi32, #tpu.memory_space<vmem>>, vector<16xi32>,
    %swap3A_423 = vector.shape_cast %swap3A_422 : vector<16xi32> to vector<16xi32>
    %swap3A_424 = vector.shape_cast %add3A_420 : vector<16xi32> to vector<16xi32>
    tpu.vector_store %arg6[%swap3A_421], %swap3A_424 {strides = array<i32>} : memref<128xi32, #tpu.memory_space<vmem>>, vector<16xi32>,
    %iota3A_425 = tpu.iota {dimensions = array<i32: 0>} : vector<16xi32>
    %add3A_426 = arith.constant 64 : i32
    %add3A_427 = arith.addi %add3A_388, %add3A_426 : i32
    %add3A_428 = vector.broadcast %add3A_427 : i32 to vector<16xi32>
    %add3A_429 = arith.addi %iota3A_425, %add3A_428 : vector<16xi32>
    %swap3A_430 = arith.constant 64 : index
    %swap3A_431 = tpu.vector_load %arg6[%swap3A_430] {strides = array<i32>} : memref<128xi32, #tpu.memory_space<vmem>>, vector<16xi32>,
    %swap3A_432 = vector.shape_cast %swap3A_431 : vector<16xi32> to vector<16xi32>
    %swap3A_433 = vector.shape_cast %add3A_429 : vector<16xi32> to vector<16xi32>
    tpu.vector_store %arg6[%swap3A_430], %swap3A_433 {strides = array<i32>} : memref<128xi32, #tpu.memory_space<vmem>>, vector<16xi32>,
    %iota3A_434 = tpu.iota {dimensions = array<i32: 0>} : vector<16xi32>
    %add3A_435 = arith.constant 80 : i32
    %add3A_436 = arith.addi %add3A_388, %add3A_435 : i32
    %add3A_437 = vector.broadcast %add3A_436 : i32 to vector<16xi32>
    %add3A_438 = arith.addi %iota3A_434, %add3A_437 : vector<16xi32>
    %swap3A_439 = arith.constant 80 : index
    %swap3A_440 = tpu.vector_load %arg6[%swap3A_439] {strides = array<i32>} : memref<128xi32, #tpu.memory_space<vmem>>, vector<16xi32>,
    %swap3A_441 = vector.shape_cast %swap3A_440 : vector<16xi32> to vector<16xi32>
    %swap3A_442 = vector.shape_cast %add3A_438 : vector<16xi32> to vector<16xi32>
    tpu.vector_store %arg6[%swap3A_439], %swap3A_442 {strides = array<i32>} : memref<128xi32, #tpu.memory_space<vmem>>, vector<16xi32>,
    %iota3A_443 = tpu.iota {dimensions = array<i32: 0>} : vector<16xi32>
    %add3A_444 = arith.constant 96 : i32
    %add3A_445 = arith.addi %add3A_388, %add3A_444 : i32
    %add3A_446 = vector.broadcast %add3A_445 : i32 to vector<16xi32>
    %add3A_447 = arith.addi %iota3A_443, %add3A_446 : vector<16xi32>
    %swap3A_448 = arith.constant 96 : index
    %swap3A_449 = tpu.vector_load %arg6[%swap3A_448] {strides = array<i32>} : memref<128xi32, #tpu.memory_space<vmem>>, vector<16xi32>,
    %swap3A_450 = vector.shape_cast %swap3A_449 : vector<16xi32> to vector<16xi32>
    %swap3A_451 = vector.shape_cast %add3A_447 : vector<16xi32> to vector<16xi32>
    tpu.vector_store %arg6[%swap3A_448], %swap3A_451 {strides = array<i32>} : memref<128xi32, #tpu.memory_space<vmem>>, vector<16xi32>,
    %iota3A_452 = tpu.iota {dimensions = array<i32: 0>} : vector<16xi32>
    %add3A_453 = arith.constant 112 : i32
    %add3A_454 = arith.addi %add3A_388, %add3A_453 : i32
    %add3A_455 = vector.broadcast %add3A_454 : i32 to vector<16xi32>
    %add3A_456 = arith.addi %iota3A_452, %add3A_455 : vector<16xi32>
    %swap3A_457 = arith.constant 112 : index
    %swap3A_458 = tpu.vector_load %arg6[%swap3A_457] {strides = array<i32>} : memref<128xi32, #tpu.memory_space<vmem>>, vector<16xi32>,
    %swap3A_459 = vector.shape_cast %swap3A_458 : vector<16xi32> to vector<16xi32>
    %swap3A_460 = vector.shape_cast %add3A_456 : vector<16xi32> to vector<16xi32>
    tpu.vector_store %arg6[%swap3A_457], %swap3A_460 {strides = array<i32>} : memref<128xi32, #tpu.memory_space<vmem>>, vector<16xi32>,
    %dma_start3A = arith.constant 0 : i32
    %dma_start3A_461 = arith.constant 0 : i32
    %dma_start3A_462 = tpu.memref_slice %arg10[%dma_start3A, %dma_start3A_461] : memref<10240x128xf32, #tpu.memory_space<vmem_shared>> -> memref<10240x128xf32, #tpu.memory_space<vmem_shared>>
    tpu.enqueue_indirect_dma source(%dma_start3A_462 : memref<10240x128xf32, #tpu.memory_space<vmem_shared>>) target(%arg9 : memref<128x128xf32, #tpu.memory_space<vmem>>) offsets(%arg6 : memref<128xi32, #tpu.memory_space<vmem>>) semaphore(%arg11 : memref<!tpu.dma_semaphore, #tpu.memory_space<semaphore_mem>>)
    %dma_wait3A = arith.constant 0 : i32
    %dma_wait3A_463 = arith.constant 0 : i32
    %dma_wait3A_464 = tpu.memref_slice %arg10[%dma_wait3A, %dma_wait3A_463] : memref<10240x128xf32, #tpu.memory_space<vmem_shared>> -> memref<10240x128xf32, #tpu.memory_space<vmem_shared>>
    tpu.wait_indirect_dma semaphore(%arg11 : memref<!tpu.dma_semaphore, #tpu.memory_space<semaphore_mem>>) src(%dma_wait3A_464 : memref<10240x128xf32, #tpu.memory_space<vmem_shared>>) dst(%arg9 : memref<128x128xf32, #tpu.memory_space<vmem>>)
    %mul3A_465 = arith.constant 640 : i32
    %mul3A_466 = arith.muli %add3A, %mul3A_465 : i32
    %add3A_467 = arith.constant 0 : i32
    %add3A_468 = arith.addi %mul3A_466, %add3A_467 : i32
    "tpu.region"() ({
      %run_scoped3A = tpu.sem_alloc : memref<!tpu.dma_semaphore, #tpu.memory_space<semaphore_mem>>
      %dma_start3A_813 = arith.constant 0 : i32
      %dma_start3A_814 = tpu.memref_slice %arg5[%add3A_468, %dma_start3A_813] : memref<20480x128xf32, #tpu.memory_space<hbm>> -> memref<128x128xf32, #tpu.memory_space<hbm>>
      %dma_start3A_815 = arith.constant 0 : i32
      %dma_start3A_816 = tpu.memref_slice %arg5[%add3A_468, %dma_start3A_815] : memref<20480x128xf32, #tpu.memory_space<hbm>> -> memref<128x128xf32, #tpu.memory_space<hbm>>
      tpu.enqueue_dma source(%arg9 : memref<128x128xf32, #tpu.memory_space<vmem>>) target(%dma_start3A_816 : memref<128x128xf32, #tpu.memory_space<hbm>>) target_semaphore(%run_scoped3A : memref<!tpu.dma_semaphore, #tpu.memory_space<semaphore_mem>>)
      %dma_wait3A_817 = arith.constant 0 : i32
      %dma_wait3A_818 = tpu.memref_slice %arg5[%add3A_468, %dma_wait3A_817] : memref<20480x128xf32, #tpu.memory_space<hbm>> -> memref<128x128xf32, #tpu.memory_space<hbm>>
      %dma_wait3A_819 = arith.constant 0 : i32
      %dma_wait3A_820 = tpu.memref_slice %arg5[%add3A_468, %dma_wait3A_819] : memref<20480x128xf32, #tpu.memory_space<hbm>> -> memref<128x128xf32, #tpu.memory_space<hbm>>
      tpu.wait_dma2 semaphore(%run_scoped3A : memref<!tpu.dma_semaphore, #tpu.memory_space<semaphore_mem>>) src(%arg9 : memref<128x128xf32, #tpu.memory_space<vmem>>) dst(%dma_wait3A_820 : memref<128x128xf32, #tpu.memory_space<hbm>>)
      tpu.yield
    }) : () -> ()
    %mul3A_469 = arith.constant 640 : i32
    %mul3A_470 = arith.muli %arg1, %mul3A_469 : i32
    %add3A_471 = arith.constant 128 : i32
    %add3A_472 = arith.addi %mul3A_470, %add3A_471 : i32
    %iota3A_473 = tpu.iota {dimensions = array<i32: 0>} : vector<16xi32>
    %add3A_474 = arith.constant 0 : i32
    %add3A_475 = arith.addi %add3A_472, %add3A_474 : i32
    %add3A_476 = vector.broadcast %add3A_475 : i32 to vector<16xi32>
    %add3A_477 = arith.addi %iota3A_473, %add3A_476 : vector<16xi32>
    %swap3A_478 = arith.constant 0 : index
    %swap3A_479 = tpu.vector_load %arg6[%swap3A_478] {strides = array<i32>} : memref<128xi32, #tpu.memory_space<vmem>>, vector<16xi32>,
    %swap3A_480 = vector.shape_cast %swap3A_479 : vector<16xi32> to vector<16xi32>
    %swap3A_481 = vector.shape_cast %add3A_477 : vector<16xi32> to vector<16xi32>
    tpu.vector_store %arg6[%swap3A_478], %swap3A_481 {strides = array<i32>} : memref<128xi32, #tpu.memory_space<vmem>>, vector<16xi32>,
    %iota3A_482 = tpu.iota {dimensions = array<i32: 0>} : vector<16xi32>
    %add3A_483 = arith.constant 16 : i32
    %add3A_484 = arith.addi %add3A_472, %add3A_483 : i32
    %add3A_485 = vector.broadcast %add3A_484 : i32 to vector<16xi32>
    %add3A_486 = arith.addi %iota3A_482, %add3A_485 : vector<16xi32>
    %swap3A_487 = arith.constant 16 : index
    %swap3A_488 = tpu.vector_load %arg6[%swap3A_487] {strides = array<i32>} : memref<128xi32, #tpu.memory_space<vmem>>, vector<16xi32>,
    %swap3A_489 = vector.shape_cast %swap3A_488 : vector<16xi32> to vector<16xi32>
    %swap3A_490 = vector.shape_cast %add3A_486 : vector<16xi32> to vector<16xi32>
    tpu.vector_store %arg6[%swap3A_487], %swap3A_490 {strides = array<i32>} : memref<128xi32, #tpu.memory_space<vmem>>, vector<16xi32>,
    %iota3A_491 = tpu.iota {dimensions = array<i32: 0>} : vector<16xi32>
    %add3A_492 = arith.constant 32 : i32
    %add3A_493 = arith.addi %add3A_472, %add3A_492 : i32
    %add3A_494 = vector.broadcast %add3A_493 : i32 to vector<16xi32>
    %add3A_495 = arith.addi %iota3A_491, %add3A_494 : vector<16xi32>
    %swap3A_496 = arith.constant 32 : index
    %swap3A_497 = tpu.vector_load %arg6[%swap3A_496] {strides = array<i32>} : memref<128xi32, #tpu.memory_space<vmem>>, vector<16xi32>,
    %swap3A_498 = vector.shape_cast %swap3A_497 : vector<16xi32> to vector<16xi32>
    %swap3A_499 = vector.shape_cast %add3A_495 : vector<16xi32> to vector<16xi32>
    tpu.vector_store %arg6[%swap3A_496], %swap3A_499 {strides = array<i32>} : memref<128xi32, #tpu.memory_space<vmem>>, vector<16xi32>,
    %iota3A_500 = tpu.iota {dimensions = array<i32: 0>} : vector<16xi32>
    %add3A_501 = arith.constant 48 : i32
    %add3A_502 = arith.addi %add3A_472, %add3A_501 : i32
    %add3A_503 = vector.broadcast %add3A_502 : i32 to vector<16xi32>
    %add3A_504 = arith.addi %iota3A_500, %add3A_503 : vector<16xi32>
    %swap3A_505 = arith.constant 48 : index
    %swap3A_506 = tpu.vector_load %arg6[%swap3A_505] {strides = array<i32>} : memref<128xi32, #tpu.memory_space<vmem>>, vector<16xi32>,
    %swap3A_507 = vector.shape_cast %swap3A_506 : vector<16xi32> to vector<16xi32>
    %swap3A_508 = vector.shape_cast %add3A_504 : vector<16xi32> to vector<16xi32>
    tpu.vector_store %arg6[%swap3A_505], %swap3A_508 {strides = array<i32>} : memref<128xi32, #tpu.memory_space<vmem>>, vector<16xi32>,
    %iota3A_509 = tpu.iota {dimensions = array<i32: 0>} : vector<16xi32>
    %add3A_510 = arith.constant 64 : i32
    %add3A_511 = arith.addi %add3A_472, %add3A_510 : i32
    %add3A_512 = vector.broadcast %add3A_511 : i32 to vector<16xi32>
    %add3A_513 = arith.addi %iota3A_509, %add3A_512 : vector<16xi32>
    %swap3A_514 = arith.constant 64 : index
    %swap3A_515 = tpu.vector_load %arg6[%swap3A_514] {strides = array<i32>} : memref<128xi32, #tpu.memory_space<vmem>>, vector<16xi32>,
    %swap3A_516 = vector.shape_cast %swap3A_515 : vector<16xi32> to vector<16xi32>
    %swap3A_517 = vector.shape_cast %add3A_513 : vector<16xi32> to vector<16xi32>
    tpu.vector_store %arg6[%swap3A_514], %swap3A_517 {strides = array<i32>} : memref<128xi32, #tpu.memory_space<vmem>>, vector<16xi32>,
    %iota3A_518 = tpu.iota {dimensions = array<i32: 0>} : vector<16xi32>
    %add3A_519 = arith.constant 80 : i32
    %add3A_520 = arith.addi %add3A_472, %add3A_519 : i32
    %add3A_521 = vector.broadcast %add3A_520 : i32 to vector<16xi32>
    %add3A_522 = arith.addi %iota3A_518, %add3A_521 : vector<16xi32>
    %swap3A_523 = arith.constant 80 : index
    %swap3A_524 = tpu.vector_load %arg6[%swap3A_523] {strides = array<i32>} : memref<128xi32, #tpu.memory_space<vmem>>, vector<16xi32>,
    %swap3A_525 = vector.shape_cast %swap3A_524 : vector<16xi32> to vector<16xi32>
    %swap3A_526 = vector.shape_cast %add3A_522 : vector<16xi32> to vector<16xi32>
    tpu.vector_store %arg6[%swap3A_523], %swap3A_526 {strides = array<i32>} : memref<128xi32, #tpu.memory_space<vmem>>, vector<16xi32>,
    %iota3A_527 = tpu.iota {dimensions = array<i32: 0>} : vector<16xi32>
    %add3A_528 = arith.constant 96 : i32
    %add3A_529 = arith.addi %add3A_472, %add3A_528 : i32
    %add3A_530 = vector.broadcast %add3A_529 : i32 to vector<16xi32>
    %add3A_531 = arith.addi %iota3A_527, %add3A_530 : vector<16xi32>
    %swap3A_532 = arith.constant 96 : index
    %swap3A_533 = tpu.vector_load %arg6[%swap3A_532] {strides = array<i32>} : memref<128xi32, #tpu.memory_space<vmem>>, vector<16xi32>,
    %swap3A_534 = vector.shape_cast %swap3A_533 : vector<16xi32> to vector<16xi32>
    %swap3A_535 = vector.shape_cast %add3A_531 : vector<16xi32> to vector<16xi32>
    tpu.vector_store %arg6[%swap3A_532], %swap3A_535 {strides = array<i32>} : memref<128xi32, #tpu.memory_space<vmem>>, vector<16xi32>,
    %iota3A_536 = tpu.iota {dimensions = array<i32: 0>} : vector<16xi32>
    %add3A_537 = arith.constant 112 : i32
    %add3A_538 = arith.addi %add3A_472, %add3A_537 : i32
    %add3A_539 = vector.broadcast %add3A_538 : i32 to vector<16xi32>
    %add3A_540 = arith.addi %iota3A_536, %add3A_539 : vector<16xi32>
    %swap3A_541 = arith.constant 112 : index
    %swap3A_542 = tpu.vector_load %arg6[%swap3A_541] {strides = array<i32>} : memref<128xi32, #tpu.memory_space<vmem>>, vector<16xi32>,
    %swap3A_543 = vector.shape_cast %swap3A_542 : vector<16xi32> to vector<16xi32>
    %swap3A_544 = vector.shape_cast %add3A_540 : vector<16xi32> to vector<16xi32>
    tpu.vector_store %arg6[%swap3A_541], %swap3A_544 {strides = array<i32>} : memref<128xi32, #tpu.memory_space<vmem>>, vector<16xi32>,
    %dma_start3A_545 = arith.constant 0 : i32
    %dma_start3A_546 = arith.constant 0 : i32
    %dma_start3A_547 = tpu.memref_slice %arg10[%dma_start3A_545, %dma_start3A_546] : memref<10240x128xf32, #tpu.memory_space<vmem_shared>> -> memref<10240x128xf32, #tpu.memory_space<vmem_shared>>
    tpu.enqueue_indirect_dma source(%dma_start3A_547 : memref<10240x128xf32, #tpu.memory_space<vmem_shared>>) target(%arg9 : memref<128x128xf32, #tpu.memory_space<vmem>>) offsets(%arg6 : memref<128xi32, #tpu.memory_space<vmem>>) semaphore(%arg11 : memref<!tpu.dma_semaphore, #tpu.memory_space<semaphore_mem>>)
    %dma_wait3A_548 = arith.constant 0 : i32
    %dma_wait3A_549 = arith.constant 0 : i32
    %dma_wait3A_550 = tpu.memref_slice %arg10[%dma_wait3A_548, %dma_wait3A_549] : memref<10240x128xf32, #tpu.memory_space<vmem_shared>> -> memref<10240x128xf32, #tpu.memory_space<vmem_shared>>
    tpu.wait_indirect_dma semaphore(%arg11 : memref<!tpu.dma_semaphore, #tpu.memory_space<semaphore_mem>>) src(%dma_wait3A_550 : memref<10240x128xf32, #tpu.memory_space<vmem_shared>>) dst(%arg9 : memref<128x128xf32, #tpu.memory_space<vmem>>)
    %mul3A_551 = arith.constant 640 : i32
    %mul3A_552 = arith.muli %add3A, %mul3A_551 : i32
    %add3A_553 = arith.constant 128 : i32
    %add3A_554 = arith.addi %mul3A_552, %add3A_553 : i32
    "tpu.region"() ({
      %run_scoped3A = tpu.sem_alloc : memref<!tpu.dma_semaphore, #tpu.memory_space<semaphore_mem>>
      %dma_start3A_813 = arith.constant 0 : i32
      %dma_start3A_814 = tpu.memref_slice %arg5[%add3A_554, %dma_start3A_813] : memref<20480x128xf32, #tpu.memory_space<hbm>> -> memref<128x128xf32, #tpu.memory_space<hbm>>
      %dma_start3A_815 = arith.constant 0 : i32
      %dma_start3A_816 = tpu.memref_slice %arg5[%add3A_554, %dma_start3A_815] : memref<20480x128xf32, #tpu.memory_space<hbm>> -> memref<128x128xf32, #tpu.memory_space<hbm>>
      tpu.enqueue_dma source(%arg9 : memref<128x128xf32, #tpu.memory_space<vmem>>) target(%dma_start3A_816 : memref<128x128xf32, #tpu.memory_space<hbm>>) target_semaphore(%run_scoped3A : memref<!tpu.dma_semaphore, #tpu.memory_space<semaphore_mem>>)
      %dma_wait3A_817 = arith.constant 0 : i32
      %dma_wait3A_818 = tpu.memref_slice %arg5[%add3A_554, %dma_wait3A_817] : memref<20480x128xf32, #tpu.memory_space<hbm>> -> memref<128x128xf32, #tpu.memory_space<hbm>>
      %dma_wait3A_819 = arith.constant 0 : i32
      %dma_wait3A_820 = tpu.memref_slice %arg5[%add3A_554, %dma_wait3A_819] : memref<20480x128xf32, #tpu.memory_space<hbm>> -> memref<128x128xf32, #tpu.memory_space<hbm>>
      tpu.wait_dma2 semaphore(%run_scoped3A : memref<!tpu.dma_semaphore, #tpu.memory_space<semaphore_mem>>) src(%arg9 : memref<128x128xf32, #tpu.memory_space<vmem>>) dst(%dma_wait3A_820 : memref<128x128xf32, #tpu.memory_space<hbm>>)
      tpu.yield
    }) : () -> ()
    %mul3A_555 = arith.constant 640 : i32
    %mul3A_556 = arith.muli %arg1, %mul3A_555 : i32
    %add3A_557 = arith.constant 256 : i32
    %add3A_558 = arith.addi %mul3A_556, %add3A_557 : i32
    %iota3A_559 = tpu.iota {dimensions = array<i32: 0>} : vector<16xi32>
    %add3A_560 = arith.constant 0 : i32
    %add3A_561 = arith.addi %add3A_558, %add3A_560 : i32
    %add3A_562 = vector.broadcast %add3A_561 : i32 to vector<16xi32>
    %add3A_563 = arith.addi %iota3A_559, %add3A_562 : vector<16xi32>
    %swap3A_564 = arith.constant 0 : index
    %swap3A_565 = tpu.vector_load %arg6[%swap3A_564] {strides = array<i32>} : memref<128xi32, #tpu.memory_space<vmem>>, vector<16xi32>,
    %swap3A_566 = vector.shape_cast %swap3A_565 : vector<16xi32> to vector<16xi32>
    %swap3A_567 = vector.shape_cast %add3A_563 : vector<16xi32> to vector<16xi32>
    tpu.vector_store %arg6[%swap3A_564], %swap3A_567 {strides = array<i32>} : memref<128xi32, #tpu.memory_space<vmem>>, vector<16xi32>,
    %iota3A_568 = tpu.iota {dimensions = array<i32: 0>} : vector<16xi32>
    %add3A_569 = arith.constant 16 : i32
    %add3A_570 = arith.addi %add3A_558, %add3A_569 : i32
    %add3A_571 = vector.broadcast %add3A_570 : i32 to vector<16xi32>
    %add3A_572 = arith.addi %iota3A_568, %add3A_571 : vector<16xi32>
    %swap3A_573 = arith.constant 16 : index
    %swap3A_574 = tpu.vector_load %arg6[%swap3A_573] {strides = array<i32>} : memref<128xi32, #tpu.memory_space<vmem>>, vector<16xi32>,
    %swap3A_575 = vector.shape_cast %swap3A_574 : vector<16xi32> to vector<16xi32>
    %swap3A_576 = vector.shape_cast %add3A_572 : vector<16xi32> to vector<16xi32>
    tpu.vector_store %arg6[%swap3A_573], %swap3A_576 {strides = array<i32>} : memref<128xi32, #tpu.memory_space<vmem>>, vector<16xi32>,
    %iota3A_577 = tpu.iota {dimensions = array<i32: 0>} : vector<16xi32>
    %add3A_578 = arith.constant 32 : i32
    %add3A_579 = arith.addi %add3A_558, %add3A_578 : i32
    %add3A_580 = vector.broadcast %add3A_579 : i32 to vector<16xi32>
    %add3A_581 = arith.addi %iota3A_577, %add3A_580 : vector<16xi32>
    %swap3A_582 = arith.constant 32 : index
    %swap3A_583 = tpu.vector_load %arg6[%swap3A_582] {strides = array<i32>} : memref<128xi32, #tpu.memory_space<vmem>>, vector<16xi32>,
    %swap3A_584 = vector.shape_cast %swap3A_583 : vector<16xi32> to vector<16xi32>
    %swap3A_585 = vector.shape_cast %add3A_581 : vector<16xi32> to vector<16xi32>
    tpu.vector_store %arg6[%swap3A_582], %swap3A_585 {strides = array<i32>} : memref<128xi32, #tpu.memory_space<vmem>>, vector<16xi32>,
    %iota3A_586 = tpu.iota {dimensions = array<i32: 0>} : vector<16xi32>
    %add3A_587 = arith.constant 48 : i32
    %add3A_588 = arith.addi %add3A_558, %add3A_587 : i32
    %add3A_589 = vector.broadcast %add3A_588 : i32 to vector<16xi32>
    %add3A_590 = arith.addi %iota3A_586, %add3A_589 : vector<16xi32>
    %swap3A_591 = arith.constant 48 : index
    %swap3A_592 = tpu.vector_load %arg6[%swap3A_591] {strides = array<i32>} : memref<128xi32, #tpu.memory_space<vmem>>, vector<16xi32>,
    %swap3A_593 = vector.shape_cast %swap3A_592 : vector<16xi32> to vector<16xi32>
    %swap3A_594 = vector.shape_cast %add3A_590 : vector<16xi32> to vector<16xi32>
    tpu.vector_store %arg6[%swap3A_591], %swap3A_594 {strides = array<i32>} : memref<128xi32, #tpu.memory_space<vmem>>, vector<16xi32>,
    %iota3A_595 = tpu.iota {dimensions = array<i32: 0>} : vector<16xi32>
    %add3A_596 = arith.constant 64 : i32
    %add3A_597 = arith.addi %add3A_558, %add3A_596 : i32
    %add3A_598 = vector.broadcast %add3A_597 : i32 to vector<16xi32>
    %add3A_599 = arith.addi %iota3A_595, %add3A_598 : vector<16xi32>
    %swap3A_600 = arith.constant 64 : index
    %swap3A_601 = tpu.vector_load %arg6[%swap3A_600] {strides = array<i32>} : memref<128xi32, #tpu.memory_space<vmem>>, vector<16xi32>,
    %swap3A_602 = vector.shape_cast %swap3A_601 : vector<16xi32> to vector<16xi32>
    %swap3A_603 = vector.shape_cast %add3A_599 : vector<16xi32> to vector<16xi32>
    tpu.vector_store %arg6[%swap3A_600], %swap3A_603 {strides = array<i32>} : memref<128xi32, #tpu.memory_space<vmem>>, vector<16xi32>,
    %iota3A_604 = tpu.iota {dimensions = array<i32: 0>} : vector<16xi32>
    %add3A_605 = arith.constant 80 : i32
    %add3A_606 = arith.addi %add3A_558, %add3A_605 : i32
    %add3A_607 = vector.broadcast %add3A_606 : i32 to vector<16xi32>
    %add3A_608 = arith.addi %iota3A_604, %add3A_607 : vector<16xi32>
    %swap3A_609 = arith.constant 80 : index
    %swap3A_610 = tpu.vector_load %arg6[%swap3A_609] {strides = array<i32>} : memref<128xi32, #tpu.memory_space<vmem>>, vector<16xi32>,
    %swap3A_611 = vector.shape_cast %swap3A_610 : vector<16xi32> to vector<16xi32>
    %swap3A_612 = vector.shape_cast %add3A_608 : vector<16xi32> to vector<16xi32>
    tpu.vector_store %arg6[%swap3A_609], %swap3A_612 {strides = array<i32>} : memref<128xi32, #tpu.memory_space<vmem>>, vector<16xi32>,
    %iota3A_613 = tpu.iota {dimensions = array<i32: 0>} : vector<16xi32>
    %add3A_614 = arith.constant 96 : i32
    %add3A_615 = arith.addi %add3A_558, %add3A_614 : i32
    %add3A_616 = vector.broadcast %add3A_615 : i32 to vector<16xi32>
    %add3A_617 = arith.addi %iota3A_613, %add3A_616 : vector<16xi32>
    %swap3A_618 = arith.constant 96 : index
    %swap3A_619 = tpu.vector_load %arg6[%swap3A_618] {strides = array<i32>} : memref<128xi32, #tpu.memory_space<vmem>>, vector<16xi32>,
    %swap3A_620 = vector.shape_cast %swap3A_619 : vector<16xi32> to vector<16xi32>
    %swap3A_621 = vector.shape_cast %add3A_617 : vector<16xi32> to vector<16xi32>
    tpu.vector_store %arg6[%swap3A_618], %swap3A_621 {strides = array<i32>} : memref<128xi32, #tpu.memory_space<vmem>>, vector<16xi32>,
    %iota3A_622 = tpu.iota {dimensions = array<i32: 0>} : vector<16xi32>
    %add3A_623 = arith.constant 112 : i32
    %add3A_624 = arith.addi %add3A_558, %add3A_623 : i32
    %add3A_625 = vector.broadcast %add3A_624 : i32 to vector<16xi32>
    %add3A_626 = arith.addi %iota3A_622, %add3A_625 : vector<16xi32>
    %swap3A_627 = arith.constant 112 : index
    %swap3A_628 = tpu.vector_load %arg6[%swap3A_627] {strides = array<i32>} : memref<128xi32, #tpu.memory_space<vmem>>, vector<16xi32>,
    %swap3A_629 = vector.shape_cast %swap3A_628 : vector<16xi32> to vector<16xi32>
    %swap3A_630 = vector.shape_cast %add3A_626 : vector<16xi32> to vector<16xi32>
    tpu.vector_store %arg6[%swap3A_627], %swap3A_630 {strides = array<i32>} : memref<128xi32, #tpu.memory_space<vmem>>, vector<16xi32>,
    %dma_start3A_631 = arith.constant 0 : i32
    %dma_start3A_632 = arith.constant 0 : i32
    %dma_start3A_633 = tpu.memref_slice %arg10[%dma_start3A_631, %dma_start3A_632] : memref<10240x128xf32, #tpu.memory_space<vmem_shared>> -> memref<10240x128xf32, #tpu.memory_space<vmem_shared>>
    tpu.enqueue_indirect_dma source(%dma_start3A_633 : memref<10240x128xf32, #tpu.memory_space<vmem_shared>>) target(%arg9 : memref<128x128xf32, #tpu.memory_space<vmem>>) offsets(%arg6 : memref<128xi32, #tpu.memory_space<vmem>>) semaphore(%arg11 : memref<!tpu.dma_semaphore, #tpu.memory_space<semaphore_mem>>)
    %dma_wait3A_634 = arith.constant 0 : i32
    %dma_wait3A_635 = arith.constant 0 : i32
    %dma_wait3A_636 = tpu.memref_slice %arg10[%dma_wait3A_634, %dma_wait3A_635] : memref<10240x128xf32, #tpu.memory_space<vmem_shared>> -> memref<10240x128xf32, #tpu.memory_space<vmem_shared>>
    tpu.wait_indirect_dma semaphore(%arg11 : memref<!tpu.dma_semaphore, #tpu.memory_space<semaphore_mem>>) src(%dma_wait3A_636 : memref<10240x128xf32, #tpu.memory_space<vmem_shared>>) dst(%arg9 : memref<128x128xf32, #tpu.memory_space<vmem>>)
    %mul3A_637 = arith.constant 640 : i32
    %mul3A_638 = arith.muli %add3A, %mul3A_637 : i32
    %add3A_639 = arith.constant 256 : i32
    %add3A_640 = arith.addi %mul3A_638, %add3A_639 : i32
    "tpu.region"() ({
      %run_scoped3A = tpu.sem_alloc : memref<!tpu.dma_semaphore, #tpu.memory_space<semaphore_mem>>
      %dma_start3A_813 = arith.constant 0 : i32
      %dma_start3A_814 = tpu.memref_slice %arg5[%add3A_640, %dma_start3A_813] : memref<20480x128xf32, #tpu.memory_space<hbm>> -> memref<128x128xf32, #tpu.memory_space<hbm>>
      %dma_start3A_815 = arith.constant 0 : i32
      %dma_start3A_816 = tpu.memref_slice %arg5[%add3A_640, %dma_start3A_815] : memref<20480x128xf32, #tpu.memory_space<hbm>> -> memref<128x128xf32, #tpu.memory_space<hbm>>
      tpu.enqueue_dma source(%arg9 : memref<128x128xf32, #tpu.memory_space<vmem>>) target(%dma_start3A_816 : memref<128x128xf32, #tpu.memory_space<hbm>>) target_semaphore(%run_scoped3A : memref<!tpu.dma_semaphore, #tpu.memory_space<semaphore_mem>>)
      %dma_wait3A_817 = arith.constant 0 : i32
      %dma_wait3A_818 = tpu.memref_slice %arg5[%add3A_640, %dma_wait3A_817] : memref<20480x128xf32, #tpu.memory_space<hbm>> -> memref<128x128xf32, #tpu.memory_space<hbm>>
      %dma_wait3A_819 = arith.constant 0 : i32
      %dma_wait3A_820 = tpu.memref_slice %arg5[%add3A_640, %dma_wait3A_819] : memref<20480x128xf32, #tpu.memory_space<hbm>> -> memref<128x128xf32, #tpu.memory_space<hbm>>
      tpu.wait_dma2 semaphore(%run_scoped3A : memref<!tpu.dma_semaphore, #tpu.memory_space<semaphore_mem>>) src(%arg9 : memref<128x128xf32, #tpu.memory_space<vmem>>) dst(%dma_wait3A_820 : memref<128x128xf32, #tpu.memory_space<hbm>>)
      tpu.yield
    }) : () -> ()
    %mul3A_641 = arith.constant 640 : i32
    %mul3A_642 = arith.muli %arg1, %mul3A_641 : i32
    %add3A_643 = arith.constant 384 : i32
    %add3A_644 = arith.addi %mul3A_642, %add3A_643 : i32
    %iota3A_645 = tpu.iota {dimensions = array<i32: 0>} : vector<16xi32>
    %add3A_646 = arith.constant 0 : i32
    %add3A_647 = arith.addi %add3A_644, %add3A_646 : i32
    %add3A_648 = vector.broadcast %add3A_647 : i32 to vector<16xi32>
    %add3A_649 = arith.addi %iota3A_645, %add3A_648 : vector<16xi32>
    %swap3A_650 = arith.constant 0 : index
    %swap3A_651 = tpu.vector_load %arg6[%swap3A_650] {strides = array<i32>} : memref<128xi32, #tpu.memory_space<vmem>>, vector<16xi32>,
    %swap3A_652 = vector.shape_cast %swap3A_651 : vector<16xi32> to vector<16xi32>
    %swap3A_653 = vector.shape_cast %add3A_649 : vector<16xi32> to vector<16xi32>
    tpu.vector_store %arg6[%swap3A_650], %swap3A_653 {strides = array<i32>} : memref<128xi32, #tpu.memory_space<vmem>>, vector<16xi32>,
    %iota3A_654 = tpu.iota {dimensions = array<i32: 0>} : vector<16xi32>
    %add3A_655 = arith.constant 16 : i32
    %add3A_656 = arith.addi %add3A_644, %add3A_655 : i32
    %add3A_657 = vector.broadcast %add3A_656 : i32 to vector<16xi32>
    %add3A_658 = arith.addi %iota3A_654, %add3A_657 : vector<16xi32>
    %swap3A_659 = arith.constant 16 : index
    %swap3A_660 = tpu.vector_load %arg6[%swap3A_659] {strides = array<i32>} : memref<128xi32, #tpu.memory_space<vmem>>, vector<16xi32>,
    %swap3A_661 = vector.shape_cast %swap3A_660 : vector<16xi32> to vector<16xi32>
    %swap3A_662 = vector.shape_cast %add3A_658 : vector<16xi32> to vector<16xi32>
    tpu.vector_store %arg6[%swap3A_659], %swap3A_662 {strides = array<i32>} : memref<128xi32, #tpu.memory_space<vmem>>, vector<16xi32>,
    %iota3A_663 = tpu.iota {dimensions = array<i32: 0>} : vector<16xi32>
    %add3A_664 = arith.constant 32 : i32
    %add3A_665 = arith.addi %add3A_644, %add3A_664 : i32
    %add3A_666 = vector.broadcast %add3A_665 : i32 to vector<16xi32>
    %add3A_667 = arith.addi %iota3A_663, %add3A_666 : vector<16xi32>
    %swap3A_668 = arith.constant 32 : index
    %swap3A_669 = tpu.vector_load %arg6[%swap3A_668] {strides = array<i32>} : memref<128xi32, #tpu.memory_space<vmem>>, vector<16xi32>,
    %swap3A_670 = vector.shape_cast %swap3A_669 : vector<16xi32> to vector<16xi32>
    %swap3A_671 = vector.shape_cast %add3A_667 : vector<16xi32> to vector<16xi32>
    tpu.vector_store %arg6[%swap3A_668], %swap3A_671 {strides = array<i32>} : memref<128xi32, #tpu.memory_space<vmem>>, vector<16xi32>,
    %iota3A_672 = tpu.iota {dimensions = array<i32: 0>} : vector<16xi32>
    %add3A_673 = arith.constant 48 : i32
    %add3A_674 = arith.addi %add3A_644, %add3A_673 : i32
    %add3A_675 = vector.broadcast %add3A_674 : i32 to vector<16xi32>
    %add3A_676 = arith.addi %iota3A_672, %add3A_675 : vector<16xi32>
    %swap3A_677 = arith.constant 48 : index
    %swap3A_678 = tpu.vector_load %arg6[%swap3A_677] {strides = array<i32>} : memref<128xi32, #tpu.memory_space<vmem>>, vector<16xi32>,
    %swap3A_679 = vector.shape_cast %swap3A_678 : vector<16xi32> to vector<16xi32>
    %swap3A_680 = vector.shape_cast %add3A_676 : vector<16xi32> to vector<16xi32>
    tpu.vector_store %arg6[%swap3A_677], %swap3A_680 {strides = array<i32>} : memref<128xi32, #tpu.memory_space<vmem>>, vector<16xi32>,
    %iota3A_681 = tpu.iota {dimensions = array<i32: 0>} : vector<16xi32>
    %add3A_682 = arith.constant 64 : i32
    %add3A_683 = arith.addi %add3A_644, %add3A_682 : i32
    %add3A_684 = vector.broadcast %add3A_683 : i32 to vector<16xi32>
    %add3A_685 = arith.addi %iota3A_681, %add3A_684 : vector<16xi32>
    %swap3A_686 = arith.constant 64 : index
    %swap3A_687 = tpu.vector_load %arg6[%swap3A_686] {strides = array<i32>} : memref<128xi32, #tpu.memory_space<vmem>>, vector<16xi32>,
    %swap3A_688 = vector.shape_cast %swap3A_687 : vector<16xi32> to vector<16xi32>
    %swap3A_689 = vector.shape_cast %add3A_685 : vector<16xi32> to vector<16xi32>
    tpu.vector_store %arg6[%swap3A_686], %swap3A_689 {strides = array<i32>} : memref<128xi32, #tpu.memory_space<vmem>>, vector<16xi32>,
    %iota3A_690 = tpu.iota {dimensions = array<i32: 0>} : vector<16xi32>
    %add3A_691 = arith.constant 80 : i32
    %add3A_692 = arith.addi %add3A_644, %add3A_691 : i32
    %add3A_693 = vector.broadcast %add3A_692 : i32 to vector<16xi32>
    %add3A_694 = arith.addi %iota3A_690, %add3A_693 : vector<16xi32>
    %swap3A_695 = arith.constant 80 : index
    %swap3A_696 = tpu.vector_load %arg6[%swap3A_695] {strides = array<i32>} : memref<128xi32, #tpu.memory_space<vmem>>, vector<16xi32>,
    %swap3A_697 = vector.shape_cast %swap3A_696 : vector<16xi32> to vector<16xi32>
    %swap3A_698 = vector.shape_cast %add3A_694 : vector<16xi32> to vector<16xi32>
    tpu.vector_store %arg6[%swap3A_695], %swap3A_698 {strides = array<i32>} : memref<128xi32, #tpu.memory_space<vmem>>, vector<16xi32>,
    %iota3A_699 = tpu.iota {dimensions = array<i32: 0>} : vector<16xi32>
    %add3A_700 = arith.constant 96 : i32
    %add3A_701 = arith.addi %add3A_644, %add3A_700 : i32
    %add3A_702 = vector.broadcast %add3A_701 : i32 to vector<16xi32>
    %add3A_703 = arith.addi %iota3A_699, %add3A_702 : vector<16xi32>
    %swap3A_704 = arith.constant 96 : index
    %swap3A_705 = tpu.vector_load %arg6[%swap3A_704] {strides = array<i32>} : memref<128xi32, #tpu.memory_space<vmem>>, vector<16xi32>,
    %swap3A_706 = vector.shape_cast %swap3A_705 : vector<16xi32> to vector<16xi32>
    %swap3A_707 = vector.shape_cast %add3A_703 : vector<16xi32> to vector<16xi32>
    tpu.vector_store %arg6[%swap3A_704], %swap3A_707 {strides = array<i32>} : memref<128xi32, #tpu.memory_space<vmem>>, vector<16xi32>,
    %iota3A_708 = tpu.iota {dimensions = array<i32: 0>} : vector<16xi32>
    %add3A_709 = arith.constant 112 : i32
    %add3A_710 = arith.addi %add3A_644, %add3A_709 : i32
    %add3A_711 = vector.broadcast %add3A_710 : i32 to vector<16xi32>
    %add3A_712 = arith.addi %iota3A_708, %add3A_711 : vector<16xi32>
    %swap3A_713 = arith.constant 112 : index
    %swap3A_714 = tpu.vector_load %arg6[%swap3A_713] {strides = array<i32>} : memref<128xi32, #tpu.memory_space<vmem>>, vector<16xi32>,
    %swap3A_715 = vector.shape_cast %swap3A_714 : vector<16xi32> to vector<16xi32>
    %swap3A_716 = vector.shape_cast %add3A_712 : vector<16xi32> to vector<16xi32>
    tpu.vector_store %arg6[%swap3A_713], %swap3A_716 {strides = array<i32>} : memref<128xi32, #tpu.memory_space<vmem>>, vector<16xi32>,
    %dma_start3A_717 = arith.constant 0 : i32
    %dma_start3A_718 = arith.constant 0 : i32
    %dma_start3A_719 = tpu.memref_slice %arg10[%dma_start3A_717, %dma_start3A_718] : memref<10240x128xf32, #tpu.memory_space<vmem_shared>> -> memref<10240x128xf32, #tpu.memory_space<vmem_shared>>
    tpu.enqueue_indirect_dma source(%dma_start3A_719 : memref<10240x128xf32, #tpu.memory_space<vmem_shared>>) target(%arg9 : memref<128x128xf32, #tpu.memory_space<vmem>>) offsets(%arg6 : memref<128xi32, #tpu.memory_space<vmem>>) semaphore(%arg11 : memref<!tpu.dma_semaphore, #tpu.memory_space<semaphore_mem>>)
    %dma_wait3A_720 = arith.constant 0 : i32
    %dma_wait3A_721 = arith.constant 0 : i32
    %dma_wait3A_722 = tpu.memref_slice %arg10[%dma_wait3A_720, %dma_wait3A_721] : memref<10240x128xf32, #tpu.memory_space<vmem_shared>> -> memref<10240x128xf32, #tpu.memory_space<vmem_shared>>
    tpu.wait_indirect_dma semaphore(%arg11 : memref<!tpu.dma_semaphore, #tpu.memory_space<semaphore_mem>>) src(%dma_wait3A_722 : memref<10240x128xf32, #tpu.memory_space<vmem_shared>>) dst(%arg9 : memref<128x128xf32, #tpu.memory_space<vmem>>)
    %mul3A_723 = arith.constant 640 : i32
    %mul3A_724 = arith.muli %add3A, %mul3A_723 : i32
    %add3A_725 = arith.constant 384 : i32
    %add3A_726 = arith.addi %mul3A_724, %add3A_725 : i32
    "tpu.region"() ({
      %run_scoped3A = tpu.sem_alloc : memref<!tpu.dma_semaphore, #tpu.memory_space<semaphore_mem>>
      %dma_start3A_813 = arith.constant 0 : i32
      %dma_start3A_814 = tpu.memref_slice %arg5[%add3A_726, %dma_start3A_813] : memref<20480x128xf32, #tpu.memory_space<hbm>> -> memref<128x128xf32, #tpu.memory_space<hbm>>
      %dma_start3A_815 = arith.constant 0 : i32
      %dma_start3A_816 = tpu.memref_slice %arg5[%add3A_726, %dma_start3A_815] : memref<20480x128xf32, #tpu.memory_space<hbm>> -> memref<128x128xf32, #tpu.memory_space<hbm>>
      tpu.enqueue_dma source(%arg9 : memref<128x128xf32, #tpu.memory_space<vmem>>) target(%dma_start3A_816 : memref<128x128xf32, #tpu.memory_space<hbm>>) target_semaphore(%run_scoped3A : memref<!tpu.dma_semaphore, #tpu.memory_space<semaphore_mem>>)
      %dma_wait3A_817 = arith.constant 0 : i32
      %dma_wait3A_818 = tpu.memref_slice %arg5[%add3A_726, %dma_wait3A_817] : memref<20480x128xf32, #tpu.memory_space<hbm>> -> memref<128x128xf32, #tpu.memory_space<hbm>>
      %dma_wait3A_819 = arith.constant 0 : i32
      %dma_wait3A_820 = tpu.memref_slice %arg5[%add3A_726, %dma_wait3A_819] : memref<20480x128xf32, #tpu.memory_space<hbm>> -> memref<128x128xf32, #tpu.memory_space<hbm>>
      tpu.wait_dma2 semaphore(%run_scoped3A : memref<!tpu.dma_semaphore, #tpu.memory_space<semaphore_mem>>) src(%arg9 : memref<128x128xf32, #tpu.memory_space<vmem>>) dst(%dma_wait3A_820 : memref<128x128xf32, #tpu.memory_space<hbm>>)
      tpu.yield
    }) : () -> ()
    %mul3A_727 = arith.constant 640 : i32
    %mul3A_728 = arith.muli %arg1, %mul3A_727 : i32
    %add3A_729 = arith.constant 512 : i32
    %add3A_730 = arith.addi %mul3A_728, %add3A_729 : i32
    %iota3A_731 = tpu.iota {dimensions = array<i32: 0>} : vector<16xi32>
    %add3A_732 = arith.constant 0 : i32
    %add3A_733 = arith.addi %add3A_730, %add3A_732 : i32
    %add3A_734 = vector.broadcast %add3A_733 : i32 to vector<16xi32>
    %add3A_735 = arith.addi %iota3A_731, %add3A_734 : vector<16xi32>
    %swap3A_736 = arith.constant 0 : index
    %swap3A_737 = tpu.vector_load %arg6[%swap3A_736] {strides = array<i32>} : memref<128xi32, #tpu.memory_space<vmem>>, vector<16xi32>,
    %swap3A_738 = vector.shape_cast %swap3A_737 : vector<16xi32> to vector<16xi32>
    %swap3A_739 = vector.shape_cast %add3A_735 : vector<16xi32> to vector<16xi32>
    tpu.vector_store %arg6[%swap3A_736], %swap3A_739 {strides = array<i32>} : memref<128xi32, #tpu.memory_space<vmem>>, vector<16xi32>,
    %iota3A_740 = tpu.iota {dimensions = array<i32: 0>} : vector<16xi32>
    %add3A_741 = arith.constant 16 : i32
    %add3A_742 = arith.addi %add3A_730, %add3A_741 : i32
    %add3A_743 = vector.broadcast %add3A_742 : i32 to vector<16xi32>
    %add3A_744 = arith.addi %iota3A_740, %add3A_743 : vector<16xi32>
    %swap3A_745 = arith.constant 16 : index
    %swap3A_746 = tpu.vector_load %arg6[%swap3A_745] {strides = array<i32>} : memref<128xi32, #tpu.memory_space<vmem>>, vector<16xi32>,
    %swap3A_747 = vector.shape_cast %swap3A_746 : vector<16xi32> to vector<16xi32>
    %swap3A_748 = vector.shape_cast %add3A_744 : vector<16xi32> to vector<16xi32>
    tpu.vector_store %arg6[%swap3A_745], %swap3A_748 {strides = array<i32>} : memref<128xi32, #tpu.memory_space<vmem>>, vector<16xi32>,
    %iota3A_749 = tpu.iota {dimensions = array<i32: 0>} : vector<16xi32>
    %add3A_750 = arith.constant 32 : i32
    %add3A_751 = arith.addi %add3A_730, %add3A_750 : i32
    %add3A_752 = vector.broadcast %add3A_751 : i32 to vector<16xi32>
    %add3A_753 = arith.addi %iota3A_749, %add3A_752 : vector<16xi32>
    %swap3A_754 = arith.constant 32 : index
    %swap3A_755 = tpu.vector_load %arg6[%swap3A_754] {strides = array<i32>} : memref<128xi32, #tpu.memory_space<vmem>>, vector<16xi32>,
    %swap3A_756 = vector.shape_cast %swap3A_755 : vector<16xi32> to vector<16xi32>
    %swap3A_757 = vector.shape_cast %add3A_753 : vector<16xi32> to vector<16xi32>
    tpu.vector_store %arg6[%swap3A_754], %swap3A_757 {strides = array<i32>} : memref<128xi32, #tpu.memory_space<vmem>>, vector<16xi32>,
    %iota3A_758 = tpu.iota {dimensions = array<i32: 0>} : vector<16xi32>
    %add3A_759 = arith.constant 48 : i32
    %add3A_760 = arith.addi %add3A_730, %add3A_759 : i32
    %add3A_761 = vector.broadcast %add3A_760 : i32 to vector<16xi32>
    %add3A_762 = arith.addi %iota3A_758, %add3A_761 : vector<16xi32>
    %swap3A_763 = arith.constant 48 : index
    %swap3A_764 = tpu.vector_load %arg6[%swap3A_763] {strides = array<i32>} : memref<128xi32, #tpu.memory_space<vmem>>, vector<16xi32>,
    %swap3A_765 = vector.shape_cast %swap3A_764 : vector<16xi32> to vector<16xi32>
    %swap3A_766 = vector.shape_cast %add3A_762 : vector<16xi32> to vector<16xi32>
    tpu.vector_store %arg6[%swap3A_763], %swap3A_766 {strides = array<i32>} : memref<128xi32, #tpu.memory_space<vmem>>, vector<16xi32>,
    %iota3A_767 = tpu.iota {dimensions = array<i32: 0>} : vector<16xi32>
    %add3A_768 = arith.constant 64 : i32
    %add3A_769 = arith.addi %add3A_730, %add3A_768 : i32
    %add3A_770 = vector.broadcast %add3A_769 : i32 to vector<16xi32>
    %add3A_771 = arith.addi %iota3A_767, %add3A_770 : vector<16xi32>
    %swap3A_772 = arith.constant 64 : index
    %swap3A_773 = tpu.vector_load %arg6[%swap3A_772] {strides = array<i32>} : memref<128xi32, #tpu.memory_space<vmem>>, vector<16xi32>,
    %swap3A_774 = vector.shape_cast %swap3A_773 : vector<16xi32> to vector<16xi32>
    %swap3A_775 = vector.shape_cast %add3A_771 : vector<16xi32> to vector<16xi32>
    tpu.vector_store %arg6[%swap3A_772], %swap3A_775 {strides = array<i32>} : memref<128xi32, #tpu.memory_space<vmem>>, vector<16xi32>,
    %iota3A_776 = tpu.iota {dimensions = array<i32: 0>} : vector<16xi32>
    %add3A_777 = arith.constant 80 : i32
    %add3A_778 = arith.addi %add3A_730, %add3A_777 : i32
    %add3A_779 = vector.broadcast %add3A_778 : i32 to vector<16xi32>
    %add3A_780 = arith.addi %iota3A_776, %add3A_779 : vector<16xi32>
    %swap3A_781 = arith.constant 80 : index
    %swap3A_782 = tpu.vector_load %arg6[%swap3A_781] {strides = array<i32>} : memref<128xi32, #tpu.memory_space<vmem>>, vector<16xi32>,
    %swap3A_783 = vector.shape_cast %swap3A_782 : vector<16xi32> to vector<16xi32>
    %swap3A_784 = vector.shape_cast %add3A_780 : vector<16xi32> to vector<16xi32>
    tpu.vector_store %arg6[%swap3A_781], %swap3A_784 {strides = array<i32>} : memref<128xi32, #tpu.memory_space<vmem>>, vector<16xi32>,
    %iota3A_785 = tpu.iota {dimensions = array<i32: 0>} : vector<16xi32>
    %add3A_786 = arith.constant 96 : i32
    %add3A_787 = arith.addi %add3A_730, %add3A_786 : i32
    %add3A_788 = vector.broadcast %add3A_787 : i32 to vector<16xi32>
    %add3A_789 = arith.addi %iota3A_785, %add3A_788 : vector<16xi32>
    %swap3A_790 = arith.constant 96 : index
    %swap3A_791 = tpu.vector_load %arg6[%swap3A_790] {strides = array<i32>} : memref<128xi32, #tpu.memory_space<vmem>>, vector<16xi32>,
    %swap3A_792 = vector.shape_cast %swap3A_791 : vector<16xi32> to vector<16xi32>
    %swap3A_793 = vector.shape_cast %add3A_789 : vector<16xi32> to vector<16xi32>
    tpu.vector_store %arg6[%swap3A_790], %swap3A_793 {strides = array<i32>} : memref<128xi32, #tpu.memory_space<vmem>>, vector<16xi32>,
    %iota3A_794 = tpu.iota {dimensions = array<i32: 0>} : vector<16xi32>
    %add3A_795 = arith.constant 112 : i32
    %add3A_796 = arith.addi %add3A_730, %add3A_795 : i32
    %add3A_797 = vector.broadcast %add3A_796 : i32 to vector<16xi32>
    %add3A_798 = arith.addi %iota3A_794, %add3A_797 : vector<16xi32>
    %swap3A_799 = arith.constant 112 : index
    %swap3A_800 = tpu.vector_load %arg6[%swap3A_799] {strides = array<i32>} : memref<128xi32, #tpu.memory_space<vmem>>, vector<16xi32>,
    %swap3A_801 = vector.shape_cast %swap3A_800 : vector<16xi32> to vector<16xi32>
    %swap3A_802 = vector.shape_cast %add3A_798 : vector<16xi32> to vector<16xi32>
    tpu.vector_store %arg6[%swap3A_799], %swap3A_802 {strides = array<i32>} : memref<128xi32, #tpu.memory_space<vmem>>, vector<16xi32>,
    %dma_start3A_803 = arith.constant 0 : i32
    %dma_start3A_804 = arith.constant 0 : i32
    %dma_start3A_805 = tpu.memref_slice %arg10[%dma_start3A_803, %dma_start3A_804] : memref<10240x128xf32, #tpu.memory_space<vmem_shared>> -> memref<10240x128xf32, #tpu.memory_space<vmem_shared>>
    tpu.enqueue_indirect_dma source(%dma_start3A_805 : memref<10240x128xf32, #tpu.memory_space<vmem_shared>>) target(%arg9 : memref<128x128xf32, #tpu.memory_space<vmem>>) offsets(%arg6 : memref<128xi32, #tpu.memory_space<vmem>>) semaphore(%arg11 : memref<!tpu.dma_semaphore, #tpu.memory_space<semaphore_mem>>)
    %dma_wait3A_806 = arith.constant 0 : i32
    %dma_wait3A_807 = arith.constant 0 : i32
    %dma_wait3A_808 = tpu.memref_slice %arg10[%dma_wait3A_806, %dma_wait3A_807] : memref<10240x128xf32, #tpu.memory_space<vmem_shared>> -> memref<10240x128xf32, #tpu.memory_space<vmem_shared>>
    tpu.wait_indirect_dma semaphore(%arg11 : memref<!tpu.dma_semaphore, #tpu.memory_space<semaphore_mem>>) src(%dma_wait3A_808 : memref<10240x128xf32, #tpu.memory_space<vmem_shared>>) dst(%arg9 : memref<128x128xf32, #tpu.memory_space<vmem>>)
    %mul3A_809 = arith.constant 640 : i32
    %mul3A_810 = arith.muli %add3A, %mul3A_809 : i32
    %add3A_811 = arith.constant 512 : i32
    %add3A_812 = arith.addi %mul3A_810, %add3A_811 : i32
    "tpu.region"() ({
      %run_scoped3A = tpu.sem_alloc : memref<!tpu.dma_semaphore, #tpu.memory_space<semaphore_mem>>
      %dma_start3A_813 = arith.constant 0 : i32
      %dma_start3A_814 = tpu.memref_slice %arg5[%add3A_812, %dma_start3A_813] : memref<20480x128xf32, #tpu.memory_space<hbm>> -> memref<128x128xf32, #tpu.memory_space<hbm>>
      %dma_start3A_815 = arith.constant 0 : i32
      %dma_start3A_816 = tpu.memref_slice %arg5[%add3A_812, %dma_start3A_815] : memref<20480x128xf32, #tpu.memory_space<hbm>> -> memref<128x128xf32, #tpu.memory_space<hbm>>
      tpu.enqueue_dma source(%arg9 : memref<128x128xf32, #tpu.memory_space<vmem>>) target(%dma_start3A_816 : memref<128x128xf32, #tpu.memory_space<hbm>>) target_semaphore(%run_scoped3A : memref<!tpu.dma_semaphore, #tpu.memory_space<semaphore_mem>>)
      %dma_wait3A_817 = arith.constant 0 : i32
      %dma_wait3A_818 = tpu.memref_slice %arg5[%add3A_812, %dma_wait3A_817] : memref<20480x128xf32, #tpu.memory_space<hbm>> -> memref<128x128xf32, #tpu.memory_space<hbm>>
      %dma_wait3A_819 = arith.constant 0 : i32
      %dma_wait3A_820 = tpu.memref_slice %arg5[%add3A_812, %dma_wait3A_819] : memref<20480x128xf32, #tpu.memory_space<hbm>> -> memref<128x128xf32, #tpu.memory_space<hbm>>
      tpu.wait_dma2 semaphore(%run_scoped3A : memref<!tpu.dma_semaphore, #tpu.memory_space<semaphore_mem>>) src(%arg9 : memref<128x128xf32, #tpu.memory_space<vmem>>) dst(%dma_wait3A_820 : memref<128x128xf32, #tpu.memory_space<hbm>>)
      tpu.yield
    }) : () -> ()
    return
  }
}

#map = affine_map<(d0, d1) -> (0, 0)>
module attributes {stable_mosaic.version = 14 : i64} {
  func.func @_edge_kernel(%arg0: i32, %arg1: i32, %arg2: memref<2560x128xi32, #tpu.memory_space<hbm>>, %arg3: memref<2560x128xi32, #tpu.memory_space<hbm>>, %arg4: memref<10000x128xf32, #tpu.memory_space<hbm>>, %arg5: memref<128x128xf32, #tpu.memory_space<hbm>>, %arg6: memref<20480x128xf32, #tpu.memory_space<hbm>>, %arg7: memref<128xi32, #tpu.memory_space<vmem>>, %arg8: memref<128xi32, #tpu.memory_space<vmem>>, %arg9: memref<128xi32, #tpu.memory_space<vmem>>, %arg10: memref<128xi32, #tpu.memory_space<vmem>>, %arg11: memref<128xi32, #tpu.memory_space<vmem>>, %arg12: memref<128xi32, #tpu.memory_space<vmem>>, %arg13: memref<128xi32, #tpu.memory_space<vmem>>, %arg14: memref<128xi32, #tpu.memory_space<vmem>>, %arg15: memref<128xi32, #tpu.memory_space<vmem>>, %arg16: memref<128x128xf32, #tpu.memory_space<vmem>>, %arg17: memref<128x128xf32, #tpu.memory_space<vmem>>, %arg18: memref<10240x128xf32, #tpu.memory_space<vmem_shared>>, %arg19: memref<!tpu.dma_semaphore, #tpu.memory_space<semaphore_mem>>, %arg20: memref<!tpu.dma_semaphore, #tpu.memory_space<semaphore_mem>>, %arg21: memref<!tpu.dma_semaphore, #tpu.memory_space<semaphore_mem>>, %arg22: memref<!tpu.dma_semaphore, #tpu.memory_space<semaphore_mem>>, %arg23: memref<!tpu.dma_semaphore, #tpu.memory_space<semaphore_mem>>, %arg24: memref<!tpu.dma_semaphore, #tpu.memory_space<semaphore_mem>>, %arg25: memref<!tpu.dma_semaphore, #tpu.memory_space<semaphore_mem>>, %arg26: memref<!tpu.dma_semaphore, #tpu.memory_space<semaphore_mem>>, %arg27: memref<!tpu.dma_semaphore, #tpu.memory_space<semaphore_mem>>) attributes {dimension_semantics = [#tpu.dimension_semantics<core_parallel>, #tpu.dimension_semantics<subcore_parallel>], iteration_bounds = array<i64: 2, 16>, scalar_prefetch = 0 : i64, scratch_operands = 21 : i64, tpu.core_type = #tpu.core_type<sc_vector_subcore>, window_params = [{transform_indices = #map}, {transform_indices = #map}, {transform_indices = #map}, {transform_indices = #map}, {transform_indices = #map}]} {
    %mul3A = arith.constant 16 : i32
    %mul3A_0 = arith.muli %arg0, %mul3A : i32
    %add3A = arith.addi %mul3A_0, %arg1 : i32
    "tpu.region"() ({
      %run_scoped3A = tpu.sem_alloc : memref<!tpu.dma_semaphore, #tpu.memory_space<semaphore_mem>>
      tpu.enqueue_dma source(%arg5 : memref<128x128xf32, #tpu.memory_space<hbm>>) target(%arg16 : memref<128x128xf32, #tpu.memory_space<vmem>>) target_semaphore(%run_scoped3A : memref<!tpu.dma_semaphore, #tpu.memory_space<semaphore_mem>>)
      tpu.wait_dma2 semaphore(%run_scoped3A : memref<!tpu.dma_semaphore, #tpu.memory_space<semaphore_mem>>) src(%arg5 : memref<128x128xf32, #tpu.memory_space<hbm>>) dst(%arg16 : memref<128x128xf32, #tpu.memory_space<vmem>>)
      tpu.yield
    }) : () -> ()
    %mul3A_1 = arith.constant 640 : i32
    %mul3A_2 = arith.muli %arg1, %mul3A_1 : i32
    %add3A_3 = arith.constant 0 : i32
    %add3A_4 = arith.addi %mul3A_2, %add3A_3 : i32
    %iota3A = tpu.iota {dimensions = array<i32: 0>} : vector<16xi32>
    %add3A_5 = arith.constant 0 : i32
    %add3A_6 = arith.addi %add3A_4, %add3A_5 : i32
    %add3A_7 = vector.broadcast %add3A_6 : i32 to vector<16xi32>
    %add3A_8 = arith.addi %iota3A, %add3A_7 : vector<16xi32>
    %swap3A = arith.constant 0 : index
    %swap3A_9 = tpu.vector_load %arg7[%swap3A] {strides = array<i32>} : memref<128xi32, #tpu.memory_space<vmem>>, vector<16xi32>,
    %swap3A_10 = vector.shape_cast %swap3A_9 : vector<16xi32> to vector<16xi32>
    %swap3A_11 = vector.shape_cast %add3A_8 : vector<16xi32> to vector<16xi32>
    tpu.vector_store %arg7[%swap3A], %swap3A_11 {strides = array<i32>} : memref<128xi32, #tpu.memory_space<vmem>>, vector<16xi32>,
    %iota3A_12 = tpu.iota {dimensions = array<i32: 0>} : vector<16xi32>
    %add3A_13 = arith.constant 16 : i32
    %add3A_14 = arith.addi %add3A_4, %add3A_13 : i32
    %add3A_15 = vector.broadcast %add3A_14 : i32 to vector<16xi32>
    %add3A_16 = arith.addi %iota3A_12, %add3A_15 : vector<16xi32>
    %swap3A_17 = arith.constant 16 : index
    %swap3A_18 = tpu.vector_load %arg7[%swap3A_17] {strides = array<i32>} : memref<128xi32, #tpu.memory_space<vmem>>, vector<16xi32>,
    %swap3A_19 = vector.shape_cast %swap3A_18 : vector<16xi32> to vector<16xi32>
    %swap3A_20 = vector.shape_cast %add3A_16 : vector<16xi32> to vector<16xi32>
    tpu.vector_store %arg7[%swap3A_17], %swap3A_20 {strides = array<i32>} : memref<128xi32, #tpu.memory_space<vmem>>, vector<16xi32>,
    %iota3A_21 = tpu.iota {dimensions = array<i32: 0>} : vector<16xi32>
    %add3A_22 = arith.constant 32 : i32
    %add3A_23 = arith.addi %add3A_4, %add3A_22 : i32
    %add3A_24 = vector.broadcast %add3A_23 : i32 to vector<16xi32>
    %add3A_25 = arith.addi %iota3A_21, %add3A_24 : vector<16xi32>
    %swap3A_26 = arith.constant 32 : index
    %swap3A_27 = tpu.vector_load %arg7[%swap3A_26] {strides = array<i32>} : memref<128xi32, #tpu.memory_space<vmem>>, vector<16xi32>,
    %swap3A_28 = vector.shape_cast %swap3A_27 : vector<16xi32> to vector<16xi32>
    %swap3A_29 = vector.shape_cast %add3A_25 : vector<16xi32> to vector<16xi32>
    tpu.vector_store %arg7[%swap3A_26], %swap3A_29 {strides = array<i32>} : memref<128xi32, #tpu.memory_space<vmem>>, vector<16xi32>,
    %iota3A_30 = tpu.iota {dimensions = array<i32: 0>} : vector<16xi32>
    %add3A_31 = arith.constant 48 : i32
    %add3A_32 = arith.addi %add3A_4, %add3A_31 : i32
    %add3A_33 = vector.broadcast %add3A_32 : i32 to vector<16xi32>
    %add3A_34 = arith.addi %iota3A_30, %add3A_33 : vector<16xi32>
    %swap3A_35 = arith.constant 48 : index
    %swap3A_36 = tpu.vector_load %arg7[%swap3A_35] {strides = array<i32>} : memref<128xi32, #tpu.memory_space<vmem>>, vector<16xi32>,
    %swap3A_37 = vector.shape_cast %swap3A_36 : vector<16xi32> to vector<16xi32>
    %swap3A_38 = vector.shape_cast %add3A_34 : vector<16xi32> to vector<16xi32>
    tpu.vector_store %arg7[%swap3A_35], %swap3A_38 {strides = array<i32>} : memref<128xi32, #tpu.memory_space<vmem>>, vector<16xi32>,
    %iota3A_39 = tpu.iota {dimensions = array<i32: 0>} : vector<16xi32>
    %add3A_40 = arith.constant 64 : i32
    %add3A_41 = arith.addi %add3A_4, %add3A_40 : i32
    %add3A_42 = vector.broadcast %add3A_41 : i32 to vector<16xi32>
    %add3A_43 = arith.addi %iota3A_39, %add3A_42 : vector<16xi32>
    %swap3A_44 = arith.constant 64 : index
    %swap3A_45 = tpu.vector_load %arg7[%swap3A_44] {strides = array<i32>} : memref<128xi32, #tpu.memory_space<vmem>>, vector<16xi32>,
    %swap3A_46 = vector.shape_cast %swap3A_45 : vector<16xi32> to vector<16xi32>
    %swap3A_47 = vector.shape_cast %add3A_43 : vector<16xi32> to vector<16xi32>
    tpu.vector_store %arg7[%swap3A_44], %swap3A_47 {strides = array<i32>} : memref<128xi32, #tpu.memory_space<vmem>>, vector<16xi32>,
    %iota3A_48 = tpu.iota {dimensions = array<i32: 0>} : vector<16xi32>
    %add3A_49 = arith.constant 80 : i32
    %add3A_50 = arith.addi %add3A_4, %add3A_49 : i32
    %add3A_51 = vector.broadcast %add3A_50 : i32 to vector<16xi32>
    %add3A_52 = arith.addi %iota3A_48, %add3A_51 : vector<16xi32>
    %swap3A_53 = arith.constant 80 : index
    %swap3A_54 = tpu.vector_load %arg7[%swap3A_53] {strides = array<i32>} : memref<128xi32, #tpu.memory_space<vmem>>, vector<16xi32>,
    %swap3A_55 = vector.shape_cast %swap3A_54 : vector<16xi32> to vector<16xi32>
    %swap3A_56 = vector.shape_cast %add3A_52 : vector<16xi32> to vector<16xi32>
    tpu.vector_store %arg7[%swap3A_53], %swap3A_56 {strides = array<i32>} : memref<128xi32, #tpu.memory_space<vmem>>, vector<16xi32>,
    %iota3A_57 = tpu.iota {dimensions = array<i32: 0>} : vector<16xi32>
    %add3A_58 = arith.constant 96 : i32
    %add3A_59 = arith.addi %add3A_4, %add3A_58 : i32
    %add3A_60 = vector.broadcast %add3A_59 : i32 to vector<16xi32>
    %add3A_61 = arith.addi %iota3A_57, %add3A_60 : vector<16xi32>
    %swap3A_62 = arith.constant 96 : index
    %swap3A_63 = tpu.vector_load %arg7[%swap3A_62] {strides = array<i32>} : memref<128xi32, #tpu.memory_space<vmem>>, vector<16xi32>,
    %swap3A_64 = vector.shape_cast %swap3A_63 : vector<16xi32> to vector<16xi32>
    %swap3A_65 = vector.shape_cast %add3A_61 : vector<16xi32> to vector<16xi32>
    tpu.vector_store %arg7[%swap3A_62], %swap3A_65 {strides = array<i32>} : memref<128xi32, #tpu.memory_space<vmem>>, vector<16xi32>,
    %iota3A_66 = tpu.iota {dimensions = array<i32: 0>} : vector<16xi32>
    %add3A_67 = arith.constant 112 : i32
    %add3A_68 = arith.addi %add3A_4, %add3A_67 : i32
    %add3A_69 = vector.broadcast %add3A_68 : i32 to vector<16xi32>
    %add3A_70 = arith.addi %iota3A_66, %add3A_69 : vector<16xi32>
    %swap3A_71 = arith.constant 112 : index
    %swap3A_72 = tpu.vector_load %arg7[%swap3A_71] {strides = array<i32>} : memref<128xi32, #tpu.memory_space<vmem>>, vector<16xi32>,
    %swap3A_73 = vector.shape_cast %swap3A_72 : vector<16xi32> to vector<16xi32>
    %swap3A_74 = vector.shape_cast %add3A_70 : vector<16xi32> to vector<16xi32>
    tpu.vector_store %arg7[%swap3A_71], %swap3A_74 {strides = array<i32>} : memref<128xi32, #tpu.memory_space<vmem>>, vector<16xi32>,
    "tpu.region"() ({
      %run_scoped3A = tpu.sem_alloc : memref<!tpu.dma_semaphore, #tpu.memory_space<semaphore_mem>>
      %dma_start3A_1229 = arith.constant 0 : i32
      %dma_start3A_1230 = arith.constant 0 : i32
      %dma_start3A_1231 = tpu.memref_slice %arg18[%dma_start3A_1229, %dma_start3A_1230] : memref<10240x128xf32, #tpu.memory_space<vmem_shared>> -> memref<10240x128xf32, #tpu.memory_space<vmem_shared>>
      tpu.enqueue_indirect_dma source(%arg16 : memref<128x128xf32, #tpu.memory_space<vmem>>) target(%dma_start3A_1231 : memref<10240x128xf32, #tpu.memory_space<vmem_shared>>) offsets(%arg7 : memref<128xi32, #tpu.memory_space<vmem>>) semaphore(%run_scoped3A : memref<!tpu.dma_semaphore, #tpu.memory_space<semaphore_mem>>)
      %dma_wait3A_1232 = arith.constant 0 : i32
      %dma_wait3A_1233 = arith.constant 0 : i32
      %dma_wait3A_1234 = tpu.memref_slice %arg18[%dma_wait3A_1232, %dma_wait3A_1233] : memref<10240x128xf32, #tpu.memory_space<vmem_shared>> -> memref<10240x128xf32, #tpu.memory_space<vmem_shared>>
      tpu.wait_indirect_dma semaphore(%run_scoped3A : memref<!tpu.dma_semaphore, #tpu.memory_space<semaphore_mem>>) src(%arg16 : memref<128x128xf32, #tpu.memory_space<vmem>>) dst(%dma_wait3A_1234 : memref<10240x128xf32, #tpu.memory_space<vmem_shared>>)
      tpu.yield
    }) : () -> ()
    %mul3A_75 = arith.constant 640 : i32
    %mul3A_76 = arith.muli %arg1, %mul3A_75 : i32
    %add3A_77 = arith.constant 128 : i32
    %add3A_78 = arith.addi %mul3A_76, %add3A_77 : i32
    %iota3A_79 = tpu.iota {dimensions = array<i32: 0>} : vector<16xi32>
    %add3A_80 = arith.constant 0 : i32
    %add3A_81 = arith.addi %add3A_78, %add3A_80 : i32
    %add3A_82 = vector.broadcast %add3A_81 : i32 to vector<16xi32>
    %add3A_83 = arith.addi %iota3A_79, %add3A_82 : vector<16xi32>
    %swap3A_84 = arith.constant 0 : index
    %swap3A_85 = tpu.vector_load %arg7[%swap3A_84] {strides = array<i32>} : memref<128xi32, #tpu.memory_space<vmem>>, vector<16xi32>,
    %swap3A_86 = vector.shape_cast %swap3A_85 : vector<16xi32> to vector<16xi32>
    %swap3A_87 = vector.shape_cast %add3A_83 : vector<16xi32> to vector<16xi32>
    tpu.vector_store %arg7[%swap3A_84], %swap3A_87 {strides = array<i32>} : memref<128xi32, #tpu.memory_space<vmem>>, vector<16xi32>,
    %iota3A_88 = tpu.iota {dimensions = array<i32: 0>} : vector<16xi32>
    %add3A_89 = arith.constant 16 : i32
    %add3A_90 = arith.addi %add3A_78, %add3A_89 : i32
    %add3A_91 = vector.broadcast %add3A_90 : i32 to vector<16xi32>
    %add3A_92 = arith.addi %iota3A_88, %add3A_91 : vector<16xi32>
    %swap3A_93 = arith.constant 16 : index
    %swap3A_94 = tpu.vector_load %arg7[%swap3A_93] {strides = array<i32>} : memref<128xi32, #tpu.memory_space<vmem>>, vector<16xi32>,
    %swap3A_95 = vector.shape_cast %swap3A_94 : vector<16xi32> to vector<16xi32>
    %swap3A_96 = vector.shape_cast %add3A_92 : vector<16xi32> to vector<16xi32>
    tpu.vector_store %arg7[%swap3A_93], %swap3A_96 {strides = array<i32>} : memref<128xi32, #tpu.memory_space<vmem>>, vector<16xi32>,
    %iota3A_97 = tpu.iota {dimensions = array<i32: 0>} : vector<16xi32>
    %add3A_98 = arith.constant 32 : i32
    %add3A_99 = arith.addi %add3A_78, %add3A_98 : i32
    %add3A_100 = vector.broadcast %add3A_99 : i32 to vector<16xi32>
    %add3A_101 = arith.addi %iota3A_97, %add3A_100 : vector<16xi32>
    %swap3A_102 = arith.constant 32 : index
    %swap3A_103 = tpu.vector_load %arg7[%swap3A_102] {strides = array<i32>} : memref<128xi32, #tpu.memory_space<vmem>>, vector<16xi32>,
    %swap3A_104 = vector.shape_cast %swap3A_103 : vector<16xi32> to vector<16xi32>
    %swap3A_105 = vector.shape_cast %add3A_101 : vector<16xi32> to vector<16xi32>
    tpu.vector_store %arg7[%swap3A_102], %swap3A_105 {strides = array<i32>} : memref<128xi32, #tpu.memory_space<vmem>>, vector<16xi32>,
    %iota3A_106 = tpu.iota {dimensions = array<i32: 0>} : vector<16xi32>
    %add3A_107 = arith.constant 48 : i32
    %add3A_108 = arith.addi %add3A_78, %add3A_107 : i32
    %add3A_109 = vector.broadcast %add3A_108 : i32 to vector<16xi32>
    %add3A_110 = arith.addi %iota3A_106, %add3A_109 : vector<16xi32>
    %swap3A_111 = arith.constant 48 : index
    %swap3A_112 = tpu.vector_load %arg7[%swap3A_111] {strides = array<i32>} : memref<128xi32, #tpu.memory_space<vmem>>, vector<16xi32>,
    %swap3A_113 = vector.shape_cast %swap3A_112 : vector<16xi32> to vector<16xi32>
    %swap3A_114 = vector.shape_cast %add3A_110 : vector<16xi32> to vector<16xi32>
    tpu.vector_store %arg7[%swap3A_111], %swap3A_114 {strides = array<i32>} : memref<128xi32, #tpu.memory_space<vmem>>, vector<16xi32>,
    %iota3A_115 = tpu.iota {dimensions = array<i32: 0>} : vector<16xi32>
    %add3A_116 = arith.constant 64 : i32
    %add3A_117 = arith.addi %add3A_78, %add3A_116 : i32
    %add3A_118 = vector.broadcast %add3A_117 : i32 to vector<16xi32>
    %add3A_119 = arith.addi %iota3A_115, %add3A_118 : vector<16xi32>
    %swap3A_120 = arith.constant 64 : index
    %swap3A_121 = tpu.vector_load %arg7[%swap3A_120] {strides = array<i32>} : memref<128xi32, #tpu.memory_space<vmem>>, vector<16xi32>,
    %swap3A_122 = vector.shape_cast %swap3A_121 : vector<16xi32> to vector<16xi32>
    %swap3A_123 = vector.shape_cast %add3A_119 : vector<16xi32> to vector<16xi32>
    tpu.vector_store %arg7[%swap3A_120], %swap3A_123 {strides = array<i32>} : memref<128xi32, #tpu.memory_space<vmem>>, vector<16xi32>,
    %iota3A_124 = tpu.iota {dimensions = array<i32: 0>} : vector<16xi32>
    %add3A_125 = arith.constant 80 : i32
    %add3A_126 = arith.addi %add3A_78, %add3A_125 : i32
    %add3A_127 = vector.broadcast %add3A_126 : i32 to vector<16xi32>
    %add3A_128 = arith.addi %iota3A_124, %add3A_127 : vector<16xi32>
    %swap3A_129 = arith.constant 80 : index
    %swap3A_130 = tpu.vector_load %arg7[%swap3A_129] {strides = array<i32>} : memref<128xi32, #tpu.memory_space<vmem>>, vector<16xi32>,
    %swap3A_131 = vector.shape_cast %swap3A_130 : vector<16xi32> to vector<16xi32>
    %swap3A_132 = vector.shape_cast %add3A_128 : vector<16xi32> to vector<16xi32>
    tpu.vector_store %arg7[%swap3A_129], %swap3A_132 {strides = array<i32>} : memref<128xi32, #tpu.memory_space<vmem>>, vector<16xi32>,
    %iota3A_133 = tpu.iota {dimensions = array<i32: 0>} : vector<16xi32>
    %add3A_134 = arith.constant 96 : i32
    %add3A_135 = arith.addi %add3A_78, %add3A_134 : i32
    %add3A_136 = vector.broadcast %add3A_135 : i32 to vector<16xi32>
    %add3A_137 = arith.addi %iota3A_133, %add3A_136 : vector<16xi32>
    %swap3A_138 = arith.constant 96 : index
    %swap3A_139 = tpu.vector_load %arg7[%swap3A_138] {strides = array<i32>} : memref<128xi32, #tpu.memory_space<vmem>>, vector<16xi32>,
    %swap3A_140 = vector.shape_cast %swap3A_139 : vector<16xi32> to vector<16xi32>
    %swap3A_141 = vector.shape_cast %add3A_137 : vector<16xi32> to vector<16xi32>
    tpu.vector_store %arg7[%swap3A_138], %swap3A_141 {strides = array<i32>} : memref<128xi32, #tpu.memory_space<vmem>>, vector<16xi32>,
    %iota3A_142 = tpu.iota {dimensions = array<i32: 0>} : vector<16xi32>
    %add3A_143 = arith.constant 112 : i32
    %add3A_144 = arith.addi %add3A_78, %add3A_143 : i32
    %add3A_145 = vector.broadcast %add3A_144 : i32 to vector<16xi32>
    %add3A_146 = arith.addi %iota3A_142, %add3A_145 : vector<16xi32>
    %swap3A_147 = arith.constant 112 : index
    %swap3A_148 = tpu.vector_load %arg7[%swap3A_147] {strides = array<i32>} : memref<128xi32, #tpu.memory_space<vmem>>, vector<16xi32>,
    %swap3A_149 = vector.shape_cast %swap3A_148 : vector<16xi32> to vector<16xi32>
    %swap3A_150 = vector.shape_cast %add3A_146 : vector<16xi32> to vector<16xi32>
    tpu.vector_store %arg7[%swap3A_147], %swap3A_150 {strides = array<i32>} : memref<128xi32, #tpu.memory_space<vmem>>, vector<16xi32>,
    "tpu.region"() ({
      %run_scoped3A = tpu.sem_alloc : memref<!tpu.dma_semaphore, #tpu.memory_space<semaphore_mem>>
      %dma_start3A_1229 = arith.constant 0 : i32
      %dma_start3A_1230 = arith.constant 0 : i32
      %dma_start3A_1231 = tpu.memref_slice %arg18[%dma_start3A_1229, %dma_start3A_1230] : memref<10240x128xf32, #tpu.memory_space<vmem_shared>> -> memref<10240x128xf32, #tpu.memory_space<vmem_shared>>
      tpu.enqueue_indirect_dma source(%arg16 : memref<128x128xf32, #tpu.memory_space<vmem>>) target(%dma_start3A_1231 : memref<10240x128xf32, #tpu.memory_space<vmem_shared>>) offsets(%arg7 : memref<128xi32, #tpu.memory_space<vmem>>) semaphore(%run_scoped3A : memref<!tpu.dma_semaphore, #tpu.memory_space<semaphore_mem>>)
      %dma_wait3A_1232 = arith.constant 0 : i32
      %dma_wait3A_1233 = arith.constant 0 : i32
      %dma_wait3A_1234 = tpu.memref_slice %arg18[%dma_wait3A_1232, %dma_wait3A_1233] : memref<10240x128xf32, #tpu.memory_space<vmem_shared>> -> memref<10240x128xf32, #tpu.memory_space<vmem_shared>>
      tpu.wait_indirect_dma semaphore(%run_scoped3A : memref<!tpu.dma_semaphore, #tpu.memory_space<semaphore_mem>>) src(%arg16 : memref<128x128xf32, #tpu.memory_space<vmem>>) dst(%dma_wait3A_1234 : memref<10240x128xf32, #tpu.memory_space<vmem_shared>>)
      tpu.yield
    }) : () -> ()
    %mul3A_151 = arith.constant 640 : i32
    %mul3A_152 = arith.muli %arg1, %mul3A_151 : i32
    %add3A_153 = arith.constant 256 : i32
    %add3A_154 = arith.addi %mul3A_152, %add3A_153 : i32
    %iota3A_155 = tpu.iota {dimensions = array<i32: 0>} : vector<16xi32>
    %add3A_156 = arith.constant 0 : i32
    %add3A_157 = arith.addi %add3A_154, %add3A_156 : i32
    %add3A_158 = vector.broadcast %add3A_157 : i32 to vector<16xi32>
    %add3A_159 = arith.addi %iota3A_155, %add3A_158 : vector<16xi32>
    %swap3A_160 = arith.constant 0 : index
    %swap3A_161 = tpu.vector_load %arg7[%swap3A_160] {strides = array<i32>} : memref<128xi32, #tpu.memory_space<vmem>>, vector<16xi32>,
    %swap3A_162 = vector.shape_cast %swap3A_161 : vector<16xi32> to vector<16xi32>
    %swap3A_163 = vector.shape_cast %add3A_159 : vector<16xi32> to vector<16xi32>
    tpu.vector_store %arg7[%swap3A_160], %swap3A_163 {strides = array<i32>} : memref<128xi32, #tpu.memory_space<vmem>>, vector<16xi32>,
    %iota3A_164 = tpu.iota {dimensions = array<i32: 0>} : vector<16xi32>
    %add3A_165 = arith.constant 16 : i32
    %add3A_166 = arith.addi %add3A_154, %add3A_165 : i32
    %add3A_167 = vector.broadcast %add3A_166 : i32 to vector<16xi32>
    %add3A_168 = arith.addi %iota3A_164, %add3A_167 : vector<16xi32>
    %swap3A_169 = arith.constant 16 : index
    %swap3A_170 = tpu.vector_load %arg7[%swap3A_169] {strides = array<i32>} : memref<128xi32, #tpu.memory_space<vmem>>, vector<16xi32>,
    %swap3A_171 = vector.shape_cast %swap3A_170 : vector<16xi32> to vector<16xi32>
    %swap3A_172 = vector.shape_cast %add3A_168 : vector<16xi32> to vector<16xi32>
    tpu.vector_store %arg7[%swap3A_169], %swap3A_172 {strides = array<i32>} : memref<128xi32, #tpu.memory_space<vmem>>, vector<16xi32>,
    %iota3A_173 = tpu.iota {dimensions = array<i32: 0>} : vector<16xi32>
    %add3A_174 = arith.constant 32 : i32
    %add3A_175 = arith.addi %add3A_154, %add3A_174 : i32
    %add3A_176 = vector.broadcast %add3A_175 : i32 to vector<16xi32>
    %add3A_177 = arith.addi %iota3A_173, %add3A_176 : vector<16xi32>
    %swap3A_178 = arith.constant 32 : index
    %swap3A_179 = tpu.vector_load %arg7[%swap3A_178] {strides = array<i32>} : memref<128xi32, #tpu.memory_space<vmem>>, vector<16xi32>,
    %swap3A_180 = vector.shape_cast %swap3A_179 : vector<16xi32> to vector<16xi32>
    %swap3A_181 = vector.shape_cast %add3A_177 : vector<16xi32> to vector<16xi32>
    tpu.vector_store %arg7[%swap3A_178], %swap3A_181 {strides = array<i32>} : memref<128xi32, #tpu.memory_space<vmem>>, vector<16xi32>,
    %iota3A_182 = tpu.iota {dimensions = array<i32: 0>} : vector<16xi32>
    %add3A_183 = arith.constant 48 : i32
    %add3A_184 = arith.addi %add3A_154, %add3A_183 : i32
    %add3A_185 = vector.broadcast %add3A_184 : i32 to vector<16xi32>
    %add3A_186 = arith.addi %iota3A_182, %add3A_185 : vector<16xi32>
    %swap3A_187 = arith.constant 48 : index
    %swap3A_188 = tpu.vector_load %arg7[%swap3A_187] {strides = array<i32>} : memref<128xi32, #tpu.memory_space<vmem>>, vector<16xi32>,
    %swap3A_189 = vector.shape_cast %swap3A_188 : vector<16xi32> to vector<16xi32>
    %swap3A_190 = vector.shape_cast %add3A_186 : vector<16xi32> to vector<16xi32>
    tpu.vector_store %arg7[%swap3A_187], %swap3A_190 {strides = array<i32>} : memref<128xi32, #tpu.memory_space<vmem>>, vector<16xi32>,
    %iota3A_191 = tpu.iota {dimensions = array<i32: 0>} : vector<16xi32>
    %add3A_192 = arith.constant 64 : i32
    %add3A_193 = arith.addi %add3A_154, %add3A_192 : i32
    %add3A_194 = vector.broadcast %add3A_193 : i32 to vector<16xi32>
    %add3A_195 = arith.addi %iota3A_191, %add3A_194 : vector<16xi32>
    %swap3A_196 = arith.constant 64 : index
    %swap3A_197 = tpu.vector_load %arg7[%swap3A_196] {strides = array<i32>} : memref<128xi32, #tpu.memory_space<vmem>>, vector<16xi32>,
    %swap3A_198 = vector.shape_cast %swap3A_197 : vector<16xi32> to vector<16xi32>
    %swap3A_199 = vector.shape_cast %add3A_195 : vector<16xi32> to vector<16xi32>
    tpu.vector_store %arg7[%swap3A_196], %swap3A_199 {strides = array<i32>} : memref<128xi32, #tpu.memory_space<vmem>>, vector<16xi32>,
    %iota3A_200 = tpu.iota {dimensions = array<i32: 0>} : vector<16xi32>
    %add3A_201 = arith.constant 80 : i32
    %add3A_202 = arith.addi %add3A_154, %add3A_201 : i32
    %add3A_203 = vector.broadcast %add3A_202 : i32 to vector<16xi32>
    %add3A_204 = arith.addi %iota3A_200, %add3A_203 : vector<16xi32>
    %swap3A_205 = arith.constant 80 : index
    %swap3A_206 = tpu.vector_load %arg7[%swap3A_205] {strides = array<i32>} : memref<128xi32, #tpu.memory_space<vmem>>, vector<16xi32>,
    %swap3A_207 = vector.shape_cast %swap3A_206 : vector<16xi32> to vector<16xi32>
    %swap3A_208 = vector.shape_cast %add3A_204 : vector<16xi32> to vector<16xi32>
    tpu.vector_store %arg7[%swap3A_205], %swap3A_208 {strides = array<i32>} : memref<128xi32, #tpu.memory_space<vmem>>, vector<16xi32>,
    %iota3A_209 = tpu.iota {dimensions = array<i32: 0>} : vector<16xi32>
    %add3A_210 = arith.constant 96 : i32
    %add3A_211 = arith.addi %add3A_154, %add3A_210 : i32
    %add3A_212 = vector.broadcast %add3A_211 : i32 to vector<16xi32>
    %add3A_213 = arith.addi %iota3A_209, %add3A_212 : vector<16xi32>
    %swap3A_214 = arith.constant 96 : index
    %swap3A_215 = tpu.vector_load %arg7[%swap3A_214] {strides = array<i32>} : memref<128xi32, #tpu.memory_space<vmem>>, vector<16xi32>,
    %swap3A_216 = vector.shape_cast %swap3A_215 : vector<16xi32> to vector<16xi32>
    %swap3A_217 = vector.shape_cast %add3A_213 : vector<16xi32> to vector<16xi32>
    tpu.vector_store %arg7[%swap3A_214], %swap3A_217 {strides = array<i32>} : memref<128xi32, #tpu.memory_space<vmem>>, vector<16xi32>,
    %iota3A_218 = tpu.iota {dimensions = array<i32: 0>} : vector<16xi32>
    %add3A_219 = arith.constant 112 : i32
    %add3A_220 = arith.addi %add3A_154, %add3A_219 : i32
    %add3A_221 = vector.broadcast %add3A_220 : i32 to vector<16xi32>
    %add3A_222 = arith.addi %iota3A_218, %add3A_221 : vector<16xi32>
    %swap3A_223 = arith.constant 112 : index
    %swap3A_224 = tpu.vector_load %arg7[%swap3A_223] {strides = array<i32>} : memref<128xi32, #tpu.memory_space<vmem>>, vector<16xi32>,
    %swap3A_225 = vector.shape_cast %swap3A_224 : vector<16xi32> to vector<16xi32>
    %swap3A_226 = vector.shape_cast %add3A_222 : vector<16xi32> to vector<16xi32>
    tpu.vector_store %arg7[%swap3A_223], %swap3A_226 {strides = array<i32>} : memref<128xi32, #tpu.memory_space<vmem>>, vector<16xi32>,
    "tpu.region"() ({
      %run_scoped3A = tpu.sem_alloc : memref<!tpu.dma_semaphore, #tpu.memory_space<semaphore_mem>>
      %dma_start3A_1229 = arith.constant 0 : i32
      %dma_start3A_1230 = arith.constant 0 : i32
      %dma_start3A_1231 = tpu.memref_slice %arg18[%dma_start3A_1229, %dma_start3A_1230] : memref<10240x128xf32, #tpu.memory_space<vmem_shared>> -> memref<10240x128xf32, #tpu.memory_space<vmem_shared>>
      tpu.enqueue_indirect_dma source(%arg16 : memref<128x128xf32, #tpu.memory_space<vmem>>) target(%dma_start3A_1231 : memref<10240x128xf32, #tpu.memory_space<vmem_shared>>) offsets(%arg7 : memref<128xi32, #tpu.memory_space<vmem>>) semaphore(%run_scoped3A : memref<!tpu.dma_semaphore, #tpu.memory_space<semaphore_mem>>)
      %dma_wait3A_1232 = arith.constant 0 : i32
      %dma_wait3A_1233 = arith.constant 0 : i32
      %dma_wait3A_1234 = tpu.memref_slice %arg18[%dma_wait3A_1232, %dma_wait3A_1233] : memref<10240x128xf32, #tpu.memory_space<vmem_shared>> -> memref<10240x128xf32, #tpu.memory_space<vmem_shared>>
      tpu.wait_indirect_dma semaphore(%run_scoped3A : memref<!tpu.dma_semaphore, #tpu.memory_space<semaphore_mem>>) src(%arg16 : memref<128x128xf32, #tpu.memory_space<vmem>>) dst(%dma_wait3A_1234 : memref<10240x128xf32, #tpu.memory_space<vmem_shared>>)
      tpu.yield
    }) : () -> ()
    %mul3A_227 = arith.constant 640 : i32
    %mul3A_228 = arith.muli %arg1, %mul3A_227 : i32
    %add3A_229 = arith.constant 384 : i32
    %add3A_230 = arith.addi %mul3A_228, %add3A_229 : i32
    %iota3A_231 = tpu.iota {dimensions = array<i32: 0>} : vector<16xi32>
    %add3A_232 = arith.constant 0 : i32
    %add3A_233 = arith.addi %add3A_230, %add3A_232 : i32
    %add3A_234 = vector.broadcast %add3A_233 : i32 to vector<16xi32>
    %add3A_235 = arith.addi %iota3A_231, %add3A_234 : vector<16xi32>
    %swap3A_236 = arith.constant 0 : index
    %swap3A_237 = tpu.vector_load %arg7[%swap3A_236] {strides = array<i32>} : memref<128xi32, #tpu.memory_space<vmem>>, vector<16xi32>,
    %swap3A_238 = vector.shape_cast %swap3A_237 : vector<16xi32> to vector<16xi32>
    %swap3A_239 = vector.shape_cast %add3A_235 : vector<16xi32> to vector<16xi32>
    tpu.vector_store %arg7[%swap3A_236], %swap3A_239 {strides = array<i32>} : memref<128xi32, #tpu.memory_space<vmem>>, vector<16xi32>,
    %iota3A_240 = tpu.iota {dimensions = array<i32: 0>} : vector<16xi32>
    %add3A_241 = arith.constant 16 : i32
    %add3A_242 = arith.addi %add3A_230, %add3A_241 : i32
    %add3A_243 = vector.broadcast %add3A_242 : i32 to vector<16xi32>
    %add3A_244 = arith.addi %iota3A_240, %add3A_243 : vector<16xi32>
    %swap3A_245 = arith.constant 16 : index
    %swap3A_246 = tpu.vector_load %arg7[%swap3A_245] {strides = array<i32>} : memref<128xi32, #tpu.memory_space<vmem>>, vector<16xi32>,
    %swap3A_247 = vector.shape_cast %swap3A_246 : vector<16xi32> to vector<16xi32>
    %swap3A_248 = vector.shape_cast %add3A_244 : vector<16xi32> to vector<16xi32>
    tpu.vector_store %arg7[%swap3A_245], %swap3A_248 {strides = array<i32>} : memref<128xi32, #tpu.memory_space<vmem>>, vector<16xi32>,
    %iota3A_249 = tpu.iota {dimensions = array<i32: 0>} : vector<16xi32>
    %add3A_250 = arith.constant 32 : i32
    %add3A_251 = arith.addi %add3A_230, %add3A_250 : i32
    %add3A_252 = vector.broadcast %add3A_251 : i32 to vector<16xi32>
    %add3A_253 = arith.addi %iota3A_249, %add3A_252 : vector<16xi32>
    %swap3A_254 = arith.constant 32 : index
    %swap3A_255 = tpu.vector_load %arg7[%swap3A_254] {strides = array<i32>} : memref<128xi32, #tpu.memory_space<vmem>>, vector<16xi32>,
    %swap3A_256 = vector.shape_cast %swap3A_255 : vector<16xi32> to vector<16xi32>
    %swap3A_257 = vector.shape_cast %add3A_253 : vector<16xi32> to vector<16xi32>
    tpu.vector_store %arg7[%swap3A_254], %swap3A_257 {strides = array<i32>} : memref<128xi32, #tpu.memory_space<vmem>>, vector<16xi32>,
    %iota3A_258 = tpu.iota {dimensions = array<i32: 0>} : vector<16xi32>
    %add3A_259 = arith.constant 48 : i32
    %add3A_260 = arith.addi %add3A_230, %add3A_259 : i32
    %add3A_261 = vector.broadcast %add3A_260 : i32 to vector<16xi32>
    %add3A_262 = arith.addi %iota3A_258, %add3A_261 : vector<16xi32>
    %swap3A_263 = arith.constant 48 : index
    %swap3A_264 = tpu.vector_load %arg7[%swap3A_263] {strides = array<i32>} : memref<128xi32, #tpu.memory_space<vmem>>, vector<16xi32>,
    %swap3A_265 = vector.shape_cast %swap3A_264 : vector<16xi32> to vector<16xi32>
    %swap3A_266 = vector.shape_cast %add3A_262 : vector<16xi32> to vector<16xi32>
    tpu.vector_store %arg7[%swap3A_263], %swap3A_266 {strides = array<i32>} : memref<128xi32, #tpu.memory_space<vmem>>, vector<16xi32>,
    %iota3A_267 = tpu.iota {dimensions = array<i32: 0>} : vector<16xi32>
    %add3A_268 = arith.constant 64 : i32
    %add3A_269 = arith.addi %add3A_230, %add3A_268 : i32
    %add3A_270 = vector.broadcast %add3A_269 : i32 to vector<16xi32>
    %add3A_271 = arith.addi %iota3A_267, %add3A_270 : vector<16xi32>
    %swap3A_272 = arith.constant 64 : index
    %swap3A_273 = tpu.vector_load %arg7[%swap3A_272] {strides = array<i32>} : memref<128xi32, #tpu.memory_space<vmem>>, vector<16xi32>,
    %swap3A_274 = vector.shape_cast %swap3A_273 : vector<16xi32> to vector<16xi32>
    %swap3A_275 = vector.shape_cast %add3A_271 : vector<16xi32> to vector<16xi32>
    tpu.vector_store %arg7[%swap3A_272], %swap3A_275 {strides = array<i32>} : memref<128xi32, #tpu.memory_space<vmem>>, vector<16xi32>,
    %iota3A_276 = tpu.iota {dimensions = array<i32: 0>} : vector<16xi32>
    %add3A_277 = arith.constant 80 : i32
    %add3A_278 = arith.addi %add3A_230, %add3A_277 : i32
    %add3A_279 = vector.broadcast %add3A_278 : i32 to vector<16xi32>
    %add3A_280 = arith.addi %iota3A_276, %add3A_279 : vector<16xi32>
    %swap3A_281 = arith.constant 80 : index
    %swap3A_282 = tpu.vector_load %arg7[%swap3A_281] {strides = array<i32>} : memref<128xi32, #tpu.memory_space<vmem>>, vector<16xi32>,
    %swap3A_283 = vector.shape_cast %swap3A_282 : vector<16xi32> to vector<16xi32>
    %swap3A_284 = vector.shape_cast %add3A_280 : vector<16xi32> to vector<16xi32>
    tpu.vector_store %arg7[%swap3A_281], %swap3A_284 {strides = array<i32>} : memref<128xi32, #tpu.memory_space<vmem>>, vector<16xi32>,
    %iota3A_285 = tpu.iota {dimensions = array<i32: 0>} : vector<16xi32>
    %add3A_286 = arith.constant 96 : i32
    %add3A_287 = arith.addi %add3A_230, %add3A_286 : i32
    %add3A_288 = vector.broadcast %add3A_287 : i32 to vector<16xi32>
    %add3A_289 = arith.addi %iota3A_285, %add3A_288 : vector<16xi32>
    %swap3A_290 = arith.constant 96 : index
    %swap3A_291 = tpu.vector_load %arg7[%swap3A_290] {strides = array<i32>} : memref<128xi32, #tpu.memory_space<vmem>>, vector<16xi32>,
    %swap3A_292 = vector.shape_cast %swap3A_291 : vector<16xi32> to vector<16xi32>
    %swap3A_293 = vector.shape_cast %add3A_289 : vector<16xi32> to vector<16xi32>
    tpu.vector_store %arg7[%swap3A_290], %swap3A_293 {strides = array<i32>} : memref<128xi32, #tpu.memory_space<vmem>>, vector<16xi32>,
    %iota3A_294 = tpu.iota {dimensions = array<i32: 0>} : vector<16xi32>
    %add3A_295 = arith.constant 112 : i32
    %add3A_296 = arith.addi %add3A_230, %add3A_295 : i32
    %add3A_297 = vector.broadcast %add3A_296 : i32 to vector<16xi32>
    %add3A_298 = arith.addi %iota3A_294, %add3A_297 : vector<16xi32>
    %swap3A_299 = arith.constant 112 : index
    %swap3A_300 = tpu.vector_load %arg7[%swap3A_299] {strides = array<i32>} : memref<128xi32, #tpu.memory_space<vmem>>, vector<16xi32>,
    %swap3A_301 = vector.shape_cast %swap3A_300 : vector<16xi32> to vector<16xi32>
    %swap3A_302 = vector.shape_cast %add3A_298 : vector<16xi32> to vector<16xi32>
    tpu.vector_store %arg7[%swap3A_299], %swap3A_302 {strides = array<i32>} : memref<128xi32, #tpu.memory_space<vmem>>, vector<16xi32>,
    "tpu.region"() ({
      %run_scoped3A = tpu.sem_alloc : memref<!tpu.dma_semaphore, #tpu.memory_space<semaphore_mem>>
      %dma_start3A_1229 = arith.constant 0 : i32
      %dma_start3A_1230 = arith.constant 0 : i32
      %dma_start3A_1231 = tpu.memref_slice %arg18[%dma_start3A_1229, %dma_start3A_1230] : memref<10240x128xf32, #tpu.memory_space<vmem_shared>> -> memref<10240x128xf32, #tpu.memory_space<vmem_shared>>
      tpu.enqueue_indirect_dma source(%arg16 : memref<128x128xf32, #tpu.memory_space<vmem>>) target(%dma_start3A_1231 : memref<10240x128xf32, #tpu.memory_space<vmem_shared>>) offsets(%arg7 : memref<128xi32, #tpu.memory_space<vmem>>) semaphore(%run_scoped3A : memref<!tpu.dma_semaphore, #tpu.memory_space<semaphore_mem>>)
      %dma_wait3A_1232 = arith.constant 0 : i32
      %dma_wait3A_1233 = arith.constant 0 : i32
      %dma_wait3A_1234 = tpu.memref_slice %arg18[%dma_wait3A_1232, %dma_wait3A_1233] : memref<10240x128xf32, #tpu.memory_space<vmem_shared>> -> memref<10240x128xf32, #tpu.memory_space<vmem_shared>>
      tpu.wait_indirect_dma semaphore(%run_scoped3A : memref<!tpu.dma_semaphore, #tpu.memory_space<semaphore_mem>>) src(%arg16 : memref<128x128xf32, #tpu.memory_space<vmem>>) dst(%dma_wait3A_1234 : memref<10240x128xf32, #tpu.memory_space<vmem_shared>>)
      tpu.yield
    }) : () -> ()
    %mul3A_303 = arith.constant 640 : i32
    %mul3A_304 = arith.muli %arg1, %mul3A_303 : i32
    %add3A_305 = arith.constant 512 : i32
    %add3A_306 = arith.addi %mul3A_304, %add3A_305 : i32
    %iota3A_307 = tpu.iota {dimensions = array<i32: 0>} : vector<16xi32>
    %add3A_308 = arith.constant 0 : i32
    %add3A_309 = arith.addi %add3A_306, %add3A_308 : i32
    %add3A_310 = vector.broadcast %add3A_309 : i32 to vector<16xi32>
    %add3A_311 = arith.addi %iota3A_307, %add3A_310 : vector<16xi32>
    %swap3A_312 = arith.constant 0 : index
    %swap3A_313 = tpu.vector_load %arg7[%swap3A_312] {strides = array<i32>} : memref<128xi32, #tpu.memory_space<vmem>>, vector<16xi32>,
    %swap3A_314 = vector.shape_cast %swap3A_313 : vector<16xi32> to vector<16xi32>
    %swap3A_315 = vector.shape_cast %add3A_311 : vector<16xi32> to vector<16xi32>
    tpu.vector_store %arg7[%swap3A_312], %swap3A_315 {strides = array<i32>} : memref<128xi32, #tpu.memory_space<vmem>>, vector<16xi32>,
    %iota3A_316 = tpu.iota {dimensions = array<i32: 0>} : vector<16xi32>
    %add3A_317 = arith.constant 16 : i32
    %add3A_318 = arith.addi %add3A_306, %add3A_317 : i32
    %add3A_319 = vector.broadcast %add3A_318 : i32 to vector<16xi32>
    %add3A_320 = arith.addi %iota3A_316, %add3A_319 : vector<16xi32>
    %swap3A_321 = arith.constant 16 : index
    %swap3A_322 = tpu.vector_load %arg7[%swap3A_321] {strides = array<i32>} : memref<128xi32, #tpu.memory_space<vmem>>, vector<16xi32>,
    %swap3A_323 = vector.shape_cast %swap3A_322 : vector<16xi32> to vector<16xi32>
    %swap3A_324 = vector.shape_cast %add3A_320 : vector<16xi32> to vector<16xi32>
    tpu.vector_store %arg7[%swap3A_321], %swap3A_324 {strides = array<i32>} : memref<128xi32, #tpu.memory_space<vmem>>, vector<16xi32>,
    %iota3A_325 = tpu.iota {dimensions = array<i32: 0>} : vector<16xi32>
    %add3A_326 = arith.constant 32 : i32
    %add3A_327 = arith.addi %add3A_306, %add3A_326 : i32
    %add3A_328 = vector.broadcast %add3A_327 : i32 to vector<16xi32>
    %add3A_329 = arith.addi %iota3A_325, %add3A_328 : vector<16xi32>
    %swap3A_330 = arith.constant 32 : index
    %swap3A_331 = tpu.vector_load %arg7[%swap3A_330] {strides = array<i32>} : memref<128xi32, #tpu.memory_space<vmem>>, vector<16xi32>,
    %swap3A_332 = vector.shape_cast %swap3A_331 : vector<16xi32> to vector<16xi32>
    %swap3A_333 = vector.shape_cast %add3A_329 : vector<16xi32> to vector<16xi32>
    tpu.vector_store %arg7[%swap3A_330], %swap3A_333 {strides = array<i32>} : memref<128xi32, #tpu.memory_space<vmem>>, vector<16xi32>,
    %iota3A_334 = tpu.iota {dimensions = array<i32: 0>} : vector<16xi32>
    %add3A_335 = arith.constant 48 : i32
    %add3A_336 = arith.addi %add3A_306, %add3A_335 : i32
    %add3A_337 = vector.broadcast %add3A_336 : i32 to vector<16xi32>
    %add3A_338 = arith.addi %iota3A_334, %add3A_337 : vector<16xi32>
    %swap3A_339 = arith.constant 48 : index
    %swap3A_340 = tpu.vector_load %arg7[%swap3A_339] {strides = array<i32>} : memref<128xi32, #tpu.memory_space<vmem>>, vector<16xi32>,
    %swap3A_341 = vector.shape_cast %swap3A_340 : vector<16xi32> to vector<16xi32>
    %swap3A_342 = vector.shape_cast %add3A_338 : vector<16xi32> to vector<16xi32>
    tpu.vector_store %arg7[%swap3A_339], %swap3A_342 {strides = array<i32>} : memref<128xi32, #tpu.memory_space<vmem>>, vector<16xi32>,
    %iota3A_343 = tpu.iota {dimensions = array<i32: 0>} : vector<16xi32>
    %add3A_344 = arith.constant 64 : i32
    %add3A_345 = arith.addi %add3A_306, %add3A_344 : i32
    %add3A_346 = vector.broadcast %add3A_345 : i32 to vector<16xi32>
    %add3A_347 = arith.addi %iota3A_343, %add3A_346 : vector<16xi32>
    %swap3A_348 = arith.constant 64 : index
    %swap3A_349 = tpu.vector_load %arg7[%swap3A_348] {strides = array<i32>} : memref<128xi32, #tpu.memory_space<vmem>>, vector<16xi32>,
    %swap3A_350 = vector.shape_cast %swap3A_349 : vector<16xi32> to vector<16xi32>
    %swap3A_351 = vector.shape_cast %add3A_347 : vector<16xi32> to vector<16xi32>
    tpu.vector_store %arg7[%swap3A_348], %swap3A_351 {strides = array<i32>} : memref<128xi32, #tpu.memory_space<vmem>>, vector<16xi32>,
    %iota3A_352 = tpu.iota {dimensions = array<i32: 0>} : vector<16xi32>
    %add3A_353 = arith.constant 80 : i32
    %add3A_354 = arith.addi %add3A_306, %add3A_353 : i32
    %add3A_355 = vector.broadcast %add3A_354 : i32 to vector<16xi32>
    %add3A_356 = arith.addi %iota3A_352, %add3A_355 : vector<16xi32>
    %swap3A_357 = arith.constant 80 : index
    %swap3A_358 = tpu.vector_load %arg7[%swap3A_357] {strides = array<i32>} : memref<128xi32, #tpu.memory_space<vmem>>, vector<16xi32>,
    %swap3A_359 = vector.shape_cast %swap3A_358 : vector<16xi32> to vector<16xi32>
    %swap3A_360 = vector.shape_cast %add3A_356 : vector<16xi32> to vector<16xi32>
    tpu.vector_store %arg7[%swap3A_357], %swap3A_360 {strides = array<i32>} : memref<128xi32, #tpu.memory_space<vmem>>, vector<16xi32>,
    %iota3A_361 = tpu.iota {dimensions = array<i32: 0>} : vector<16xi32>
    %add3A_362 = arith.constant 96 : i32
    %add3A_363 = arith.addi %add3A_306, %add3A_362 : i32
    %add3A_364 = vector.broadcast %add3A_363 : i32 to vector<16xi32>
    %add3A_365 = arith.addi %iota3A_361, %add3A_364 : vector<16xi32>
    %swap3A_366 = arith.constant 96 : index
    %swap3A_367 = tpu.vector_load %arg7[%swap3A_366] {strides = array<i32>} : memref<128xi32, #tpu.memory_space<vmem>>, vector<16xi32>,
    %swap3A_368 = vector.shape_cast %swap3A_367 : vector<16xi32> to vector<16xi32>
    %swap3A_369 = vector.shape_cast %add3A_365 : vector<16xi32> to vector<16xi32>
    tpu.vector_store %arg7[%swap3A_366], %swap3A_369 {strides = array<i32>} : memref<128xi32, #tpu.memory_space<vmem>>, vector<16xi32>,
    %iota3A_370 = tpu.iota {dimensions = array<i32: 0>} : vector<16xi32>
    %add3A_371 = arith.constant 112 : i32
    %add3A_372 = arith.addi %add3A_306, %add3A_371 : i32
    %add3A_373 = vector.broadcast %add3A_372 : i32 to vector<16xi32>
    %add3A_374 = arith.addi %iota3A_370, %add3A_373 : vector<16xi32>
    %swap3A_375 = arith.constant 112 : index
    %swap3A_376 = tpu.vector_load %arg7[%swap3A_375] {strides = array<i32>} : memref<128xi32, #tpu.memory_space<vmem>>, vector<16xi32>,
    %swap3A_377 = vector.shape_cast %swap3A_376 : vector<16xi32> to vector<16xi32>
    %swap3A_378 = vector.shape_cast %add3A_374 : vector<16xi32> to vector<16xi32>
    tpu.vector_store %arg7[%swap3A_375], %swap3A_378 {strides = array<i32>} : memref<128xi32, #tpu.memory_space<vmem>>, vector<16xi32>,
    "tpu.region"() ({
      %run_scoped3A = tpu.sem_alloc : memref<!tpu.dma_semaphore, #tpu.memory_space<semaphore_mem>>
      %dma_start3A_1229 = arith.constant 0 : i32
      %dma_start3A_1230 = arith.constant 0 : i32
      %dma_start3A_1231 = tpu.memref_slice %arg18[%dma_start3A_1229, %dma_start3A_1230] : memref<10240x128xf32, #tpu.memory_space<vmem_shared>> -> memref<10240x128xf32, #tpu.memory_space<vmem_shared>>
      tpu.enqueue_indirect_dma source(%arg16 : memref<128x128xf32, #tpu.memory_space<vmem>>) target(%dma_start3A_1231 : memref<10240x128xf32, #tpu.memory_space<vmem_shared>>) offsets(%arg7 : memref<128xi32, #tpu.memory_space<vmem>>) semaphore(%run_scoped3A : memref<!tpu.dma_semaphore, #tpu.memory_space<semaphore_mem>>)
      %dma_wait3A_1232 = arith.constant 0 : i32
      %dma_wait3A_1233 = arith.constant 0 : i32
      %dma_wait3A_1234 = tpu.memref_slice %arg18[%dma_wait3A_1232, %dma_wait3A_1233] : memref<10240x128xf32, #tpu.memory_space<vmem_shared>> -> memref<10240x128xf32, #tpu.memory_space<vmem_shared>>
      tpu.wait_indirect_dma semaphore(%run_scoped3A : memref<!tpu.dma_semaphore, #tpu.memory_space<semaphore_mem>>) src(%arg16 : memref<128x128xf32, #tpu.memory_space<vmem>>) dst(%dma_wait3A_1234 : memref<10240x128xf32, #tpu.memory_space<vmem_shared>>)
      tpu.yield
    }) : () -> ()
    %barrier3A = arith.constant 0 : index
    tpu.barrier barrier_id(%barrier3A)
    %mul3A_379 = arith.constant 80 : i32
    %mul3A_380 = arith.muli %add3A, %mul3A_379 : i32
    %add3A_381 = arith.constant 0 : i32
    %add3A_382 = arith.addi %mul3A_380, %add3A_381 : i32
    %dma_start3A = arith.constant 0 : i32
    %dma_start3A_383 = tpu.memref_slice %arg2[%add3A_382, %dma_start3A] : memref<2560x128xi32, #tpu.memory_space<hbm>> -> memref<1x128xi32, #tpu.memory_space<hbm>>
    %dma_start3A_384 = tpu.memref_squeeze %dma_start3A_383 : memref<1x128xi32, #tpu.memory_space<hbm>> -> memref<128xi32, #tpu.memory_space<hbm>>
    %dma_start3A_385 = arith.constant 0 : i32
    %dma_start3A_386 = tpu.memref_slice %arg2[%add3A_382, %dma_start3A_385] : memref<2560x128xi32, #tpu.memory_space<hbm>> -> memref<1x128xi32, #tpu.memory_space<hbm>>
    %dma_start3A_387 = tpu.memref_squeeze %dma_start3A_386 : memref<1x128xi32, #tpu.memory_space<hbm>> -> memref<128xi32, #tpu.memory_space<hbm>>
    tpu.enqueue_dma source(%dma_start3A_387 : memref<128xi32, #tpu.memory_space<hbm>>) target(%arg8 : memref<128xi32, #tpu.memory_space<vmem>>) target_semaphore(%arg20 : memref<!tpu.dma_semaphore, #tpu.memory_space<semaphore_mem>>)
    %mul3A_388 = arith.constant 80 : i32
    %mul3A_389 = arith.muli %add3A, %mul3A_388 : i32
    %add3A_390 = arith.constant 0 : i32
    %add3A_391 = arith.addi %mul3A_389, %add3A_390 : i32
    %dma_start3A_392 = arith.constant 0 : i32
    %dma_start3A_393 = tpu.memref_slice %arg3[%add3A_391, %dma_start3A_392] : memref<2560x128xi32, #tpu.memory_space<hbm>> -> memref<1x128xi32, #tpu.memory_space<hbm>>
    %dma_start3A_394 = tpu.memref_squeeze %dma_start3A_393 : memref<1x128xi32, #tpu.memory_space<hbm>> -> memref<128xi32, #tpu.memory_space<hbm>>
    %dma_start3A_395 = arith.constant 0 : i32
    %dma_start3A_396 = tpu.memref_slice %arg3[%add3A_391, %dma_start3A_395] : memref<2560x128xi32, #tpu.memory_space<hbm>> -> memref<1x128xi32, #tpu.memory_space<hbm>>
    %dma_start3A_397 = tpu.memref_squeeze %dma_start3A_396 : memref<1x128xi32, #tpu.memory_space<hbm>> -> memref<128xi32, #tpu.memory_space<hbm>>
    tpu.enqueue_dma source(%dma_start3A_397 : memref<128xi32, #tpu.memory_space<hbm>>) target(%arg12 : memref<128xi32, #tpu.memory_space<vmem>>) target_semaphore(%arg20 : memref<!tpu.dma_semaphore, #tpu.memory_space<semaphore_mem>>)
    %mul3A_398 = arith.constant 80 : i32
    %mul3A_399 = arith.muli %add3A, %mul3A_398 : i32
    %add3A_400 = arith.constant 1 : i32
    %add3A_401 = arith.addi %mul3A_399, %add3A_400 : i32
    %dma_start3A_402 = arith.constant 0 : i32
    %dma_start3A_403 = tpu.memref_slice %arg2[%add3A_401, %dma_start3A_402] : memref<2560x128xi32, #tpu.memory_space<hbm>> -> memref<1x128xi32, #tpu.memory_space<hbm>>
    %dma_start3A_404 = tpu.memref_squeeze %dma_start3A_403 : memref<1x128xi32, #tpu.memory_space<hbm>> -> memref<128xi32, #tpu.memory_space<hbm>>
    %dma_start3A_405 = arith.constant 0 : i32
    %dma_start3A_406 = tpu.memref_slice %arg2[%add3A_401, %dma_start3A_405] : memref<2560x128xi32, #tpu.memory_space<hbm>> -> memref<1x128xi32, #tpu.memory_space<hbm>>
    %dma_start3A_407 = tpu.memref_squeeze %dma_start3A_406 : memref<1x128xi32, #tpu.memory_space<hbm>> -> memref<128xi32, #tpu.memory_space<hbm>>
    tpu.enqueue_dma source(%dma_start3A_407 : memref<128xi32, #tpu.memory_space<hbm>>) target(%arg9 : memref<128xi32, #tpu.memory_space<vmem>>) target_semaphore(%arg21 : memref<!tpu.dma_semaphore, #tpu.memory_space<semaphore_mem>>)
    %mul3A_408 = arith.constant 80 : i32
    %mul3A_409 = arith.muli %add3A, %mul3A_408 : i32
    %add3A_410 = arith.constant 1 : i32
    %add3A_411 = arith.addi %mul3A_409, %add3A_410 : i32
    %dma_start3A_412 = arith.constant 0 : i32
    %dma_start3A_413 = tpu.memref_slice %arg3[%add3A_411, %dma_start3A_412] : memref<2560x128xi32, #tpu.memory_space<hbm>> -> memref<1x128xi32, #tpu.memory_space<hbm>>
    %dma_start3A_414 = tpu.memref_squeeze %dma_start3A_413 : memref<1x128xi32, #tpu.memory_space<hbm>> -> memref<128xi32, #tpu.memory_space<hbm>>
    %dma_start3A_415 = arith.constant 0 : i32
    %dma_start3A_416 = tpu.memref_slice %arg3[%add3A_411, %dma_start3A_415] : memref<2560x128xi32, #tpu.memory_space<hbm>> -> memref<1x128xi32, #tpu.memory_space<hbm>>
    %dma_start3A_417 = tpu.memref_squeeze %dma_start3A_416 : memref<1x128xi32, #tpu.memory_space<hbm>> -> memref<128xi32, #tpu.memory_space<hbm>>
    tpu.enqueue_dma source(%dma_start3A_417 : memref<128xi32, #tpu.memory_space<hbm>>) target(%arg13 : memref<128xi32, #tpu.memory_space<vmem>>) target_semaphore(%arg21 : memref<!tpu.dma_semaphore, #tpu.memory_space<semaphore_mem>>)
    %mul3A_418 = arith.constant 80 : i32
    %mul3A_419 = arith.muli %add3A, %mul3A_418 : i32
    %add3A_420 = arith.constant 2 : i32
    %add3A_421 = arith.addi %mul3A_419, %add3A_420 : i32
    %dma_start3A_422 = arith.constant 0 : i32
    %dma_start3A_423 = tpu.memref_slice %arg2[%add3A_421, %dma_start3A_422] : memref<2560x128xi32, #tpu.memory_space<hbm>> -> memref<1x128xi32, #tpu.memory_space<hbm>>
    %dma_start3A_424 = tpu.memref_squeeze %dma_start3A_423 : memref<1x128xi32, #tpu.memory_space<hbm>> -> memref<128xi32, #tpu.memory_space<hbm>>
    %dma_start3A_425 = arith.constant 0 : i32
    %dma_start3A_426 = tpu.memref_slice %arg2[%add3A_421, %dma_start3A_425] : memref<2560x128xi32, #tpu.memory_space<hbm>> -> memref<1x128xi32, #tpu.memory_space<hbm>>
    %dma_start3A_427 = tpu.memref_squeeze %dma_start3A_426 : memref<1x128xi32, #tpu.memory_space<hbm>> -> memref<128xi32, #tpu.memory_space<hbm>>
    tpu.enqueue_dma source(%dma_start3A_427 : memref<128xi32, #tpu.memory_space<hbm>>) target(%arg10 : memref<128xi32, #tpu.memory_space<vmem>>) target_semaphore(%arg22 : memref<!tpu.dma_semaphore, #tpu.memory_space<semaphore_mem>>)
    %mul3A_428 = arith.constant 80 : i32
    %mul3A_429 = arith.muli %add3A, %mul3A_428 : i32
    %add3A_430 = arith.constant 2 : i32
    %add3A_431 = arith.addi %mul3A_429, %add3A_430 : i32
    %dma_start3A_432 = arith.constant 0 : i32
    %dma_start3A_433 = tpu.memref_slice %arg3[%add3A_431, %dma_start3A_432] : memref<2560x128xi32, #tpu.memory_space<hbm>> -> memref<1x128xi32, #tpu.memory_space<hbm>>
    %dma_start3A_434 = tpu.memref_squeeze %dma_start3A_433 : memref<1x128xi32, #tpu.memory_space<hbm>> -> memref<128xi32, #tpu.memory_space<hbm>>
    %dma_start3A_435 = arith.constant 0 : i32
    %dma_start3A_436 = tpu.memref_slice %arg3[%add3A_431, %dma_start3A_435] : memref<2560x128xi32, #tpu.memory_space<hbm>> -> memref<1x128xi32, #tpu.memory_space<hbm>>
    %dma_start3A_437 = tpu.memref_squeeze %dma_start3A_436 : memref<1x128xi32, #tpu.memory_space<hbm>> -> memref<128xi32, #tpu.memory_space<hbm>>
    tpu.enqueue_dma source(%dma_start3A_437 : memref<128xi32, #tpu.memory_space<hbm>>) target(%arg14 : memref<128xi32, #tpu.memory_space<vmem>>) target_semaphore(%arg22 : memref<!tpu.dma_semaphore, #tpu.memory_space<semaphore_mem>>)
    %dma_wait3A = arith.constant 0 : i32
    %dma_wait3A_438 = arith.constant 0 : i32
    %dma_wait3A_439 = tpu.memref_slice %arg2[%dma_wait3A, %dma_wait3A_438] : memref<2560x128xi32, #tpu.memory_space<hbm>> -> memref<1x128xi32, #tpu.memory_space<hbm>>
    %dma_wait3A_440 = tpu.memref_squeeze %dma_wait3A_439 : memref<1x128xi32, #tpu.memory_space<hbm>> -> memref<128xi32, #tpu.memory_space<hbm>>
    %dma_wait3A_441 = arith.constant 0 : i32
    %dma_wait3A_442 = tpu.memref_slice %arg2[%dma_wait3A, %dma_wait3A_441] : memref<2560x128xi32, #tpu.memory_space<hbm>> -> memref<1x128xi32, #tpu.memory_space<hbm>>
    %dma_wait3A_443 = tpu.memref_squeeze %dma_wait3A_442 : memref<1x128xi32, #tpu.memory_space<hbm>> -> memref<128xi32, #tpu.memory_space<hbm>>
    tpu.wait_dma2 semaphore(%arg20 : memref<!tpu.dma_semaphore, #tpu.memory_space<semaphore_mem>>) src(%dma_wait3A_443 : memref<128xi32, #tpu.memory_space<hbm>>) dst(%arg8 : memref<128xi32, #tpu.memory_space<vmem>>)
    %dma_wait3A_444 = arith.constant 0 : i32
    %dma_wait3A_445 = arith.constant 0 : i32
    %dma_wait3A_446 = tpu.memref_slice %arg3[%dma_wait3A_444, %dma_wait3A_445] : memref<2560x128xi32, #tpu.memory_space<hbm>> -> memref<1x128xi32, #tpu.memory_space<hbm>>
    %dma_wait3A_447 = tpu.memref_squeeze %dma_wait3A_446 : memref<1x128xi32, #tpu.memory_space<hbm>> -> memref<128xi32, #tpu.memory_space<hbm>>
    %dma_wait3A_448 = arith.constant 0 : i32
    %dma_wait3A_449 = tpu.memref_slice %arg3[%dma_wait3A_444, %dma_wait3A_448] : memref<2560x128xi32, #tpu.memory_space<hbm>> -> memref<1x128xi32, #tpu.memory_space<hbm>>
    %dma_wait3A_450 = tpu.memref_squeeze %dma_wait3A_449 : memref<1x128xi32, #tpu.memory_space<hbm>> -> memref<128xi32, #tpu.memory_space<hbm>>
    tpu.wait_dma2 semaphore(%arg20 : memref<!tpu.dma_semaphore, #tpu.memory_space<semaphore_mem>>) src(%dma_wait3A_450 : memref<128xi32, #tpu.memory_space<hbm>>) dst(%arg12 : memref<128xi32, #tpu.memory_space<vmem>>)
    %dma_start3A_451 = arith.constant 0 : i32
    %dma_start3A_452 = arith.constant 0 : i32
    %dma_start3A_453 = tpu.memref_slice %arg4[%dma_start3A_451, %dma_start3A_452] : memref<10000x128xf32, #tpu.memory_space<hbm>> -> memref<10000x128xf32, #tpu.memory_space<hbm>>
    tpu.enqueue_indirect_dma source(%dma_start3A_453 : memref<10000x128xf32, #tpu.memory_space<hbm>>) target(%arg16 : memref<128x128xf32, #tpu.memory_space<vmem>>) offsets(%arg8 : memref<128xi32, #tpu.memory_space<vmem>>) semaphore(%arg24 : memref<!tpu.dma_semaphore, #tpu.memory_space<semaphore_mem>>)
    %dma_wait3A_454 = arith.constant 0 : i32
    %dma_wait3A_455 = arith.constant 0 : i32
    %dma_wait3A_456 = tpu.memref_slice %arg2[%dma_wait3A_454, %dma_wait3A_455] : memref<2560x128xi32, #tpu.memory_space<hbm>> -> memref<1x128xi32, #tpu.memory_space<hbm>>
    %dma_wait3A_457 = tpu.memref_squeeze %dma_wait3A_456 : memref<1x128xi32, #tpu.memory_space<hbm>> -> memref<128xi32, #tpu.memory_space<hbm>>
    %dma_wait3A_458 = arith.constant 0 : i32
    %dma_wait3A_459 = tpu.memref_slice %arg2[%dma_wait3A_454, %dma_wait3A_458] : memref<2560x128xi32, #tpu.memory_space<hbm>> -> memref<1x128xi32, #tpu.memory_space<hbm>>
    %dma_wait3A_460 = tpu.memref_squeeze %dma_wait3A_459 : memref<1x128xi32, #tpu.memory_space<hbm>> -> memref<128xi32, #tpu.memory_space<hbm>>
    tpu.wait_dma2 semaphore(%arg21 : memref<!tpu.dma_semaphore, #tpu.memory_space<semaphore_mem>>) src(%dma_wait3A_460 : memref<128xi32, #tpu.memory_space<hbm>>) dst(%arg9 : memref<128xi32, #tpu.memory_space<vmem>>)
    %dma_wait3A_461 = arith.constant 0 : i32
    %dma_wait3A_462 = arith.constant 0 : i32
    %dma_wait3A_463 = tpu.memref_slice %arg3[%dma_wait3A_461, %dma_wait3A_462] : memref<2560x128xi32, #tpu.memory_space<hbm>> -> memref<1x128xi32, #tpu.memory_space<hbm>>
    %dma_wait3A_464 = tpu.memref_squeeze %dma_wait3A_463 : memref<1x128xi32, #tpu.memory_space<hbm>> -> memref<128xi32, #tpu.memory_space<hbm>>
    %dma_wait3A_465 = arith.constant 0 : i32
    %dma_wait3A_466 = tpu.memref_slice %arg3[%dma_wait3A_461, %dma_wait3A_465] : memref<2560x128xi32, #tpu.memory_space<hbm>> -> memref<1x128xi32, #tpu.memory_space<hbm>>
    %dma_wait3A_467 = tpu.memref_squeeze %dma_wait3A_466 : memref<1x128xi32, #tpu.memory_space<hbm>> -> memref<128xi32, #tpu.memory_space<hbm>>
    tpu.wait_dma2 semaphore(%arg21 : memref<!tpu.dma_semaphore, #tpu.memory_space<semaphore_mem>>) src(%dma_wait3A_467 : memref<128xi32, #tpu.memory_space<hbm>>) dst(%arg13 : memref<128xi32, #tpu.memory_space<vmem>>)
    %dma_start3A_468 = arith.constant 0 : i32
    %dma_start3A_469 = arith.constant 0 : i32
    %dma_start3A_470 = tpu.memref_slice %arg4[%dma_start3A_468, %dma_start3A_469] : memref<10000x128xf32, #tpu.memory_space<hbm>> -> memref<10000x128xf32, #tpu.memory_space<hbm>>
    tpu.enqueue_indirect_dma source(%dma_start3A_470 : memref<10000x128xf32, #tpu.memory_space<hbm>>) target(%arg17 : memref<128x128xf32, #tpu.memory_space<vmem>>) offsets(%arg9 : memref<128xi32, #tpu.memory_space<vmem>>) semaphore(%arg25 : memref<!tpu.dma_semaphore, #tpu.memory_space<semaphore_mem>>)
    %mul3A_471 = arith.constant 80 : i32
    %mul3A_472 = arith.muli %add3A, %mul3A_471 : i32
    %add3A_473 = arith.constant 3 : i32
    %add3A_474 = arith.addi %mul3A_472, %add3A_473 : i32
    %dma_start3A_475 = arith.constant 0 : i32
    %dma_start3A_476 = tpu.memref_slice %arg2[%add3A_474, %dma_start3A_475] : memref<2560x128xi32, #tpu.memory_space<hbm>> -> memref<1x128xi32, #tpu.memory_space<hbm>>
    %dma_start3A_477 = tpu.memref_squeeze %dma_start3A_476 : memref<1x128xi32, #tpu.memory_space<hbm>> -> memref<128xi32, #tpu.memory_space<hbm>>
    %dma_start3A_478 = arith.constant 0 : i32
    %dma_start3A_479 = tpu.memref_slice %arg2[%add3A_474, %dma_start3A_478] : memref<2560x128xi32, #tpu.memory_space<hbm>> -> memref<1x128xi32, #tpu.memory_space<hbm>>
    %dma_start3A_480 = tpu.memref_squeeze %dma_start3A_479 : memref<1x128xi32, #tpu.memory_space<hbm>> -> memref<128xi32, #tpu.memory_space<hbm>>
    tpu.enqueue_dma source(%dma_start3A_480 : memref<128xi32, #tpu.memory_space<hbm>>) target(%arg11 : memref<128xi32, #tpu.memory_space<vmem>>) target_semaphore(%arg23 : memref<!tpu.dma_semaphore, #tpu.memory_space<semaphore_mem>>)
    %mul3A_481 = arith.constant 80 : i32
    %mul3A_482 = arith.muli %add3A, %mul3A_481 : i32
    %add3A_483 = arith.constant 3 : i32
    %add3A_484 = arith.addi %mul3A_482, %add3A_483 : i32
    %dma_start3A_485 = arith.constant 0 : i32
    %dma_start3A_486 = tpu.memref_slice %arg3[%add3A_484, %dma_start3A_485] : memref<2560x128xi32, #tpu.memory_space<hbm>> -> memref<1x128xi32, #tpu.memory_space<hbm>>
    %dma_start3A_487 = tpu.memref_squeeze %dma_start3A_486 : memref<1x128xi32, #tpu.memory_space<hbm>> -> memref<128xi32, #tpu.memory_space<hbm>>
    %dma_start3A_488 = arith.constant 0 : i32
    %dma_start3A_489 = tpu.memref_slice %arg3[%add3A_484, %dma_start3A_488] : memref<2560x128xi32, #tpu.memory_space<hbm>> -> memref<1x128xi32, #tpu.memory_space<hbm>>
    %dma_start3A_490 = tpu.memref_squeeze %dma_start3A_489 : memref<1x128xi32, #tpu.memory_space<hbm>> -> memref<128xi32, #tpu.memory_space<hbm>>
    tpu.enqueue_dma source(%dma_start3A_490 : memref<128xi32, #tpu.memory_space<hbm>>) target(%arg15 : memref<128xi32, #tpu.memory_space<vmem>>) target_semaphore(%arg23 : memref<!tpu.dma_semaphore, #tpu.memory_space<semaphore_mem>>)
    %dma_wait3A_491 = arith.constant 0 : i32
    %dma_wait3A_492 = arith.constant 0 : i32
    %dma_wait3A_493 = tpu.memref_slice %arg4[%dma_wait3A_491, %dma_wait3A_492] : memref<10000x128xf32, #tpu.memory_space<hbm>> -> memref<128x128xf32, #tpu.memory_space<hbm>>
    %dma_wait3A_494 = arith.constant 0 : i32
    %dma_wait3A_495 = arith.constant 0 : i32
    %dma_wait3A_496 = tpu.memref_slice %arg4[%dma_wait3A_494, %dma_wait3A_495] : memref<10000x128xf32, #tpu.memory_space<hbm>> -> memref<128x128xf32, #tpu.memory_space<hbm>>
    tpu.wait_dma2 semaphore(%arg24 : memref<!tpu.dma_semaphore, #tpu.memory_space<semaphore_mem>>) src(%dma_wait3A_496 : memref<128x128xf32, #tpu.memory_space<hbm>>) dst(%arg16 : memref<128x128xf32, #tpu.memory_space<vmem>>)
    %dma_start3A_497 = arith.constant 0 : i32
    %dma_start3A_498 = arith.constant 0 : i32
    %dma_start3A_499 = tpu.memref_slice %arg18[%dma_start3A_497, %dma_start3A_498] : memref<10240x128xf32, #tpu.memory_space<vmem_shared>> -> memref<10240x128xf32, #tpu.memory_space<vmem_shared>>
    tpu.enqueue_indirect_dma source(%arg16 : memref<128x128xf32, #tpu.memory_space<vmem>>) target(%dma_start3A_499 : memref<10240x128xf32, #tpu.memory_space<vmem_shared>>) offsets(%arg12 : memref<128xi32, #tpu.memory_space<vmem>>) semaphore(%arg26 : memref<!tpu.dma_semaphore, #tpu.memory_space<semaphore_mem>>) {add = true}
    %dma_wait3A_500 = arith.constant 0 : i32
    %dma_wait3A_501 = arith.constant 0 : i32
    %dma_wait3A_502 = tpu.memref_slice %arg4[%dma_wait3A_500, %dma_wait3A_501] : memref<10000x128xf32, #tpu.memory_space<hbm>> -> memref<128x128xf32, #tpu.memory_space<hbm>>
    %dma_wait3A_503 = arith.constant 0 : i32
    %dma_wait3A_504 = arith.constant 0 : i32
    %dma_wait3A_505 = tpu.memref_slice %arg4[%dma_wait3A_503, %dma_wait3A_504] : memref<10000x128xf32, #tpu.memory_space<hbm>> -> memref<128x128xf32, #tpu.memory_space<hbm>>
    tpu.wait_dma2 semaphore(%arg26 : memref<!tpu.dma_semaphore, #tpu.memory_space<semaphore_mem>>) src(%dma_wait3A_505 : memref<128x128xf32, #tpu.memory_space<hbm>>) dst(%arg16 : memref<128x128xf32, #tpu.memory_space<vmem>>)
    %dma_wait3A_506 = arith.constant 0 : i32
    %dma_wait3A_507 = arith.constant 0 : i32
    %dma_wait3A_508 = tpu.memref_slice %arg2[%dma_wait3A_506, %dma_wait3A_507] : memref<2560x128xi32, #tpu.memory_space<hbm>> -> memref<1x128xi32, #tpu.memory_space<hbm>>
    %dma_wait3A_509 = tpu.memref_squeeze %dma_wait3A_508 : memref<1x128xi32, #tpu.memory_space<hbm>> -> memref<128xi32, #tpu.memory_space<hbm>>
    %dma_wait3A_510 = arith.constant 0 : i32
    %dma_wait3A_511 = tpu.memref_slice %arg2[%dma_wait3A_506, %dma_wait3A_510] : memref<2560x128xi32, #tpu.memory_space<hbm>> -> memref<1x128xi32, #tpu.memory_space<hbm>>
    %dma_wait3A_512 = tpu.memref_squeeze %dma_wait3A_511 : memref<1x128xi32, #tpu.memory_space<hbm>> -> memref<128xi32, #tpu.memory_space<hbm>>
    tpu.wait_dma2 semaphore(%arg22 : memref<!tpu.dma_semaphore, #tpu.memory_space<semaphore_mem>>) src(%dma_wait3A_512 : memref<128xi32, #tpu.memory_space<hbm>>) dst(%arg10 : memref<128xi32, #tpu.memory_space<vmem>>)
    %dma_wait3A_513 = arith.constant 0 : i32
    %dma_wait3A_514 = arith.constant 0 : i32
    %dma_wait3A_515 = tpu.memref_slice %arg3[%dma_wait3A_513, %dma_wait3A_514] : memref<2560x128xi32, #tpu.memory_space<hbm>> -> memref<1x128xi32, #tpu.memory_space<hbm>>
    %dma_wait3A_516 = tpu.memref_squeeze %dma_wait3A_515 : memref<1x128xi32, #tpu.memory_space<hbm>> -> memref<128xi32, #tpu.memory_space<hbm>>
    %dma_wait3A_517 = arith.constant 0 : i32
    %dma_wait3A_518 = tpu.memref_slice %arg3[%dma_wait3A_513, %dma_wait3A_517] : memref<2560x128xi32, #tpu.memory_space<hbm>> -> memref<1x128xi32, #tpu.memory_space<hbm>>
    %dma_wait3A_519 = tpu.memref_squeeze %dma_wait3A_518 : memref<1x128xi32, #tpu.memory_space<hbm>> -> memref<128xi32, #tpu.memory_space<hbm>>
    tpu.wait_dma2 semaphore(%arg22 : memref<!tpu.dma_semaphore, #tpu.memory_space<semaphore_mem>>) src(%dma_wait3A_519 : memref<128xi32, #tpu.memory_space<hbm>>) dst(%arg14 : memref<128xi32, #tpu.memory_space<vmem>>)
    %dma_start3A_520 = arith.constant 0 : i32
    %dma_start3A_521 = arith.constant 0 : i32
    %dma_start3A_522 = tpu.memref_slice %arg4[%dma_start3A_520, %dma_start3A_521] : memref<10000x128xf32, #tpu.memory_space<hbm>> -> memref<10000x128xf32, #tpu.memory_space<hbm>>
    tpu.enqueue_indirect_dma source(%dma_start3A_522 : memref<10000x128xf32, #tpu.memory_space<hbm>>) target(%arg16 : memref<128x128xf32, #tpu.memory_space<vmem>>) offsets(%arg10 : memref<128xi32, #tpu.memory_space<vmem>>) semaphore(%arg24 : memref<!tpu.dma_semaphore, #tpu.memory_space<semaphore_mem>>)
    %mul3A_523 = arith.constant 80 : i32
    %mul3A_524 = arith.muli %add3A, %mul3A_523 : i32
    %add3A_525 = arith.constant 4 : i32
    %add3A_526 = arith.addi %mul3A_524, %add3A_525 : i32
    %dma_start3A_527 = arith.constant 0 : i32
    %dma_start3A_528 = tpu.memref_slice %arg2[%add3A_526, %dma_start3A_527] : memref<2560x128xi32, #tpu.memory_space<hbm>> -> memref<1x128xi32, #tpu.memory_space<hbm>>
    %dma_start3A_529 = tpu.memref_squeeze %dma_start3A_528 : memref<1x128xi32, #tpu.memory_space<hbm>> -> memref<128xi32, #tpu.memory_space<hbm>>
    %dma_start3A_530 = arith.constant 0 : i32
    %dma_start3A_531 = tpu.memref_slice %arg2[%add3A_526, %dma_start3A_530] : memref<2560x128xi32, #tpu.memory_space<hbm>> -> memref<1x128xi32, #tpu.memory_space<hbm>>
    %dma_start3A_532 = tpu.memref_squeeze %dma_start3A_531 : memref<1x128xi32, #tpu.memory_space<hbm>> -> memref<128xi32, #tpu.memory_space<hbm>>
    tpu.enqueue_dma source(%dma_start3A_532 : memref<128xi32, #tpu.memory_space<hbm>>) target(%arg8 : memref<128xi32, #tpu.memory_space<vmem>>) target_semaphore(%arg20 : memref<!tpu.dma_semaphore, #tpu.memory_space<semaphore_mem>>)
    %mul3A_533 = arith.constant 80 : i32
    %mul3A_534 = arith.muli %add3A, %mul3A_533 : i32
    %add3A_535 = arith.constant 4 : i32
    %add3A_536 = arith.addi %mul3A_534, %add3A_535 : i32
    %dma_start3A_537 = arith.constant 0 : i32
    %dma_start3A_538 = tpu.memref_slice %arg3[%add3A_536, %dma_start3A_537] : memref<2560x128xi32, #tpu.memory_space<hbm>> -> memref<1x128xi32, #tpu.memory_space<hbm>>
    %dma_start3A_539 = tpu.memref_squeeze %dma_start3A_538 : memref<1x128xi32, #tpu.memory_space<hbm>> -> memref<128xi32, #tpu.memory_space<hbm>>
    %dma_start3A_540 = arith.constant 0 : i32
    %dma_start3A_541 = tpu.memref_slice %arg3[%add3A_536, %dma_start3A_540] : memref<2560x128xi32, #tpu.memory_space<hbm>> -> memref<1x128xi32, #tpu.memory_space<hbm>>
    %dma_start3A_542 = tpu.memref_squeeze %dma_start3A_541 : memref<1x128xi32, #tpu.memory_space<hbm>> -> memref<128xi32, #tpu.memory_space<hbm>>
    tpu.enqueue_dma source(%dma_start3A_542 : memref<128xi32, #tpu.memory_space<hbm>>) target(%arg12 : memref<128xi32, #tpu.memory_space<vmem>>) target_semaphore(%arg20 : memref<!tpu.dma_semaphore, #tpu.memory_space<semaphore_mem>>)
    %dma_wait3A_543 = arith.constant 0 : i32
    %dma_wait3A_544 = arith.constant 0 : i32
    %dma_wait3A_545 = tpu.memref_slice %arg4[%dma_wait3A_543, %dma_wait3A_544] : memref<10000x128xf32, #tpu.memory_space<hbm>> -> memref<128x128xf32, #tpu.memory_space<hbm>>
    %dma_wait3A_546 = arith.constant 0 : i32
    %dma_wait3A_547 = arith.constant 0 : i32
    %dma_wait3A_548 = tpu.memref_slice %arg4[%dma_wait3A_546, %dma_wait3A_547] : memref<10000x128xf32, #tpu.memory_space<hbm>> -> memref<128x128xf32, #tpu.memory_space<hbm>>
    tpu.wait_dma2 semaphore(%arg25 : memref<!tpu.dma_semaphore, #tpu.memory_space<semaphore_mem>>) src(%dma_wait3A_548 : memref<128x128xf32, #tpu.memory_space<hbm>>) dst(%arg17 : memref<128x128xf32, #tpu.memory_space<vmem>>)
    %dma_start3A_549 = arith.constant 0 : i32
    %dma_start3A_550 = arith.constant 0 : i32
    %dma_start3A_551 = tpu.memref_slice %arg18[%dma_start3A_549, %dma_start3A_550] : memref<10240x128xf32, #tpu.memory_space<vmem_shared>> -> memref<10240x128xf32, #tpu.memory_space<vmem_shared>>
    tpu.enqueue_indirect_dma source(%arg17 : memref<128x128xf32, #tpu.memory_space<vmem>>) target(%dma_start3A_551 : memref<10240x128xf32, #tpu.memory_space<vmem_shared>>) offsets(%arg13 : memref<128xi32, #tpu.memory_space<vmem>>) semaphore(%arg27 : memref<!tpu.dma_semaphore, #tpu.memory_space<semaphore_mem>>) {add = true}
    %dma_wait3A_552 = arith.constant 0 : i32
    %dma_wait3A_553 = arith.constant 0 : i32
    %dma_wait3A_554 = tpu.memref_slice %arg4[%dma_wait3A_552, %dma_wait3A_553] : memref<10000x128xf32, #tpu.memory_space<hbm>> -> memref<128x128xf32, #tpu.memory_space<hbm>>
    %dma_wait3A_555 = arith.constant 0 : i32
    %dma_wait3A_556 = arith.constant 0 : i32
    %dma_wait3A_557 = tpu.memref_slice %arg4[%dma_wait3A_555, %dma_wait3A_556] : memref<10000x128xf32, #tpu.memory_space<hbm>> -> memref<128x128xf32, #tpu.memory_space<hbm>>
    tpu.wait_dma2 semaphore(%arg27 : memref<!tpu.dma_semaphore, #tpu.memory_space<semaphore_mem>>) src(%dma_wait3A_557 : memref<128x128xf32, #tpu.memory_space<hbm>>) dst(%arg17 : memref<128x128xf32, #tpu.memory_space<vmem>>)
    %dma_wait3A_558 = arith.constant 0 : i32
    %dma_wait3A_559 = arith.constant 0 : i32
    %dma_wait3A_560 = tpu.memref_slice %arg2[%dma_wait3A_558, %dma_wait3A_559] : memref<2560x128xi32, #tpu.memory_space<hbm>> -> memref<1x128xi32, #tpu.memory_space<hbm>>
    %dma_wait3A_561 = tpu.memref_squeeze %dma_wait3A_560 : memref<1x128xi32, #tpu.memory_space<hbm>> -> memref<128xi32, #tpu.memory_space<hbm>>
    %dma_wait3A_562 = arith.constant 0 : i32
    %dma_wait3A_563 = tpu.memref_slice %arg2[%dma_wait3A_558, %dma_wait3A_562] : memref<2560x128xi32, #tpu.memory_space<hbm>> -> memref<1x128xi32, #tpu.memory_space<hbm>>
    %dma_wait3A_564 = tpu.memref_squeeze %dma_wait3A_563 : memref<1x128xi32, #tpu.memory_space<hbm>> -> memref<128xi32, #tpu.memory_space<hbm>>
    tpu.wait_dma2 semaphore(%arg23 : memref<!tpu.dma_semaphore, #tpu.memory_space<semaphore_mem>>) src(%dma_wait3A_564 : memref<128xi32, #tpu.memory_space<hbm>>) dst(%arg11 : memref<128xi32, #tpu.memory_space<vmem>>)
    %dma_wait3A_565 = arith.constant 0 : i32
    %dma_wait3A_566 = arith.constant 0 : i32
    %dma_wait3A_567 = tpu.memref_slice %arg3[%dma_wait3A_565, %dma_wait3A_566] : memref<2560x128xi32, #tpu.memory_space<hbm>> -> memref<1x128xi32, #tpu.memory_space<hbm>>
    %dma_wait3A_568 = tpu.memref_squeeze %dma_wait3A_567 : memref<1x128xi32, #tpu.memory_space<hbm>> -> memref<128xi32, #tpu.memory_space<hbm>>
    %dma_wait3A_569 = arith.constant 0 : i32
    %dma_wait3A_570 = tpu.memref_slice %arg3[%dma_wait3A_565, %dma_wait3A_569] : memref<2560x128xi32, #tpu.memory_space<hbm>> -> memref<1x128xi32, #tpu.memory_space<hbm>>
    %dma_wait3A_571 = tpu.memref_squeeze %dma_wait3A_570 : memref<1x128xi32, #tpu.memory_space<hbm>> -> memref<128xi32, #tpu.memory_space<hbm>>
    tpu.wait_dma2 semaphore(%arg23 : memref<!tpu.dma_semaphore, #tpu.memory_space<semaphore_mem>>) src(%dma_wait3A_571 : memref<128xi32, #tpu.memory_space<hbm>>) dst(%arg15 : memref<128xi32, #tpu.memory_space<vmem>>)
    %dma_start3A_572 = arith.constant 0 : i32
    %dma_start3A_573 = arith.constant 0 : i32
    %dma_start3A_574 = tpu.memref_slice %arg4[%dma_start3A_572, %dma_start3A_573] : memref<10000x128xf32, #tpu.memory_space<hbm>> -> memref<10000x128xf32, #tpu.memory_space<hbm>>
    tpu.enqueue_indirect_dma source(%dma_start3A_574 : memref<10000x128xf32, #tpu.memory_space<hbm>>) target(%arg17 : memref<128x128xf32, #tpu.memory_space<vmem>>) offsets(%arg11 : memref<128xi32, #tpu.memory_space<vmem>>) semaphore(%arg25 : memref<!tpu.dma_semaphore, #tpu.memory_space<semaphore_mem>>)
    %mul3A_575 = arith.constant 80 : i32
    %mul3A_576 = arith.muli %add3A, %mul3A_575 : i32
    %add3A_577 = arith.constant 5 : i32
    %add3A_578 = arith.addi %mul3A_576, %add3A_577 : i32
    %dma_start3A_579 = arith.constant 0 : i32
    %dma_start3A_580 = tpu.memref_slice %arg2[%add3A_578, %dma_start3A_579] : memref<2560x128xi32, #tpu.memory_space<hbm>> -> memref<1x128xi32, #tpu.memory_space<hbm>>
    %dma_start3A_581 = tpu.memref_squeeze %dma_start3A_580 : memref<1x128xi32, #tpu.memory_space<hbm>> -> memref<128xi32, #tpu.memory_space<hbm>>
    %dma_start3A_582 = arith.constant 0 : i32
    %dma_start3A_583 = tpu.memref_slice %arg2[%add3A_578, %dma_start3A_582] : memref<2560x128xi32, #tpu.memory_space<hbm>> -> memref<1x128xi32, #tpu.memory_space<hbm>>
    %dma_start3A_584 = tpu.memref_squeeze %dma_start3A_583 : memref<1x128xi32, #tpu.memory_space<hbm>> -> memref<128xi32, #tpu.memory_space<hbm>>
    tpu.enqueue_dma source(%dma_start3A_584 : memref<128xi32, #tpu.memory_space<hbm>>) target(%arg9 : memref<128xi32, #tpu.memory_space<vmem>>) target_semaphore(%arg21 : memref<!tpu.dma_semaphore, #tpu.memory_space<semaphore_mem>>)
    %mul3A_585 = arith.constant 80 : i32
    %mul3A_586 = arith.muli %add3A, %mul3A_585 : i32
    %add3A_587 = arith.constant 5 : i32
    %add3A_588 = arith.addi %mul3A_586, %add3A_587 : i32
    %dma_start3A_589 = arith.constant 0 : i32
    %dma_start3A_590 = tpu.memref_slice %arg3[%add3A_588, %dma_start3A_589] : memref<2560x128xi32, #tpu.memory_space<hbm>> -> memref<1x128xi32, #tpu.memory_space<hbm>>
    %dma_start3A_591 = tpu.memref_squeeze %dma_start3A_590 : memref<1x128xi32, #tpu.memory_space<hbm>> -> memref<128xi32, #tpu.memory_space<hbm>>
    %dma_start3A_592 = arith.constant 0 : i32
    %dma_start3A_593 = tpu.memref_slice %arg3[%add3A_588, %dma_start3A_592] : memref<2560x128xi32, #tpu.memory_space<hbm>> -> memref<1x128xi32, #tpu.memory_space<hbm>>
    %dma_start3A_594 = tpu.memref_squeeze %dma_start3A_593 : memref<1x128xi32, #tpu.memory_space<hbm>> -> memref<128xi32, #tpu.memory_space<hbm>>
    tpu.enqueue_dma source(%dma_start3A_594 : memref<128xi32, #tpu.memory_space<hbm>>) target(%arg13 : memref<128xi32, #tpu.memory_space<vmem>>) target_semaphore(%arg21 : memref<!tpu.dma_semaphore, #tpu.memory_space<semaphore_mem>>)
    %dma_wait3A_595 = arith.constant 0 : i32
    %dma_wait3A_596 = arith.constant 0 : i32
    %dma_wait3A_597 = tpu.memref_slice %arg4[%dma_wait3A_595, %dma_wait3A_596] : memref<10000x128xf32, #tpu.memory_space<hbm>> -> memref<128x128xf32, #tpu.memory_space<hbm>>
    %dma_wait3A_598 = arith.constant 0 : i32
    %dma_wait3A_599 = arith.constant 0 : i32
    %dma_wait3A_600 = tpu.memref_slice %arg4[%dma_wait3A_598, %dma_wait3A_599] : memref<10000x128xf32, #tpu.memory_space<hbm>> -> memref<128x128xf32, #tpu.memory_space<hbm>>
    tpu.wait_dma2 semaphore(%arg24 : memref<!tpu.dma_semaphore, #tpu.memory_space<semaphore_mem>>) src(%dma_wait3A_600 : memref<128x128xf32, #tpu.memory_space<hbm>>) dst(%arg16 : memref<128x128xf32, #tpu.memory_space<vmem>>)
    %dma_start3A_601 = arith.constant 0 : i32
    %dma_start3A_602 = arith.constant 0 : i32
    %dma_start3A_603 = tpu.memref_slice %arg18[%dma_start3A_601, %dma_start3A_602] : memref<10240x128xf32, #tpu.memory_space<vmem_shared>> -> memref<10240x128xf32, #tpu.memory_space<vmem_shared>>
    tpu.enqueue_indirect_dma source(%arg16 : memref<128x128xf32, #tpu.memory_space<vmem>>) target(%dma_start3A_603 : memref<10240x128xf32, #tpu.memory_space<vmem_shared>>) offsets(%arg14 : memref<128xi32, #tpu.memory_space<vmem>>) semaphore(%arg26 : memref<!tpu.dma_semaphore, #tpu.memory_space<semaphore_mem>>) {add = true}
    %dma_wait3A_604 = arith.constant 0 : i32
    %dma_wait3A_605 = arith.constant 0 : i32
    %dma_wait3A_606 = tpu.memref_slice %arg4[%dma_wait3A_604, %dma_wait3A_605] : memref<10000x128xf32, #tpu.memory_space<hbm>> -> memref<128x128xf32, #tpu.memory_space<hbm>>
    %dma_wait3A_607 = arith.constant 0 : i32
    %dma_wait3A_608 = arith.constant 0 : i32
    %dma_wait3A_609 = tpu.memref_slice %arg4[%dma_wait3A_607, %dma_wait3A_608] : memref<10000x128xf32, #tpu.memory_space<hbm>> -> memref<128x128xf32, #tpu.memory_space<hbm>>
    tpu.wait_dma2 semaphore(%arg26 : memref<!tpu.dma_semaphore, #tpu.memory_space<semaphore_mem>>) src(%dma_wait3A_609 : memref<128x128xf32, #tpu.memory_space<hbm>>) dst(%arg16 : memref<128x128xf32, #tpu.memory_space<vmem>>)
    %dma_wait3A_610 = arith.constant 0 : i32
    %dma_wait3A_611 = arith.constant 0 : i32
    %dma_wait3A_612 = tpu.memref_slice %arg2[%dma_wait3A_610, %dma_wait3A_611] : memref<2560x128xi32, #tpu.memory_space<hbm>> -> memref<1x128xi32, #tpu.memory_space<hbm>>
    %dma_wait3A_613 = tpu.memref_squeeze %dma_wait3A_612 : memref<1x128xi32, #tpu.memory_space<hbm>> -> memref<128xi32, #tpu.memory_space<hbm>>
    %dma_wait3A_614 = arith.constant 0 : i32
    %dma_wait3A_615 = tpu.memref_slice %arg2[%dma_wait3A_610, %dma_wait3A_614] : memref<2560x128xi32, #tpu.memory_space<hbm>> -> memref<1x128xi32, #tpu.memory_space<hbm>>
    %dma_wait3A_616 = tpu.memref_squeeze %dma_wait3A_615 : memref<1x128xi32, #tpu.memory_space<hbm>> -> memref<128xi32, #tpu.memory_space<hbm>>
    tpu.wait_dma2 semaphore(%arg20 : memref<!tpu.dma_semaphore, #tpu.memory_space<semaphore_mem>>) src(%dma_wait3A_616 : memref<128xi32, #tpu.memory_space<hbm>>) dst(%arg8 : memref<128xi32, #tpu.memory_space<vmem>>)
    %dma_wait3A_617 = arith.constant 0 : i32
    %dma_wait3A_618 = arith.constant 0 : i32
    %dma_wait3A_619 = tpu.memref_slice %arg3[%dma_wait3A_617, %dma_wait3A_618] : memref<2560x128xi32, #tpu.memory_space<hbm>> -> memref<1x128xi32, #tpu.memory_space<hbm>>
    %dma_wait3A_620 = tpu.memref_squeeze %dma_wait3A_619 : memref<1x128xi32, #tpu.memory_space<hbm>> -> memref<128xi32, #tpu.memory_space<hbm>>
    %dma_wait3A_621 = arith.constant 0 : i32
    %dma_wait3A_622 = tpu.memref_slice %arg3[%dma_wait3A_617, %dma_wait3A_621] : memref<2560x128xi32, #tpu.memory_space<hbm>> -> memref<1x128xi32, #tpu.memory_space<hbm>>
    %dma_wait3A_623 = tpu.memref_squeeze %dma_wait3A_622 : memref<1x128xi32, #tpu.memory_space<hbm>> -> memref<128xi32, #tpu.memory_space<hbm>>
    tpu.wait_dma2 semaphore(%arg20 : memref<!tpu.dma_semaphore, #tpu.memory_space<semaphore_mem>>) src(%dma_wait3A_623 : memref<128xi32, #tpu.memory_space<hbm>>) dst(%arg12 : memref<128xi32, #tpu.memory_space<vmem>>)
    %dma_start3A_624 = arith.constant 0 : i32
    %dma_start3A_625 = arith.constant 0 : i32
    %dma_start3A_626 = tpu.memref_slice %arg4[%dma_start3A_624, %dma_start3A_625] : memref<10000x128xf32, #tpu.memory_space<hbm>> -> memref<10000x128xf32, #tpu.memory_space<hbm>>
    tpu.enqueue_indirect_dma source(%dma_start3A_626 : memref<10000x128xf32, #tpu.memory_space<hbm>>) target(%arg16 : memref<128x128xf32, #tpu.memory_space<vmem>>) offsets(%arg8 : memref<128xi32, #tpu.memory_space<vmem>>) semaphore(%arg24 : memref<!tpu.dma_semaphore, #tpu.memory_space<semaphore_mem>>)
    %mul3A_627 = arith.constant 80 : i32
    %mul3A_628 = arith.muli %add3A, %mul3A_627 : i32
    %add3A_629 = arith.constant 6 : i32
    %add3A_630 = arith.addi %mul3A_628, %add3A_629 : i32
    %dma_start3A_631 = arith.constant 0 : i32
    %dma_start3A_632 = tpu.memref_slice %arg2[%add3A_630, %dma_start3A_631] : memref<2560x128xi32, #tpu.memory_space<hbm>> -> memref<1x128xi32, #tpu.memory_space<hbm>>
    %dma_start3A_633 = tpu.memref_squeeze %dma_start3A_632 : memref<1x128xi32, #tpu.memory_space<hbm>> -> memref<128xi32, #tpu.memory_space<hbm>>
    %dma_start3A_634 = arith.constant 0 : i32
    %dma_start3A_635 = tpu.memref_slice %arg2[%add3A_630, %dma_start3A_634] : memref<2560x128xi32, #tpu.memory_space<hbm>> -> memref<1x128xi32, #tpu.memory_space<hbm>>
    %dma_start3A_636 = tpu.memref_squeeze %dma_start3A_635 : memref<1x128xi32, #tpu.memory_space<hbm>> -> memref<128xi32, #tpu.memory_space<hbm>>
    tpu.enqueue_dma source(%dma_start3A_636 : memref<128xi32, #tpu.memory_space<hbm>>) target(%arg10 : memref<128xi32, #tpu.memory_space<vmem>>) target_semaphore(%arg22 : memref<!tpu.dma_semaphore, #tpu.memory_space<semaphore_mem>>)
    %mul3A_637 = arith.constant 80 : i32
    %mul3A_638 = arith.muli %add3A, %mul3A_637 : i32
    %add3A_639 = arith.constant 6 : i32
    %add3A_640 = arith.addi %mul3A_638, %add3A_639 : i32
    %dma_start3A_641 = arith.constant 0 : i32
    %dma_start3A_642 = tpu.memref_slice %arg3[%add3A_640, %dma_start3A_641] : memref<2560x128xi32, #tpu.memory_space<hbm>> -> memref<1x128xi32, #tpu.memory_space<hbm>>
    %dma_start3A_643 = tpu.memref_squeeze %dma_start3A_642 : memref<1x128xi32, #tpu.memory_space<hbm>> -> memref<128xi32, #tpu.memory_space<hbm>>
    %dma_start3A_644 = arith.constant 0 : i32
    %dma_start3A_645 = tpu.memref_slice %arg3[%add3A_640, %dma_start3A_644] : memref<2560x128xi32, #tpu.memory_space<hbm>> -> memref<1x128xi32, #tpu.memory_space<hbm>>
    %dma_start3A_646 = tpu.memref_squeeze %dma_start3A_645 : memref<1x128xi32, #tpu.memory_space<hbm>> -> memref<128xi32, #tpu.memory_space<hbm>>
    tpu.enqueue_dma source(%dma_start3A_646 : memref<128xi32, #tpu.memory_space<hbm>>) target(%arg14 : memref<128xi32, #tpu.memory_space<vmem>>) target_semaphore(%arg22 : memref<!tpu.dma_semaphore, #tpu.memory_space<semaphore_mem>>)
    %dma_wait3A_647 = arith.constant 0 : i32
    %dma_wait3A_648 = arith.constant 0 : i32
    %dma_wait3A_649 = tpu.memref_slice %arg4[%dma_wait3A_647, %dma_wait3A_648] : memref<10000x128xf32, #tpu.memory_space<hbm>> -> memref<128x128xf32, #tpu.memory_space<hbm>>
    %dma_wait3A_650 = arith.constant 0 : i32
    %dma_wait3A_651 = arith.constant 0 : i32
    %dma_wait3A_652 = tpu.memref_slice %arg4[%dma_wait3A_650, %dma_wait3A_651] : memref<10000x128xf32, #tpu.memory_space<hbm>> -> memref<128x128xf32, #tpu.memory_space<hbm>>
    tpu.wait_dma2 semaphore(%arg25 : memref<!tpu.dma_semaphore, #tpu.memory_space<semaphore_mem>>) src(%dma_wait3A_652 : memref<128x128xf32, #tpu.memory_space<hbm>>) dst(%arg17 : memref<128x128xf32, #tpu.memory_space<vmem>>)
    %dma_start3A_653 = arith.constant 0 : i32
    %dma_start3A_654 = arith.constant 0 : i32
    %dma_start3A_655 = tpu.memref_slice %arg18[%dma_start3A_653, %dma_start3A_654] : memref<10240x128xf32, #tpu.memory_space<vmem_shared>> -> memref<10240x128xf32, #tpu.memory_space<vmem_shared>>
    tpu.enqueue_indirect_dma source(%arg17 : memref<128x128xf32, #tpu.memory_space<vmem>>) target(%dma_start3A_655 : memref<10240x128xf32, #tpu.memory_space<vmem_shared>>) offsets(%arg15 : memref<128xi32, #tpu.memory_space<vmem>>) semaphore(%arg27 : memref<!tpu.dma_semaphore, #tpu.memory_space<semaphore_mem>>) {add = true}
    %scan3A = arith.constant 0 : i32
    %scan3A_656 = arith.constant 1 : i32
    %scan3A_657 = arith.constant 18 : i32
    %scan3A_658 = arith.addi %scan3A_656, %scan3A_657 : i32
    %scan3A_659 = arith.constant 1 : i32
    scf.for %scan3A_1229 = %scan3A_656 to %scan3A_658 step %scan3A_659  : i32 {
      %mul3A_1230 = arith.constant 4 : i32
      %mul3A_1231 = arith.muli %mul3A_1230, %scan3A_1229 : i32
      %add3A_1232 = arith.constant 0 : i32
      %add3A_1233 = arith.addi %mul3A_1231, %add3A_1232 : i32
      %dma_wait3A_1234 = arith.constant 0 : i32
      %dma_wait3A_1235 = arith.constant 0 : i32
      %dma_wait3A_1236 = tpu.memref_slice %arg4[%dma_wait3A_1234, %dma_wait3A_1235] : memref<10000x128xf32, #tpu.memory_space<hbm>> -> memref<128x128xf32, #tpu.memory_space<hbm>>
      %dma_wait3A_1237 = arith.constant 0 : i32
      %dma_wait3A_1238 = arith.constant 0 : i32
      %dma_wait3A_1239 = tpu.memref_slice %arg4[%dma_wait3A_1237, %dma_wait3A_1238] : memref<10000x128xf32, #tpu.memory_space<hbm>> -> memref<128x128xf32, #tpu.memory_space<hbm>>
      tpu.wait_dma2 semaphore(%arg27 : memref<!tpu.dma_semaphore, #tpu.memory_space<semaphore_mem>>) src(%dma_wait3A_1239 : memref<128x128xf32, #tpu.memory_space<hbm>>) dst(%arg17 : memref<128x128xf32, #tpu.memory_space<vmem>>)
      %dma_wait3A_1240 = arith.constant 0 : i32
      %dma_wait3A_1241 = arith.constant 0 : i32
      %dma_wait3A_1242 = tpu.memref_slice %arg2[%dma_wait3A_1240, %dma_wait3A_1241] : memref<2560x128xi32, #tpu.memory_space<hbm>> -> memref<1x128xi32, #tpu.memory_space<hbm>>
      %dma_wait3A_1243 = tpu.memref_squeeze %dma_wait3A_1242 : memref<1x128xi32, #tpu.memory_space<hbm>> -> memref<128xi32, #tpu.memory_space<hbm>>
      %dma_wait3A_1244 = arith.constant 0 : i32
      %dma_wait3A_1245 = tpu.memref_slice %arg2[%dma_wait3A_1240, %dma_wait3A_1244] : memref<2560x128xi32, #tpu.memory_space<hbm>> -> memref<1x128xi32, #tpu.memory_space<hbm>>
      %dma_wait3A_1246 = tpu.memref_squeeze %dma_wait3A_1245 : memref<1x128xi32, #tpu.memory_space<hbm>> -> memref<128xi32, #tpu.memory_space<hbm>>
      tpu.wait_dma2 semaphore(%arg21 : memref<!tpu.dma_semaphore, #tpu.memory_space<semaphore_mem>>) src(%dma_wait3A_1246 : memref<128xi32, #tpu.memory_space<hbm>>) dst(%arg9 : memref<128xi32, #tpu.memory_space<vmem>>)
      %dma_wait3A_1247 = arith.constant 0 : i32
      %dma_wait3A_1248 = arith.constant 0 : i32
      %dma_wait3A_1249 = tpu.memref_slice %arg3[%dma_wait3A_1247, %dma_wait3A_1248] : memref<2560x128xi32, #tpu.memory_space<hbm>> -> memref<1x128xi32, #tpu.memory_space<hbm>>
      %dma_wait3A_1250 = tpu.memref_squeeze %dma_wait3A_1249 : memref<1x128xi32, #tpu.memory_space<hbm>> -> memref<128xi32, #tpu.memory_space<hbm>>
      %dma_wait3A_1251 = arith.constant 0 : i32
      %dma_wait3A_1252 = tpu.memref_slice %arg3[%dma_wait3A_1247, %dma_wait3A_1251] : memref<2560x128xi32, #tpu.memory_space<hbm>> -> memref<1x128xi32, #tpu.memory_space<hbm>>
      %dma_wait3A_1253 = tpu.memref_squeeze %dma_wait3A_1252 : memref<1x128xi32, #tpu.memory_space<hbm>> -> memref<128xi32, #tpu.memory_space<hbm>>
      tpu.wait_dma2 semaphore(%arg21 : memref<!tpu.dma_semaphore, #tpu.memory_space<semaphore_mem>>) src(%dma_wait3A_1253 : memref<128xi32, #tpu.memory_space<hbm>>) dst(%arg13 : memref<128xi32, #tpu.memory_space<vmem>>)
      %dma_start3A_1254 = arith.constant 0 : i32
      %dma_start3A_1255 = arith.constant 0 : i32
      %dma_start3A_1256 = tpu.memref_slice %arg4[%dma_start3A_1254, %dma_start3A_1255] : memref<10000x128xf32, #tpu.memory_space<hbm>> -> memref<10000x128xf32, #tpu.memory_space<hbm>>
      tpu.enqueue_indirect_dma source(%dma_start3A_1256 : memref<10000x128xf32, #tpu.memory_space<hbm>>) target(%arg17 : memref<128x128xf32, #tpu.memory_space<vmem>>) offsets(%arg9 : memref<128xi32, #tpu.memory_space<vmem>>) semaphore(%arg25 : memref<!tpu.dma_semaphore, #tpu.memory_space<semaphore_mem>>)
      %add3A_1257 = arith.constant 3 : i32
      %add3A_1258 = arith.addi %add3A_1233, %add3A_1257 : i32
      %mul3A_1259 = arith.constant 80 : i32
      %mul3A_1260 = arith.muli %add3A, %mul3A_1259 : i32
      %add3A_1261 = arith.addi %mul3A_1260, %add3A_1258 : i32
      %dma_start3A_1262 = arith.constant 0 : i32
      %dma_start3A_1263 = tpu.memref_slice %arg2[%add3A_1261, %dma_start3A_1262] : memref<2560x128xi32, #tpu.memory_space<hbm>> -> memref<1x128xi32, #tpu.memory_space<hbm>>
      %dma_start3A_1264 = tpu.memref_squeeze %dma_start3A_1263 : memref<1x128xi32, #tpu.memory_space<hbm>> -> memref<128xi32, #tpu.memory_space<hbm>>
      %dma_start3A_1265 = arith.constant 0 : i32
      %dma_start3A_1266 = tpu.memref_slice %arg2[%add3A_1261, %dma_start3A_1265] : memref<2560x128xi32, #tpu.memory_space<hbm>> -> memref<1x128xi32, #tpu.memory_space<hbm>>
      %dma_start3A_1267 = tpu.memref_squeeze %dma_start3A_1266 : memref<1x128xi32, #tpu.memory_space<hbm>> -> memref<128xi32, #tpu.memory_space<hbm>>
      tpu.enqueue_dma source(%dma_start3A_1267 : memref<128xi32, #tpu.memory_space<hbm>>) target(%arg11 : memref<128xi32, #tpu.memory_space<vmem>>) target_semaphore(%arg23 : memref<!tpu.dma_semaphore, #tpu.memory_space<semaphore_mem>>)
      %mul3A_1268 = arith.constant 80 : i32
      %mul3A_1269 = arith.muli %add3A, %mul3A_1268 : i32
      %add3A_1270 = arith.addi %mul3A_1269, %add3A_1258 : i32
      %dma_start3A_1271 = arith.constant 0 : i32
      %dma_start3A_1272 = tpu.memref_slice %arg3[%add3A_1270, %dma_start3A_1271] : memref<2560x128xi32, #tpu.memory_space<hbm>> -> memref<1x128xi32, #tpu.memory_space<hbm>>
      %dma_start3A_1273 = tpu.memref_squeeze %dma_start3A_1272 : memref<1x128xi32, #tpu.memory_space<hbm>> -> memref<128xi32, #tpu.memory_space<hbm>>
      %dma_start3A_1274 = arith.constant 0 : i32
      %dma_start3A_1275 = tpu.memref_slice %arg3[%add3A_1270, %dma_start3A_1274] : memref<2560x128xi32, #tpu.memory_space<hbm>> -> memref<1x128xi32, #tpu.memory_space<hbm>>
      %dma_start3A_1276 = tpu.memref_squeeze %dma_start3A_1275 : memref<1x128xi32, #tpu.memory_space<hbm>> -> memref<128xi32, #tpu.memory_space<hbm>>
      tpu.enqueue_dma source(%dma_start3A_1276 : memref<128xi32, #tpu.memory_space<hbm>>) target(%arg15 : memref<128xi32, #tpu.memory_space<vmem>>) target_semaphore(%arg23 : memref<!tpu.dma_semaphore, #tpu.memory_space<semaphore_mem>>)
      %dma_wait3A_1277 = arith.constant 0 : i32
      %dma_wait3A_1278 = arith.constant 0 : i32
      %dma_wait3A_1279 = tpu.memref_slice %arg4[%dma_wait3A_1277, %dma_wait3A_1278] : memref<10000x128xf32, #tpu.memory_space<hbm>> -> memref<128x128xf32, #tpu.memory_space<hbm>>
      %dma_wait3A_1280 = arith.constant 0 : i32
      %dma_wait3A_1281 = arith.constant 0 : i32
      %dma_wait3A_1282 = tpu.memref_slice %arg4[%dma_wait3A_1280, %dma_wait3A_1281] : memref<10000x128xf32, #tpu.memory_space<hbm>> -> memref<128x128xf32, #tpu.memory_space<hbm>>
      tpu.wait_dma2 semaphore(%arg24 : memref<!tpu.dma_semaphore, #tpu.memory_space<semaphore_mem>>) src(%dma_wait3A_1282 : memref<128x128xf32, #tpu.memory_space<hbm>>) dst(%arg16 : memref<128x128xf32, #tpu.memory_space<vmem>>)
      %dma_start3A_1283 = arith.constant 0 : i32
      %dma_start3A_1284 = arith.constant 0 : i32
      %dma_start3A_1285 = tpu.memref_slice %arg18[%dma_start3A_1283, %dma_start3A_1284] : memref<10240x128xf32, #tpu.memory_space<vmem_shared>> -> memref<10240x128xf32, #tpu.memory_space<vmem_shared>>
      tpu.enqueue_indirect_dma source(%arg16 : memref<128x128xf32, #tpu.memory_space<vmem>>) target(%dma_start3A_1285 : memref<10240x128xf32, #tpu.memory_space<vmem_shared>>) offsets(%arg12 : memref<128xi32, #tpu.memory_space<vmem>>) semaphore(%arg26 : memref<!tpu.dma_semaphore, #tpu.memory_space<semaphore_mem>>) {add = true}
      %mul3A_1286 = arith.constant 4 : i32
      %mul3A_1287 = arith.muli %mul3A_1286, %scan3A_1229 : i32
      %add3A_1288 = arith.constant 1 : i32
      %add3A_1289 = arith.addi %mul3A_1287, %add3A_1288 : i32
      %dma_wait3A_1290 = arith.constant 0 : i32
      %dma_wait3A_1291 = arith.constant 0 : i32
      %dma_wait3A_1292 = tpu.memref_slice %arg4[%dma_wait3A_1290, %dma_wait3A_1291] : memref<10000x128xf32, #tpu.memory_space<hbm>> -> memref<128x128xf32, #tpu.memory_space<hbm>>
      %dma_wait3A_1293 = arith.constant 0 : i32
      %dma_wait3A_1294 = arith.constant 0 : i32
      %dma_wait3A_1295 = tpu.memref_slice %arg4[%dma_wait3A_1293, %dma_wait3A_1294] : memref<10000x128xf32, #tpu.memory_space<hbm>> -> memref<128x128xf32, #tpu.memory_space<hbm>>
      tpu.wait_dma2 semaphore(%arg26 : memref<!tpu.dma_semaphore, #tpu.memory_space<semaphore_mem>>) src(%dma_wait3A_1295 : memref<128x128xf32, #tpu.memory_space<hbm>>) dst(%arg16 : memref<128x128xf32, #tpu.memory_space<vmem>>)
      %dma_wait3A_1296 = arith.constant 0 : i32
      %dma_wait3A_1297 = arith.constant 0 : i32
      %dma_wait3A_1298 = tpu.memref_slice %arg2[%dma_wait3A_1296, %dma_wait3A_1297] : memref<2560x128xi32, #tpu.memory_space<hbm>> -> memref<1x128xi32, #tpu.memory_space<hbm>>
      %dma_wait3A_1299 = tpu.memref_squeeze %dma_wait3A_1298 : memref<1x128xi32, #tpu.memory_space<hbm>> -> memref<128xi32, #tpu.memory_space<hbm>>
      %dma_wait3A_1300 = arith.constant 0 : i32
      %dma_wait3A_1301 = tpu.memref_slice %arg2[%dma_wait3A_1296, %dma_wait3A_1300] : memref<2560x128xi32, #tpu.memory_space<hbm>> -> memref<1x128xi32, #tpu.memory_space<hbm>>
      %dma_wait3A_1302 = tpu.memref_squeeze %dma_wait3A_1301 : memref<1x128xi32, #tpu.memory_space<hbm>> -> memref<128xi32, #tpu.memory_space<hbm>>
      tpu.wait_dma2 semaphore(%arg22 : memref<!tpu.dma_semaphore, #tpu.memory_space<semaphore_mem>>) src(%dma_wait3A_1302 : memref<128xi32, #tpu.memory_space<hbm>>) dst(%arg10 : memref<128xi32, #tpu.memory_space<vmem>>)
      %dma_wait3A_1303 = arith.constant 0 : i32
      %dma_wait3A_1304 = arith.constant 0 : i32
      %dma_wait3A_1305 = tpu.memref_slice %arg3[%dma_wait3A_1303, %dma_wait3A_1304] : memref<2560x128xi32, #tpu.memory_space<hbm>> -> memref<1x128xi32, #tpu.memory_space<hbm>>
      %dma_wait3A_1306 = tpu.memref_squeeze %dma_wait3A_1305 : memref<1x128xi32, #tpu.memory_space<hbm>> -> memref<128xi32, #tpu.memory_space<hbm>>
      %dma_wait3A_1307 = arith.constant 0 : i32
      %dma_wait3A_1308 = tpu.memref_slice %arg3[%dma_wait3A_1303, %dma_wait3A_1307] : memref<2560x128xi32, #tpu.memory_space<hbm>> -> memref<1x128xi32, #tpu.memory_space<hbm>>
      %dma_wait3A_1309 = tpu.memref_squeeze %dma_wait3A_1308 : memref<1x128xi32, #tpu.memory_space<hbm>> -> memref<128xi32, #tpu.memory_space<hbm>>
      tpu.wait_dma2 semaphore(%arg22 : memref<!tpu.dma_semaphore, #tpu.memory_space<semaphore_mem>>) src(%dma_wait3A_1309 : memref<128xi32, #tpu.memory_space<hbm>>) dst(%arg14 : memref<128xi32, #tpu.memory_space<vmem>>)
      %dma_start3A_1310 = arith.constant 0 : i32
      %dma_start3A_1311 = arith.constant 0 : i32
      %dma_start3A_1312 = tpu.memref_slice %arg4[%dma_start3A_1310, %dma_start3A_1311] : memref<10000x128xf32, #tpu.memory_space<hbm>> -> memref<10000x128xf32, #tpu.memory_space<hbm>>
      tpu.enqueue_indirect_dma source(%dma_start3A_1312 : memref<10000x128xf32, #tpu.memory_space<hbm>>) target(%arg16 : memref<128x128xf32, #tpu.memory_space<vmem>>) offsets(%arg10 : memref<128xi32, #tpu.memory_space<vmem>>) semaphore(%arg24 : memref<!tpu.dma_semaphore, #tpu.memory_space<semaphore_mem>>)
      %add3A_1313 = arith.constant 3 : i32
      %add3A_1314 = arith.addi %add3A_1289, %add3A_1313 : i32
      %mul3A_1315 = arith.constant 80 : i32
      %mul3A_1316 = arith.muli %add3A, %mul3A_1315 : i32
      %add3A_1317 = arith.addi %mul3A_1316, %add3A_1314 : i32
      %dma_start3A_1318 = arith.constant 0 : i32
      %dma_start3A_1319 = tpu.memref_slice %arg2[%add3A_1317, %dma_start3A_1318] : memref<2560x128xi32, #tpu.memory_space<hbm>> -> memref<1x128xi32, #tpu.memory_space<hbm>>
      %dma_start3A_1320 = tpu.memref_squeeze %dma_start3A_1319 : memref<1x128xi32, #tpu.memory_space<hbm>> -> memref<128xi32, #tpu.memory_space<hbm>>
      %dma_start3A_1321 = arith.constant 0 : i32
      %dma_start3A_1322 = tpu.memref_slice %arg2[%add3A_1317, %dma_start3A_1321] : memref<2560x128xi32, #tpu.memory_space<hbm>> -> memref<1x128xi32, #tpu.memory_space<hbm>>
      %dma_start3A_1323 = tpu.memref_squeeze %dma_start3A_1322 : memref<1x128xi32, #tpu.memory_space<hbm>> -> memref<128xi32, #tpu.memory_space<hbm>>
      tpu.enqueue_dma source(%dma_start3A_1323 : memref<128xi32, #tpu.memory_space<hbm>>) target(%arg8 : memref<128xi32, #tpu.memory_space<vmem>>) target_semaphore(%arg20 : memref<!tpu.dma_semaphore, #tpu.memory_space<semaphore_mem>>)
      %mul3A_1324 = arith.constant 80 : i32
      %mul3A_1325 = arith.muli %add3A, %mul3A_1324 : i32
      %add3A_1326 = arith.addi %mul3A_1325, %add3A_1314 : i32
      %dma_start3A_1327 = arith.constant 0 : i32
      %dma_start3A_1328 = tpu.memref_slice %arg3[%add3A_1326, %dma_start3A_1327] : memref<2560x128xi32, #tpu.memory_space<hbm>> -> memref<1x128xi32, #tpu.memory_space<hbm>>
      %dma_start3A_1329 = tpu.memref_squeeze %dma_start3A_1328 : memref<1x128xi32, #tpu.memory_space<hbm>> -> memref<128xi32, #tpu.memory_space<hbm>>
      %dma_start3A_1330 = arith.constant 0 : i32
      %dma_start3A_1331 = tpu.memref_slice %arg3[%add3A_1326, %dma_start3A_1330] : memref<2560x128xi32, #tpu.memory_space<hbm>> -> memref<1x128xi32, #tpu.memory_space<hbm>>
      %dma_start3A_1332 = tpu.memref_squeeze %dma_start3A_1331 : memref<1x128xi32, #tpu.memory_space<hbm>> -> memref<128xi32, #tpu.memory_space<hbm>>
      tpu.enqueue_dma source(%dma_start3A_1332 : memref<128xi32, #tpu.memory_space<hbm>>) target(%arg12 : memref<128xi32, #tpu.memory_space<vmem>>) target_semaphore(%arg20 : memref<!tpu.dma_semaphore, #tpu.memory_space<semaphore_mem>>)
      %dma_wait3A_1333 = arith.constant 0 : i32
      %dma_wait3A_1334 = arith.constant 0 : i32
      %dma_wait3A_1335 = tpu.memref_slice %arg4[%dma_wait3A_1333, %dma_wait3A_1334] : memref<10000x128xf32, #tpu.memory_space<hbm>> -> memref<128x128xf32, #tpu.memory_space<hbm>>
      %dma_wait3A_1336 = arith.constant 0 : i32
      %dma_wait3A_1337 = arith.constant 0 : i32
      %dma_wait3A_1338 = tpu.memref_slice %arg4[%dma_wait3A_1336, %dma_wait3A_1337] : memref<10000x128xf32, #tpu.memory_space<hbm>> -> memref<128x128xf32, #tpu.memory_space<hbm>>
      tpu.wait_dma2 semaphore(%arg25 : memref<!tpu.dma_semaphore, #tpu.memory_space<semaphore_mem>>) src(%dma_wait3A_1338 : memref<128x128xf32, #tpu.memory_space<hbm>>) dst(%arg17 : memref<128x128xf32, #tpu.memory_space<vmem>>)
      %dma_start3A_1339 = arith.constant 0 : i32
      %dma_start3A_1340 = arith.constant 0 : i32
      %dma_start3A_1341 = tpu.memref_slice %arg18[%dma_start3A_1339, %dma_start3A_1340] : memref<10240x128xf32, #tpu.memory_space<vmem_shared>> -> memref<10240x128xf32, #tpu.memory_space<vmem_shared>>
      tpu.enqueue_indirect_dma source(%arg17 : memref<128x128xf32, #tpu.memory_space<vmem>>) target(%dma_start3A_1341 : memref<10240x128xf32, #tpu.memory_space<vmem_shared>>) offsets(%arg13 : memref<128xi32, #tpu.memory_space<vmem>>) semaphore(%arg27 : memref<!tpu.dma_semaphore, #tpu.memory_space<semaphore_mem>>) {add = true}
      %mul3A_1342 = arith.constant 4 : i32
      %mul3A_1343 = arith.muli %mul3A_1342, %scan3A_1229 : i32
      %add3A_1344 = arith.constant 2 : i32
      %add3A_1345 = arith.addi %mul3A_1343, %add3A_1344 : i32
      %dma_wait3A_1346 = arith.constant 0 : i32
      %dma_wait3A_1347 = arith.constant 0 : i32
      %dma_wait3A_1348 = tpu.memref_slice %arg4[%dma_wait3A_1346, %dma_wait3A_1347] : memref<10000x128xf32, #tpu.memory_space<hbm>> -> memref<128x128xf32, #tpu.memory_space<hbm>>
      %dma_wait3A_1349 = arith.constant 0 : i32
      %dma_wait3A_1350 = arith.constant 0 : i32
      %dma_wait3A_1351 = tpu.memref_slice %arg4[%dma_wait3A_1349, %dma_wait3A_1350] : memref<10000x128xf32, #tpu.memory_space<hbm>> -> memref<128x128xf32, #tpu.memory_space<hbm>>
      tpu.wait_dma2 semaphore(%arg27 : memref<!tpu.dma_semaphore, #tpu.memory_space<semaphore_mem>>) src(%dma_wait3A_1351 : memref<128x128xf32, #tpu.memory_space<hbm>>) dst(%arg17 : memref<128x128xf32, #tpu.memory_space<vmem>>)
      %dma_wait3A_1352 = arith.constant 0 : i32
      %dma_wait3A_1353 = arith.constant 0 : i32
      %dma_wait3A_1354 = tpu.memref_slice %arg2[%dma_wait3A_1352, %dma_wait3A_1353] : memref<2560x128xi32, #tpu.memory_space<hbm>> -> memref<1x128xi32, #tpu.memory_space<hbm>>
      %dma_wait3A_1355 = tpu.memref_squeeze %dma_wait3A_1354 : memref<1x128xi32, #tpu.memory_space<hbm>> -> memref<128xi32, #tpu.memory_space<hbm>>
      %dma_wait3A_1356 = arith.constant 0 : i32
      %dma_wait3A_1357 = tpu.memref_slice %arg2[%dma_wait3A_1352, %dma_wait3A_1356] : memref<2560x128xi32, #tpu.memory_space<hbm>> -> memref<1x128xi32, #tpu.memory_space<hbm>>
      %dma_wait3A_1358 = tpu.memref_squeeze %dma_wait3A_1357 : memref<1x128xi32, #tpu.memory_space<hbm>> -> memref<128xi32, #tpu.memory_space<hbm>>
      tpu.wait_dma2 semaphore(%arg23 : memref<!tpu.dma_semaphore, #tpu.memory_space<semaphore_mem>>) src(%dma_wait3A_1358 : memref<128xi32, #tpu.memory_space<hbm>>) dst(%arg11 : memref<128xi32, #tpu.memory_space<vmem>>)
      %dma_wait3A_1359 = arith.constant 0 : i32
      %dma_wait3A_1360 = arith.constant 0 : i32
      %dma_wait3A_1361 = tpu.memref_slice %arg3[%dma_wait3A_1359, %dma_wait3A_1360] : memref<2560x128xi32, #tpu.memory_space<hbm>> -> memref<1x128xi32, #tpu.memory_space<hbm>>
      %dma_wait3A_1362 = tpu.memref_squeeze %dma_wait3A_1361 : memref<1x128xi32, #tpu.memory_space<hbm>> -> memref<128xi32, #tpu.memory_space<hbm>>
      %dma_wait3A_1363 = arith.constant 0 : i32
      %dma_wait3A_1364 = tpu.memref_slice %arg3[%dma_wait3A_1359, %dma_wait3A_1363] : memref<2560x128xi32, #tpu.memory_space<hbm>> -> memref<1x128xi32, #tpu.memory_space<hbm>>
      %dma_wait3A_1365 = tpu.memref_squeeze %dma_wait3A_1364 : memref<1x128xi32, #tpu.memory_space<hbm>> -> memref<128xi32, #tpu.memory_space<hbm>>
      tpu.wait_dma2 semaphore(%arg23 : memref<!tpu.dma_semaphore, #tpu.memory_space<semaphore_mem>>) src(%dma_wait3A_1365 : memref<128xi32, #tpu.memory_space<hbm>>) dst(%arg15 : memref<128xi32, #tpu.memory_space<vmem>>)
      %dma_start3A_1366 = arith.constant 0 : i32
      %dma_start3A_1367 = arith.constant 0 : i32
      %dma_start3A_1368 = tpu.memref_slice %arg4[%dma_start3A_1366, %dma_start3A_1367] : memref<10000x128xf32, #tpu.memory_space<hbm>> -> memref<10000x128xf32, #tpu.memory_space<hbm>>
      tpu.enqueue_indirect_dma source(%dma_start3A_1368 : memref<10000x128xf32, #tpu.memory_space<hbm>>) target(%arg17 : memref<128x128xf32, #tpu.memory_space<vmem>>) offsets(%arg11 : memref<128xi32, #tpu.memory_space<vmem>>) semaphore(%arg25 : memref<!tpu.dma_semaphore, #tpu.memory_space<semaphore_mem>>)
      %add3A_1369 = arith.constant 3 : i32
      %add3A_1370 = arith.addi %add3A_1345, %add3A_1369 : i32
      %mul3A_1371 = arith.constant 80 : i32
      %mul3A_1372 = arith.muli %add3A, %mul3A_1371 : i32
      %add3A_1373 = arith.addi %mul3A_1372, %add3A_1370 : i32
      %dma_start3A_1374 = arith.constant 0 : i32
      %dma_start3A_1375 = tpu.memref_slice %arg2[%add3A_1373, %dma_start3A_1374] : memref<2560x128xi32, #tpu.memory_space<hbm>> -> memref<1x128xi32, #tpu.memory_space<hbm>>
      %dma_start3A_1376 = tpu.memref_squeeze %dma_start3A_1375 : memref<1x128xi32, #tpu.memory_space<hbm>> -> memref<128xi32, #tpu.memory_space<hbm>>
      %dma_start3A_1377 = arith.constant 0 : i32
      %dma_start3A_1378 = tpu.memref_slice %arg2[%add3A_1373, %dma_start3A_1377] : memref<2560x128xi32, #tpu.memory_space<hbm>> -> memref<1x128xi32, #tpu.memory_space<hbm>>
      %dma_start3A_1379 = tpu.memref_squeeze %dma_start3A_1378 : memref<1x128xi32, #tpu.memory_space<hbm>> -> memref<128xi32, #tpu.memory_space<hbm>>
      tpu.enqueue_dma source(%dma_start3A_1379 : memref<128xi32, #tpu.memory_space<hbm>>) target(%arg9 : memref<128xi32, #tpu.memory_space<vmem>>) target_semaphore(%arg21 : memref<!tpu.dma_semaphore, #tpu.memory_space<semaphore_mem>>)
      %mul3A_1380 = arith.constant 80 : i32
      %mul3A_1381 = arith.muli %add3A, %mul3A_1380 : i32
      %add3A_1382 = arith.addi %mul3A_1381, %add3A_1370 : i32
      %dma_start3A_1383 = arith.constant 0 : i32
      %dma_start3A_1384 = tpu.memref_slice %arg3[%add3A_1382, %dma_start3A_1383] : memref<2560x128xi32, #tpu.memory_space<hbm>> -> memref<1x128xi32, #tpu.memory_space<hbm>>
      %dma_start3A_1385 = tpu.memref_squeeze %dma_start3A_1384 : memref<1x128xi32, #tpu.memory_space<hbm>> -> memref<128xi32, #tpu.memory_space<hbm>>
      %dma_start3A_1386 = arith.constant 0 : i32
      %dma_start3A_1387 = tpu.memref_slice %arg3[%add3A_1382, %dma_start3A_1386] : memref<2560x128xi32, #tpu.memory_space<hbm>> -> memref<1x128xi32, #tpu.memory_space<hbm>>
      %dma_start3A_1388 = tpu.memref_squeeze %dma_start3A_1387 : memref<1x128xi32, #tpu.memory_space<hbm>> -> memref<128xi32, #tpu.memory_space<hbm>>
      tpu.enqueue_dma source(%dma_start3A_1388 : memref<128xi32, #tpu.memory_space<hbm>>) target(%arg13 : memref<128xi32, #tpu.memory_space<vmem>>) target_semaphore(%arg21 : memref<!tpu.dma_semaphore, #tpu.memory_space<semaphore_mem>>)
      %dma_wait3A_1389 = arith.constant 0 : i32
      %dma_wait3A_1390 = arith.constant 0 : i32
      %dma_wait3A_1391 = tpu.memref_slice %arg4[%dma_wait3A_1389, %dma_wait3A_1390] : memref<10000x128xf32, #tpu.memory_space<hbm>> -> memref<128x128xf32, #tpu.memory_space<hbm>>
      %dma_wait3A_1392 = arith.constant 0 : i32
      %dma_wait3A_1393 = arith.constant 0 : i32
      %dma_wait3A_1394 = tpu.memref_slice %arg4[%dma_wait3A_1392, %dma_wait3A_1393] : memref<10000x128xf32, #tpu.memory_space<hbm>> -> memref<128x128xf32, #tpu.memory_space<hbm>>
      tpu.wait_dma2 semaphore(%arg24 : memref<!tpu.dma_semaphore, #tpu.memory_space<semaphore_mem>>) src(%dma_wait3A_1394 : memref<128x128xf32, #tpu.memory_space<hbm>>) dst(%arg16 : memref<128x128xf32, #tpu.memory_space<vmem>>)
      %dma_start3A_1395 = arith.constant 0 : i32
      %dma_start3A_1396 = arith.constant 0 : i32
      %dma_start3A_1397 = tpu.memref_slice %arg18[%dma_start3A_1395, %dma_start3A_1396] : memref<10240x128xf32, #tpu.memory_space<vmem_shared>> -> memref<10240x128xf32, #tpu.memory_space<vmem_shared>>
      tpu.enqueue_indirect_dma source(%arg16 : memref<128x128xf32, #tpu.memory_space<vmem>>) target(%dma_start3A_1397 : memref<10240x128xf32, #tpu.memory_space<vmem_shared>>) offsets(%arg14 : memref<128xi32, #tpu.memory_space<vmem>>) semaphore(%arg26 : memref<!tpu.dma_semaphore, #tpu.memory_space<semaphore_mem>>) {add = true}
      %mul3A_1398 = arith.constant 4 : i32
      %mul3A_1399 = arith.muli %mul3A_1398, %scan3A_1229 : i32
      %add3A_1400 = arith.constant 3 : i32
      %add3A_1401 = arith.addi %mul3A_1399, %add3A_1400 : i32
      %dma_wait3A_1402 = arith.constant 0 : i32
      %dma_wait3A_1403 = arith.constant 0 : i32
      %dma_wait3A_1404 = tpu.memref_slice %arg4[%dma_wait3A_1402, %dma_wait3A_1403] : memref<10000x128xf32, #tpu.memory_space<hbm>> -> memref<128x128xf32, #tpu.memory_space<hbm>>
      %dma_wait3A_1405 = arith.constant 0 : i32
      %dma_wait3A_1406 = arith.constant 0 : i32
      %dma_wait3A_1407 = tpu.memref_slice %arg4[%dma_wait3A_1405, %dma_wait3A_1406] : memref<10000x128xf32, #tpu.memory_space<hbm>> -> memref<128x128xf32, #tpu.memory_space<hbm>>
      tpu.wait_dma2 semaphore(%arg26 : memref<!tpu.dma_semaphore, #tpu.memory_space<semaphore_mem>>) src(%dma_wait3A_1407 : memref<128x128xf32, #tpu.memory_space<hbm>>) dst(%arg16 : memref<128x128xf32, #tpu.memory_space<vmem>>)
      %dma_wait3A_1408 = arith.constant 0 : i32
      %dma_wait3A_1409 = arith.constant 0 : i32
      %dma_wait3A_1410 = tpu.memref_slice %arg2[%dma_wait3A_1408, %dma_wait3A_1409] : memref<2560x128xi32, #tpu.memory_space<hbm>> -> memref<1x128xi32, #tpu.memory_space<hbm>>
      %dma_wait3A_1411 = tpu.memref_squeeze %dma_wait3A_1410 : memref<1x128xi32, #tpu.memory_space<hbm>> -> memref<128xi32, #tpu.memory_space<hbm>>
      %dma_wait3A_1412 = arith.constant 0 : i32
      %dma_wait3A_1413 = tpu.memref_slice %arg2[%dma_wait3A_1408, %dma_wait3A_1412] : memref<2560x128xi32, #tpu.memory_space<hbm>> -> memref<1x128xi32, #tpu.memory_space<hbm>>
      %dma_wait3A_1414 = tpu.memref_squeeze %dma_wait3A_1413 : memref<1x128xi32, #tpu.memory_space<hbm>> -> memref<128xi32, #tpu.memory_space<hbm>>
      tpu.wait_dma2 semaphore(%arg20 : memref<!tpu.dma_semaphore, #tpu.memory_space<semaphore_mem>>) src(%dma_wait3A_1414 : memref<128xi32, #tpu.memory_space<hbm>>) dst(%arg8 : memref<128xi32, #tpu.memory_space<vmem>>)
      %dma_wait3A_1415 = arith.constant 0 : i32
      %dma_wait3A_1416 = arith.constant 0 : i32
      %dma_wait3A_1417 = tpu.memref_slice %arg3[%dma_wait3A_1415, %dma_wait3A_1416] : memref<2560x128xi32, #tpu.memory_space<hbm>> -> memref<1x128xi32, #tpu.memory_space<hbm>>
      %dma_wait3A_1418 = tpu.memref_squeeze %dma_wait3A_1417 : memref<1x128xi32, #tpu.memory_space<hbm>> -> memref<128xi32, #tpu.memory_space<hbm>>
      %dma_wait3A_1419 = arith.constant 0 : i32
      %dma_wait3A_1420 = tpu.memref_slice %arg3[%dma_wait3A_1415, %dma_wait3A_1419] : memref<2560x128xi32, #tpu.memory_space<hbm>> -> memref<1x128xi32, #tpu.memory_space<hbm>>
      %dma_wait3A_1421 = tpu.memref_squeeze %dma_wait3A_1420 : memref<1x128xi32, #tpu.memory_space<hbm>> -> memref<128xi32, #tpu.memory_space<hbm>>
      tpu.wait_dma2 semaphore(%arg20 : memref<!tpu.dma_semaphore, #tpu.memory_space<semaphore_mem>>) src(%dma_wait3A_1421 : memref<128xi32, #tpu.memory_space<hbm>>) dst(%arg12 : memref<128xi32, #tpu.memory_space<vmem>>)
      %dma_start3A_1422 = arith.constant 0 : i32
      %dma_start3A_1423 = arith.constant 0 : i32
      %dma_start3A_1424 = tpu.memref_slice %arg4[%dma_start3A_1422, %dma_start3A_1423] : memref<10000x128xf32, #tpu.memory_space<hbm>> -> memref<10000x128xf32, #tpu.memory_space<hbm>>
      tpu.enqueue_indirect_dma source(%dma_start3A_1424 : memref<10000x128xf32, #tpu.memory_space<hbm>>) target(%arg16 : memref<128x128xf32, #tpu.memory_space<vmem>>) offsets(%arg8 : memref<128xi32, #tpu.memory_space<vmem>>) semaphore(%arg24 : memref<!tpu.dma_semaphore, #tpu.memory_space<semaphore_mem>>)
      %add3A_1425 = arith.constant 3 : i32
      %add3A_1426 = arith.addi %add3A_1401, %add3A_1425 : i32
      %mul3A_1427 = arith.constant 80 : i32
      %mul3A_1428 = arith.muli %add3A, %mul3A_1427 : i32
      %add3A_1429 = arith.addi %mul3A_1428, %add3A_1426 : i32
      %dma_start3A_1430 = arith.constant 0 : i32
      %dma_start3A_1431 = tpu.memref_slice %arg2[%add3A_1429, %dma_start3A_1430] : memref<2560x128xi32, #tpu.memory_space<hbm>> -> memref<1x128xi32, #tpu.memory_space<hbm>>
      %dma_start3A_1432 = tpu.memref_squeeze %dma_start3A_1431 : memref<1x128xi32, #tpu.memory_space<hbm>> -> memref<128xi32, #tpu.memory_space<hbm>>
      %dma_start3A_1433 = arith.constant 0 : i32
      %dma_start3A_1434 = tpu.memref_slice %arg2[%add3A_1429, %dma_start3A_1433] : memref<2560x128xi32, #tpu.memory_space<hbm>> -> memref<1x128xi32, #tpu.memory_space<hbm>>
      %dma_start3A_1435 = tpu.memref_squeeze %dma_start3A_1434 : memref<1x128xi32, #tpu.memory_space<hbm>> -> memref<128xi32, #tpu.memory_space<hbm>>
      tpu.enqueue_dma source(%dma_start3A_1435 : memref<128xi32, #tpu.memory_space<hbm>>) target(%arg10 : memref<128xi32, #tpu.memory_space<vmem>>) target_semaphore(%arg22 : memref<!tpu.dma_semaphore, #tpu.memory_space<semaphore_mem>>)
      %mul3A_1436 = arith.constant 80 : i32
      %mul3A_1437 = arith.muli %add3A, %mul3A_1436 : i32
      %add3A_1438 = arith.addi %mul3A_1437, %add3A_1426 : i32
      %dma_start3A_1439 = arith.constant 0 : i32
      %dma_start3A_1440 = tpu.memref_slice %arg3[%add3A_1438, %dma_start3A_1439] : memref<2560x128xi32, #tpu.memory_space<hbm>> -> memref<1x128xi32, #tpu.memory_space<hbm>>
      %dma_start3A_1441 = tpu.memref_squeeze %dma_start3A_1440 : memref<1x128xi32, #tpu.memory_space<hbm>> -> memref<128xi32, #tpu.memory_space<hbm>>
      %dma_start3A_1442 = arith.constant 0 : i32
      %dma_start3A_1443 = tpu.memref_slice %arg3[%add3A_1438, %dma_start3A_1442] : memref<2560x128xi32, #tpu.memory_space<hbm>> -> memref<1x128xi32, #tpu.memory_space<hbm>>
      %dma_start3A_1444 = tpu.memref_squeeze %dma_start3A_1443 : memref<1x128xi32, #tpu.memory_space<hbm>> -> memref<128xi32, #tpu.memory_space<hbm>>
      tpu.enqueue_dma source(%dma_start3A_1444 : memref<128xi32, #tpu.memory_space<hbm>>) target(%arg14 : memref<128xi32, #tpu.memory_space<vmem>>) target_semaphore(%arg22 : memref<!tpu.dma_semaphore, #tpu.memory_space<semaphore_mem>>)
      %dma_wait3A_1445 = arith.constant 0 : i32
      %dma_wait3A_1446 = arith.constant 0 : i32
      %dma_wait3A_1447 = tpu.memref_slice %arg4[%dma_wait3A_1445, %dma_wait3A_1446] : memref<10000x128xf32, #tpu.memory_space<hbm>> -> memref<128x128xf32, #tpu.memory_space<hbm>>
      %dma_wait3A_1448 = arith.constant 0 : i32
      %dma_wait3A_1449 = arith.constant 0 : i32
      %dma_wait3A_1450 = tpu.memref_slice %arg4[%dma_wait3A_1448, %dma_wait3A_1449] : memref<10000x128xf32, #tpu.memory_space<hbm>> -> memref<128x128xf32, #tpu.memory_space<hbm>>
      tpu.wait_dma2 semaphore(%arg25 : memref<!tpu.dma_semaphore, #tpu.memory_space<semaphore_mem>>) src(%dma_wait3A_1450 : memref<128x128xf32, #tpu.memory_space<hbm>>) dst(%arg17 : memref<128x128xf32, #tpu.memory_space<vmem>>)
      %dma_start3A_1451 = arith.constant 0 : i32
      %dma_start3A_1452 = arith.constant 0 : i32
      %dma_start3A_1453 = tpu.memref_slice %arg18[%dma_start3A_1451, %dma_start3A_1452] : memref<10240x128xf32, #tpu.memory_space<vmem_shared>> -> memref<10240x128xf32, #tpu.memory_space<vmem_shared>>
      tpu.enqueue_indirect_dma source(%arg17 : memref<128x128xf32, #tpu.memory_space<vmem>>) target(%dma_start3A_1453 : memref<10240x128xf32, #tpu.memory_space<vmem_shared>>) offsets(%arg15 : memref<128xi32, #tpu.memory_space<vmem>>) semaphore(%arg27 : memref<!tpu.dma_semaphore, #tpu.memory_space<semaphore_mem>>) {add = true}
    }
    %scan3A_660 = arith.constant 18 : i32
    %dma_wait3A_661 = arith.constant 0 : i32
    %dma_wait3A_662 = arith.constant 0 : i32
    %dma_wait3A_663 = tpu.memref_slice %arg4[%dma_wait3A_661, %dma_wait3A_662] : memref<10000x128xf32, #tpu.memory_space<hbm>> -> memref<128x128xf32, #tpu.memory_space<hbm>>
    %dma_wait3A_664 = arith.constant 0 : i32
    %dma_wait3A_665 = arith.constant 0 : i32
    %dma_wait3A_666 = tpu.memref_slice %arg4[%dma_wait3A_664, %dma_wait3A_665] : memref<10000x128xf32, #tpu.memory_space<hbm>> -> memref<128x128xf32, #tpu.memory_space<hbm>>
    tpu.wait_dma2 semaphore(%arg27 : memref<!tpu.dma_semaphore, #tpu.memory_space<semaphore_mem>>) src(%dma_wait3A_666 : memref<128x128xf32, #tpu.memory_space<hbm>>) dst(%arg17 : memref<128x128xf32, #tpu.memory_space<vmem>>)
    %dma_wait3A_667 = arith.constant 0 : i32
    %dma_wait3A_668 = arith.constant 0 : i32
    %dma_wait3A_669 = tpu.memref_slice %arg2[%dma_wait3A_667, %dma_wait3A_668] : memref<2560x128xi32, #tpu.memory_space<hbm>> -> memref<1x128xi32, #tpu.memory_space<hbm>>
    %dma_wait3A_670 = tpu.memref_squeeze %dma_wait3A_669 : memref<1x128xi32, #tpu.memory_space<hbm>> -> memref<128xi32, #tpu.memory_space<hbm>>
    %dma_wait3A_671 = arith.constant 0 : i32
    %dma_wait3A_672 = tpu.memref_slice %arg2[%dma_wait3A_667, %dma_wait3A_671] : memref<2560x128xi32, #tpu.memory_space<hbm>> -> memref<1x128xi32, #tpu.memory_space<hbm>>
    %dma_wait3A_673 = tpu.memref_squeeze %dma_wait3A_672 : memref<1x128xi32, #tpu.memory_space<hbm>> -> memref<128xi32, #tpu.memory_space<hbm>>
    tpu.wait_dma2 semaphore(%arg21 : memref<!tpu.dma_semaphore, #tpu.memory_space<semaphore_mem>>) src(%dma_wait3A_673 : memref<128xi32, #tpu.memory_space<hbm>>) dst(%arg9 : memref<128xi32, #tpu.memory_space<vmem>>)
    %dma_wait3A_674 = arith.constant 0 : i32
    %dma_wait3A_675 = arith.constant 0 : i32
    %dma_wait3A_676 = tpu.memref_slice %arg3[%dma_wait3A_674, %dma_wait3A_675] : memref<2560x128xi32, #tpu.memory_space<hbm>> -> memref<1x128xi32, #tpu.memory_space<hbm>>
    %dma_wait3A_677 = tpu.memref_squeeze %dma_wait3A_676 : memref<1x128xi32, #tpu.memory_space<hbm>> -> memref<128xi32, #tpu.memory_space<hbm>>
    %dma_wait3A_678 = arith.constant 0 : i32
    %dma_wait3A_679 = tpu.memref_slice %arg3[%dma_wait3A_674, %dma_wait3A_678] : memref<2560x128xi32, #tpu.memory_space<hbm>> -> memref<1x128xi32, #tpu.memory_space<hbm>>
    %dma_wait3A_680 = tpu.memref_squeeze %dma_wait3A_679 : memref<1x128xi32, #tpu.memory_space<hbm>> -> memref<128xi32, #tpu.memory_space<hbm>>
    tpu.wait_dma2 semaphore(%arg21 : memref<!tpu.dma_semaphore, #tpu.memory_space<semaphore_mem>>) src(%dma_wait3A_680 : memref<128xi32, #tpu.memory_space<hbm>>) dst(%arg13 : memref<128xi32, #tpu.memory_space<vmem>>)
    %dma_start3A_681 = arith.constant 0 : i32
    %dma_start3A_682 = arith.constant 0 : i32
    %dma_start3A_683 = tpu.memref_slice %arg4[%dma_start3A_681, %dma_start3A_682] : memref<10000x128xf32, #tpu.memory_space<hbm>> -> memref<10000x128xf32, #tpu.memory_space<hbm>>
    tpu.enqueue_indirect_dma source(%dma_start3A_683 : memref<10000x128xf32, #tpu.memory_space<hbm>>) target(%arg17 : memref<128x128xf32, #tpu.memory_space<vmem>>) offsets(%arg9 : memref<128xi32, #tpu.memory_space<vmem>>) semaphore(%arg25 : memref<!tpu.dma_semaphore, #tpu.memory_space<semaphore_mem>>)
    %mul3A_684 = arith.constant 80 : i32
    %mul3A_685 = arith.muli %add3A, %mul3A_684 : i32
    %add3A_686 = arith.constant 79 : i32
    %add3A_687 = arith.addi %mul3A_685, %add3A_686 : i32
    %dma_start3A_688 = arith.constant 0 : i32
    %dma_start3A_689 = tpu.memref_slice %arg2[%add3A_687, %dma_start3A_688] : memref<2560x128xi32, #tpu.memory_space<hbm>> -> memref<1x128xi32, #tpu.memory_space<hbm>>
    %dma_start3A_690 = tpu.memref_squeeze %dma_start3A_689 : memref<1x128xi32, #tpu.memory_space<hbm>> -> memref<128xi32, #tpu.memory_space<hbm>>
    %dma_start3A_691 = arith.constant 0 : i32
    %dma_start3A_692 = tpu.memref_slice %arg2[%add3A_687, %dma_start3A_691] : memref<2560x128xi32, #tpu.memory_space<hbm>> -> memref<1x128xi32, #tpu.memory_space<hbm>>
    %dma_start3A_693 = tpu.memref_squeeze %dma_start3A_692 : memref<1x128xi32, #tpu.memory_space<hbm>> -> memref<128xi32, #tpu.memory_space<hbm>>
    tpu.enqueue_dma source(%dma_start3A_693 : memref<128xi32, #tpu.memory_space<hbm>>) target(%arg11 : memref<128xi32, #tpu.memory_space<vmem>>) target_semaphore(%arg23 : memref<!tpu.dma_semaphore, #tpu.memory_space<semaphore_mem>>)
    %mul3A_694 = arith.constant 80 : i32
    %mul3A_695 = arith.muli %add3A, %mul3A_694 : i32
    %add3A_696 = arith.constant 79 : i32
    %add3A_697 = arith.addi %mul3A_695, %add3A_696 : i32
    %dma_start3A_698 = arith.constant 0 : i32
    %dma_start3A_699 = tpu.memref_slice %arg3[%add3A_697, %dma_start3A_698] : memref<2560x128xi32, #tpu.memory_space<hbm>> -> memref<1x128xi32, #tpu.memory_space<hbm>>
    %dma_start3A_700 = tpu.memref_squeeze %dma_start3A_699 : memref<1x128xi32, #tpu.memory_space<hbm>> -> memref<128xi32, #tpu.memory_space<hbm>>
    %dma_start3A_701 = arith.constant 0 : i32
    %dma_start3A_702 = tpu.memref_slice %arg3[%add3A_697, %dma_start3A_701] : memref<2560x128xi32, #tpu.memory_space<hbm>> -> memref<1x128xi32, #tpu.memory_space<hbm>>
    %dma_start3A_703 = tpu.memref_squeeze %dma_start3A_702 : memref<1x128xi32, #tpu.memory_space<hbm>> -> memref<128xi32, #tpu.memory_space<hbm>>
    tpu.enqueue_dma source(%dma_start3A_703 : memref<128xi32, #tpu.memory_space<hbm>>) target(%arg15 : memref<128xi32, #tpu.memory_space<vmem>>) target_semaphore(%arg23 : memref<!tpu.dma_semaphore, #tpu.memory_space<semaphore_mem>>)
    %dma_wait3A_704 = arith.constant 0 : i32
    %dma_wait3A_705 = arith.constant 0 : i32
    %dma_wait3A_706 = tpu.memref_slice %arg4[%dma_wait3A_704, %dma_wait3A_705] : memref<10000x128xf32, #tpu.memory_space<hbm>> -> memref<128x128xf32, #tpu.memory_space<hbm>>
    %dma_wait3A_707 = arith.constant 0 : i32
    %dma_wait3A_708 = arith.constant 0 : i32
    %dma_wait3A_709 = tpu.memref_slice %arg4[%dma_wait3A_707, %dma_wait3A_708] : memref<10000x128xf32, #tpu.memory_space<hbm>> -> memref<128x128xf32, #tpu.memory_space<hbm>>
    tpu.wait_dma2 semaphore(%arg24 : memref<!tpu.dma_semaphore, #tpu.memory_space<semaphore_mem>>) src(%dma_wait3A_709 : memref<128x128xf32, #tpu.memory_space<hbm>>) dst(%arg16 : memref<128x128xf32, #tpu.memory_space<vmem>>)
    %dma_start3A_710 = arith.constant 0 : i32
    %dma_start3A_711 = arith.constant 0 : i32
    %dma_start3A_712 = tpu.memref_slice %arg18[%dma_start3A_710, %dma_start3A_711] : memref<10240x128xf32, #tpu.memory_space<vmem_shared>> -> memref<10240x128xf32, #tpu.memory_space<vmem_shared>>
    tpu.enqueue_indirect_dma source(%arg16 : memref<128x128xf32, #tpu.memory_space<vmem>>) target(%dma_start3A_712 : memref<10240x128xf32, #tpu.memory_space<vmem_shared>>) offsets(%arg12 : memref<128xi32, #tpu.memory_space<vmem>>) semaphore(%arg26 : memref<!tpu.dma_semaphore, #tpu.memory_space<semaphore_mem>>) {add = true}
    %dma_wait3A_713 = arith.constant 0 : i32
    %dma_wait3A_714 = arith.constant 0 : i32
    %dma_wait3A_715 = tpu.memref_slice %arg4[%dma_wait3A_713, %dma_wait3A_714] : memref<10000x128xf32, #tpu.memory_space<hbm>> -> memref<128x128xf32, #tpu.memory_space<hbm>>
    %dma_wait3A_716 = arith.constant 0 : i32
    %dma_wait3A_717 = arith.constant 0 : i32
    %dma_wait3A_718 = tpu.memref_slice %arg4[%dma_wait3A_716, %dma_wait3A_717] : memref<10000x128xf32, #tpu.memory_space<hbm>> -> memref<128x128xf32, #tpu.memory_space<hbm>>
    tpu.wait_dma2 semaphore(%arg26 : memref<!tpu.dma_semaphore, #tpu.memory_space<semaphore_mem>>) src(%dma_wait3A_718 : memref<128x128xf32, #tpu.memory_space<hbm>>) dst(%arg16 : memref<128x128xf32, #tpu.memory_space<vmem>>)
    %dma_wait3A_719 = arith.constant 0 : i32
    %dma_wait3A_720 = arith.constant 0 : i32
    %dma_wait3A_721 = tpu.memref_slice %arg2[%dma_wait3A_719, %dma_wait3A_720] : memref<2560x128xi32, #tpu.memory_space<hbm>> -> memref<1x128xi32, #tpu.memory_space<hbm>>
    %dma_wait3A_722 = tpu.memref_squeeze %dma_wait3A_721 : memref<1x128xi32, #tpu.memory_space<hbm>> -> memref<128xi32, #tpu.memory_space<hbm>>
    %dma_wait3A_723 = arith.constant 0 : i32
    %dma_wait3A_724 = tpu.memref_slice %arg2[%dma_wait3A_719, %dma_wait3A_723] : memref<2560x128xi32, #tpu.memory_space<hbm>> -> memref<1x128xi32, #tpu.memory_space<hbm>>
    %dma_wait3A_725 = tpu.memref_squeeze %dma_wait3A_724 : memref<1x128xi32, #tpu.memory_space<hbm>> -> memref<128xi32, #tpu.memory_space<hbm>>
    tpu.wait_dma2 semaphore(%arg22 : memref<!tpu.dma_semaphore, #tpu.memory_space<semaphore_mem>>) src(%dma_wait3A_725 : memref<128xi32, #tpu.memory_space<hbm>>) dst(%arg10 : memref<128xi32, #tpu.memory_space<vmem>>)
    %dma_wait3A_726 = arith.constant 0 : i32
    %dma_wait3A_727 = arith.constant 0 : i32
    %dma_wait3A_728 = tpu.memref_slice %arg3[%dma_wait3A_726, %dma_wait3A_727] : memref<2560x128xi32, #tpu.memory_space<hbm>> -> memref<1x128xi32, #tpu.memory_space<hbm>>
    %dma_wait3A_729 = tpu.memref_squeeze %dma_wait3A_728 : memref<1x128xi32, #tpu.memory_space<hbm>> -> memref<128xi32, #tpu.memory_space<hbm>>
    %dma_wait3A_730 = arith.constant 0 : i32
    %dma_wait3A_731 = tpu.memref_slice %arg3[%dma_wait3A_726, %dma_wait3A_730] : memref<2560x128xi32, #tpu.memory_space<hbm>> -> memref<1x128xi32, #tpu.memory_space<hbm>>
    %dma_wait3A_732 = tpu.memref_squeeze %dma_wait3A_731 : memref<1x128xi32, #tpu.memory_space<hbm>> -> memref<128xi32, #tpu.memory_space<hbm>>
    tpu.wait_dma2 semaphore(%arg22 : memref<!tpu.dma_semaphore, #tpu.memory_space<semaphore_mem>>) src(%dma_wait3A_732 : memref<128xi32, #tpu.memory_space<hbm>>) dst(%arg14 : memref<128xi32, #tpu.memory_space<vmem>>)
    %dma_start3A_733 = arith.constant 0 : i32
    %dma_start3A_734 = arith.constant 0 : i32
    %dma_start3A_735 = tpu.memref_slice %arg4[%dma_start3A_733, %dma_start3A_734] : memref<10000x128xf32, #tpu.memory_space<hbm>> -> memref<10000x128xf32, #tpu.memory_space<hbm>>
    tpu.enqueue_indirect_dma source(%dma_start3A_735 : memref<10000x128xf32, #tpu.memory_space<hbm>>) target(%arg16 : memref<128x128xf32, #tpu.memory_space<vmem>>) offsets(%arg10 : memref<128xi32, #tpu.memory_space<vmem>>) semaphore(%arg24 : memref<!tpu.dma_semaphore, #tpu.memory_space<semaphore_mem>>)
    %dma_wait3A_736 = arith.constant 0 : i32
    %dma_wait3A_737 = arith.constant 0 : i32
    %dma_wait3A_738 = tpu.memref_slice %arg4[%dma_wait3A_736, %dma_wait3A_737] : memref<10000x128xf32, #tpu.memory_space<hbm>> -> memref<128x128xf32, #tpu.memory_space<hbm>>
    %dma_wait3A_739 = arith.constant 0 : i32
    %dma_wait3A_740 = arith.constant 0 : i32
    %dma_wait3A_741 = tpu.memref_slice %arg4[%dma_wait3A_739, %dma_wait3A_740] : memref<10000x128xf32, #tpu.memory_space<hbm>> -> memref<128x128xf32, #tpu.memory_space<hbm>>
    tpu.wait_dma2 semaphore(%arg25 : memref<!tpu.dma_semaphore, #tpu.memory_space<semaphore_mem>>) src(%dma_wait3A_741 : memref<128x128xf32, #tpu.memory_space<hbm>>) dst(%arg17 : memref<128x128xf32, #tpu.memory_space<vmem>>)
    %dma_start3A_742 = arith.constant 0 : i32
    %dma_start3A_743 = arith.constant 0 : i32
    %dma_start3A_744 = tpu.memref_slice %arg18[%dma_start3A_742, %dma_start3A_743] : memref<10240x128xf32, #tpu.memory_space<vmem_shared>> -> memref<10240x128xf32, #tpu.memory_space<vmem_shared>>
    tpu.enqueue_indirect_dma source(%arg17 : memref<128x128xf32, #tpu.memory_space<vmem>>) target(%dma_start3A_744 : memref<10240x128xf32, #tpu.memory_space<vmem_shared>>) offsets(%arg13 : memref<128xi32, #tpu.memory_space<vmem>>) semaphore(%arg27 : memref<!tpu.dma_semaphore, #tpu.memory_space<semaphore_mem>>) {add = true}
    %dma_wait3A_745 = arith.constant 0 : i32
    %dma_wait3A_746 = arith.constant 0 : i32
    %dma_wait3A_747 = tpu.memref_slice %arg4[%dma_wait3A_745, %dma_wait3A_746] : memref<10000x128xf32, #tpu.memory_space<hbm>> -> memref<128x128xf32, #tpu.memory_space<hbm>>
    %dma_wait3A_748 = arith.constant 0 : i32
    %dma_wait3A_749 = arith.constant 0 : i32
    %dma_wait3A_750 = tpu.memref_slice %arg4[%dma_wait3A_748, %dma_wait3A_749] : memref<10000x128xf32, #tpu.memory_space<hbm>> -> memref<128x128xf32, #tpu.memory_space<hbm>>
    tpu.wait_dma2 semaphore(%arg27 : memref<!tpu.dma_semaphore, #tpu.memory_space<semaphore_mem>>) src(%dma_wait3A_750 : memref<128x128xf32, #tpu.memory_space<hbm>>) dst(%arg17 : memref<128x128xf32, #tpu.memory_space<vmem>>)
    %dma_wait3A_751 = arith.constant 0 : i32
    %dma_wait3A_752 = arith.constant 0 : i32
    %dma_wait3A_753 = tpu.memref_slice %arg2[%dma_wait3A_751, %dma_wait3A_752] : memref<2560x128xi32, #tpu.memory_space<hbm>> -> memref<1x128xi32, #tpu.memory_space<hbm>>
    %dma_wait3A_754 = tpu.memref_squeeze %dma_wait3A_753 : memref<1x128xi32, #tpu.memory_space<hbm>> -> memref<128xi32, #tpu.memory_space<hbm>>
    %dma_wait3A_755 = arith.constant 0 : i32
    %dma_wait3A_756 = tpu.memref_slice %arg2[%dma_wait3A_751, %dma_wait3A_755] : memref<2560x128xi32, #tpu.memory_space<hbm>> -> memref<1x128xi32, #tpu.memory_space<hbm>>
    %dma_wait3A_757 = tpu.memref_squeeze %dma_wait3A_756 : memref<1x128xi32, #tpu.memory_space<hbm>> -> memref<128xi32, #tpu.memory_space<hbm>>
    tpu.wait_dma2 semaphore(%arg23 : memref<!tpu.dma_semaphore, #tpu.memory_space<semaphore_mem>>) src(%dma_wait3A_757 : memref<128xi32, #tpu.memory_space<hbm>>) dst(%arg11 : memref<128xi32, #tpu.memory_space<vmem>>)
    %dma_wait3A_758 = arith.constant 0 : i32
    %dma_wait3A_759 = arith.constant 0 : i32
    %dma_wait3A_760 = tpu.memref_slice %arg3[%dma_wait3A_758, %dma_wait3A_759] : memref<2560x128xi32, #tpu.memory_space<hbm>> -> memref<1x128xi32, #tpu.memory_space<hbm>>
    %dma_wait3A_761 = tpu.memref_squeeze %dma_wait3A_760 : memref<1x128xi32, #tpu.memory_space<hbm>> -> memref<128xi32, #tpu.memory_space<hbm>>
    %dma_wait3A_762 = arith.constant 0 : i32
    %dma_wait3A_763 = tpu.memref_slice %arg3[%dma_wait3A_758, %dma_wait3A_762] : memref<2560x128xi32, #tpu.memory_space<hbm>> -> memref<1x128xi32, #tpu.memory_space<hbm>>
    %dma_wait3A_764 = tpu.memref_squeeze %dma_wait3A_763 : memref<1x128xi32, #tpu.memory_space<hbm>> -> memref<128xi32, #tpu.memory_space<hbm>>
    tpu.wait_dma2 semaphore(%arg23 : memref<!tpu.dma_semaphore, #tpu.memory_space<semaphore_mem>>) src(%dma_wait3A_764 : memref<128xi32, #tpu.memory_space<hbm>>) dst(%arg15 : memref<128xi32, #tpu.memory_space<vmem>>)
    %dma_start3A_765 = arith.constant 0 : i32
    %dma_start3A_766 = arith.constant 0 : i32
    %dma_start3A_767 = tpu.memref_slice %arg4[%dma_start3A_765, %dma_start3A_766] : memref<10000x128xf32, #tpu.memory_space<hbm>> -> memref<10000x128xf32, #tpu.memory_space<hbm>>
    tpu.enqueue_indirect_dma source(%dma_start3A_767 : memref<10000x128xf32, #tpu.memory_space<hbm>>) target(%arg17 : memref<128x128xf32, #tpu.memory_space<vmem>>) offsets(%arg11 : memref<128xi32, #tpu.memory_space<vmem>>) semaphore(%arg25 : memref<!tpu.dma_semaphore, #tpu.memory_space<semaphore_mem>>)
    %dma_wait3A_768 = arith.constant 0 : i32
    %dma_wait3A_769 = arith.constant 0 : i32
    %dma_wait3A_770 = tpu.memref_slice %arg4[%dma_wait3A_768, %dma_wait3A_769] : memref<10000x128xf32, #tpu.memory_space<hbm>> -> memref<128x128xf32, #tpu.memory_space<hbm>>
    %dma_wait3A_771 = arith.constant 0 : i32
    %dma_wait3A_772 = arith.constant 0 : i32
    %dma_wait3A_773 = tpu.memref_slice %arg4[%dma_wait3A_771, %dma_wait3A_772] : memref<10000x128xf32, #tpu.memory_space<hbm>> -> memref<128x128xf32, #tpu.memory_space<hbm>>
    tpu.wait_dma2 semaphore(%arg24 : memref<!tpu.dma_semaphore, #tpu.memory_space<semaphore_mem>>) src(%dma_wait3A_773 : memref<128x128xf32, #tpu.memory_space<hbm>>) dst(%arg16 : memref<128x128xf32, #tpu.memory_space<vmem>>)
    %dma_start3A_774 = arith.constant 0 : i32
    %dma_start3A_775 = arith.constant 0 : i32
    %dma_start3A_776 = tpu.memref_slice %arg18[%dma_start3A_774, %dma_start3A_775] : memref<10240x128xf32, #tpu.memory_space<vmem_shared>> -> memref<10240x128xf32, #tpu.memory_space<vmem_shared>>
    tpu.enqueue_indirect_dma source(%arg16 : memref<128x128xf32, #tpu.memory_space<vmem>>) target(%dma_start3A_776 : memref<10240x128xf32, #tpu.memory_space<vmem_shared>>) offsets(%arg14 : memref<128xi32, #tpu.memory_space<vmem>>) semaphore(%arg26 : memref<!tpu.dma_semaphore, #tpu.memory_space<semaphore_mem>>) {add = true}
    %dma_wait3A_777 = arith.constant 0 : i32
    %dma_wait3A_778 = arith.constant 0 : i32
    %dma_wait3A_779 = tpu.memref_slice %arg4[%dma_wait3A_777, %dma_wait3A_778] : memref<10000x128xf32, #tpu.memory_space<hbm>> -> memref<128x128xf32, #tpu.memory_space<hbm>>
    %dma_wait3A_780 = arith.constant 0 : i32
    %dma_wait3A_781 = arith.constant 0 : i32
    %dma_wait3A_782 = tpu.memref_slice %arg4[%dma_wait3A_780, %dma_wait3A_781] : memref<10000x128xf32, #tpu.memory_space<hbm>> -> memref<128x128xf32, #tpu.memory_space<hbm>>
    tpu.wait_dma2 semaphore(%arg26 : memref<!tpu.dma_semaphore, #tpu.memory_space<semaphore_mem>>) src(%dma_wait3A_782 : memref<128x128xf32, #tpu.memory_space<hbm>>) dst(%arg16 : memref<128x128xf32, #tpu.memory_space<vmem>>)
    %dma_wait3A_783 = arith.constant 0 : i32
    %dma_wait3A_784 = arith.constant 0 : i32
    %dma_wait3A_785 = tpu.memref_slice %arg4[%dma_wait3A_783, %dma_wait3A_784] : memref<10000x128xf32, #tpu.memory_space<hbm>> -> memref<128x128xf32, #tpu.memory_space<hbm>>
    %dma_wait3A_786 = arith.constant 0 : i32
    %dma_wait3A_787 = arith.constant 0 : i32
    %dma_wait3A_788 = tpu.memref_slice %arg4[%dma_wait3A_786, %dma_wait3A_787] : memref<10000x128xf32, #tpu.memory_space<hbm>> -> memref<128x128xf32, #tpu.memory_space<hbm>>
    tpu.wait_dma2 semaphore(%arg25 : memref<!tpu.dma_semaphore, #tpu.memory_space<semaphore_mem>>) src(%dma_wait3A_788 : memref<128x128xf32, #tpu.memory_space<hbm>>) dst(%arg17 : memref<128x128xf32, #tpu.memory_space<vmem>>)
    %dma_start3A_789 = arith.constant 0 : i32
    %dma_start3A_790 = arith.constant 0 : i32
    %dma_start3A_791 = tpu.memref_slice %arg18[%dma_start3A_789, %dma_start3A_790] : memref<10240x128xf32, #tpu.memory_space<vmem_shared>> -> memref<10240x128xf32, #tpu.memory_space<vmem_shared>>
    tpu.enqueue_indirect_dma source(%arg17 : memref<128x128xf32, #tpu.memory_space<vmem>>) target(%dma_start3A_791 : memref<10240x128xf32, #tpu.memory_space<vmem_shared>>) offsets(%arg15 : memref<128xi32, #tpu.memory_space<vmem>>) semaphore(%arg27 : memref<!tpu.dma_semaphore, #tpu.memory_space<semaphore_mem>>) {add = true}
    %dma_wait3A_792 = arith.constant 0 : i32
    %dma_wait3A_793 = arith.constant 0 : i32
    %dma_wait3A_794 = tpu.memref_slice %arg4[%dma_wait3A_792, %dma_wait3A_793] : memref<10000x128xf32, #tpu.memory_space<hbm>> -> memref<128x128xf32, #tpu.memory_space<hbm>>
    %dma_wait3A_795 = arith.constant 0 : i32
    %dma_wait3A_796 = arith.constant 0 : i32
    %dma_wait3A_797 = tpu.memref_slice %arg4[%dma_wait3A_795, %dma_wait3A_796] : memref<10000x128xf32, #tpu.memory_space<hbm>> -> memref<128x128xf32, #tpu.memory_space<hbm>>
    tpu.wait_dma2 semaphore(%arg27 : memref<!tpu.dma_semaphore, #tpu.memory_space<semaphore_mem>>) src(%dma_wait3A_797 : memref<128x128xf32, #tpu.memory_space<hbm>>) dst(%arg17 : memref<128x128xf32, #tpu.memory_space<vmem>>)
    %barrier3A_798 = arith.constant 0 : index
    tpu.barrier barrier_id(%barrier3A_798)
    %mul3A_799 = arith.constant 640 : i32
    %mul3A_800 = arith.muli %arg1, %mul3A_799 : i32
    %add3A_801 = arith.constant 0 : i32
    %add3A_802 = arith.addi %mul3A_800, %add3A_801 : i32
    %iota3A_803 = tpu.iota {dimensions = array<i32: 0>} : vector<16xi32>
    %add3A_804 = arith.constant 0 : i32
    %add3A_805 = arith.addi %add3A_802, %add3A_804 : i32
    %add3A_806 = vector.broadcast %add3A_805 : i32 to vector<16xi32>
    %add3A_807 = arith.addi %iota3A_803, %add3A_806 : vector<16xi32>
    %swap3A_808 = arith.constant 0 : index
    %swap3A_809 = tpu.vector_load %arg7[%swap3A_808] {strides = array<i32>} : memref<128xi32, #tpu.memory_space<vmem>>, vector<16xi32>,
    %swap3A_810 = vector.shape_cast %swap3A_809 : vector<16xi32> to vector<16xi32>
    %swap3A_811 = vector.shape_cast %add3A_807 : vector<16xi32> to vector<16xi32>
    tpu.vector_store %arg7[%swap3A_808], %swap3A_811 {strides = array<i32>} : memref<128xi32, #tpu.memory_space<vmem>>, vector<16xi32>,
    %iota3A_812 = tpu.iota {dimensions = array<i32: 0>} : vector<16xi32>
    %add3A_813 = arith.constant 16 : i32
    %add3A_814 = arith.addi %add3A_802, %add3A_813 : i32
    %add3A_815 = vector.broadcast %add3A_814 : i32 to vector<16xi32>
    %add3A_816 = arith.addi %iota3A_812, %add3A_815 : vector<16xi32>
    %swap3A_817 = arith.constant 16 : index
    %swap3A_818 = tpu.vector_load %arg7[%swap3A_817] {strides = array<i32>} : memref<128xi32, #tpu.memory_space<vmem>>, vector<16xi32>,
    %swap3A_819 = vector.shape_cast %swap3A_818 : vector<16xi32> to vector<16xi32>
    %swap3A_820 = vector.shape_cast %add3A_816 : vector<16xi32> to vector<16xi32>
    tpu.vector_store %arg7[%swap3A_817], %swap3A_820 {strides = array<i32>} : memref<128xi32, #tpu.memory_space<vmem>>, vector<16xi32>,
    %iota3A_821 = tpu.iota {dimensions = array<i32: 0>} : vector<16xi32>
    %add3A_822 = arith.constant 32 : i32
    %add3A_823 = arith.addi %add3A_802, %add3A_822 : i32
    %add3A_824 = vector.broadcast %add3A_823 : i32 to vector<16xi32>
    %add3A_825 = arith.addi %iota3A_821, %add3A_824 : vector<16xi32>
    %swap3A_826 = arith.constant 32 : index
    %swap3A_827 = tpu.vector_load %arg7[%swap3A_826] {strides = array<i32>} : memref<128xi32, #tpu.memory_space<vmem>>, vector<16xi32>,
    %swap3A_828 = vector.shape_cast %swap3A_827 : vector<16xi32> to vector<16xi32>
    %swap3A_829 = vector.shape_cast %add3A_825 : vector<16xi32> to vector<16xi32>
    tpu.vector_store %arg7[%swap3A_826], %swap3A_829 {strides = array<i32>} : memref<128xi32, #tpu.memory_space<vmem>>, vector<16xi32>,
    %iota3A_830 = tpu.iota {dimensions = array<i32: 0>} : vector<16xi32>
    %add3A_831 = arith.constant 48 : i32
    %add3A_832 = arith.addi %add3A_802, %add3A_831 : i32
    %add3A_833 = vector.broadcast %add3A_832 : i32 to vector<16xi32>
    %add3A_834 = arith.addi %iota3A_830, %add3A_833 : vector<16xi32>
    %swap3A_835 = arith.constant 48 : index
    %swap3A_836 = tpu.vector_load %arg7[%swap3A_835] {strides = array<i32>} : memref<128xi32, #tpu.memory_space<vmem>>, vector<16xi32>,
    %swap3A_837 = vector.shape_cast %swap3A_836 : vector<16xi32> to vector<16xi32>
    %swap3A_838 = vector.shape_cast %add3A_834 : vector<16xi32> to vector<16xi32>
    tpu.vector_store %arg7[%swap3A_835], %swap3A_838 {strides = array<i32>} : memref<128xi32, #tpu.memory_space<vmem>>, vector<16xi32>,
    %iota3A_839 = tpu.iota {dimensions = array<i32: 0>} : vector<16xi32>
    %add3A_840 = arith.constant 64 : i32
    %add3A_841 = arith.addi %add3A_802, %add3A_840 : i32
    %add3A_842 = vector.broadcast %add3A_841 : i32 to vector<16xi32>
    %add3A_843 = arith.addi %iota3A_839, %add3A_842 : vector<16xi32>
    %swap3A_844 = arith.constant 64 : index
    %swap3A_845 = tpu.vector_load %arg7[%swap3A_844] {strides = array<i32>} : memref<128xi32, #tpu.memory_space<vmem>>, vector<16xi32>,
    %swap3A_846 = vector.shape_cast %swap3A_845 : vector<16xi32> to vector<16xi32>
    %swap3A_847 = vector.shape_cast %add3A_843 : vector<16xi32> to vector<16xi32>
    tpu.vector_store %arg7[%swap3A_844], %swap3A_847 {strides = array<i32>} : memref<128xi32, #tpu.memory_space<vmem>>, vector<16xi32>,
    %iota3A_848 = tpu.iota {dimensions = array<i32: 0>} : vector<16xi32>
    %add3A_849 = arith.constant 80 : i32
    %add3A_850 = arith.addi %add3A_802, %add3A_849 : i32
    %add3A_851 = vector.broadcast %add3A_850 : i32 to vector<16xi32>
    %add3A_852 = arith.addi %iota3A_848, %add3A_851 : vector<16xi32>
    %swap3A_853 = arith.constant 80 : index
    %swap3A_854 = tpu.vector_load %arg7[%swap3A_853] {strides = array<i32>} : memref<128xi32, #tpu.memory_space<vmem>>, vector<16xi32>,
    %swap3A_855 = vector.shape_cast %swap3A_854 : vector<16xi32> to vector<16xi32>
    %swap3A_856 = vector.shape_cast %add3A_852 : vector<16xi32> to vector<16xi32>
    tpu.vector_store %arg7[%swap3A_853], %swap3A_856 {strides = array<i32>} : memref<128xi32, #tpu.memory_space<vmem>>, vector<16xi32>,
    %iota3A_857 = tpu.iota {dimensions = array<i32: 0>} : vector<16xi32>
    %add3A_858 = arith.constant 96 : i32
    %add3A_859 = arith.addi %add3A_802, %add3A_858 : i32
    %add3A_860 = vector.broadcast %add3A_859 : i32 to vector<16xi32>
    %add3A_861 = arith.addi %iota3A_857, %add3A_860 : vector<16xi32>
    %swap3A_862 = arith.constant 96 : index
    %swap3A_863 = tpu.vector_load %arg7[%swap3A_862] {strides = array<i32>} : memref<128xi32, #tpu.memory_space<vmem>>, vector<16xi32>,
    %swap3A_864 = vector.shape_cast %swap3A_863 : vector<16xi32> to vector<16xi32>
    %swap3A_865 = vector.shape_cast %add3A_861 : vector<16xi32> to vector<16xi32>
    tpu.vector_store %arg7[%swap3A_862], %swap3A_865 {strides = array<i32>} : memref<128xi32, #tpu.memory_space<vmem>>, vector<16xi32>,
    %iota3A_866 = tpu.iota {dimensions = array<i32: 0>} : vector<16xi32>
    %add3A_867 = arith.constant 112 : i32
    %add3A_868 = arith.addi %add3A_802, %add3A_867 : i32
    %add3A_869 = vector.broadcast %add3A_868 : i32 to vector<16xi32>
    %add3A_870 = arith.addi %iota3A_866, %add3A_869 : vector<16xi32>
    %swap3A_871 = arith.constant 112 : index
    %swap3A_872 = tpu.vector_load %arg7[%swap3A_871] {strides = array<i32>} : memref<128xi32, #tpu.memory_space<vmem>>, vector<16xi32>,
    %swap3A_873 = vector.shape_cast %swap3A_872 : vector<16xi32> to vector<16xi32>
    %swap3A_874 = vector.shape_cast %add3A_870 : vector<16xi32> to vector<16xi32>
    tpu.vector_store %arg7[%swap3A_871], %swap3A_874 {strides = array<i32>} : memref<128xi32, #tpu.memory_space<vmem>>, vector<16xi32>,
    %dma_start3A_875 = arith.constant 0 : i32
    %dma_start3A_876 = arith.constant 0 : i32
    %dma_start3A_877 = tpu.memref_slice %arg18[%dma_start3A_875, %dma_start3A_876] : memref<10240x128xf32, #tpu.memory_space<vmem_shared>> -> memref<10240x128xf32, #tpu.memory_space<vmem_shared>>
    tpu.enqueue_indirect_dma source(%dma_start3A_877 : memref<10240x128xf32, #tpu.memory_space<vmem_shared>>) target(%arg16 : memref<128x128xf32, #tpu.memory_space<vmem>>) offsets(%arg7 : memref<128xi32, #tpu.memory_space<vmem>>) semaphore(%arg19 : memref<!tpu.dma_semaphore, #tpu.memory_space<semaphore_mem>>)
    %dma_wait3A_878 = arith.constant 0 : i32
    %dma_wait3A_879 = arith.constant 0 : i32
    %dma_wait3A_880 = tpu.memref_slice %arg18[%dma_wait3A_878, %dma_wait3A_879] : memref<10240x128xf32, #tpu.memory_space<vmem_shared>> -> memref<10240x128xf32, #tpu.memory_space<vmem_shared>>
    tpu.wait_indirect_dma semaphore(%arg19 : memref<!tpu.dma_semaphore, #tpu.memory_space<semaphore_mem>>) src(%dma_wait3A_880 : memref<10240x128xf32, #tpu.memory_space<vmem_shared>>) dst(%arg16 : memref<128x128xf32, #tpu.memory_space<vmem>>)
    %mul3A_881 = arith.constant 640 : i32
    %mul3A_882 = arith.muli %add3A, %mul3A_881 : i32
    %add3A_883 = arith.constant 0 : i32
    %add3A_884 = arith.addi %mul3A_882, %add3A_883 : i32
    "tpu.region"() ({
      %run_scoped3A = tpu.sem_alloc : memref<!tpu.dma_semaphore, #tpu.memory_space<semaphore_mem>>
      %dma_start3A_1229 = arith.constant 0 : i32
      %dma_start3A_1230 = tpu.memref_slice %arg6[%add3A_884, %dma_start3A_1229] : memref<20480x128xf32, #tpu.memory_space<hbm>> -> memref<128x128xf32, #tpu.memory_space<hbm>>
      %dma_start3A_1231 = arith.constant 0 : i32
      %dma_start3A_1232 = tpu.memref_slice %arg6[%add3A_884, %dma_start3A_1231] : memref<20480x128xf32, #tpu.memory_space<hbm>> -> memref<128x128xf32, #tpu.memory_space<hbm>>
      tpu.enqueue_dma source(%arg16 : memref<128x128xf32, #tpu.memory_space<vmem>>) target(%dma_start3A_1232 : memref<128x128xf32, #tpu.memory_space<hbm>>) target_semaphore(%run_scoped3A : memref<!tpu.dma_semaphore, #tpu.memory_space<semaphore_mem>>)
      %dma_wait3A_1233 = arith.constant 0 : i32
      %dma_wait3A_1234 = tpu.memref_slice %arg6[%add3A_884, %dma_wait3A_1233] : memref<20480x128xf32, #tpu.memory_space<hbm>> -> memref<128x128xf32, #tpu.memory_space<hbm>>
      %dma_wait3A_1235 = arith.constant 0 : i32
      %dma_wait3A_1236 = tpu.memref_slice %arg6[%add3A_884, %dma_wait3A_1235] : memref<20480x128xf32, #tpu.memory_space<hbm>> -> memref<128x128xf32, #tpu.memory_space<hbm>>
      tpu.wait_dma2 semaphore(%run_scoped3A : memref<!tpu.dma_semaphore, #tpu.memory_space<semaphore_mem>>) src(%arg16 : memref<128x128xf32, #tpu.memory_space<vmem>>) dst(%dma_wait3A_1236 : memref<128x128xf32, #tpu.memory_space<hbm>>)
      tpu.yield
    }) : () -> ()
    %mul3A_885 = arith.constant 640 : i32
    %mul3A_886 = arith.muli %arg1, %mul3A_885 : i32
    %add3A_887 = arith.constant 128 : i32
    %add3A_888 = arith.addi %mul3A_886, %add3A_887 : i32
    %iota3A_889 = tpu.iota {dimensions = array<i32: 0>} : vector<16xi32>
    %add3A_890 = arith.constant 0 : i32
    %add3A_891 = arith.addi %add3A_888, %add3A_890 : i32
    %add3A_892 = vector.broadcast %add3A_891 : i32 to vector<16xi32>
    %add3A_893 = arith.addi %iota3A_889, %add3A_892 : vector<16xi32>
    %swap3A_894 = arith.constant 0 : index
    %swap3A_895 = tpu.vector_load %arg7[%swap3A_894] {strides = array<i32>} : memref<128xi32, #tpu.memory_space<vmem>>, vector<16xi32>,
    %swap3A_896 = vector.shape_cast %swap3A_895 : vector<16xi32> to vector<16xi32>
    %swap3A_897 = vector.shape_cast %add3A_893 : vector<16xi32> to vector<16xi32>
    tpu.vector_store %arg7[%swap3A_894], %swap3A_897 {strides = array<i32>} : memref<128xi32, #tpu.memory_space<vmem>>, vector<16xi32>,
    %iota3A_898 = tpu.iota {dimensions = array<i32: 0>} : vector<16xi32>
    %add3A_899 = arith.constant 16 : i32
    %add3A_900 = arith.addi %add3A_888, %add3A_899 : i32
    %add3A_901 = vector.broadcast %add3A_900 : i32 to vector<16xi32>
    %add3A_902 = arith.addi %iota3A_898, %add3A_901 : vector<16xi32>
    %swap3A_903 = arith.constant 16 : index
    %swap3A_904 = tpu.vector_load %arg7[%swap3A_903] {strides = array<i32>} : memref<128xi32, #tpu.memory_space<vmem>>, vector<16xi32>,
    %swap3A_905 = vector.shape_cast %swap3A_904 : vector<16xi32> to vector<16xi32>
    %swap3A_906 = vector.shape_cast %add3A_902 : vector<16xi32> to vector<16xi32>
    tpu.vector_store %arg7[%swap3A_903], %swap3A_906 {strides = array<i32>} : memref<128xi32, #tpu.memory_space<vmem>>, vector<16xi32>,
    %iota3A_907 = tpu.iota {dimensions = array<i32: 0>} : vector<16xi32>
    %add3A_908 = arith.constant 32 : i32
    %add3A_909 = arith.addi %add3A_888, %add3A_908 : i32
    %add3A_910 = vector.broadcast %add3A_909 : i32 to vector<16xi32>
    %add3A_911 = arith.addi %iota3A_907, %add3A_910 : vector<16xi32>
    %swap3A_912 = arith.constant 32 : index
    %swap3A_913 = tpu.vector_load %arg7[%swap3A_912] {strides = array<i32>} : memref<128xi32, #tpu.memory_space<vmem>>, vector<16xi32>,
    %swap3A_914 = vector.shape_cast %swap3A_913 : vector<16xi32> to vector<16xi32>
    %swap3A_915 = vector.shape_cast %add3A_911 : vector<16xi32> to vector<16xi32>
    tpu.vector_store %arg7[%swap3A_912], %swap3A_915 {strides = array<i32>} : memref<128xi32, #tpu.memory_space<vmem>>, vector<16xi32>,
    %iota3A_916 = tpu.iota {dimensions = array<i32: 0>} : vector<16xi32>
    %add3A_917 = arith.constant 48 : i32
    %add3A_918 = arith.addi %add3A_888, %add3A_917 : i32
    %add3A_919 = vector.broadcast %add3A_918 : i32 to vector<16xi32>
    %add3A_920 = arith.addi %iota3A_916, %add3A_919 : vector<16xi32>
    %swap3A_921 = arith.constant 48 : index
    %swap3A_922 = tpu.vector_load %arg7[%swap3A_921] {strides = array<i32>} : memref<128xi32, #tpu.memory_space<vmem>>, vector<16xi32>,
    %swap3A_923 = vector.shape_cast %swap3A_922 : vector<16xi32> to vector<16xi32>
    %swap3A_924 = vector.shape_cast %add3A_920 : vector<16xi32> to vector<16xi32>
    tpu.vector_store %arg7[%swap3A_921], %swap3A_924 {strides = array<i32>} : memref<128xi32, #tpu.memory_space<vmem>>, vector<16xi32>,
    %iota3A_925 = tpu.iota {dimensions = array<i32: 0>} : vector<16xi32>
    %add3A_926 = arith.constant 64 : i32
    %add3A_927 = arith.addi %add3A_888, %add3A_926 : i32
    %add3A_928 = vector.broadcast %add3A_927 : i32 to vector<16xi32>
    %add3A_929 = arith.addi %iota3A_925, %add3A_928 : vector<16xi32>
    %swap3A_930 = arith.constant 64 : index
    %swap3A_931 = tpu.vector_load %arg7[%swap3A_930] {strides = array<i32>} : memref<128xi32, #tpu.memory_space<vmem>>, vector<16xi32>,
    %swap3A_932 = vector.shape_cast %swap3A_931 : vector<16xi32> to vector<16xi32>
    %swap3A_933 = vector.shape_cast %add3A_929 : vector<16xi32> to vector<16xi32>
    tpu.vector_store %arg7[%swap3A_930], %swap3A_933 {strides = array<i32>} : memref<128xi32, #tpu.memory_space<vmem>>, vector<16xi32>,
    %iota3A_934 = tpu.iota {dimensions = array<i32: 0>} : vector<16xi32>
    %add3A_935 = arith.constant 80 : i32
    %add3A_936 = arith.addi %add3A_888, %add3A_935 : i32
    %add3A_937 = vector.broadcast %add3A_936 : i32 to vector<16xi32>
    %add3A_938 = arith.addi %iota3A_934, %add3A_937 : vector<16xi32>
    %swap3A_939 = arith.constant 80 : index
    %swap3A_940 = tpu.vector_load %arg7[%swap3A_939] {strides = array<i32>} : memref<128xi32, #tpu.memory_space<vmem>>, vector<16xi32>,
    %swap3A_941 = vector.shape_cast %swap3A_940 : vector<16xi32> to vector<16xi32>
    %swap3A_942 = vector.shape_cast %add3A_938 : vector<16xi32> to vector<16xi32>
    tpu.vector_store %arg7[%swap3A_939], %swap3A_942 {strides = array<i32>} : memref<128xi32, #tpu.memory_space<vmem>>, vector<16xi32>,
    %iota3A_943 = tpu.iota {dimensions = array<i32: 0>} : vector<16xi32>
    %add3A_944 = arith.constant 96 : i32
    %add3A_945 = arith.addi %add3A_888, %add3A_944 : i32
    %add3A_946 = vector.broadcast %add3A_945 : i32 to vector<16xi32>
    %add3A_947 = arith.addi %iota3A_943, %add3A_946 : vector<16xi32>
    %swap3A_948 = arith.constant 96 : index
    %swap3A_949 = tpu.vector_load %arg7[%swap3A_948] {strides = array<i32>} : memref<128xi32, #tpu.memory_space<vmem>>, vector<16xi32>,
    %swap3A_950 = vector.shape_cast %swap3A_949 : vector<16xi32> to vector<16xi32>
    %swap3A_951 = vector.shape_cast %add3A_947 : vector<16xi32> to vector<16xi32>
    tpu.vector_store %arg7[%swap3A_948], %swap3A_951 {strides = array<i32>} : memref<128xi32, #tpu.memory_space<vmem>>, vector<16xi32>,
    %iota3A_952 = tpu.iota {dimensions = array<i32: 0>} : vector<16xi32>
    %add3A_953 = arith.constant 112 : i32
    %add3A_954 = arith.addi %add3A_888, %add3A_953 : i32
    %add3A_955 = vector.broadcast %add3A_954 : i32 to vector<16xi32>
    %add3A_956 = arith.addi %iota3A_952, %add3A_955 : vector<16xi32>
    %swap3A_957 = arith.constant 112 : index
    %swap3A_958 = tpu.vector_load %arg7[%swap3A_957] {strides = array<i32>} : memref<128xi32, #tpu.memory_space<vmem>>, vector<16xi32>,
    %swap3A_959 = vector.shape_cast %swap3A_958 : vector<16xi32> to vector<16xi32>
    %swap3A_960 = vector.shape_cast %add3A_956 : vector<16xi32> to vector<16xi32>
    tpu.vector_store %arg7[%swap3A_957], %swap3A_960 {strides = array<i32>} : memref<128xi32, #tpu.memory_space<vmem>>, vector<16xi32>,
    %dma_start3A_961 = arith.constant 0 : i32
    %dma_start3A_962 = arith.constant 0 : i32
    %dma_start3A_963 = tpu.memref_slice %arg18[%dma_start3A_961, %dma_start3A_962] : memref<10240x128xf32, #tpu.memory_space<vmem_shared>> -> memref<10240x128xf32, #tpu.memory_space<vmem_shared>>
    tpu.enqueue_indirect_dma source(%dma_start3A_963 : memref<10240x128xf32, #tpu.memory_space<vmem_shared>>) target(%arg16 : memref<128x128xf32, #tpu.memory_space<vmem>>) offsets(%arg7 : memref<128xi32, #tpu.memory_space<vmem>>) semaphore(%arg19 : memref<!tpu.dma_semaphore, #tpu.memory_space<semaphore_mem>>)
    %dma_wait3A_964 = arith.constant 0 : i32
    %dma_wait3A_965 = arith.constant 0 : i32
    %dma_wait3A_966 = tpu.memref_slice %arg18[%dma_wait3A_964, %dma_wait3A_965] : memref<10240x128xf32, #tpu.memory_space<vmem_shared>> -> memref<10240x128xf32, #tpu.memory_space<vmem_shared>>
    tpu.wait_indirect_dma semaphore(%arg19 : memref<!tpu.dma_semaphore, #tpu.memory_space<semaphore_mem>>) src(%dma_wait3A_966 : memref<10240x128xf32, #tpu.memory_space<vmem_shared>>) dst(%arg16 : memref<128x128xf32, #tpu.memory_space<vmem>>)
    %mul3A_967 = arith.constant 640 : i32
    %mul3A_968 = arith.muli %add3A, %mul3A_967 : i32
    %add3A_969 = arith.constant 128 : i32
    %add3A_970 = arith.addi %mul3A_968, %add3A_969 : i32
    "tpu.region"() ({
      %run_scoped3A = tpu.sem_alloc : memref<!tpu.dma_semaphore, #tpu.memory_space<semaphore_mem>>
      %dma_start3A_1229 = arith.constant 0 : i32
      %dma_start3A_1230 = tpu.memref_slice %arg6[%add3A_970, %dma_start3A_1229] : memref<20480x128xf32, #tpu.memory_space<hbm>> -> memref<128x128xf32, #tpu.memory_space<hbm>>
      %dma_start3A_1231 = arith.constant 0 : i32
      %dma_start3A_1232 = tpu.memref_slice %arg6[%add3A_970, %dma_start3A_1231] : memref<20480x128xf32, #tpu.memory_space<hbm>> -> memref<128x128xf32, #tpu.memory_space<hbm>>
      tpu.enqueue_dma source(%arg16 : memref<128x128xf32, #tpu.memory_space<vmem>>) target(%dma_start3A_1232 : memref<128x128xf32, #tpu.memory_space<hbm>>) target_semaphore(%run_scoped3A : memref<!tpu.dma_semaphore, #tpu.memory_space<semaphore_mem>>)
      %dma_wait3A_1233 = arith.constant 0 : i32
      %dma_wait3A_1234 = tpu.memref_slice %arg6[%add3A_970, %dma_wait3A_1233] : memref<20480x128xf32, #tpu.memory_space<hbm>> -> memref<128x128xf32, #tpu.memory_space<hbm>>
      %dma_wait3A_1235 = arith.constant 0 : i32
      %dma_wait3A_1236 = tpu.memref_slice %arg6[%add3A_970, %dma_wait3A_1235] : memref<20480x128xf32, #tpu.memory_space<hbm>> -> memref<128x128xf32, #tpu.memory_space<hbm>>
      tpu.wait_dma2 semaphore(%run_scoped3A : memref<!tpu.dma_semaphore, #tpu.memory_space<semaphore_mem>>) src(%arg16 : memref<128x128xf32, #tpu.memory_space<vmem>>) dst(%dma_wait3A_1236 : memref<128x128xf32, #tpu.memory_space<hbm>>)
      tpu.yield
    }) : () -> ()
    %mul3A_971 = arith.constant 640 : i32
    %mul3A_972 = arith.muli %arg1, %mul3A_971 : i32
    %add3A_973 = arith.constant 256 : i32
    %add3A_974 = arith.addi %mul3A_972, %add3A_973 : i32
    %iota3A_975 = tpu.iota {dimensions = array<i32: 0>} : vector<16xi32>
    %add3A_976 = arith.constant 0 : i32
    %add3A_977 = arith.addi %add3A_974, %add3A_976 : i32
    %add3A_978 = vector.broadcast %add3A_977 : i32 to vector<16xi32>
    %add3A_979 = arith.addi %iota3A_975, %add3A_978 : vector<16xi32>
    %swap3A_980 = arith.constant 0 : index
    %swap3A_981 = tpu.vector_load %arg7[%swap3A_980] {strides = array<i32>} : memref<128xi32, #tpu.memory_space<vmem>>, vector<16xi32>,
    %swap3A_982 = vector.shape_cast %swap3A_981 : vector<16xi32> to vector<16xi32>
    %swap3A_983 = vector.shape_cast %add3A_979 : vector<16xi32> to vector<16xi32>
    tpu.vector_store %arg7[%swap3A_980], %swap3A_983 {strides = array<i32>} : memref<128xi32, #tpu.memory_space<vmem>>, vector<16xi32>,
    %iota3A_984 = tpu.iota {dimensions = array<i32: 0>} : vector<16xi32>
    %add3A_985 = arith.constant 16 : i32
    %add3A_986 = arith.addi %add3A_974, %add3A_985 : i32
    %add3A_987 = vector.broadcast %add3A_986 : i32 to vector<16xi32>
    %add3A_988 = arith.addi %iota3A_984, %add3A_987 : vector<16xi32>
    %swap3A_989 = arith.constant 16 : index
    %swap3A_990 = tpu.vector_load %arg7[%swap3A_989] {strides = array<i32>} : memref<128xi32, #tpu.memory_space<vmem>>, vector<16xi32>,
    %swap3A_991 = vector.shape_cast %swap3A_990 : vector<16xi32> to vector<16xi32>
    %swap3A_992 = vector.shape_cast %add3A_988 : vector<16xi32> to vector<16xi32>
    tpu.vector_store %arg7[%swap3A_989], %swap3A_992 {strides = array<i32>} : memref<128xi32, #tpu.memory_space<vmem>>, vector<16xi32>,
    %iota3A_993 = tpu.iota {dimensions = array<i32: 0>} : vector<16xi32>
    %add3A_994 = arith.constant 32 : i32
    %add3A_995 = arith.addi %add3A_974, %add3A_994 : i32
    %add3A_996 = vector.broadcast %add3A_995 : i32 to vector<16xi32>
    %add3A_997 = arith.addi %iota3A_993, %add3A_996 : vector<16xi32>
    %swap3A_998 = arith.constant 32 : index
    %swap3A_999 = tpu.vector_load %arg7[%swap3A_998] {strides = array<i32>} : memref<128xi32, #tpu.memory_space<vmem>>, vector<16xi32>,
    %swap3A_1000 = vector.shape_cast %swap3A_999 : vector<16xi32> to vector<16xi32>
    %swap3A_1001 = vector.shape_cast %add3A_997 : vector<16xi32> to vector<16xi32>
    tpu.vector_store %arg7[%swap3A_998], %swap3A_1001 {strides = array<i32>} : memref<128xi32, #tpu.memory_space<vmem>>, vector<16xi32>,
    %iota3A_1002 = tpu.iota {dimensions = array<i32: 0>} : vector<16xi32>
    %add3A_1003 = arith.constant 48 : i32
    %add3A_1004 = arith.addi %add3A_974, %add3A_1003 : i32
    %add3A_1005 = vector.broadcast %add3A_1004 : i32 to vector<16xi32>
    %add3A_1006 = arith.addi %iota3A_1002, %add3A_1005 : vector<16xi32>
    %swap3A_1007 = arith.constant 48 : index
    %swap3A_1008 = tpu.vector_load %arg7[%swap3A_1007] {strides = array<i32>} : memref<128xi32, #tpu.memory_space<vmem>>, vector<16xi32>,
    %swap3A_1009 = vector.shape_cast %swap3A_1008 : vector<16xi32> to vector<16xi32>
    %swap3A_1010 = vector.shape_cast %add3A_1006 : vector<16xi32> to vector<16xi32>
    tpu.vector_store %arg7[%swap3A_1007], %swap3A_1010 {strides = array<i32>} : memref<128xi32, #tpu.memory_space<vmem>>, vector<16xi32>,
    %iota3A_1011 = tpu.iota {dimensions = array<i32: 0>} : vector<16xi32>
    %add3A_1012 = arith.constant 64 : i32
    %add3A_1013 = arith.addi %add3A_974, %add3A_1012 : i32
    %add3A_1014 = vector.broadcast %add3A_1013 : i32 to vector<16xi32>
    %add3A_1015 = arith.addi %iota3A_1011, %add3A_1014 : vector<16xi32>
    %swap3A_1016 = arith.constant 64 : index
    %swap3A_1017 = tpu.vector_load %arg7[%swap3A_1016] {strides = array<i32>} : memref<128xi32, #tpu.memory_space<vmem>>, vector<16xi32>,
    %swap3A_1018 = vector.shape_cast %swap3A_1017 : vector<16xi32> to vector<16xi32>
    %swap3A_1019 = vector.shape_cast %add3A_1015 : vector<16xi32> to vector<16xi32>
    tpu.vector_store %arg7[%swap3A_1016], %swap3A_1019 {strides = array<i32>} : memref<128xi32, #tpu.memory_space<vmem>>, vector<16xi32>,
    %iota3A_1020 = tpu.iota {dimensions = array<i32: 0>} : vector<16xi32>
    %add3A_1021 = arith.constant 80 : i32
    %add3A_1022 = arith.addi %add3A_974, %add3A_1021 : i32
    %add3A_1023 = vector.broadcast %add3A_1022 : i32 to vector<16xi32>
    %add3A_1024 = arith.addi %iota3A_1020, %add3A_1023 : vector<16xi32>
    %swap3A_1025 = arith.constant 80 : index
    %swap3A_1026 = tpu.vector_load %arg7[%swap3A_1025] {strides = array<i32>} : memref<128xi32, #tpu.memory_space<vmem>>, vector<16xi32>,
    %swap3A_1027 = vector.shape_cast %swap3A_1026 : vector<16xi32> to vector<16xi32>
    %swap3A_1028 = vector.shape_cast %add3A_1024 : vector<16xi32> to vector<16xi32>
    tpu.vector_store %arg7[%swap3A_1025], %swap3A_1028 {strides = array<i32>} : memref<128xi32, #tpu.memory_space<vmem>>, vector<16xi32>,
    %iota3A_1029 = tpu.iota {dimensions = array<i32: 0>} : vector<16xi32>
    %add3A_1030 = arith.constant 96 : i32
    %add3A_1031 = arith.addi %add3A_974, %add3A_1030 : i32
    %add3A_1032 = vector.broadcast %add3A_1031 : i32 to vector<16xi32>
    %add3A_1033 = arith.addi %iota3A_1029, %add3A_1032 : vector<16xi32>
    %swap3A_1034 = arith.constant 96 : index
    %swap3A_1035 = tpu.vector_load %arg7[%swap3A_1034] {strides = array<i32>} : memref<128xi32, #tpu.memory_space<vmem>>, vector<16xi32>,
    %swap3A_1036 = vector.shape_cast %swap3A_1035 : vector<16xi32> to vector<16xi32>
    %swap3A_1037 = vector.shape_cast %add3A_1033 : vector<16xi32> to vector<16xi32>
    tpu.vector_store %arg7[%swap3A_1034], %swap3A_1037 {strides = array<i32>} : memref<128xi32, #tpu.memory_space<vmem>>, vector<16xi32>,
    %iota3A_1038 = tpu.iota {dimensions = array<i32: 0>} : vector<16xi32>
    %add3A_1039 = arith.constant 112 : i32
    %add3A_1040 = arith.addi %add3A_974, %add3A_1039 : i32
    %add3A_1041 = vector.broadcast %add3A_1040 : i32 to vector<16xi32>
    %add3A_1042 = arith.addi %iota3A_1038, %add3A_1041 : vector<16xi32>
    %swap3A_1043 = arith.constant 112 : index
    %swap3A_1044 = tpu.vector_load %arg7[%swap3A_1043] {strides = array<i32>} : memref<128xi32, #tpu.memory_space<vmem>>, vector<16xi32>,
    %swap3A_1045 = vector.shape_cast %swap3A_1044 : vector<16xi32> to vector<16xi32>
    %swap3A_1046 = vector.shape_cast %add3A_1042 : vector<16xi32> to vector<16xi32>
    tpu.vector_store %arg7[%swap3A_1043], %swap3A_1046 {strides = array<i32>} : memref<128xi32, #tpu.memory_space<vmem>>, vector<16xi32>,
    %dma_start3A_1047 = arith.constant 0 : i32
    %dma_start3A_1048 = arith.constant 0 : i32
    %dma_start3A_1049 = tpu.memref_slice %arg18[%dma_start3A_1047, %dma_start3A_1048] : memref<10240x128xf32, #tpu.memory_space<vmem_shared>> -> memref<10240x128xf32, #tpu.memory_space<vmem_shared>>
    tpu.enqueue_indirect_dma source(%dma_start3A_1049 : memref<10240x128xf32, #tpu.memory_space<vmem_shared>>) target(%arg16 : memref<128x128xf32, #tpu.memory_space<vmem>>) offsets(%arg7 : memref<128xi32, #tpu.memory_space<vmem>>) semaphore(%arg19 : memref<!tpu.dma_semaphore, #tpu.memory_space<semaphore_mem>>)
    %dma_wait3A_1050 = arith.constant 0 : i32
    %dma_wait3A_1051 = arith.constant 0 : i32
    %dma_wait3A_1052 = tpu.memref_slice %arg18[%dma_wait3A_1050, %dma_wait3A_1051] : memref<10240x128xf32, #tpu.memory_space<vmem_shared>> -> memref<10240x128xf32, #tpu.memory_space<vmem_shared>>
    tpu.wait_indirect_dma semaphore(%arg19 : memref<!tpu.dma_semaphore, #tpu.memory_space<semaphore_mem>>) src(%dma_wait3A_1052 : memref<10240x128xf32, #tpu.memory_space<vmem_shared>>) dst(%arg16 : memref<128x128xf32, #tpu.memory_space<vmem>>)
    %mul3A_1053 = arith.constant 640 : i32
    %mul3A_1054 = arith.muli %add3A, %mul3A_1053 : i32
    %add3A_1055 = arith.constant 256 : i32
    %add3A_1056 = arith.addi %mul3A_1054, %add3A_1055 : i32
    "tpu.region"() ({
      %run_scoped3A = tpu.sem_alloc : memref<!tpu.dma_semaphore, #tpu.memory_space<semaphore_mem>>
      %dma_start3A_1229 = arith.constant 0 : i32
      %dma_start3A_1230 = tpu.memref_slice %arg6[%add3A_1056, %dma_start3A_1229] : memref<20480x128xf32, #tpu.memory_space<hbm>> -> memref<128x128xf32, #tpu.memory_space<hbm>>
      %dma_start3A_1231 = arith.constant 0 : i32
      %dma_start3A_1232 = tpu.memref_slice %arg6[%add3A_1056, %dma_start3A_1231] : memref<20480x128xf32, #tpu.memory_space<hbm>> -> memref<128x128xf32, #tpu.memory_space<hbm>>
      tpu.enqueue_dma source(%arg16 : memref<128x128xf32, #tpu.memory_space<vmem>>) target(%dma_start3A_1232 : memref<128x128xf32, #tpu.memory_space<hbm>>) target_semaphore(%run_scoped3A : memref<!tpu.dma_semaphore, #tpu.memory_space<semaphore_mem>>)
      %dma_wait3A_1233 = arith.constant 0 : i32
      %dma_wait3A_1234 = tpu.memref_slice %arg6[%add3A_1056, %dma_wait3A_1233] : memref<20480x128xf32, #tpu.memory_space<hbm>> -> memref<128x128xf32, #tpu.memory_space<hbm>>
      %dma_wait3A_1235 = arith.constant 0 : i32
      %dma_wait3A_1236 = tpu.memref_slice %arg6[%add3A_1056, %dma_wait3A_1235] : memref<20480x128xf32, #tpu.memory_space<hbm>> -> memref<128x128xf32, #tpu.memory_space<hbm>>
      tpu.wait_dma2 semaphore(%run_scoped3A : memref<!tpu.dma_semaphore, #tpu.memory_space<semaphore_mem>>) src(%arg16 : memref<128x128xf32, #tpu.memory_space<vmem>>) dst(%dma_wait3A_1236 : memref<128x128xf32, #tpu.memory_space<hbm>>)
      tpu.yield
    }) : () -> ()
    %mul3A_1057 = arith.constant 640 : i32
    %mul3A_1058 = arith.muli %arg1, %mul3A_1057 : i32
    %add3A_1059 = arith.constant 384 : i32
    %add3A_1060 = arith.addi %mul3A_1058, %add3A_1059 : i32
    %iota3A_1061 = tpu.iota {dimensions = array<i32: 0>} : vector<16xi32>
    %add3A_1062 = arith.constant 0 : i32
    %add3A_1063 = arith.addi %add3A_1060, %add3A_1062 : i32
    %add3A_1064 = vector.broadcast %add3A_1063 : i32 to vector<16xi32>
    %add3A_1065 = arith.addi %iota3A_1061, %add3A_1064 : vector<16xi32>
    %swap3A_1066 = arith.constant 0 : index
    %swap3A_1067 = tpu.vector_load %arg7[%swap3A_1066] {strides = array<i32>} : memref<128xi32, #tpu.memory_space<vmem>>, vector<16xi32>,
    %swap3A_1068 = vector.shape_cast %swap3A_1067 : vector<16xi32> to vector<16xi32>
    %swap3A_1069 = vector.shape_cast %add3A_1065 : vector<16xi32> to vector<16xi32>
    tpu.vector_store %arg7[%swap3A_1066], %swap3A_1069 {strides = array<i32>} : memref<128xi32, #tpu.memory_space<vmem>>, vector<16xi32>,
    %iota3A_1070 = tpu.iota {dimensions = array<i32: 0>} : vector<16xi32>
    %add3A_1071 = arith.constant 16 : i32
    %add3A_1072 = arith.addi %add3A_1060, %add3A_1071 : i32
    %add3A_1073 = vector.broadcast %add3A_1072 : i32 to vector<16xi32>
    %add3A_1074 = arith.addi %iota3A_1070, %add3A_1073 : vector<16xi32>
    %swap3A_1075 = arith.constant 16 : index
    %swap3A_1076 = tpu.vector_load %arg7[%swap3A_1075] {strides = array<i32>} : memref<128xi32, #tpu.memory_space<vmem>>, vector<16xi32>,
    %swap3A_1077 = vector.shape_cast %swap3A_1076 : vector<16xi32> to vector<16xi32>
    %swap3A_1078 = vector.shape_cast %add3A_1074 : vector<16xi32> to vector<16xi32>
    tpu.vector_store %arg7[%swap3A_1075], %swap3A_1078 {strides = array<i32>} : memref<128xi32, #tpu.memory_space<vmem>>, vector<16xi32>,
    %iota3A_1079 = tpu.iota {dimensions = array<i32: 0>} : vector<16xi32>
    %add3A_1080 = arith.constant 32 : i32
    %add3A_1081 = arith.addi %add3A_1060, %add3A_1080 : i32
    %add3A_1082 = vector.broadcast %add3A_1081 : i32 to vector<16xi32>
    %add3A_1083 = arith.addi %iota3A_1079, %add3A_1082 : vector<16xi32>
    %swap3A_1084 = arith.constant 32 : index
    %swap3A_1085 = tpu.vector_load %arg7[%swap3A_1084] {strides = array<i32>} : memref<128xi32, #tpu.memory_space<vmem>>, vector<16xi32>,
    %swap3A_1086 = vector.shape_cast %swap3A_1085 : vector<16xi32> to vector<16xi32>
    %swap3A_1087 = vector.shape_cast %add3A_1083 : vector<16xi32> to vector<16xi32>
    tpu.vector_store %arg7[%swap3A_1084], %swap3A_1087 {strides = array<i32>} : memref<128xi32, #tpu.memory_space<vmem>>, vector<16xi32>,
    %iota3A_1088 = tpu.iota {dimensions = array<i32: 0>} : vector<16xi32>
    %add3A_1089 = arith.constant 48 : i32
    %add3A_1090 = arith.addi %add3A_1060, %add3A_1089 : i32
    %add3A_1091 = vector.broadcast %add3A_1090 : i32 to vector<16xi32>
    %add3A_1092 = arith.addi %iota3A_1088, %add3A_1091 : vector<16xi32>
    %swap3A_1093 = arith.constant 48 : index
    %swap3A_1094 = tpu.vector_load %arg7[%swap3A_1093] {strides = array<i32>} : memref<128xi32, #tpu.memory_space<vmem>>, vector<16xi32>,
    %swap3A_1095 = vector.shape_cast %swap3A_1094 : vector<16xi32> to vector<16xi32>
    %swap3A_1096 = vector.shape_cast %add3A_1092 : vector<16xi32> to vector<16xi32>
    tpu.vector_store %arg7[%swap3A_1093], %swap3A_1096 {strides = array<i32>} : memref<128xi32, #tpu.memory_space<vmem>>, vector<16xi32>,
    %iota3A_1097 = tpu.iota {dimensions = array<i32: 0>} : vector<16xi32>
    %add3A_1098 = arith.constant 64 : i32
    %add3A_1099 = arith.addi %add3A_1060, %add3A_1098 : i32
    %add3A_1100 = vector.broadcast %add3A_1099 : i32 to vector<16xi32>
    %add3A_1101 = arith.addi %iota3A_1097, %add3A_1100 : vector<16xi32>
    %swap3A_1102 = arith.constant 64 : index
    %swap3A_1103 = tpu.vector_load %arg7[%swap3A_1102] {strides = array<i32>} : memref<128xi32, #tpu.memory_space<vmem>>, vector<16xi32>,
    %swap3A_1104 = vector.shape_cast %swap3A_1103 : vector<16xi32> to vector<16xi32>
    %swap3A_1105 = vector.shape_cast %add3A_1101 : vector<16xi32> to vector<16xi32>
    tpu.vector_store %arg7[%swap3A_1102], %swap3A_1105 {strides = array<i32>} : memref<128xi32, #tpu.memory_space<vmem>>, vector<16xi32>,
    %iota3A_1106 = tpu.iota {dimensions = array<i32: 0>} : vector<16xi32>
    %add3A_1107 = arith.constant 80 : i32
    %add3A_1108 = arith.addi %add3A_1060, %add3A_1107 : i32
    %add3A_1109 = vector.broadcast %add3A_1108 : i32 to vector<16xi32>
    %add3A_1110 = arith.addi %iota3A_1106, %add3A_1109 : vector<16xi32>
    %swap3A_1111 = arith.constant 80 : index
    %swap3A_1112 = tpu.vector_load %arg7[%swap3A_1111] {strides = array<i32>} : memref<128xi32, #tpu.memory_space<vmem>>, vector<16xi32>,
    %swap3A_1113 = vector.shape_cast %swap3A_1112 : vector<16xi32> to vector<16xi32>
    %swap3A_1114 = vector.shape_cast %add3A_1110 : vector<16xi32> to vector<16xi32>
    tpu.vector_store %arg7[%swap3A_1111], %swap3A_1114 {strides = array<i32>} : memref<128xi32, #tpu.memory_space<vmem>>, vector<16xi32>,
    %iota3A_1115 = tpu.iota {dimensions = array<i32: 0>} : vector<16xi32>
    %add3A_1116 = arith.constant 96 : i32
    %add3A_1117 = arith.addi %add3A_1060, %add3A_1116 : i32
    %add3A_1118 = vector.broadcast %add3A_1117 : i32 to vector<16xi32>
    %add3A_1119 = arith.addi %iota3A_1115, %add3A_1118 : vector<16xi32>
    %swap3A_1120 = arith.constant 96 : index
    %swap3A_1121 = tpu.vector_load %arg7[%swap3A_1120] {strides = array<i32>} : memref<128xi32, #tpu.memory_space<vmem>>, vector<16xi32>,
    %swap3A_1122 = vector.shape_cast %swap3A_1121 : vector<16xi32> to vector<16xi32>
    %swap3A_1123 = vector.shape_cast %add3A_1119 : vector<16xi32> to vector<16xi32>
    tpu.vector_store %arg7[%swap3A_1120], %swap3A_1123 {strides = array<i32>} : memref<128xi32, #tpu.memory_space<vmem>>, vector<16xi32>,
    %iota3A_1124 = tpu.iota {dimensions = array<i32: 0>} : vector<16xi32>
    %add3A_1125 = arith.constant 112 : i32
    %add3A_1126 = arith.addi %add3A_1060, %add3A_1125 : i32
    %add3A_1127 = vector.broadcast %add3A_1126 : i32 to vector<16xi32>
    %add3A_1128 = arith.addi %iota3A_1124, %add3A_1127 : vector<16xi32>
    %swap3A_1129 = arith.constant 112 : index
    %swap3A_1130 = tpu.vector_load %arg7[%swap3A_1129] {strides = array<i32>} : memref<128xi32, #tpu.memory_space<vmem>>, vector<16xi32>,
    %swap3A_1131 = vector.shape_cast %swap3A_1130 : vector<16xi32> to vector<16xi32>
    %swap3A_1132 = vector.shape_cast %add3A_1128 : vector<16xi32> to vector<16xi32>
    tpu.vector_store %arg7[%swap3A_1129], %swap3A_1132 {strides = array<i32>} : memref<128xi32, #tpu.memory_space<vmem>>, vector<16xi32>,
    %dma_start3A_1133 = arith.constant 0 : i32
    %dma_start3A_1134 = arith.constant 0 : i32
    %dma_start3A_1135 = tpu.memref_slice %arg18[%dma_start3A_1133, %dma_start3A_1134] : memref<10240x128xf32, #tpu.memory_space<vmem_shared>> -> memref<10240x128xf32, #tpu.memory_space<vmem_shared>>
    tpu.enqueue_indirect_dma source(%dma_start3A_1135 : memref<10240x128xf32, #tpu.memory_space<vmem_shared>>) target(%arg16 : memref<128x128xf32, #tpu.memory_space<vmem>>) offsets(%arg7 : memref<128xi32, #tpu.memory_space<vmem>>) semaphore(%arg19 : memref<!tpu.dma_semaphore, #tpu.memory_space<semaphore_mem>>)
    %dma_wait3A_1136 = arith.constant 0 : i32
    %dma_wait3A_1137 = arith.constant 0 : i32
    %dma_wait3A_1138 = tpu.memref_slice %arg18[%dma_wait3A_1136, %dma_wait3A_1137] : memref<10240x128xf32, #tpu.memory_space<vmem_shared>> -> memref<10240x128xf32, #tpu.memory_space<vmem_shared>>
    tpu.wait_indirect_dma semaphore(%arg19 : memref<!tpu.dma_semaphore, #tpu.memory_space<semaphore_mem>>) src(%dma_wait3A_1138 : memref<10240x128xf32, #tpu.memory_space<vmem_shared>>) dst(%arg16 : memref<128x128xf32, #tpu.memory_space<vmem>>)
    %mul3A_1139 = arith.constant 640 : i32
    %mul3A_1140 = arith.muli %add3A, %mul3A_1139 : i32
    %add3A_1141 = arith.constant 384 : i32
    %add3A_1142 = arith.addi %mul3A_1140, %add3A_1141 : i32
    "tpu.region"() ({
      %run_scoped3A = tpu.sem_alloc : memref<!tpu.dma_semaphore, #tpu.memory_space<semaphore_mem>>
      %dma_start3A_1229 = arith.constant 0 : i32
      %dma_start3A_1230 = tpu.memref_slice %arg6[%add3A_1142, %dma_start3A_1229] : memref<20480x128xf32, #tpu.memory_space<hbm>> -> memref<128x128xf32, #tpu.memory_space<hbm>>
      %dma_start3A_1231 = arith.constant 0 : i32
      %dma_start3A_1232 = tpu.memref_slice %arg6[%add3A_1142, %dma_start3A_1231] : memref<20480x128xf32, #tpu.memory_space<hbm>> -> memref<128x128xf32, #tpu.memory_space<hbm>>
      tpu.enqueue_dma source(%arg16 : memref<128x128xf32, #tpu.memory_space<vmem>>) target(%dma_start3A_1232 : memref<128x128xf32, #tpu.memory_space<hbm>>) target_semaphore(%run_scoped3A : memref<!tpu.dma_semaphore, #tpu.memory_space<semaphore_mem>>)
      %dma_wait3A_1233 = arith.constant 0 : i32
      %dma_wait3A_1234 = tpu.memref_slice %arg6[%add3A_1142, %dma_wait3A_1233] : memref<20480x128xf32, #tpu.memory_space<hbm>> -> memref<128x128xf32, #tpu.memory_space<hbm>>
      %dma_wait3A_1235 = arith.constant 0 : i32
      %dma_wait3A_1236 = tpu.memref_slice %arg6[%add3A_1142, %dma_wait3A_1235] : memref<20480x128xf32, #tpu.memory_space<hbm>> -> memref<128x128xf32, #tpu.memory_space<hbm>>
      tpu.wait_dma2 semaphore(%run_scoped3A : memref<!tpu.dma_semaphore, #tpu.memory_space<semaphore_mem>>) src(%arg16 : memref<128x128xf32, #tpu.memory_space<vmem>>) dst(%dma_wait3A_1236 : memref<128x128xf32, #tpu.memory_space<hbm>>)
      tpu.yield
    }) : () -> ()
    %mul3A_1143 = arith.constant 640 : i32
    %mul3A_1144 = arith.muli %arg1, %mul3A_1143 : i32
    %add3A_1145 = arith.constant 512 : i32
    %add3A_1146 = arith.addi %mul3A_1144, %add3A_1145 : i32
    %iota3A_1147 = tpu.iota {dimensions = array<i32: 0>} : vector<16xi32>
    %add3A_1148 = arith.constant 0 : i32
    %add3A_1149 = arith.addi %add3A_1146, %add3A_1148 : i32
    %add3A_1150 = vector.broadcast %add3A_1149 : i32 to vector<16xi32>
    %add3A_1151 = arith.addi %iota3A_1147, %add3A_1150 : vector<16xi32>
    %swap3A_1152 = arith.constant 0 : index
    %swap3A_1153 = tpu.vector_load %arg7[%swap3A_1152] {strides = array<i32>} : memref<128xi32, #tpu.memory_space<vmem>>, vector<16xi32>,
    %swap3A_1154 = vector.shape_cast %swap3A_1153 : vector<16xi32> to vector<16xi32>
    %swap3A_1155 = vector.shape_cast %add3A_1151 : vector<16xi32> to vector<16xi32>
    tpu.vector_store %arg7[%swap3A_1152], %swap3A_1155 {strides = array<i32>} : memref<128xi32, #tpu.memory_space<vmem>>, vector<16xi32>,
    %iota3A_1156 = tpu.iota {dimensions = array<i32: 0>} : vector<16xi32>
    %add3A_1157 = arith.constant 16 : i32
    %add3A_1158 = arith.addi %add3A_1146, %add3A_1157 : i32
    %add3A_1159 = vector.broadcast %add3A_1158 : i32 to vector<16xi32>
    %add3A_1160 = arith.addi %iota3A_1156, %add3A_1159 : vector<16xi32>
    %swap3A_1161 = arith.constant 16 : index
    %swap3A_1162 = tpu.vector_load %arg7[%swap3A_1161] {strides = array<i32>} : memref<128xi32, #tpu.memory_space<vmem>>, vector<16xi32>,
    %swap3A_1163 = vector.shape_cast %swap3A_1162 : vector<16xi32> to vector<16xi32>
    %swap3A_1164 = vector.shape_cast %add3A_1160 : vector<16xi32> to vector<16xi32>
    tpu.vector_store %arg7[%swap3A_1161], %swap3A_1164 {strides = array<i32>} : memref<128xi32, #tpu.memory_space<vmem>>, vector<16xi32>,
    %iota3A_1165 = tpu.iota {dimensions = array<i32: 0>} : vector<16xi32>
    %add3A_1166 = arith.constant 32 : i32
    %add3A_1167 = arith.addi %add3A_1146, %add3A_1166 : i32
    %add3A_1168 = vector.broadcast %add3A_1167 : i32 to vector<16xi32>
    %add3A_1169 = arith.addi %iota3A_1165, %add3A_1168 : vector<16xi32>
    %swap3A_1170 = arith.constant 32 : index
    %swap3A_1171 = tpu.vector_load %arg7[%swap3A_1170] {strides = array<i32>} : memref<128xi32, #tpu.memory_space<vmem>>, vector<16xi32>,
    %swap3A_1172 = vector.shape_cast %swap3A_1171 : vector<16xi32> to vector<16xi32>
    %swap3A_1173 = vector.shape_cast %add3A_1169 : vector<16xi32> to vector<16xi32>
    tpu.vector_store %arg7[%swap3A_1170], %swap3A_1173 {strides = array<i32>} : memref<128xi32, #tpu.memory_space<vmem>>, vector<16xi32>,
    %iota3A_1174 = tpu.iota {dimensions = array<i32: 0>} : vector<16xi32>
    %add3A_1175 = arith.constant 48 : i32
    %add3A_1176 = arith.addi %add3A_1146, %add3A_1175 : i32
    %add3A_1177 = vector.broadcast %add3A_1176 : i32 to vector<16xi32>
    %add3A_1178 = arith.addi %iota3A_1174, %add3A_1177 : vector<16xi32>
    %swap3A_1179 = arith.constant 48 : index
    %swap3A_1180 = tpu.vector_load %arg7[%swap3A_1179] {strides = array<i32>} : memref<128xi32, #tpu.memory_space<vmem>>, vector<16xi32>,
    %swap3A_1181 = vector.shape_cast %swap3A_1180 : vector<16xi32> to vector<16xi32>
    %swap3A_1182 = vector.shape_cast %add3A_1178 : vector<16xi32> to vector<16xi32>
    tpu.vector_store %arg7[%swap3A_1179], %swap3A_1182 {strides = array<i32>} : memref<128xi32, #tpu.memory_space<vmem>>, vector<16xi32>,
    %iota3A_1183 = tpu.iota {dimensions = array<i32: 0>} : vector<16xi32>
    %add3A_1184 = arith.constant 64 : i32
    %add3A_1185 = arith.addi %add3A_1146, %add3A_1184 : i32
    %add3A_1186 = vector.broadcast %add3A_1185 : i32 to vector<16xi32>
    %add3A_1187 = arith.addi %iota3A_1183, %add3A_1186 : vector<16xi32>
    %swap3A_1188 = arith.constant 64 : index
    %swap3A_1189 = tpu.vector_load %arg7[%swap3A_1188] {strides = array<i32>} : memref<128xi32, #tpu.memory_space<vmem>>, vector<16xi32>,
    %swap3A_1190 = vector.shape_cast %swap3A_1189 : vector<16xi32> to vector<16xi32>
    %swap3A_1191 = vector.shape_cast %add3A_1187 : vector<16xi32> to vector<16xi32>
    tpu.vector_store %arg7[%swap3A_1188], %swap3A_1191 {strides = array<i32>} : memref<128xi32, #tpu.memory_space<vmem>>, vector<16xi32>,
    %iota3A_1192 = tpu.iota {dimensions = array<i32: 0>} : vector<16xi32>
    %add3A_1193 = arith.constant 80 : i32
    %add3A_1194 = arith.addi %add3A_1146, %add3A_1193 : i32
    %add3A_1195 = vector.broadcast %add3A_1194 : i32 to vector<16xi32>
    %add3A_1196 = arith.addi %iota3A_1192, %add3A_1195 : vector<16xi32>
    %swap3A_1197 = arith.constant 80 : index
    %swap3A_1198 = tpu.vector_load %arg7[%swap3A_1197] {strides = array<i32>} : memref<128xi32, #tpu.memory_space<vmem>>, vector<16xi32>,
    %swap3A_1199 = vector.shape_cast %swap3A_1198 : vector<16xi32> to vector<16xi32>
    %swap3A_1200 = vector.shape_cast %add3A_1196 : vector<16xi32> to vector<16xi32>
    tpu.vector_store %arg7[%swap3A_1197], %swap3A_1200 {strides = array<i32>} : memref<128xi32, #tpu.memory_space<vmem>>, vector<16xi32>,
    %iota3A_1201 = tpu.iota {dimensions = array<i32: 0>} : vector<16xi32>
    %add3A_1202 = arith.constant 96 : i32
    %add3A_1203 = arith.addi %add3A_1146, %add3A_1202 : i32
    %add3A_1204 = vector.broadcast %add3A_1203 : i32 to vector<16xi32>
    %add3A_1205 = arith.addi %iota3A_1201, %add3A_1204 : vector<16xi32>
    %swap3A_1206 = arith.constant 96 : index
    %swap3A_1207 = tpu.vector_load %arg7[%swap3A_1206] {strides = array<i32>} : memref<128xi32, #tpu.memory_space<vmem>>, vector<16xi32>,
    %swap3A_1208 = vector.shape_cast %swap3A_1207 : vector<16xi32> to vector<16xi32>
    %swap3A_1209 = vector.shape_cast %add3A_1205 : vector<16xi32> to vector<16xi32>
    tpu.vector_store %arg7[%swap3A_1206], %swap3A_1209 {strides = array<i32>} : memref<128xi32, #tpu.memory_space<vmem>>, vector<16xi32>,
    %iota3A_1210 = tpu.iota {dimensions = array<i32: 0>} : vector<16xi32>
    %add3A_1211 = arith.constant 112 : i32
    %add3A_1212 = arith.addi %add3A_1146, %add3A_1211 : i32
    %add3A_1213 = vector.broadcast %add3A_1212 : i32 to vector<16xi32>
    %add3A_1214 = arith.addi %iota3A_1210, %add3A_1213 : vector<16xi32>
    %swap3A_1215 = arith.constant 112 : index
    %swap3A_1216 = tpu.vector_load %arg7[%swap3A_1215] {strides = array<i32>} : memref<128xi32, #tpu.memory_space<vmem>>, vector<16xi32>,
    %swap3A_1217 = vector.shape_cast %swap3A_1216 : vector<16xi32> to vector<16xi32>
    %swap3A_1218 = vector.shape_cast %add3A_1214 : vector<16xi32> to vector<16xi32>
    tpu.vector_store %arg7[%swap3A_1215], %swap3A_1218 {strides = array<i32>} : memref<128xi32, #tpu.memory_space<vmem>>, vector<16xi32>,
    %dma_start3A_1219 = arith.constant 0 : i32
    %dma_start3A_1220 = arith.constant 0 : i32
    %dma_start3A_1221 = tpu.memref_slice %arg18[%dma_start3A_1219, %dma_start3A_1220] : memref<10240x128xf32, #tpu.memory_space<vmem_shared>> -> memref<10240x128xf32, #tpu.memory_space<vmem_shared>>
    tpu.enqueue_indirect_dma source(%dma_start3A_1221 : memref<10240x128xf32, #tpu.memory_space<vmem_shared>>) target(%arg16 : memref<128x128xf32, #tpu.memory_space<vmem>>) offsets(%arg7 : memref<128xi32, #tpu.memory_space<vmem>>) semaphore(%arg19 : memref<!tpu.dma_semaphore, #tpu.memory_space<semaphore_mem>>)
    %dma_wait3A_1222 = arith.constant 0 : i32
    %dma_wait3A_1223 = arith.constant 0 : i32
    %dma_wait3A_1224 = tpu.memref_slice %arg18[%dma_wait3A_1222, %dma_wait3A_1223] : memref<10240x128xf32, #tpu.memory_space<vmem_shared>> -> memref<10240x128xf32, #tpu.memory_space<vmem_shared>>
    tpu.wait_indirect_dma semaphore(%arg19 : memref<!tpu.dma_semaphore, #tpu.memory_space<semaphore_mem>>) src(%dma_wait3A_1224 : memref<10240x128xf32, #tpu.memory_space<vmem_shared>>) dst(%arg16 : memref<128x128xf32, #tpu.memory_space<vmem>>)
    %mul3A_1225 = arith.constant 640 : i32
    %mul3A_1226 = arith.muli %add3A, %mul3A_1225 : i32
    %add3A_1227 = arith.constant 512 : i32
    %add3A_1228 = arith.addi %mul3A_1226, %add3A_1227 : i32
    "tpu.region"() ({
      %run_scoped3A = tpu.sem_alloc : memref<!tpu.dma_semaphore, #tpu.memory_space<semaphore_mem>>
      %dma_start3A_1229 = arith.constant 0 : i32
      %dma_start3A_1230 = tpu.memref_slice %arg6[%add3A_1228, %dma_start3A_1229] : memref<20480x128xf32, #tpu.memory_space<hbm>> -> memref<128x128xf32, #tpu.memory_space<hbm>>
      %dma_start3A_1231 = arith.constant 0 : i32
      %dma_start3A_1232 = tpu.memref_slice %arg6[%add3A_1228, %dma_start3A_1231] : memref<20480x128xf32, #tpu.memory_space<hbm>> -> memref<128x128xf32, #tpu.memory_space<hbm>>
      tpu.enqueue_dma source(%arg16 : memref<128x128xf32, #tpu.memory_space<vmem>>) target(%dma_start3A_1232 : memref<128x128xf32, #tpu.memory_space<hbm>>) target_semaphore(%run_scoped3A : memref<!tpu.dma_semaphore, #tpu.memory_space<semaphore_mem>>)
      %dma_wait3A_1233 = arith.constant 0 : i32
      %dma_wait3A_1234 = tpu.memref_slice %arg6[%add3A_1228, %dma_wait3A_1233] : memref<20480x128xf32, #tpu.memory_space<hbm>> -> memref<128x128xf32, #tpu.memory_space<hbm>>
      %dma_wait3A_1235 = arith.constant 0 : i32
      %dma_wait3A_1236 = tpu.memref_slice %arg6[%add3A_1228, %dma_wait3A_1235] : memref<20480x128xf32, #tpu.memory_space<hbm>> -> memref<128x128xf32, #tpu.memory_space<hbm>>
      tpu.wait_dma2 semaphore(%run_scoped3A : memref<!tpu.dma_semaphore, #tpu.memory_space<semaphore_mem>>) src(%arg16 : memref<128x128xf32, #tpu.memory_space<vmem>>) dst(%dma_wait3A_1236 : memref<128x128xf32, #tpu.memory_space<hbm>>)
      tpu.yield
    }) : () -> ()
    return
  }
}

module attributes {stable_mosaic.version = 14 : i64} {
  func.func @_transform_body(%arg0: i32, %arg1: memref<2000x128xf32, #tpu.memory_space<vmem>>, %arg2: memref<128x128xf32, #tpu.memory_space<vmem>>, %arg3: memref<2000x128xf32, #tpu.memory_space<vmem>>, %arg4: memref<2000x128xf32, #tpu.memory_space<vmem>>, %arg5: memref<2000x128xf32, #tpu.memory_space<vmem>>) attributes {dimension_semantics = [#tpu.dimension_semantics<arbitrary>], iteration_bounds = array<i64: 5>, scalar_prefetch = 0 : i64, scratch_operands = 0 : i64, tpu.core_type = #tpu.core_type<tc>, window_params = [{transform_indices = @transform_0, window_bounds = array<i64: 2000, 128>}, {pipeline_mode = #tpu.pipeline_mode<synchronous>, transform_indices = @transform_1, window_bounds = array<i64: 128, 128>}, {transform_indices = @transform_2, window_bounds = array<i64: 2000, 128>}, {transform_indices = @transform_3, window_bounds = array<i64: 2000, 128>}, {transform_indices = @transform_4, window_bounds = array<i64: 2000, 128>}]} {
    %get3A = arith.constant 0 : index
    %get3A_0 = arith.constant 0 : index
    %get3A_1 = vector.load %arg1[%get3A, %get3A_0] : memref<2000x128xf32, #tpu.memory_space<vmem>>, vector<2000x128xf32>
    %get3A_2 = arith.constant 0 : index
    %get3A_3 = arith.constant 0 : index
    %get3A_4 = vector.load %arg2[%get3A_2, %get3A_3] : memref<128x128xf32, #tpu.memory_space<vmem>>, vector<128x128xf32>
    %dot_general3A = arith.constant dense<0.000000e+00> : vector<2000x128xf32>
    %dot_general3A_5 = tpu.matmul %get3A_1, %get3A_4, %dot_general3A {dimension_numbers = #tpu.dot_dimension_numbers<[1], [1], [0], [0], [0, 0, 1, 0], [], []>, precision = #tpu.contract_precision<fp32>, transpose_lhs_hint = false} : vector<2000x128xf32>, vector<128x128xf32>, vector<2000x128xf32> -> vector<2000x128xf32>
    %get3A_6 = arith.constant 0 : index
    %get3A_7 = arith.constant 0 : index
    %get3A_8 = vector.load %arg3[%get3A_6, %get3A_7] : memref<2000x128xf32, #tpu.memory_space<vmem>>, vector<2000x128xf32>
    %get3A_9 = arith.constant 0 : index
    %get3A_10 = arith.constant 0 : index
    %get3A_11 = vector.load %arg4[%get3A_9, %get3A_10] : memref<2000x128xf32, #tpu.memory_space<vmem>>, vector<2000x128xf32>
    %add3A = arith.addf %get3A_8, %get3A_11 : vector<2000x128xf32>
    %add3A_12 = arith.constant 1.000000e+00 : f32
    %add3A_13 = vector.broadcast %add3A_12 : f32 to vector<2000x128xf32>
    %add3A_14 = arith.addf %add3A, %add3A_13 : vector<2000x128xf32>
    %rsqrt3A = math.rsqrt %add3A_14 : vector<2000x128xf32>
    %mul3A = arith.mulf %dot_general3A_5, %rsqrt3A : vector<2000x128xf32>
    %swap3A = arith.constant 0 : index
    %swap3A_15 = arith.constant 0 : index
    %swap3A_16 = vector.load %arg5[%swap3A, %swap3A_15] : memref<2000x128xf32, #tpu.memory_space<vmem>>, vector<2000x128xf32>
    tpu.vector_store %arg5[%swap3A, %swap3A_15], %mul3A {strides = array<i32>} : memref<2000x128xf32, #tpu.memory_space<vmem>>, vector<2000x128xf32>,
    return
  }
  func.func @transform_0(%arg0: i32) -> (i32, i32) {
    %c0_i32 = arith.constant 0 : i32
    %c0_i32_0 = arith.constant 0 : i32
    return %arg0, %c0_i32 : i32, i32
  }
  func.func @transform_1(%arg0: i32) -> (i32, i32) {
    %c0_i32 = arith.constant 0 : i32
    %c0_i32_0 = arith.constant 0 : i32
    %c0_i32_1 = arith.constant 0 : i32
    return %c0_i32, %c0_i32_0 : i32, i32
  }
  func.func @transform_2(%arg0: i32) -> (i32, i32) {
    %c0_i32 = arith.constant 0 : i32
    %c0_i32_0 = arith.constant 0 : i32
    return %arg0, %c0_i32 : i32, i32
  }
  func.func @transform_3(%arg0: i32) -> (i32, i32) {
    %c0_i32 = arith.constant 0 : i32
    %c0_i32_0 = arith.constant 0 : i32
    return %arg0, %c0_i32 : i32, i32
  }
  func.func @transform_4(%arg0: i32) -> (i32, i32) {
    %c0_i32 = arith.constant 0 : i32
    %c0_i32_0 = arith.constant 0 : i32
    return %arg0, %c0_i32 : i32, i32
  }
}

module attributes {stable_mosaic.version = 14 : i64} {
  func.func @_finalize_body(%arg0: i32, %arg1: memref<2000x128xf32, #tpu.memory_space<vmem>>, %arg2: memref<2000x128xf32, #tpu.memory_space<vmem>>, %arg3: memref<2000x128xf32, #tpu.memory_space<vmem>>, %arg4: memref<2000x128xf32, #tpu.memory_space<vmem>>, %arg5: memref<2000x128xf32, #tpu.memory_space<vmem>>, %arg6: memref<1x128xf32, #tpu.memory_space<vmem>>, %arg7: memref<2000x128xf32, #tpu.memory_space<vmem>>) attributes {dimension_semantics = [#tpu.dimension_semantics<arbitrary>], iteration_bounds = array<i64: 5>, scalar_prefetch = 0 : i64, scratch_operands = 0 : i64, tpu.core_type = #tpu.core_type<tc>, window_params = [{transform_indices = @transform_0, window_bounds = array<i64: 2000, 128>}, {transform_indices = @transform_1, window_bounds = array<i64: 2000, 128>}, {transform_indices = @transform_2, window_bounds = array<i64: 2000, 128>}, {transform_indices = @transform_3, window_bounds = array<i64: 2000, 128>}, {transform_indices = @transform_4, window_bounds = array<i64: 2000, 128>}, {pipeline_mode = #tpu.pipeline_mode<synchronous>, transform_indices = @transform_5, window_bounds = array<i64: 1, 128>}, {transform_indices = @transform_6, window_bounds = array<i64: 2000, 128>}]} {
    %get3A = arith.constant 0 : index
    %get3A_0 = arith.constant 0 : index
    %get3A_1 = vector.load %arg4[%get3A, %get3A_0] : memref<2000x128xf32, #tpu.memory_space<vmem>>, vector<2000x128xf32>
    %get3A_2 = arith.constant 0 : index
    %get3A_3 = arith.constant 0 : index
    %get3A_4 = vector.load %arg5[%get3A_2, %get3A_3] : memref<2000x128xf32, #tpu.memory_space<vmem>>, vector<2000x128xf32>
    %add3A = arith.addf %get3A_1, %get3A_4 : vector<2000x128xf32>
    %add3A_5 = arith.constant 1.000000e+00 : f32
    %add3A_6 = vector.broadcast %add3A_5 : f32 to vector<2000x128xf32>
    %add3A_7 = arith.addf %add3A, %add3A_6 : vector<2000x128xf32>
    %get3A_8 = arith.constant 0 : index
    %get3A_9 = arith.constant 0 : index
    %get3A_10 = vector.load %arg1[%get3A_8, %get3A_9] : memref<2000x128xf32, #tpu.memory_space<vmem>>, vector<2000x128xf32>
    %get3A_11 = arith.constant 0 : index
    %get3A_12 = arith.constant 0 : index
    %get3A_13 = vector.load %arg2[%get3A_11, %get3A_12] : memref<2000x128xf32, #tpu.memory_space<vmem>>, vector<2000x128xf32>
    %add3A_14 = arith.addf %get3A_10, %get3A_13 : vector<2000x128xf32>
    %get3A_15 = arith.constant 0 : index
    %get3A_16 = arith.constant 0 : index
    %get3A_17 = vector.load %arg3[%get3A_15, %get3A_16] : memref<2000x128xf32, #tpu.memory_space<vmem>>, vector<2000x128xf32>
    %add3A_18 = arith.addf %add3A_14, %get3A_17 : vector<2000x128xf32>
    %rsqrt3A = math.rsqrt %add3A_7 : vector<2000x128xf32>
    %mul3A = arith.mulf %add3A_18, %rsqrt3A : vector<2000x128xf32>
    %get3A_19 = arith.constant 0 : index
    %get3A_20 = arith.constant 0 : index
    %get3A_21 = vector.load %arg6[%get3A_19, %get3A_20] : memref<1x128xf32, #tpu.memory_space<vmem>>, vector<1x128xf32>
    %add3A_22 = vector.broadcast %get3A_21 : vector<1x128xf32> to vector<2000x128xf32>
    %add3A_23 = arith.addf %mul3A, %add3A_22 : vector<2000x128xf32>
    %swap3A = arith.constant 0 : index
    %swap3A_24 = arith.constant 0 : index
    %swap3A_25 = vector.load %arg7[%swap3A, %swap3A_24] : memref<2000x128xf32, #tpu.memory_space<vmem>>, vector<2000x128xf32>
    tpu.vector_store %arg7[%swap3A, %swap3A_24], %add3A_23 {strides = array<i32>} : memref<2000x128xf32, #tpu.memory_space<vmem>>, vector<2000x128xf32>,
    return
  }
  func.func @transform_0(%arg0: i32) -> (i32, i32) {
    %c0_i32 = arith.constant 0 : i32
    %c0_i32_0 = arith.constant 0 : i32
    return %arg0, %c0_i32 : i32, i32
  }
  func.func @transform_1(%arg0: i32) -> (i32, i32) {
    %c0_i32 = arith.constant 0 : i32
    %c0_i32_0 = arith.constant 0 : i32
    return %arg0, %c0_i32 : i32, i32
  }
  func.func @transform_2(%arg0: i32) -> (i32, i32) {
    %c0_i32 = arith.constant 0 : i32
    %c0_i32_0 = arith.constant 0 : i32
    return %arg0, %c0_i32 : i32, i32
  }
  func.func @transform_3(%arg0: i32) -> (i32, i32) {
    %c0_i32 = arith.constant 0 : i32
    %c0_i32_0 = arith.constant 0 : i32
    return %arg0, %c0_i32 : i32, i32
  }
  func.func @transform_4(%arg0: i32) -> (i32, i32) {
    %c0_i32 = arith.constant 0 : i32
    %c0_i32_0 = arith.constant 0 : i32
    return %arg0, %c0_i32 : i32, i32
  }
  func.func @transform_5(%arg0: i32) -> (i32, i32) {
    %c0_i32 = arith.constant 0 : i32
    %c0_i32_0 = arith.constant 0 : i32
    %c0_i32_1 = arith.constant 0 : i32
    return %c0_i32, %c0_i32_0 : i32, i32
  }
  func.func @transform_6(%arg0: i32) -> (i32, i32) {
    %c0_i32 = arith.constant 0 : i32
    %c0_i32_0 = arith.constant 0 : i32
    return %arg0, %c0_i32 : i32, i32
  }
}

</mosaic_0001>

<sc_bundles>
// kernel: kernel.6.cloned.1.call-start
scs
__scs_entry_jumppad:
0x0: {  	(pc) =	sbr.rel $0x88, $3  }
0x1: {  	(tag) =	ssettag $0x0;
	lr =	simm.s32 $0x1  }
0x2: {  	[smem:$0x3F9D] =	sst lr;
	_ =	strace $0xD0000000  }
0x3: {  	_ = 	snop  }
0x4: {  	_ = 	snop  }
0x5: {  	_ = 	snop  }
0x6: {  	_ = 	snop  }
0x7: {  	_ = 	snop  }
__scs_overlays_trampoline_lowered:
0x8: {  	[smem:$0x3FAC] =	sst s0  }
0x9: {  	[smem:$0x3FAD] =	sst s1  }
0xa: {  	[smem:$0x3FAE] =	sst s2  }
0xb: {  	[smem:$0x3FAF] =	sst s3  }
0xc: {  	[smem:$0x3FB0] =	sst s4  }
0xd: {  	[smem:$0x3FB1] =	sst s5  }
0xe: {  	[smem:$0x3FB2] =	sst s6  }
0xf: {  	[smem:$0x3FB3] =	sst s7  }
0x10: {  	[smem:$0x3FB4] =	sst s8  }
0x11: {  	[smem:$0x3FB5] =	sst s9;
	s0 =	simm.s32 @!p0 $0x0  }
0x12: {  	s1 =	sld [smem:$0x3F9B];
	s0 =	simm.s32 @p0 $0x1  }
0x13: {  	[smem:$0x3FB6] =	sst s0;
	s0 =	simm.s32 @!p1 $0x0  }
0x14: {  	s2 =	sld [smem:$0x3F9A];
	s0 =	simm.s32 @p1 $0x1  }
0x15: {  	[smem:$0x3FB7] =	sst s0;
	s0 =	simm.s32 @!p2 $0x0  }
0x16: {  	s3 =	sld [smem:$0x3FDB];
	s0 =	simm.s32 @p2 $0x1  }
0x17: {  	s4 =	simm.s32 $0x1BF5;
	[smem:$0x3FB9] =	sst s0  }
0x18: {  	s0 =	sld [smem:$0x3F9C];
	_ =	swait.ge [sflag:s4], $0x0  }
0x19: {  	s7 =	sld [smem:$0x3F9D]  }
0x1a: {  	s8 =	sadd.s32 $0xFFFFE003, lr  }
0x1b: {  	s9 =	sadd.s32 $0xFFFFFEF7, lr;
	s5 =	simm.s32 $0xFFFFFFFF;
	p2 =	slt.u32 s8, $0xFFFFF086  }
0x1c: {  	p1 =	slt.u32 s9, $0xF7A;
	s5 =	simm.s32 @!p2 $0x0  }
0x1d: {  	s5 =	simm.s32 @p1 $0x1;
	p0 =	seq.s32 s7, s2  }
0x1e: {  	s7 =	smul.u32 @!p0 $0xF7A, s2;
	p2 =	seq.s32 @!p0 s5, $0x0  }
0x1f: {  	s9 =	smul.u32 $0xF7A, s1;
	s8 =	simm.s32 @!p0 $0x1BF5;
	p2 =	por !p2, p0  }
0x20: {  	[sflag:s8] =	ssyncset.s32 @!p0 $0xFFFFF086;
	s6 =	sadd.s32 @!p0 s3, s7;
	s7 =	simm.s32 @!p0 $0x108  }
0x21: {  	s3 =	sadd.s32 s3, s9;
	s6 =	sadd.s32 @!p0 $0x88, s6;
	s7 =	simm.s32 @p2 $0x1082  }
0x22: {  	[simem:s7], [sflag:s8] =	dma.local @!p0 [hbm:s6], $0xF7A  }
0x23: {  	s9 =	sor.u32 $0xD0000000, s2;
	s6 =	simm.s32 $0x108;
	_ =	swait.ge @!p0 [sflag:s8], $0x0  }
0x24: {  	s3 =	sadd.s32 $0x88, s3;
	s6 =	simm.s32 @!p1 $0x1082;
	[sflag:s4] =	ssyncset.s32 $0xFFFFF086  }
0x25: {  	[simem:s6], [sflag:s4] =	dma.local [hbm:s3], $0xF7A  }
0x26: {  	[smem:$0x3F9D] =	sst s1;
	(tag) =	ssettag s2;
	_ =	strace s9  }
0x27: {  	s1 =	sld [smem:$0x3FAD]  }
0x28: {  	s2 =	sld [smem:$0x3FAE]  }
0x29: {  	s4 =	sld [smem:$0x3FB0]  }
0x2a: {  	p0 =	seq.s32 s5, $0x0;
	s5 =	sld [smem:$0x3FB1]  }
0x2b: {  	s6 =	sld [smem:$0x3FB2]  }
0x2c: {  	s7 =	sld [smem:$0x3FB3]  }
0x2d: {  	s3 =	simm.s32 $0x108;
	s8 =	sld [smem:$0x3FB4]  }
0x2e: {  	s3 =	simm.s32 @!p0 $0x1082;
	s9 =	sld [smem:$0x3FB5]  }
0x2f: {  	lr =	sadd.s32 s0, s3;
	s0 =	sld [smem:$0x3FAC]  }
0x30: {  	s3 =	sld [smem:$0x3FAF]  }
0x31: {  	[smem:$0x3FB8] =	sst s10  }
0x32: {  	s10 =	sld [smem:$0x3FB6];
	_ =	sdelay $0x3  }
0x33: {  	p0 =	seq.s32 s10, $0x1;
	s10 =	sld [smem:$0x3FB8];
	_ =	sdelay $0x3  }
0x34: {  	[smem:$0x3FB8] =	sst s10  }
0x35: {  	s10 =	sld [smem:$0x3FB7];
	_ =	sdelay $0x3  }
0x36: {  	p1 =	seq.s32 s10, $0x1;
	s10 =	sld [smem:$0x3FB8];
	_ =	sdelay $0x3  }
0x37: {  	[smem:$0x3FB8] =	sst s10  }
0x38: {  	s10 =	sld [smem:$0x3FB9]  }
0x39: {  	_ = 	snop;
	(pc) =	sbr.ind lr, $3  }
0x3a: {  	_ = 	snop  }
0x3b: {  	_ = 	snop  }
0x3c: {  	p2 =	seq.s32 s10, $0x1;
	s10 =	sld [smem:$0x3FB8]  }
0x3d: {  	_ =	shalt  }
0x3e: {  	_ =	shalt  }
0x3f: {  	_ =	shalt  }
0x40: {  	_ =	shalt  }
0x41: {  	_ =	shalt  }
0x42: {  	_ =	shalt  }
0x43: {  	_ =	shalt  }
0x44: {  	_ =	shalt  }
0x45: {  	_ =	shalt  }
0x46: {  	_ =	shalt  }
0x47: {  	_ =	shalt  }
0x48: {  	_ =	shalt  }
0x49: {  	_ =	shalt  }
0x4a: {  	_ =	shalt  }
0x4b: {  	_ =	shalt  }
0x4c: {  	_ =	shalt  }
0x4d: {  	_ =	shalt  }
0x4e: {  	_ =	shalt  }
0x4f: {  	_ =	shalt  }
0x50: {  	_ =	shalt  }
0x51: {  	_ =	shalt  }
0x52: {  	_ =	shalt  }
0x53: {  	_ =	shalt  }
0x54: {  	_ =	shalt  }
0x55: {  	_ =	shalt  }
0x56: {  	_ =	shalt  }
0x57: {  	_ =	shalt  }
0x58: {  	_ =	shalt  }
0x59: {  	_ =	shalt  }
0x5a: {  	_ =	shalt  }
0x5b: {  	_ =	shalt  }
0x5c: {  	_ =	shalt  }
0x5d: {  	_ =	shalt  }
0x5e: {  	_ =	shalt  }
0x5f: {  	_ =	shalt  }
0x60: {  	_ =	shalt  }
0x61: {  	_ =	shalt  }
0x62: {  	_ =	shalt  }
0x63: {  	_ =	shalt  }
0x64: {  	_ =	shalt  }
0x65: {  	_ =	shalt  }
0x66: {  	_ =	shalt  }
0x67: {  	_ =	shalt  }
0x68: {  	_ =	shalt  }
0x69: {  	_ =	shalt  }
0x6a: {  	_ =	shalt  }
0x6b: {  	_ =	shalt  }
0x6c: {  	_ =	shalt  }
0x6d: {  	_ =	shalt  }
0x6e: {  	_ =	shalt  }
0x6f: {  	_ =	shalt  }
0x70: {  	_ =	shalt  }
0x71: {  	_ =	shalt  }
0x72: {  	_ =	shalt  }
0x73: {  	_ =	shalt  }
0x74: {  	_ =	shalt  }
0x75: {  	_ =	shalt  }
0x76: {  	_ =	shalt  }
0x77: {  	_ =	shalt  }
0x78: {  	_ =	shalt  }
0x79: {  	_ =	shalt  }
0x7a: {  	_ =	shalt  }
0x7b: {  	_ =	shalt  }
0x7c: {  	_ =	shalt  }
0x7d: {  	_ =	shalt  }
0x7e: {  	_ =	shalt  }
0x7f: {  	_ =	shalt  }
0x80: {  	_ =	shalt  }
0x81: {  	_ =	shalt  }
0x82: {  	_ =	shalt  }
0x83: {  	_ =	shalt  }
0x84: {  	_ =	shalt  }
0x85: {  	_ =	shalt  }
0x86: {  	_ =	shalt  }
0x87: {  	_ =	shalt  }
.Lfunc_end0:
.L_simem_size_0:
called_computation_lowered:
.L_overlay_start_0:
0x88: {  	s2 =	sld [smem:$0x3FD9]  }
0x89: {  	s3 =	sld [smem:$0x3FFE];
	_ =	sdelay $0x1  }
0x8a: {  	s1 =	srdreg.scid  }
0x8b: {  	s0 =	sand.u32 $0x1, s1  }
0x8c: {  	s17 =	sshll.u32 s0, $0xA;
	s2 =	sadd.s32 s3, s2  }
0x8d: {  	s2 =	sadd.s32 s2, s17  }
0x8e: {  	[smem:$0x3FC4] =	sst s2  }
0x8f: {  	_ = 	snop  }
0x90: {  	s2 =	sld [smem:$0x3FD0];
	(tm) =	ssettm $0x1  }
0x91: {  	s18 =	sld [smem:$0x3FFB];
	_ =	sdelay $0x3  }
0x92: {  	_ =	strace s18  }
0x93: {  	s3 =	sld [smem:$0x3FFC];
	_ =	sdelay $0x3  }
0x94: {  	_ =	strace s3  }
0x95: {  	s3 =	sld [smem:$0x3FFD];
	_ =	sdelay $0x3  }
0x96: {  	_ =	strace s3  }
0x97: {  	_ =	strace $0x8FFFFFFF  }
0x98: {  	s19 =	sld [smem:$0x3FDB];
	_ =	sdelay $0x1  }
0x99: {  	s4 =	simm.s32 $_scs_section_size  }
0x9a: {  	s5 =	simm.s32 $_size__tile_overlayer_lowered;
	s6 =	simm.s32 $_tile_overlayer_lowered  }
0x9b: {  	s22 =	simm.s32 $0x1BFF;
	s21 =	sshll.u32 s6, $0x1;
	s3 =	sadd.s32 s4, s19  }
0x9c: {  	s7 =	simm.s32 $0x0;
	s20 =	sshll.u32 s5, $0x1;
	s5 =	sadd.s32 s21, s3  }
0x9d: {  	[timem:s7], [sflag:s22] =	dma.local [hbm:s5], s20  }
0x9e: {  	_ =	swait.ge [sflag:s22], s20  }
0x9f: {  	s4 =	ssub.s32 $0x0, s20;
	[sflag:s22] =	ssyncset.done $0x0  }
0xa0: {  	[sflag:s22] =	ssyncadd.s32 s4;
	_ =	sdelay $0x1  }
0xa1: {  	s23 =	simm.s32 $0x1B8B  }
0xa2: {  	_ =	swait.ge [sflag:s23], $0x1  }
0xa3: {  	[sflag:s23] =	ssyncset.done $0x0  }
0xa4: {  	s25 =	simm.s32 $0x1B8E;
	s24 =	sld [smem:$0x3FFE];
	[sflag:s23] =	ssyncadd.s32 $0xFFFFFFFF  }
0xa5: {  	s26 =	simm.s32 $execute0_lowered;
	[smem:$0x3FD2] =	sst s25  }
0xa6: {  	s5 =	sshll.u32 s26, $0x1;
	_ =	strace $0x80000046;
	[dreg:$0x1] =	wrdreg $0xFFFFFFFF  }
0xa7: {  	s28 =	simm.s32 $_size_execute0_lowered;
	s3 =	sadd.s32 s3, s5;
	[dreg:$0x0] =	wrdreg $0x0  }
0xa8: {  	s5 =	sshll.u32 s28, $0x1;
	[dreg:$0x2] =	wrdreg s3  }
0xa9: {  	[dreg:$0x3] =	wrdreg s5  }
0xaa: {  	[dreg:$0x4] =	wrdreg $0xC0  }
0xab: {  	_ =	task [dreg:s7], $0x5FFFF  }
0xac: {  	[dreg:$0x1] =	wrdreg $0xFFFFFFFF  }
0xad: {  	[dreg:$0x0] =	wrdreg $0x60  }
0xae: {  	[dreg:$0x2] =	wrdreg s24  }
0xaf: {  	[dreg:$0x3] =	wrdreg s2  }
0xb0: {  	[dreg:$0x4] =	wrdreg $0x81000  }
0xb1: {  	[dreg:$0x5] =	wrdreg $0x9  }
0xb2: {  	_ =	task.clear_ibuf [dreg:s7], $0x6FFFF;
	_ =	strace $0x90000046  }
0xb3: {  	s29 =	simm.s32 $0x9;
	_ =	strace $0x80000048  }
0xb4: {  	_ =	swait.ge [sflag:s29], $0x1  }
0xb5: {  	[sflag:s29] =	ssyncadd.s32 $0xFFFFFFFF  }
0xb6: {  	_ =	strace $0x90000048  }
0xb7: {  	_ =	sfence  }
0xb8: {  	s30 =	sld [smem:$0x0];
	_ =	sdelay $0x2  }
0xb9: {  	s31 =	sshll.u32 s1, $0xD;
	s1 =	sshrl.u32 s1, $0x2  }
0xba: {  	s3 =	sand.u32 $0x4000, s31;
	s1 =	sadd.s32 s1, s30  }
0xbb: {  	s0 =	sor.u32 s3, s0;
	s1 =	sshll.u32 s1, $0x11  }
0xbc: {  	s0 =	sor.u32 s1, s0  }
0xbd: {  	s0 =	sadd.s32 $0x8F2B, s0  }
0xbe: {  	[sflag:s0] =	ssyncadd.remote.s32 $0x1  }
0xbf: {  	_ =	sfence.sel $0xFFFF  }
0xc0: {  	[dreg:$0x0] =	wrdreg $0xFFFFFFFF;
	(pc) =	sbr.abs _section_cstart, $3  }
0xc1: {  	[dreg:$0x1] =	wrdreg $0xFFFFFFFF  }
0xc2: {  	_ =	task.clear_ibuf [dreg:s7], $0x2FFFF;
	_ =	strace $0x9FFFFFFF  }
0xc3: {  	(tm) =	ssettm $0x7FFFFFFF  }
tec
execute0_lowered:
.L_overlay_start_1:
0x0: {  	(tag) =	ssettag $0x1  }
0x1: {  	s9 =	rddreg [dreg:$0x0]  }
0x2: {  	s1 =	rddreg [dreg:$0x1]  }
0x3: {  	s2 =	rddreg [dreg:$0x2]  }
0x4: {  	s0 =	rddreg [dreg:$0x3];
	s3 =	simm.s32 $0x0;
	s6 =	srdreg.scid  }
0x5: {  	s4 =	stileid.u32;
	[smem:$0x7FF] =	sst s3  }
0x6: {  	s5 =	sadd.s32 $0x1800, s9;
	s7 =	sand.u32 $0x1, s6;
	s6 =	sadd.s32 $0x15800, s9  }
0x7: {  	s8 =	smul.u32 $0x280, s4;
	s9 =	sadd.s32 $0x16000, s9;
	s10 =	ssub.s32 $0x2, s7  }
0x8: {  	_ =	strace $0x80000047;
	s12 =	sshll.u32 s7, $0x4;
	s11 =	sshrl.u32 s10, $0x1  }
0x9: {  	s29 =	sor.u32 s4, s12;
	s30 =	sor.u32 $0x10, s8;
	s31 =	sor.u32 $0x20, s8  }
0xa: {  	s14 =	sor.u32 $0x30, s8;
	s15 =	sor.u32 $0x40, s8;
	s16 =	sor.u32 $0x50, s8  }
0xb: {  	s17 =	sor.u32 $0x60, s8;
	s18 =	sor.u32 $0x70, s8;
	s19 =	sadd.s32 $0x80, s8  }
0xc: {  	s20 =	sadd.s32 $0x90, s8;
	s21 =	sadd.s32 $0xA0, s8;
	s22 =	sadd.s32 $0xB0, s8  }
0xd: {  	s23 =	sadd.s32 $0xC0, s8;
	s25 =	sadd.s32 $0xD0, s8;
	s26 =	sadd.s32 $0xE0, s8  }
0xe: {  	v39 =	vlaneseq.u32;
	s28 =	sadd.s32 $0x100, s8;
	s12 =	sadd.s32 $0x120, s8;
	s24 =	smul.u32 $0x2800, s29  }
0xf: {  	v27 =	vor.u32 s8, v39;
	s13 =	ssub.s32 s10, s11;
	s10 =	smul.u32 $0x14000, s29;
	s11 =	sadd.s32 $0xF0, s8  }
0x10: {  	v0 =	vor.u32 s30, v39;
	s29 =	sadd.s32 $0x110, s8;
	v2 =	vor.u32 s14, v39;
	v3 =	vor.u32 s15, v39;
	s14 =	sadd.s32 $0x130, s8;
	s15 =	sadd.s32 $0x140, s8  }
0x11: {  	v4 =	vor.u32 s16, v39;
	v5 =	vor.u32 s17, v39;
	v6 =	vor.u32 s18, v39;
	s16 =	sadd.s32 $0x150, s8;
	s17 =	sadd.s32 $0x160, s8;
	s18 =	sadd.s32 $0x170, s8  }
0x12: {  	v1 =	vor.u32 s31, v39;
	v8 =	vor.u32 s20, v39;
	v9 =	vor.u32 s21, v39;
	s20 =	sadd.s32 $0x180, s8;
	s21 =	sadd.s32 $0x190, s8;
	s30 =	sadd.s32 $0x1A0, s8  }
0x13: {  	v7 =	vor.u32 s19, v39;
	v11 =	vor.u32 s23, v39;
	v12 =	vor.u32 s25, v39;
	s31 =	sadd.s32 $0x1B0, s8;
	s23 =	sadd.s32 $0x1C0, s8;
	s25 =	sadd.s32 $0x1D0, s8  }
0x14: {  	v13 =	vor.u32 s26, v39;
	v15 =	vor.u32 s28, v39;
	s26 =	sadd.s32 $0x1F0, s8;
	s28 =	sadd.s32 $0x200, s8;
	v17 =	vor.u32 s12, v39;
	s12 =	sadd.s32 $0x210, s8  }
0x15: {  	v10 =	vor.u32 s22, v39;
	s19 =	simm.s32 $0x0;
	v14 =	vor.u32 s11, v39;
	s11 =	sadd.s32 $0x1E0, s8;
	v18 =	vor.u32 s14, v39;
	s14 =	sadd.s32 $0x220, s8  }
0x16: {  	v16 =	vor.u32 s29, v39;
	s29 =	sadd.s32 $0x230, s8;
	v19 =	vor.u32 s15, v39;
	v20 =	vor.u32 s16, v39;
	s15 =	smul.u32 $0x5000, s7;
	s16 =	sadd.s32 $0x240, s8  }
0x17: {  	v21 =	vor.u32 s17, v39;
	s17 =	sadd.s32 $0x250, s8;
	v23 =	vor.u32 s20, v39;
	s20 =	smul.u32 $0x500, s4;
	v25 =	vor.u32 s30, v39;
	s30 =	sadd.s32 $0x260, s8  }
0x18: {  	v22 =	vor.u32 s18, v39;
	v24 =	vor.u32 s21, v39;
	v26 =	vor.u32 s31, v39;
	s31 =	sadd.s32 $0x270, s8;
	s13 =	smax.u32 s13, $0x1;
	s18 =	simm.s32 $0x1  }
0x19: {  	v28 =	vor.u32 s23, v39;
	v29 =	vor.u32 s25, v39;
	s7 =	sadd.s32 s9, s24;
	s10 =	sshrl.u32 s10, $0x3;
	v34 =	vor.u32 s14, v39;
	s14 =	simm.s32 $0x4100  }
0x1a: {  	v31 =	vor.u32 s26, v39;
	v36 =	vor.u32 s16, v39;
	s16 =	simm.s32 $0x100;
	v37 =	vor.u32 s17, v39;
	s17 =	simm.s32 $0x80;
	s24 =	sadd.s32 s9, s10  }
0x1b: {  	v32 =	vor.u32 s28, v39;
	v33 =	vor.u32 s12, v39;
	v30 =	vor.u32 s11, v39;
	s9 =	sadd.s32 s20, s15;
	s15 =	simm.s32 $0x2;
	s8 =	sadd.s32 $0x800, s24  }
0x1c: {  	v35 =	vor.u32 s29, v39;
	v38 =	vor.u32 s30, v39;
	v39 =	vor.u32 s31, v39;
	s10 =	sadd.s32 $0x1000, s24;
	s11 =	sadd.s32 $0x1800, s24;
	s12 =	sadd.s32 $0x2000, s24  }
.LBB2_1:
0x1d: {  	[tilespmem:s14], [sflag:$0x2] =	stream.linear.gather [hbm4b:s6+s3], $0x4000, $0x38;
	[tilespmem:$0x1C100] =	vst v63  }
0x1e: {  	_ =	swait.ge [sflag:s15], $0x4000  }
0x1f: {  	[sflag:s15] =	ssyncset.done $0x0  }
0x20: {  	[sflag:s15] =	ssyncadd.s32 $0xFFFFC000  }
0x21: {  	[tilespmem:s16], [sflag:$0x2] =	stream.linear.gather [hbm4b:s1+s3], $0x4000, $0x38;
	[tilespmem:$0x1C100] =	vst v63  }
0x22: {  	_ =	swait.ge [sflag:s15], $0x4000  }
0x23: {  	[sflag:s15] =	ssyncset.done $0x0  }
0x24: {  	[sflag:s15] =	ssyncadd.s32 $0xFFFFC000  }
0x25: {  	[tilespmem:$0x0] =	vst v27  }
0x26: {  	[tilespmem:$0x10] =	vst v0  }
0x27: {  	[tilespmem:$0x20] =	vst v1  }
0x28: {  	[tilespmem:$0x30] =	vst v2  }
0x29: {  	[tilespmem:$0x40] =	vst v3  }
0x2a: {  	[tilespmem:$0x50] =	vst v4  }
0x2b: {  	[tilespmem:$0x60] =	vst v5  }
0x2c: {  	[tilespmem:$0x70] =	vst v6  }
0x2d: {  	[spmem:s2] =	stream.indirect.scatter [tilespmem:s14], [sflag:$0x2], $0x80, s3, s17, $0xb8;
	[tilespmem:$0x1C100] =	vst v63  }
0x2e: {  	_ =	swait.ge [sflag:s15], $0x4000  }
0x2f: {  	[sflag:s15] =	ssyncset.done $0x0  }
0x30: {  	[sflag:s15] =	ssyncadd.s32 $0xFFFFC000  }
0x31: {  	[tilespmem:$0x0] =	vst v7  }
0x32: {  	[tilespmem:$0x10] =	vst v8  }
0x33: {  	[tilespmem:$0x20] =	vst v9  }
0x34: {  	[tilespmem:$0x30] =	vst v10  }
0x35: {  	[tilespmem:$0x40] =	vst v11  }
0x36: {  	[tilespmem:$0x50] =	vst v12  }
0x37: {  	[tilespmem:$0x60] =	vst v13  }
0x38: {  	[tilespmem:$0x70] =	vst v14  }
0x39: {  	[spmem:s2] =	stream.indirect.scatter [tilespmem:s14], [sflag:$0x2], $0x80, s3, s17, $0xb8;
	[tilespmem:$0x1C100] =	vst v63  }
0x3a: {  	_ =	swait.ge [sflag:s15], $0x4000  }
0x3b: {  	[sflag:s15] =	ssyncset.done $0x0  }
0x3c: {  	[sflag:s15] =	ssyncadd.s32 $0xFFFFC000  }
0x3d: {  	[tilespmem:$0x0] =	vst v15  }
0x3e: {  	[tilespmem:$0x10] =	vst v16  }
0x3f: {  	[tilespmem:$0x20] =	vst v17  }
0x40: {  	[tilespmem:$0x30] =	vst v18  }
0x41: {  	[tilespmem:$0x40] =	vst v19  }
0x42: {  	[tilespmem:$0x50] =	vst v20  }
0x43: {  	[tilespmem:$0x60] =	vst v21  }
0x44: {  	[tilespmem:$0x70] =	vst v22  }
0x45: {  	[spmem:s2] =	stream.indirect.scatter [tilespmem:s14], [sflag:$0x2], $0x80, s3, s17, $0xb8;
	[tilespmem:$0x1C100] =	vst v63  }
0x46: {  	_ =	swait.ge [sflag:s15], $0x4000  }
0x47: {  	[sflag:s15] =	ssyncset.done $0x0  }
0x48: {  	[sflag:s15] =	ssyncadd.s32 $0xFFFFC000  }
0x49: {  	[tilespmem:$0x0] =	vst v23  }
0x4a: {  	[tilespmem:$0x10] =	vst v24  }
0x4b: {  	[tilespmem:$0x20] =	vst v25  }
0x4c: {  	[tilespmem:$0x30] =	vst v26  }
0x4d: {  	[tilespmem:$0x40] =	vst v28  }
0x4e: {  	[tilespmem:$0x50] =	vst v29  }
0x4f: {  	[tilespmem:$0x60] =	vst v30  }
0x50: {  	[tilespmem:$0x70] =	vst v31  }
0x51: {  	[spmem:s2] =	stream.indirect.scatter [tilespmem:s14], [sflag:$0x2], $0x80, s3, s17, $0xb8;
	[tilespmem:$0x1C100] =	vst v63  }
0x52: {  	_ =	swait.ge [sflag:s15], $0x4000  }
0x53: {  	[sflag:s15] =	ssyncset.done $0x0  }
0x54: {  	[sflag:s15] =	ssyncadd.s32 $0xFFFFC000  }
0x55: {  	[tilespmem:$0x0] =	vst v32  }
0x56: {  	[tilespmem:$0x10] =	vst v33  }
0x57: {  	[tilespmem:$0x20] =	vst v34  }
0x58: {  	[tilespmem:$0x30] =	vst v35  }
0x59: {  	[tilespmem:$0x40] =	vst v36  }
0x5a: {  	[tilespmem:$0x50] =	vst v37  }
0x5b: {  	[tilespmem:$0x60] =	vst v38  }
0x5c: {  	[tilespmem:$0x70] =	vst v39  }
0x5d: {  	[spmem:s2] =	stream.indirect.scatter [tilespmem:s14], [sflag:$0x2], $0x80, s3, s17, $0xb8;
	[tilespmem:$0x1C100] =	vst v63  }
0x5e: {  	_ =	swait.ge [sflag:s15], $0x4000  }
0x5f: {  	s20 =	sadd.s32 $0x0, s9;
	s21 =	sand.u32 $0x70, s3;
	[sflag:s15] =	ssyncset.done $0x0  }
0x60: {  	s20 =	sand.u32 $0xFFFFF80, s20;
	s21 =	sadd.s32 s5, s21;
	[sflag:s15] =	ssyncadd.s32 $0xFFFFC000  }
0x61: {  	s20 =	sadd.s32 s20, s21;
	[bflag:$0x0] =	sbarrier.arrive $0xFFFF  }
0x62: {  	[tilespmem:s17], [sflag:$0x2] =	stream.linear.gather [hbm4b:s20+s3], $0x80, $0x38;
	[tilespmem:$0x1C100] =	vst v63  }
0x63: {  	_ =	swait.ge [sflag:s15], $0x80  }
0x64: {  	[sflag:s15] =	ssyncset.done $0x0  }
0x65: {  	s31 =	simm.s32 $0x10;
	s22 =	sadd.s32 $0x10, s9;
	[sflag:s15] =	ssyncadd.s32 $0xFFFFFF80  }
0x66: {  	[spmem:s2] =	stream.indirect.scatter.add.f32 [tilespmem:s16], [sflag:$0x2], $0x80, s17, s17, $0xb8;
	[tilespmem:$0x1C100] =	vst v63  }
0x67: {  	s23 =	sand.u32 $0x70, s31;
	s21 =	sand.u32 $0xFFFFF80, s22;
	_ =	swait.ge [sflag:s15], $0x4000  }
0x68: {  	s22 =	sadd.s32 s5, s23;
	s20 =	simm.s32 $0x20;
	[sflag:s15] =	ssyncset.done $0x0  }
.LBB2_2:
0x69: {  	s21 =	sadd.s32 s21, s22  }
0x6a: {  	[sflag:s15] =	ssyncadd.s32 $0xFFFFC000;
	s22 =	smov.u32 s20;
	s23 =	sadd.s32 $0x10, s20  }
0x6b: {  	[tilespmem:s17], [sflag:$0x2] =	stream.linear.gather [hbm4b:s21+s3], $0x80, $0x38;
	[tilespmem:$0x1C100] =	vst v63  }
0x6c: {  	p0 =	sne.s32 s20, $0x4F0;
	_ =	swait.ge [sflag:s15], $0x80  }
.Ltmp0:
0x6d: {  	[sflag:s15] =	ssyncset.done $0x0;
	(pc) =	sbr.rel @p0 .LBB2_2-.Ltmp0, $4  }
0x6e: {  	s20 =	sadd.s32 s22, s9;
	[sflag:s15] =	ssyncadd.s32 $0xFFFFFF80  }
0x6f: {  	[spmem:s2] =	stream.indirect.scatter.add.f32 [tilespmem:s16], [sflag:$0x2], $0x80, s17, s17, $0xb8;
	[tilespmem:$0x1C100] =	vst v63  }
0x70: {  	s22 =	sand.u32 $0x70, s22;
	s21 =	sand.u32 $0xFFFFF80, s20;
	_ =	swait.ge [sflag:s15], $0x4000  }
0x71: {  	s22 =	sadd.s32 s5, s22;
	s20 =	smov.u32 s23;
	[sflag:s15] =	ssyncset.done $0x0  }
0x72: {  	s20 =	sadd.s32 s21, s22;
	[sflag:s15] =	ssyncadd.s32 $0xFFFFC000  }
0x73: {  	[tilespmem:s17], [sflag:$0x2] =	stream.linear.gather [hbm4b:s20+s3], $0x80, $0x38;
	[tilespmem:$0x1C100] =	vst v63  }
0x74: {  	_ =	swait.ge [sflag:s15], $0x80  }
0x75: {  	[sflag:s15] =	ssyncset.done $0x0  }
0x76: {  	[sflag:s15] =	ssyncadd.s32 $0xFFFFFF80  }
0x77: {  	[spmem:s2] =	stream.indirect.scatter.add.f32 [tilespmem:s16], [sflag:$0x2], $0x80, s17, s17, $0xb8;
	[tilespmem:$0x1C100] =	vst v63  }
0x78: {  	_ =	swait.ge [sflag:s15], $0x4000  }
0x79: {  	[sflag:s15] =	ssyncset.done $0x0  }
0x7a: {  	[sflag:s15] =	ssyncadd.s32 $0xFFFFC000  }
0x7b: {  	[bflag:$0x0] =	sbarrier.arrive $0xFFFF  }
0x7c: {  	[tilespmem:$0x0] =	vst v27  }
0x7d: {  	[tilespmem:$0x10] =	vst v0  }
0x7e: {  	[tilespmem:$0x20] =	vst v1  }
0x7f: {  	[tilespmem:$0x30] =	vst v2  }
0x80: {  	[tilespmem:$0x40] =	vst v3  }
0x81: {  	[tilespmem:$0x50] =	vst v4  }
0x82: {  	[tilespmem:$0x60] =	vst v5  }
0x83: {  	[tilespmem:$0x70] =	vst v6  }
0x84: {  	[tilespmem:s14], [sflag:$0x1] =	stream.indirect.gather [spmem:s2], $0x80, s3, s17, $0xb8;
	[tilespmem:$0x1C100] =	vst v63  }
0x85: {  	_ =	swait.ge [sflag:s18], $0x4000  }
0x86: {  	[sflag:s18] =	ssyncset.done $0x0  }
0x87: {  	[sflag:s18] =	ssyncadd.s32 $0xFFFFC000  }
0x88: {  	[hbm4b:s7+s3] =	stream.linear.scatter [tilespmem:s14], [sflag:$0x2], $0x4000, $0x38;
	[tilespmem:$0x1C100] =	vst v63  }
0x89: {  	_ =	swait.ge [sflag:s15], $0x4000  }
0x8a: {  	[sflag:s15] =	ssyncset.done $0x0  }
0x8b: {  	[sflag:s15] =	ssyncadd.s32 $0xFFFFC000  }
0x8c: {  	[tilespmem:$0x0] =	vst v7  }
0x8d: {  	[tilespmem:$0x10] =	vst v8  }
0x8e: {  	[tilespmem:$0x20] =	vst v9  }
0x8f: {  	[tilespmem:$0x30] =	vst v10  }
0x90: {  	[tilespmem:$0x40] =	vst v11  }
0x91: {  	[tilespmem:$0x50] =	vst v12  }
0x92: {  	[tilespmem:$0x60] =	vst v13  }
0x93: {  	[tilespmem:$0x70] =	vst v14  }
0x94: {  	[tilespmem:s14], [sflag:$0x1] =	stream.indirect.gather [spmem:s2], $0x80, s3, s17, $0xb8;
	[tilespmem:$0x1C100] =	vst v63  }
0x95: {  	_ =	swait.ge [sflag:s18], $0x4000  }
0x96: {  	[sflag:s18] =	ssyncset.done $0x0  }
0x97: {  	[sflag:s18] =	ssyncadd.s32 $0xFFFFC000  }
0x98: {  	[hbm4b:s8+s3] =	stream.linear.scatter [tilespmem:s14], [sflag:$0x2], $0x4000, $0x38;
	[tilespmem:$0x1C100] =	vst v63  }
0x99: {  	_ =	swait.ge [sflag:s15], $0x4000  }
0x9a: {  	[sflag:s15] =	ssyncset.done $0x0  }
0x9b: {  	[sflag:s15] =	ssyncadd.s32 $0xFFFFC000  }
0x9c: {  	[tilespmem:$0x0] =	vst v15  }
0x9d: {  	[tilespmem:$0x10] =	vst v16  }
0x9e: {  	[tilespmem:$0x20] =	vst v17  }
0x9f: {  	[tilespmem:$0x30] =	vst v18  }
0xa0: {  	[tilespmem:$0x40] =	vst v19  }
0xa1: {  	[tilespmem:$0x50] =	vst v20  }
0xa2: {  	[tilespmem:$0x60] =	vst v21  }
0xa3: {  	[tilespmem:$0x70] =	vst v22  }
0xa4: {  	[tilespmem:s14], [sflag:$0x1] =	stream.indirect.gather [spmem:s2], $0x80, s3, s17, $0xb8;
	[tilespmem:$0x1C100] =	vst v63  }
0xa5: {  	_ =	swait.ge [sflag:s18], $0x4000  }
0xa6: {  	[sflag:s18] =	ssyncset.done $0x0  }
0xa7: {  	[sflag:s18] =	ssyncadd.s32 $0xFFFFC000  }
0xa8: {  	[hbm4b:s10+s3] =	stream.linear.scatter [tilespmem:s14], [sflag:$0x2], $0x4000, $0x38;
	[tilespmem:$0x1C100] =	vst v63  }
0xa9: {  	_ =	swait.ge [sflag:s15], $0x4000  }
0xaa: {  	[sflag:s15] =	ssyncset.done $0x0  }
0xab: {  	[sflag:s15] =	ssyncadd.s32 $0xFFFFC000  }
0xac: {  	[tilespmem:$0x0] =	vst v23  }
0xad: {  	[tilespmem:$0x10] =	vst v24  }
0xae: {  	[tilespmem:$0x20] =	vst v25  }
0xaf: {  	[tilespmem:$0x30] =	vst v26  }
0xb0: {  	[tilespmem:$0x40] =	vst v28  }
0xb1: {  	[tilespmem:$0x50] =	vst v29  }
0xb2: {  	[tilespmem:$0x60] =	vst v30  }
0xb3: {  	[tilespmem:$0x70] =	vst v31  }
0xb4: {  	[tilespmem:s14], [sflag:$0x1] =	stream.indirect.gather [spmem:s2], $0x80, s3, s17, $0xb8;
	[tilespmem:$0x1C100] =	vst v63  }
0xb5: {  	_ =	swait.ge [sflag:s18], $0x4000  }
0xb6: {  	[sflag:s18] =	ssyncset.done $0x0  }
0xb7: {  	[sflag:s18] =	ssyncadd.s32 $0xFFFFC000  }
0xb8: {  	[hbm4b:s11+s3] =	stream.linear.scatter [tilespmem:s14], [sflag:$0x2], $0x4000, $0x38;
	[tilespmem:$0x1C100] =	vst v63  }
0xb9: {  	_ =	swait.ge [sflag:s15], $0x4000  }
0xba: {  	[sflag:s15] =	ssyncset.done $0x0  }
0xbb: {  	[sflag:s15] =	ssyncadd.s32 $0xFFFFC000  }
0xbc: {  	[tilespmem:$0x0] =	vst v32  }
0xbd: {  	[tilespmem:$0x10] =	vst v33  }
0xbe: {  	[tilespmem:$0x20] =	vst v34  }
0xbf: {  	[tilespmem:$0x30] =	vst v35  }
0xc0: {  	[tilespmem:$0x40] =	vst v36  }
0xc1: {  	[tilespmem:$0x50] =	vst v37  }
0xc2: {  	[tilespmem:$0x60] =	vst v38  }
0xc3: {  	[tilespmem:$0x70] =	vst v39  }
0xc4: {  	[tilespmem:s14], [sflag:$0x1] =	stream.indirect.gather [spmem:s2], $0x80, s3, s17, $0xb8;
	[tilespmem:$0x1C100] =	vst v63  }
0xc5: {  	s19 =	sadd.s32 $0x1, s19;
	_ =	swait.ge [sflag:s18], $0x4000  }
0xc6: {  	p0 =	sne.s32 s19, s13;
	[sflag:s18] =	ssyncset.done $0x0  }
.Ltmp1:
0xc7: {  	[sflag:s18] =	ssyncadd.s32 $0xFFFFC000;
	(pc) =	sbr.rel @p0 .LBB2_1-.Ltmp1, $4  }
0xc8: {  	[hbm4b:s12+s3] =	stream.linear.scatter [tilespmem:s14], [sflag:$0x2], $0x4000, $0x38;
	[tilespmem:$0x1C100] =	vst v63  }
0xc9: {  	_ =	swait.ge [sflag:s15], $0x4000  }
0xca: {  	[sflag:s15] =	ssyncset.done $0x0  }
0xcb: {  	[sflag:s15] =	ssyncadd.s32 $0xFFFFC000  }
0xcc: {  	_ =	sfence.sel $0x180000  }
0xcd: {  	[bflag:$0x0] =	sbarrier.arrive $0xFFFF  }
0xce: {  	p0 =	sne.s32 s4, $0x0;
	_ =	strace $0x90000047  }
0xcf: {  	s0 =	sadd.s32 @!p0 $0x100000, s0;
	[bflag:$0x2] =	sbarrier.arrive $0xFFFF  }
0xd0: {  	[sflag:s0] =	ssyncadd.tile.s32 @!p0 $0x1;
	_ =	shalt  }
.Lfunc_end2:
_tile_overlayer_lowered:
.L_overlay_start_2:
0xd1: {  	(tag) =	ssettag $0x2  }
0xd2: {  	s0 =	rddreg [dreg:$0x0];
	s2 =	stileid.u32  }
0xd3: {  	s1 =	rddreg [dreg:$0x1];
	p0 =	sne.s32 s2, $0x0  }
0xd4: {  	s3 =	rddreg [dreg:$0x2];
	[bflag:$0x3] =	sbarrier.arrive $0xFFFF;
	s2 =	simm.s32 @!p0 $0x1C02  }
0xd5: {  	[timem:s3], [sflag:s2] =	dma.local @!p0 [hbm:s0], s1  }
0xd6: {  	s0 =	simm.s32 @!p0 $0x2  }
0xd7: {  	_ =	swait.ge @!p0 [sflag:s0], s1  }
0xd8: {  	s1 =	ssub.s32 @!p0 $0x0, s1;
	[sflag:s0] =	ssyncset.done @!p0 $0x0  }
0xd9: {  	[sflag:s0] =	ssyncadd.s32 @!p0 s1  }
0xda: {  	[bflag:$0x3] =	sbarrier.arrive $0xFFFF  }
0xdb: {  	_ =	shalt  }

// kernel: kernel.9.cloned.1.call-start
scs
__scs_entry_jumppad:
0x0: {  	(pc) =	sbr.rel $0x88, $3  }
0x1: {  	(tag) =	ssettag $0x0;
	lr =	simm.s32 $0x1  }
0x2: {  	[smem:$0x3F9D] =	sst lr;
	_ =	strace $0xD0000000  }
0x3: {  	_ = 	snop  }
0x4: {  	_ = 	snop  }
0x5: {  	_ = 	snop  }
0x6: {  	_ = 	snop  }
0x7: {  	_ = 	snop  }
__scs_overlays_trampoline_lowered:
0x8: {  	[smem:$0x3FAC] =	sst s0  }
0x9: {  	[smem:$0x3FAD] =	sst s1  }
0xa: {  	[smem:$0x3FAE] =	sst s2  }
0xb: {  	[smem:$0x3FAF] =	sst s3  }
0xc: {  	[smem:$0x3FB0] =	sst s4  }
0xd: {  	[smem:$0x3FB1] =	sst s5  }
0xe: {  	[smem:$0x3FB2] =	sst s6  }
0xf: {  	[smem:$0x3FB3] =	sst s7  }
0x10: {  	[smem:$0x3FB4] =	sst s8  }
0x11: {  	[smem:$0x3FB5] =	sst s9;
	s0 =	simm.s32 @!p0 $0x0  }
0x12: {  	s1 =	sld [smem:$0x3F9B];
	s0 =	simm.s32 @p0 $0x1  }
0x13: {  	[smem:$0x3FB6] =	sst s0;
	s0 =	simm.s32 @!p1 $0x0  }
0x14: {  	s2 =	sld [smem:$0x3F9A];
	s0 =	simm.s32 @p1 $0x1  }
0x15: {  	[smem:$0x3FB7] =	sst s0;
	s0 =	simm.s32 @!p2 $0x0  }
0x16: {  	s3 =	sld [smem:$0x3FDB];
	s0 =	simm.s32 @p2 $0x1  }
0x17: {  	s4 =	simm.s32 $0x1BF5;
	[smem:$0x3FB9] =	sst s0  }
0x18: {  	s0 =	sld [smem:$0x3F9C];
	_ =	swait.ge [sflag:s4], $0x0  }
0x19: {  	s7 =	sld [smem:$0x3F9D]  }
0x1a: {  	s8 =	sadd.s32 $0xFFFFE003, lr  }
0x1b: {  	s9 =	sadd.s32 $0xFFFFFEF7, lr;
	s5 =	simm.s32 $0xFFFFFFFF;
	p2 =	slt.u32 s8, $0xFFFFF086  }
0x1c: {  	p1 =	slt.u32 s9, $0xF7A;
	s5 =	simm.s32 @!p2 $0x0  }
0x1d: {  	s5 =	simm.s32 @p1 $0x1;
	p0 =	seq.s32 s7, s2  }
0x1e: {  	s7 =	smul.u32 @!p0 $0xF7A, s2;
	p2 =	seq.s32 @!p0 s5, $0x0  }
0x1f: {  	s9 =	smul.u32 $0xF7A, s1;
	s8 =	simm.s32 @!p0 $0x1BF5;
	p2 =	por !p2, p0  }
0x20: {  	[sflag:s8] =	ssyncset.s32 @!p0 $0xFFFFF086;
	s6 =	sadd.s32 @!p0 s3, s7;
	s7 =	simm.s32 @!p0 $0x108  }
0x21: {  	s3 =	sadd.s32 s3, s9;
	s6 =	sadd.s32 @!p0 $0x88, s6;
	s7 =	simm.s32 @p2 $0x1082  }
0x22: {  	[simem:s7], [sflag:s8] =	dma.local @!p0 [hbm:s6], $0xF7A  }
0x23: {  	s9 =	sor.u32 $0xD0000000, s2;
	s6 =	simm.s32 $0x108;
	_ =	swait.ge @!p0 [sflag:s8], $0x0  }
0x24: {  	s3 =	sadd.s32 $0x88, s3;
	s6 =	simm.s32 @!p1 $0x1082;
	[sflag:s4] =	ssyncset.s32 $0xFFFFF086  }
0x25: {  	[simem:s6], [sflag:s4] =	dma.local [hbm:s3], $0xF7A  }
0x26: {  	[smem:$0x3F9D] =	sst s1;
	(tag) =	ssettag s2;
	_ =	strace s9  }
0x27: {  	s1 =	sld [smem:$0x3FAD]  }
0x28: {  	s2 =	sld [smem:$0x3FAE]  }
0x29: {  	s4 =	sld [smem:$0x3FB0]  }
0x2a: {  	p0 =	seq.s32 s5, $0x0;
	s5 =	sld [smem:$0x3FB1]  }
0x2b: {  	s6 =	sld [smem:$0x3FB2]  }
0x2c: {  	s7 =	sld [smem:$0x3FB3]  }
0x2d: {  	s3 =	simm.s32 $0x108;
	s8 =	sld [smem:$0x3FB4]  }
0x2e: {  	s3 =	simm.s32 @!p0 $0x1082;
	s9 =	sld [smem:$0x3FB5]  }
0x2f: {  	lr =	sadd.s32 s0, s3;
	s0 =	sld [smem:$0x3FAC]  }
0x30: {  	s3 =	sld [smem:$0x3FAF]  }
0x31: {  	[smem:$0x3FB8] =	sst s10  }
0x32: {  	s10 =	sld [smem:$0x3FB6];
	_ =	sdelay $0x3  }
0x33: {  	p0 =	seq.s32 s10, $0x1;
	s10 =	sld [smem:$0x3FB8];
	_ =	sdelay $0x3  }
0x34: {  	[smem:$0x3FB8] =	sst s10  }
0x35: {  	s10 =	sld [smem:$0x3FB7];
	_ =	sdelay $0x3  }
0x36: {  	p1 =	seq.s32 s10, $0x1;
	s10 =	sld [smem:$0x3FB8];
	_ =	sdelay $0x3  }
0x37: {  	[smem:$0x3FB8] =	sst s10  }
0x38: {  	s10 =	sld [smem:$0x3FB9]  }
0x39: {  	_ = 	snop;
	(pc) =	sbr.ind lr, $3  }
0x3a: {  	_ = 	snop  }
0x3b: {  	_ = 	snop  }
0x3c: {  	p2 =	seq.s32 s10, $0x1;
	s10 =	sld [smem:$0x3FB8]  }
0x3d: {  	_ =	shalt  }
0x3e: {  	_ =	shalt  }
0x3f: {  	_ =	shalt  }
0x40: {  	_ =	shalt  }
0x41: {  	_ =	shalt  }
0x42: {  	_ =	shalt  }
0x43: {  	_ =	shalt  }
0x44: {  	_ =	shalt  }
0x45: {  	_ =	shalt  }
0x46: {  	_ =	shalt  }
0x47: {  	_ =	shalt  }
0x48: {  	_ =	shalt  }
0x49: {  	_ =	shalt  }
0x4a: {  	_ =	shalt  }
0x4b: {  	_ =	shalt  }
0x4c: {  	_ =	shalt  }
0x4d: {  	_ =	shalt  }
0x4e: {  	_ =	shalt  }
0x4f: {  	_ =	shalt  }
0x50: {  	_ =	shalt  }
0x51: {  	_ =	shalt  }
0x52: {  	_ =	shalt  }
0x53: {  	_ =	shalt  }
0x54: {  	_ =	shalt  }
0x55: {  	_ =	shalt  }
0x56: {  	_ =	shalt  }
0x57: {  	_ =	shalt  }
0x58: {  	_ =	shalt  }
0x59: {  	_ =	shalt  }
0x5a: {  	_ =	shalt  }
0x5b: {  	_ =	shalt  }
0x5c: {  	_ =	shalt  }
0x5d: {  	_ =	shalt  }
0x5e: {  	_ =	shalt  }
0x5f: {  	_ =	shalt  }
0x60: {  	_ =	shalt  }
0x61: {  	_ =	shalt  }
0x62: {  	_ =	shalt  }
0x63: {  	_ =	shalt  }
0x64: {  	_ =	shalt  }
0x65: {  	_ =	shalt  }
0x66: {  	_ =	shalt  }
0x67: {  	_ =	shalt  }
0x68: {  	_ =	shalt  }
0x69: {  	_ =	shalt  }
0x6a: {  	_ =	shalt  }
0x6b: {  	_ =	shalt  }
0x6c: {  	_ =	shalt  }
0x6d: {  	_ =	shalt  }
0x6e: {  	_ =	shalt  }
0x6f: {  	_ =	shalt  }
0x70: {  	_ =	shalt  }
0x71: {  	_ =	shalt  }
0x72: {  	_ =	shalt  }
0x73: {  	_ =	shalt  }
0x74: {  	_ =	shalt  }
0x75: {  	_ =	shalt  }
0x76: {  	_ =	shalt  }
0x77: {  	_ =	shalt  }
0x78: {  	_ =	shalt  }
0x79: {  	_ =	shalt  }
0x7a: {  	_ =	shalt  }
0x7b: {  	_ =	shalt  }
0x7c: {  	_ =	shalt  }
0x7d: {  	_ =	shalt  }
0x7e: {  	_ =	shalt  }
0x7f: {  	_ =	shalt  }
0x80: {  	_ =	shalt  }
0x81: {  	_ =	shalt  }
0x82: {  	_ =	shalt  }
0x83: {  	_ =	shalt  }
0x84: {  	_ =	shalt  }
0x85: {  	_ =	shalt  }
0x86: {  	_ =	shalt  }
0x87: {  	_ =	shalt  }
.Lfunc_end0:
.L_simem_size_0:
called_computation.1_lowered:
.L_overlay_start_0:
0x88: {  	s2 =	sld [smem:$0x3FD9]  }
0x89: {  	s3 =	sld [smem:$0x3FFE];
	_ =	sdelay $0x1  }
0x8a: {  	s1 =	srdreg.scid  }
0x8b: {  	s0 =	sand.u32 $0x1, s1  }
0x8c: {  	s17 =	sshll.u32 s0, $0xA;
	s2 =	sadd.s32 s3, s2  }
0x8d: {  	s2 =	sadd.s32 s2, s17  }
0x8e: {  	[smem:$0x3FC4] =	sst s2  }
0x8f: {  	_ = 	snop  }
0x90: {  	s2 =	sld [smem:$0x3FD0];
	(tm) =	ssettm $0x1  }
0x91: {  	s18 =	sld [smem:$0x3FFB];
	_ =	sdelay $0x3  }
0x92: {  	_ =	strace s18  }
0x93: {  	s3 =	sld [smem:$0x3FFC];
	_ =	sdelay $0x3  }
0x94: {  	_ =	strace s3  }
0x95: {  	s3 =	sld [smem:$0x3FFD];
	_ =	sdelay $0x3  }
0x96: {  	_ =	strace s3  }
0x97: {  	_ =	strace $0x8FFFFFFF  }
0x98: {  	s19 =	sld [smem:$0x3FDB];
	_ =	sdelay $0x1  }
0x99: {  	s4 =	simm.s32 $_scs_section_size  }
0x9a: {  	s5 =	simm.s32 $_size__tile_overlayer_lowered;
	s6 =	simm.s32 $_tile_overlayer_lowered  }
0x9b: {  	s22 =	simm.s32 $0x1BFF;
	s21 =	sshll.u32 s6, $0x1;
	s3 =	sadd.s32 s4, s19  }
0x9c: {  	s7 =	simm.s32 $0x0;
	s20 =	sshll.u32 s5, $0x1;
	s5 =	sadd.s32 s21, s3  }
0x9d: {  	[timem:s7], [sflag:s22] =	dma.local [hbm:s5], s20  }
0x9e: {  	_ =	swait.ge [sflag:s22], s20  }
0x9f: {  	s4 =	ssub.s32 $0x0, s20;
	[sflag:s22] =	ssyncset.done $0x0  }
0xa0: {  	[sflag:s22] =	ssyncadd.s32 s4;
	_ =	sdelay $0x1  }
0xa1: {  	s23 =	simm.s32 $0x1B8B  }
0xa2: {  	_ =	swait.ge [sflag:s23], $0x1  }
0xa3: {  	[sflag:s23] =	ssyncset.done $0x0  }
0xa4: {  	s25 =	simm.s32 $0x1B8E;
	s24 =	sld [smem:$0x3FFE];
	[sflag:s23] =	ssyncadd.s32 $0xFFFFFFFF  }
0xa5: {  	s26 =	simm.s32 $execute0_lowered;
	[smem:$0x3FD2] =	sst s25  }
0xa6: {  	s5 =	sshll.u32 s26, $0x1;
	_ =	strace $0x80000049;
	[dreg:$0x1] =	wrdreg $0xFFFFFFFF  }
0xa7: {  	s28 =	simm.s32 $_size_execute0_lowered;
	s3 =	sadd.s32 s3, s5;
	[dreg:$0x0] =	wrdreg $0x0  }
0xa8: {  	s5 =	sshll.u32 s28, $0x1;
	[dreg:$0x2] =	wrdreg s3  }
0xa9: {  	[dreg:$0x3] =	wrdreg s5  }
0xaa: {  	[dreg:$0x4] =	wrdreg $0xC0  }
0xab: {  	_ =	task [dreg:s7], $0x5FFFF  }
0xac: {  	[dreg:$0x1] =	wrdreg $0xFFFFFFFF  }
0xad: {  	[dreg:$0x0] =	wrdreg $0x60  }
0xae: {  	[dreg:$0x2] =	wrdreg s24  }
0xaf: {  	[dreg:$0x3] =	wrdreg s2  }
0xb0: {  	[dreg:$0x4] =	wrdreg $0x84800  }
0xb1: {  	[dreg:$0x5] =	wrdreg $0x9  }
0xb2: {  	_ =	task.clear_ibuf [dreg:s7], $0x6FFFF;
	_ =	strace $0x90000049  }
0xb3: {  	s29 =	simm.s32 $0x9;
	_ =	strace $0x8000004B  }
0xb4: {  	_ =	swait.ge [sflag:s29], $0x1  }
0xb5: {  	[sflag:s29] =	ssyncadd.s32 $0xFFFFFFFF  }
0xb6: {  	_ =	strace $0x9000004B  }
0xb7: {  	_ =	sfence  }
0xb8: {  	s30 =	sld [smem:$0x0];
	_ =	sdelay $0x2  }
0xb9: {  	s31 =	sshll.u32 s1, $0xD;
	s1 =	sshrl.u32 s1, $0x2  }
0xba: {  	s3 =	sand.u32 $0x4000, s31;
	s1 =	sadd.s32 s1, s30  }
0xbb: {  	s0 =	sor.u32 s3, s0;
	s1 =	sshll.u32 s1, $0x11  }
0xbc: {  	s0 =	sor.u32 s1, s0  }
0xbd: {  	s0 =	sadd.s32 $0x8F2B, s0  }
0xbe: {  	[sflag:s0] =	ssyncadd.remote.s32 $0x1  }
0xbf: {  	_ =	sfence.sel $0xFFFF  }
0xc0: {  	[dreg:$0x0] =	wrdreg $0xFFFFFFFF;
	(pc) =	sbr.abs _section_cstart, $3  }
0xc1: {  	[dreg:$0x1] =	wrdreg $0xFFFFFFFF  }
0xc2: {  	_ =	task.clear_ibuf [dreg:s7], $0x2FFFF;
	_ =	strace $0x9FFFFFFF  }
0xc3: {  	(tm) =	ssettm $0x7FFFFFFF  }
tec
execute0_lowered:
.L_overlay_start_1:
0x0: {  	(tag) =	ssettag $0x1  }
0x1: {  	s7 =	rddreg [dreg:$0x0]  }
0x2: {  	s1 =	rddreg [dreg:$0x1]  }
0x3: {  	s2 =	rddreg [dreg:$0x2];
	s3 =	simm.s32 $0x0;
	s4 =	srdreg.scid  }
0x4: {  	s13 =	stileid.u32;
	[smem:$0x7FF] =	sst s3  }
0x5: {  	s8 =	sand.u32 $0x1, s4;
	s0 =	sadd.s32 $0x15800, s7;
	_ =	strace $0x8000004A  }
0x6: {  	[dreg:$0x5] =	wrdreg s0;
	s9 =	ssub.s32 $0x2, s8;
	s0 =	smul.u32 $0x280, s13  }
0x7: {  	s4 =	sshll.u32 s8, $0x4;
	s8 =	smul.u32 $0x5000, s8;
	s10 =	sshrl.u32 s9, $0x1  }
0x8: {  	s26 =	sor.u32 s13, s4;
	s13 =	smul.u32 $0x500, s13;
	s30 =	ssub.s32 s9, s10  }
0x9: {  	s9 =	sor.u32 $0x40, s0;
	[dreg:$0x1d] =	wrdreg s30  }
0xa: {  	s4 =	smul.u32 $0x500, s26;
	[smem:$0x7ED] =	sst s9;
	s8 =	sadd.s32 s13, s8  }
0xb: {  	s5 =	sadd.s32 $0xB800, s7;
	s30 =	sadd.s32 $0x160, s0;
	[dreg:$0x4] =	wrdreg s8  }
0xc: {  	s12 =	sor.u32 $0x10, s4;
	[smem:$0x7EE] =	sst s30;
	s30 =	sadd.s32 $0x170, s0  }
0xd: {  	s6 =	sadd.s32 $0x1800, s7;
	s10 =	sadd.s32 s5, s12;
	[smem:$0x7EF] =	sst s30  }
0xe: {  	s15 =	sor.u32 $0x20, s4;
	s14 =	sadd.s32 s6, s12;
	[dreg:$0x6] =	wrdreg s10  }
0xf: {  	s16 =	sadd.s32 s5, s15;
	[dreg:$0x7] =	wrdreg s14  }
0x10: {  	s18 =	sor.u32 $0x30, s4;
	s17 =	sadd.s32 s6, s15;
	[dreg:$0x8] =	wrdreg s16  }
0x11: {  	s19 =	sadd.s32 s5, s18;
	[dreg:$0x9] =	wrdreg s17  }
0x12: {  	s20 =	sor.u32 $0x40, s4;
	s21 =	sadd.s32 s6, s18;
	[dreg:$0xa] =	wrdreg s19  }
0x13: {  	s25 =	sadd.s32 s5, s20;
	[dreg:$0xb] =	wrdreg s21  }
0x14: {  	s11 =	sadd.s32 $0x3D200, s7;
	s28 =	sadd.s32 s6, s20;
	[dreg:$0xc] =	wrdreg s25  }
0x15: {  	s7 =	smul.u32 $0x14000, s26;
	s30 =	sadd.s32 $0x180, s0;
	[dreg:$0xd] =	wrdreg s28  }
0x16: {  	v39 =	vlaneseq.u32;
	s13 =	sadd.s32 $0xB0, s0;
	s12 =	sadd.s32 $0x90, s0;
	[smem:$0x7F0] =	sst s30  }
0x17: {  	s8 =	sor.u32 $0x60, s0;
	s7 =	sshrl.u32 s7, $0x3;
	v9 =	vor.u32 s12, v39;
	s12 =	sld [smem:$0x7EE]  }
0x18: {  	v11 =	vor.u32 s13, v39;
	s7 =	sadd.s32 s11, s7;
	s30 =	sadd.s32 $0x190, s0;
	s13 =	sld [smem:$0x7EF]  }
0x19: {  	s9 =	sor.u32 $0x70, s0;
	v6 =	vor.u32 s8, v39;
	s8 =	sadd.s32 $0x1000, s7;
	[smem:$0x7F1] =	sst s30  }
0x1a: {  	v7 =	vor.u32 s9, v39;
	s9 =	sadd.s32 $0x1800, s7;
	[dreg:$0x18] =	wrdreg s8  }
0x1b: {  	s14 =	sadd.s32 $0xC0, s0;
	[dreg:$0x19] =	wrdreg s9  }
0x1c: {  	s10 =	sadd.s32 $0x80, s0;
	s30 =	sadd.s32 $0x1A0, s0;
	v12 =	vor.u32 s14, v39;
	s14 =	sld [smem:$0x7F0]  }
0x1d: {  	v8 =	vor.u32 s10, v39;
	s10 =	sadd.s32 $0x2000, s7;
	[smem:$0x7F2] =	sst s30  }
0x1e: {  	s15 =	sadd.s32 $0xA0, s0;
	[dreg:$0x1a] =	wrdreg s10  }
0x1f: {  	v10 =	vor.u32 s15, v39;
	s30 =	sadd.s32 $0x1B0, s0;
	s15 =	sld [smem:$0x7F1]  }
0x20: {  	s16 =	sadd.s32 $0xE0, s0;
	[smem:$0x7F3] =	sst s30  }
0x21: {  	v14 =	vor.u32 s16, v39;
	s30 =	sadd.s32 $0x1C0, s0;
	s16 =	sld [smem:$0x7F2]  }
0x22: {  	s17 =	sadd.s32 $0xF0, s0;
	[smem:$0x7F4] =	sst s30  }
0x23: {  	v15 =	vor.u32 s17, v39;
	s30 =	sadd.s32 $0x1D0, s0;
	s17 =	sld [smem:$0x7F3]  }
0x24: {  	s18 =	sadd.s32 $0xD0, s0;
	[smem:$0x7F5] =	sst s30  }
0x25: {  	v13 =	vor.u32 s18, v39;
	s30 =	sadd.s32 $0x1E0, s0;
	s18 =	sld [smem:$0x7F4]  }
0x26: {  	s19 =	sadd.s32 $0x110, s0;
	[smem:$0x7F6] =	sst s30  }
0x27: {  	v17 =	vor.u32 s19, v39;
	s30 =	sadd.s32 $0x1F0, s0;
	s19 =	sld [smem:$0x7F5]  }
0x28: {  	s20 =	sadd.s32 $0x120, s0;
	[smem:$0x7F7] =	sst s30  }
0x29: {  	v18 =	vor.u32 s20, v39;
	s30 =	sadd.s32 $0x200, s0;
	s20 =	sld [smem:$0x7F6]  }
0x2a: {  	s21 =	sadd.s32 $0x100, s0;
	[smem:$0x7F8] =	sst s30  }
0x2b: {  	v16 =	vor.u32 s21, v39;
	s30 =	sadd.s32 $0x210, s0;
	s21 =	sld [smem:$0x7F7]  }
0x2c: {  	s22 =	sor.u32 $0x30, s0;
	[smem:$0x7F9] =	sst s30  }
0x2d: {  	v3 =	vor.u32 s22, v39;
	s30 =	sadd.s32 $0x220, s0;
	s22 =	sld [smem:$0x7F8]  }
0x2e: {  	[smem:$0x7FA] =	sst s30;
	s30 =	sadd.s32 $0x230, s0  }
0x2f: {  	[smem:$0x7FB] =	sst s30;
	s30 =	sadd.s32 $0x240, s0  }
0x30: {  	s25 =	sadd.s32 $0x140, s0;
	[smem:$0x7FC] =	sst s30  }
0x31: {  	s23 =	sor.u32 $0x10, s0;
	v20 =	vor.u32 s25, v39;
	s30 =	sadd.s32 $0x250, s0;
	s25 =	sld [smem:$0x7FB]  }
0x32: {  	s24 =	sor.u32 $0x20, s0;
	[dreg:$0x1e] =	wrdreg s30;
	s30 =	sadd.s32 $0x260, s0  }
0x33: {  	s29 =	sor.u32 $0x50, s0;
	s28 =	sadd.s32 $0x150, s0;
	[smem:$0x7FD] =	sst s30  }
0x34: {  	s31 =	sadd.s32 $0x130, s0;
	v21 =	vor.u32 s28, v39;
	s30 =	sadd.s32 $0x270, s0;
	s28 =	rddreg [dreg:$0x1e]  }
0x35: {  	v0 =	vor.u32 s0, v39;
	s0 =	smul.u32 $0x2800, s26;
	[dreg:$0x1f] =	wrdreg s30;
	s30 =	sor.u32 $0x50, s4  }
0x36: {  	v2 =	vor.u32 s24, v39;
	s24 =	sadd.s32 s5, s30;
	s26 =	sadd.s32 s6, s30;
	s30 =	sld [smem:$0x7ED]  }
0x37: {  	v1 =	vor.u32 s23, v39;
	s23 =	sadd.s32 s11, s0;
	s11 =	rddreg [dreg:$0x1d]  }
0x38: {  	[dreg:$0xe] =	wrdreg s24  }
0x39: {  	v19 =	vor.u32 s31, v39;
	s31 =	simm.s32 $0x480;
	s8 =	simm.s32 $0x100;
	[dreg:$0xf] =	wrdreg s26  }
0x3a: {  	s9 =	simm.s32 $0x300;
	s10 =	simm.s32 $0x180;
	[dreg:$0x10] =	wrdreg s23  }
0x3b: {  	v22 =	vor.u32 s12, v39;
	s12 =	simm.s32 $0x2;
	s24 =	sadd.s32 s5, s4;
	s23 =	sld [smem:$0x7F9]  }
0x3c: {  	v23 =	vor.u32 s13, v39;
	s13 =	simm.s32 $0x3;
	s26 =	sadd.s32 s6, s4;
	[dreg:$0x11] =	wrdreg s24  }
0x3d: {  	v24 =	vor.u32 s14, v39;
	s14 =	simm.s32 $0x4480;
	v25 =	vor.u32 s15, v39;
	s15 =	simm.s32 $0x200;
	[dreg:$0x12] =	wrdreg s26  }
0x3e: {  	v26 =	vor.u32 s16, v39;
	s16 =	simm.s32 $0x400;
	s4 =	sor.u32 $0x60, s4;
	s24 =	sld [smem:$0x7FA]  }
0x3f: {  	v5 =	vor.u32 s29, v39;
	v27 =	vor.u32 s17, v39;
	s17 =	simm.s32 $0x6;
	s29 =	sadd.s32 s5, s4;
	s26 =	sld [smem:$0x7FC]  }
0x40: {  	s0 =	sshrl.u32 s0, $0x3;
	s4 =	sadd.s32 s6, s4;
	[dreg:$0x13] =	wrdreg s29  }
0x41: {  	v28 =	vor.u32 s18, v39;
	s18 =	simm.s32 $0x8;
	s0 =	sadd.s32 $0x4F0, s0;
	[dreg:$0x14] =	wrdreg s4  }
0x42: {  	v29 =	vor.u32 s19, v39;
	s19 =	simm.s32 $0x4;
	v4 =	vor.u32 s30, v39;
	s30 =	sadd.s32 s5, s0;
	s29 =	sld [smem:$0x7FD]  }
0x43: {  	v30 =	vor.u32 s20, v39;
	s20 =	simm.s32 $0x7;
	s0 =	sadd.s32 s6, s0;
	[dreg:$0x15] =	wrdreg s30  }
0x44: {  	v31 =	vor.u32 s21, v39;
	s21 =	simm.s32 $0x9;
	s4 =	sadd.s32 $0x800, s7;
	[dreg:$0x16] =	wrdreg s0  }
0x45: {  	v32 =	vor.u32 s22, v39;
	s22 =	simm.s32 $0x5;
	v35 =	vor.u32 s25, v39;
	s7 =	simm.s32 $0xA;
	[dreg:$0x17] =	wrdreg s4  }
0x46: {  	v37 =	vor.u32 s28, v39;
	s0 =	smax.u32 s11, $0x1;
	s4 =	simm.s32 $0x80;
	v33 =	vor.u32 s23, v39;
	s30 =	rddreg [dreg:$0x1f];
	v34 =	vor.u32 s24, v39  }
0x47: {  	s11 =	simm.s32 $0x380;
	s23 =	simm.s32 $0x0;
	[dreg:$0x1b] =	wrdreg s0;
	v36 =	vor.u32 s26, v39;
	v38 =	vor.u32 s29, v39;
	v39 =	vor.u32 s30, v39  }
.LBB2_1:
0x48: {  	[dreg:$0x1c] =	wrdreg s23  }
0x49: {  	s0 =	rddreg [dreg:$0x5]  }
0x4a: {  	[tilespmem:s31], [sflag:$0xA] =	stream.linear.gather [hbm4b:s0+s3], $0x4000, $0x38;
	[tilespmem:$0x1C480] =	vst v63  }
0x4b: {  	_ =	swait.ge [sflag:s7], $0x4000  }
0x4c: {  	[sflag:s7] =	ssyncset.done $0x0  }
0x4d: {  	[sflag:s7] =	ssyncadd.s32 $0xFFFFC000  }
0x4e: {  	[tilespmem:$0x0] =	vst v0  }
0x4f: {  	[tilespmem:$0x10] =	vst v1  }
0x50: {  	[tilespmem:$0x20] =	vst v2  }
0x51: {  	[tilespmem:$0x30] =	vst v3  }
0x52: {  	[tilespmem:$0x40] =	vst v4  }
0x53: {  	[tilespmem:$0x50] =	vst v5  }
0x54: {  	[tilespmem:$0x60] =	vst v6  }
0x55: {  	[tilespmem:$0x70] =	vst v7  }
0x56: {  	[spmem:s2] =	stream.indirect.scatter [tilespmem:s31], [sflag:$0xA], $0x80, s3, s4, $0xb8;
	[tilespmem:$0x1C480] =	vst v63  }
0x57: {  	_ =	swait.ge [sflag:s7], $0x4000  }
0x58: {  	[sflag:s7] =	ssyncset.done $0x0  }
0x59: {  	[sflag:s7] =	ssyncadd.s32 $0xFFFFC000  }
0x5a: {  	[tilespmem:$0x0] =	vst v8  }
0x5b: {  	[tilespmem:$0x10] =	vst v9  }
0x5c: {  	[tilespmem:$0x20] =	vst v10  }
0x5d: {  	[tilespmem:$0x30] =	vst v11  }
0x5e: {  	[tilespmem:$0x40] =	vst v12  }
0x5f: {  	[tilespmem:$0x50] =	vst v13  }
0x60: {  	[tilespmem:$0x60] =	vst v14  }
0x61: {  	[tilespmem:$0x70] =	vst v15  }
0x62: {  	[spmem:s2] =	stream.indirect.scatter [tilespmem:s31], [sflag:$0xA], $0x80, s3, s4, $0xb8;
	[tilespmem:$0x1C480] =	vst v63  }
0x63: {  	_ =	swait.ge [sflag:s7], $0x4000  }
0x64: {  	[sflag:s7] =	ssyncset.done $0x0  }
0x65: {  	[sflag:s7] =	ssyncadd.s32 $0xFFFFC000  }
0x66: {  	[tilespmem:$0x0] =	vst v16  }
0x67: {  	[tilespmem:$0x10] =	vst v17  }
0x68: {  	[tilespmem:$0x20] =	vst v18  }
0x69: {  	[tilespmem:$0x30] =	vst v19  }
0x6a: {  	[tilespmem:$0x40] =	vst v20  }
0x6b: {  	[tilespmem:$0x50] =	vst v21  }
0x6c: {  	[tilespmem:$0x60] =	vst v22  }
0x6d: {  	[tilespmem:$0x70] =	vst v23  }
0x6e: {  	[spmem:s2] =	stream.indirect.scatter [tilespmem:s31], [sflag:$0xA], $0x80, s3, s4, $0xb8;
	[tilespmem:$0x1C480] =	vst v63  }
0x6f: {  	_ =	swait.ge [sflag:s7], $0x4000  }
0x70: {  	[sflag:s7] =	ssyncset.done $0x0  }
0x71: {  	[sflag:s7] =	ssyncadd.s32 $0xFFFFC000  }
0x72: {  	[tilespmem:$0x0] =	vst v24  }
0x73: {  	[tilespmem:$0x10] =	vst v25  }
0x74: {  	[tilespmem:$0x20] =	vst v26  }
0x75: {  	[tilespmem:$0x30] =	vst v27  }
0x76: {  	[tilespmem:$0x40] =	vst v28  }
0x77: {  	[tilespmem:$0x50] =	vst v29  }
0x78: {  	[tilespmem:$0x60] =	vst v30  }
0x79: {  	[tilespmem:$0x70] =	vst v31  }
0x7a: {  	[spmem:s2] =	stream.indirect.scatter [tilespmem:s31], [sflag:$0xA], $0x80, s3, s4, $0xb8;
	[tilespmem:$0x1C480] =	vst v63  }
0x7b: {  	_ =	swait.ge [sflag:s7], $0x4000  }
0x7c: {  	[sflag:s7] =	ssyncset.done $0x0  }
0x7d: {  	[sflag:s7] =	ssyncadd.s32 $0xFFFFC000  }
0x7e: {  	[tilespmem:$0x0] =	vst v32  }
0x7f: {  	[tilespmem:$0x10] =	vst v33  }
0x80: {  	[tilespmem:$0x20] =	vst v34  }
0x81: {  	[tilespmem:$0x30] =	vst v35  }
0x82: {  	[tilespmem:$0x40] =	vst v36  }
0x83: {  	[tilespmem:$0x50] =	vst v37  }
0x84: {  	[tilespmem:$0x60] =	vst v38  }
0x85: {  	[tilespmem:$0x70] =	vst v39  }
0x86: {  	[spmem:s2] =	stream.indirect.scatter [tilespmem:s31], [sflag:$0xA], $0x80, s3, s4, $0xb8;
	[tilespmem:$0x1C480] =	vst v63  }
0x87: {  	_ =	swait.ge [sflag:s7], $0x4000  }
0x88: {  	[sflag:s7] =	ssyncset.done $0x0  }
0x89: {  	[sflag:s7] =	ssyncadd.s32 $0xFFFFC000  }
0x8a: {  	[bflag:$0x0] =	sbarrier.arrive $0xFFFF  }
0x8b: {  	s7 =	rddreg [dreg:$0x11]  }
0x8c: {  	[tilespmem:s4], [sflag:$0x2] =	stream.linear.gather [hbm4b:s7+s3], $0x80, $0x38;
	[tilespmem:$0x1C480] =	vst v63  }
0x8d: {  	s23 =	rddreg [dreg:$0x12];
	s7 =	simm.s32 $0x280  }
0x8e: {  	[tilespmem:s7], [sflag:$0x2] =	stream.linear.gather [hbm4b:s23+s3], $0x80, $0x38;
	[tilespmem:$0x1C480] =	vst v63  }
0x8f: {  	s24 =	rddreg [dreg:$0x6]  }
0x90: {  	[tilespmem:s8], [sflag:$0x3] =	stream.linear.gather [hbm4b:s24+s3], $0x80, $0x38;
	[tilespmem:$0x1C480] =	vst v63  }
0x91: {  	s25 =	rddreg [dreg:$0x7]  }
0x92: {  	[tilespmem:s9], [sflag:$0x3] =	stream.linear.gather [hbm4b:s25+s3], $0x80, $0x38;
	[tilespmem:$0x1C480] =	vst v63  }
0x93: {  	s26 =	rddreg [dreg:$0x8]  }
0x94: {  	[tilespmem:s10], [sflag:$0x4] =	stream.linear.gather [hbm4b:s26+s3], $0x80, $0x38;
	[tilespmem:$0x1C480] =	vst v63  }
0x95: {  	s28 =	rddreg [dreg:$0x9]  }
0x96: {  	[tilespmem:s11], [sflag:$0x4] =	stream.linear.gather [hbm4b:s28+s3], $0x80, $0x38;
	[tilespmem:$0x1C480] =	vst v63  }
0x97: {  	_ =	swait.ge [sflag:s12], $0x80  }
0x98: {  	[sflag:s12] =	ssyncset.done $0x0  }
0x99: {  	[sflag:s12] =	ssyncadd.s32 $0xFFFFFF80  }
0x9a: {  	_ =	swait.ge [sflag:s12], $0x80  }
0x9b: {  	[sflag:s12] =	ssyncset.done $0x0  }
0x9c: {  	[sflag:s12] =	ssyncadd.s32 $0xFFFFFF80  }
0x9d: {  	[tilespmem:s31], [sflag:$0x6] =	stream.indirect.gather [hbm4b:s1+s4], $0x80, s4, s4, $0xb8;
	[tilespmem:$0x1C480] =	vst v63  }
0x9e: {  	_ =	swait.ge [sflag:s13], $0x80  }
0x9f: {  	[sflag:s13] =	ssyncset.done $0x0  }
0xa0: {  	[sflag:s13] =	ssyncadd.s32 $0xFFFFFF80  }
0xa1: {  	_ =	swait.ge [sflag:s13], $0x80  }
0xa2: {  	[sflag:s13] =	ssyncset.done $0x0  }
0xa3: {  	[sflag:s13] =	ssyncadd.s32 $0xFFFFFF80  }
0xa4: {  	[tilespmem:s14], [sflag:$0x7] =	stream.indirect.gather [hbm4b:s1+s4], $0x80, s8, s4, $0xb8;
	[tilespmem:$0x1C480] =	vst v63  }
0xa5: {  	s29 =	rddreg [dreg:$0xa]  }
0xa6: {  	[tilespmem:s15], [sflag:$0x5] =	stream.linear.gather [hbm4b:s29+s3], $0x80, $0x38;
	[tilespmem:$0x1C480] =	vst v63  }
0xa7: {  	s30 =	rddreg [dreg:$0xb]  }
0xa8: {  	[tilespmem:s16], [sflag:$0x5] =	stream.linear.gather [hbm4b:s30+s3], $0x80, $0x38;
	[tilespmem:$0x1C480] =	vst v63  }
0xa9: {  	_ =	swait.ge [sflag:s17], $0x4000  }
0xaa: {  	[sflag:s17] =	ssyncset.done $0x0  }
0xab: {  	[sflag:s17] =	ssyncadd.s32 $0xFFFFC000  }
0xac: {  	[spmem:s2] =	stream.indirect.scatter.add.f32 [tilespmem:s31], [sflag:$0x8], $0x80, s7, s4, $0xb8;
	[tilespmem:$0x1C480] =	vst v63  }
0xad: {  	_ =	swait.ge [sflag:s18], $0x4000  }
0xae: {  	[sflag:s18] =	ssyncset.done $0x0  }
0xaf: {  	[sflag:s18] =	ssyncadd.s32 $0xFFFFC000  }
0xb0: {  	_ =	swait.ge [sflag:s19], $0x80  }
0xb1: {  	[sflag:s19] =	ssyncset.done $0x0  }
0xb2: {  	[sflag:s19] =	ssyncadd.s32 $0xFFFFFF80  }
0xb3: {  	_ =	swait.ge [sflag:s19], $0x80  }
0xb4: {  	[sflag:s19] =	ssyncset.done $0x0  }
0xb5: {  	[sflag:s19] =	ssyncadd.s32 $0xFFFFFF80  }
0xb6: {  	[tilespmem:s31], [sflag:$0x6] =	stream.indirect.gather [hbm4b:s1+s4], $0x80, s10, s4, $0xb8;
	[tilespmem:$0x1C480] =	vst v63  }
0xb7: {  	s23 =	rddreg [dreg:$0xc]  }
0xb8: {  	[tilespmem:s4], [sflag:$0x2] =	stream.linear.gather [hbm4b:s23+s3], $0x80, $0x38;
	[tilespmem:$0x1C480] =	vst v63  }
0xb9: {  	s24 =	rddreg [dreg:$0xd]  }
0xba: {  	[tilespmem:s7], [sflag:$0x2] =	stream.linear.gather [hbm4b:s24+s3], $0x80, $0x38;
	[tilespmem:$0x1C480] =	vst v63  }
0xbb: {  	_ =	swait.ge [sflag:s20], $0x4000  }
0xbc: {  	[sflag:s20] =	ssyncset.done $0x0  }
0xbd: {  	[sflag:s20] =	ssyncadd.s32 $0xFFFFC000  }
0xbe: {  	[spmem:s2] =	stream.indirect.scatter.add.f32 [tilespmem:s14], [sflag:$0x9], $0x80, s9, s4, $0xb8;
	[tilespmem:$0x1C480] =	vst v63  }
0xbf: {  	_ =	swait.ge [sflag:s21], $0x4000  }
0xc0: {  	[sflag:s21] =	ssyncset.done $0x0  }
0xc1: {  	[sflag:s21] =	ssyncadd.s32 $0xFFFFC000  }
0xc2: {  	_ =	swait.ge [sflag:s22], $0x80  }
0xc3: {  	[sflag:s22] =	ssyncset.done $0x0  }
0xc4: {  	[sflag:s22] =	ssyncadd.s32 $0xFFFFFF80  }
0xc5: {  	_ =	swait.ge [sflag:s22], $0x80  }
0xc6: {  	[sflag:s22] =	ssyncset.done $0x0  }
0xc7: {  	[sflag:s22] =	ssyncadd.s32 $0xFFFFFF80  }
0xc8: {  	[tilespmem:s14], [sflag:$0x7] =	stream.indirect.gather [hbm4b:s1+s4], $0x80, s15, s4, $0xb8;
	[tilespmem:$0x1C480] =	vst v63  }
0xc9: {  	s25 =	rddreg [dreg:$0xe]  }
0xca: {  	[tilespmem:s8], [sflag:$0x3] =	stream.linear.gather [hbm4b:s25+s3], $0x80, $0x38;
	[tilespmem:$0x1C480] =	vst v63  }
0xcb: {  	s26 =	rddreg [dreg:$0xf]  }
0xcc: {  	[tilespmem:s9], [sflag:$0x3] =	stream.linear.gather [hbm4b:s26+s3], $0x80, $0x38;
	[tilespmem:$0x1C480] =	vst v63  }
0xcd: {  	_ =	swait.ge [sflag:s17], $0x4000  }
0xce: {  	[sflag:s17] =	ssyncset.done $0x0  }
0xcf: {  	[sflag:s17] =	ssyncadd.s32 $0xFFFFC000  }
0xd0: {  	[spmem:s2] =	stream.indirect.scatter.add.f32 [tilespmem:s31], [sflag:$0x8], $0x80, s11, s4, $0xb8;
	[tilespmem:$0x1C480] =	vst v63  }
0xd1: {  	_ =	swait.ge [sflag:s18], $0x4000  }
0xd2: {  	[sflag:s18] =	ssyncset.done $0x0  }
0xd3: {  	[sflag:s18] =	ssyncadd.s32 $0xFFFFC000  }
0xd4: {  	_ =	swait.ge [sflag:s12], $0x80  }
0xd5: {  	[sflag:s12] =	ssyncset.done $0x0  }
0xd6: {  	[sflag:s12] =	ssyncadd.s32 $0xFFFFFF80  }
0xd7: {  	_ =	swait.ge [sflag:s12], $0x80  }
0xd8: {  	[sflag:s12] =	ssyncset.done $0x0  }
0xd9: {  	[sflag:s12] =	ssyncadd.s32 $0xFFFFFF80  }
0xda: {  	[tilespmem:s31], [sflag:$0x6] =	stream.indirect.gather [hbm4b:s1+s4], $0x80, s4, s4, $0xb8;
	[tilespmem:$0x1C480] =	vst v63  }
0xdb: {  	s28 =	rddreg [dreg:$0x13]  }
0xdc: {  	[tilespmem:s10], [sflag:$0x4] =	stream.linear.gather [hbm4b:s28+s3], $0x80, $0x38;
	[tilespmem:$0x1C480] =	vst v63  }
0xdd: {  	s29 =	rddreg [dreg:$0x14]  }
0xde: {  	[tilespmem:s11], [sflag:$0x4] =	stream.linear.gather [hbm4b:s29+s3], $0x80, $0x38;
	[tilespmem:$0x1C480] =	vst v63  }
0xdf: {  	_ =	swait.ge [sflag:s20], $0x4000  }
0xe0: {  	[sflag:s20] =	ssyncset.done $0x0  }
0xe1: {  	[sflag:s20] =	ssyncadd.s32 $0xFFFFC000  }
0xe2: {  	[spmem:s2] =	stream.indirect.scatter.add.f32 [tilespmem:s14], [sflag:$0x9], $0x80, s16, s4, $0xb8;
	[tilespmem:$0x1C480] =	vst v63  }
0xe3: {  	_ =	swait.ge [sflag:s21], $0x4000  }
0xe4: {  	[sflag:s21] =	ssyncset.done $0x0  }
0xe5: {  	[sflag:s21] =	ssyncadd.s32 $0xFFFFC000  }
0xe6: {  	_ =	swait.ge [sflag:s13], $0x80  }
0xe7: {  	[sflag:s13] =	ssyncset.done $0x0  }
0xe8: {  	[sflag:s13] =	ssyncadd.s32 $0xFFFFFF80  }
0xe9: {  	_ =	swait.ge [sflag:s13], $0x80  }
0xea: {  	[sflag:s13] =	ssyncset.done $0x0;
	s25 =	rddreg [dreg:$0x4]  }
0xeb: {  	[sflag:s13] =	ssyncadd.s32 $0xFFFFFF80;
	s25 =	sadd.s32 $0xA0, s25  }
0xec: {  	[tilespmem:s14], [sflag:$0x7] =	stream.indirect.gather [hbm4b:s1+s4], $0x80, s8, s4, $0xb8;
	[tilespmem:$0x1C480] =	vst v63  }
0xed: {  	s28 =	simm.s32 $0x40;
	s26 =	sadd.s32 $0xFFFFFFA0, s25  }
0xee: {  	s28 =	sand.u32 $0x40, s28;
	s26 =	sand.u32 $0xFFFFF80, s26  }
0xef: {  	s26 =	sor.u32 s26, s28  }
0xf0: {  	s26 =	sor.u32 $0x30, s26  }
0xf1: {  	s30 =	sadd.s32 s5, s26  }
0xf2: {  	[tilespmem:s15], [sflag:$0x5] =	stream.linear.gather [hbm4b:s30+s3], $0x80, $0x38;
	[tilespmem:$0x1C480] =	vst v63  }
0xf3: {  	s26 =	sadd.s32 s6, s26  }
0xf4: {  	[tilespmem:s16], [sflag:$0x5] =	stream.linear.gather [hbm4b:s26+s3], $0x80, $0x38;
	[tilespmem:$0x1C480] =	vst v63  }
0xf5: {  	_ =	swait.ge [sflag:s17], $0x4000  }
0xf6: {  	[sflag:s17] =	ssyncset.done $0x0  }
0xf7: {  	[sflag:s17] =	ssyncadd.s32 $0xFFFFC000  }
0xf8: {  	[spmem:s2] =	stream.indirect.scatter.add.f32 [tilespmem:s31], [sflag:$0x8], $0x80, s7, s4, $0xb8;
	[tilespmem:$0x1C480] =	vst v63  }
0xf9: {  	_ =	swait.ge [sflag:s18], $0x4000  }
0xfa: {  	[sflag:s18] =	ssyncset.done $0x0  }
0xfb: {  	[sflag:s18] =	ssyncadd.s32 $0xFFFFC000  }
0xfc: {  	_ =	swait.ge [sflag:s19], $0x80  }
0xfd: {  	[sflag:s19] =	ssyncset.done $0x0  }
0xfe: {  	[sflag:s19] =	ssyncadd.s32 $0xFFFFFF80  }
0xff: {  	s0 =	simm.s32 $0x80;
	s23 =	sadd.s32 $0xFFFFFFE0, s25;
	_ =	swait.ge [sflag:s19], $0x80  }
0x100: {  	s28 =	sand.u32 $0xFFFFF80, s23;
	s26 =	sand.u32 $0x40, s0;
	[sflag:s19] =	ssyncset.done $0x0  }
0x101: {  	s26 =	sor.u32 s26, s28;
	[sflag:s19] =	ssyncadd.s32 $0xFFFFFF80  }
0x102: {  	[tilespmem:s31], [sflag:$0x6] =	stream.indirect.gather [hbm4b:s1+s4], $0x80, s10, s4, $0xb8;
	[tilespmem:$0x1C480] =	vst v63  }
0x103: {  	s28 =	sadd.s32 s5, s26  }
0x104: {  	[tilespmem:s4], [sflag:$0x2] =	stream.linear.gather [hbm4b:s28+s3], $0x80, $0x38;
	[tilespmem:$0x1C480] =	vst v63  }
0x105: {  	s26 =	sadd.s32 s6, s26  }
0x106: {  	[tilespmem:s7], [sflag:$0x2] =	stream.linear.gather [hbm4b:s26+s3], $0x80, $0x38;
	[tilespmem:$0x1C480] =	vst v63  }
0x107: {  	_ =	swait.ge [sflag:s20], $0x4000  }
0x108: {  	[sflag:s20] =	ssyncset.done $0x0  }
0x109: {  	[sflag:s20] =	ssyncadd.s32 $0xFFFFC000  }
0x10a: {  	[spmem:s2] =	stream.indirect.scatter.add.f32 [tilespmem:s14], [sflag:$0x9], $0x80, s9, s4, $0xb8;
	[tilespmem:$0x1C480] =	vst v63  }
0x10b: {  	_ =	swait.ge [sflag:s21], $0x4000  }
0x10c: {  	[sflag:s21] =	ssyncset.done $0x0  }
0x10d: {  	[sflag:s21] =	ssyncadd.s32 $0xFFFFC000  }
0x10e: {  	_ =	swait.ge [sflag:s22], $0x80  }
0x10f: {  	[sflag:s22] =	ssyncset.done $0x0  }
0x110: {  	[sflag:s22] =	ssyncadd.s32 $0xFFFFFF80  }
0x111: {  	s24 =	simm.s32 $0x90;
	s29 =	sadd.s32 $0xFFFFFFF0, s25;
	_ =	swait.ge [sflag:s22], $0x80  }
0x112: {  	s28 =	sand.u32 $0xFFFFF80, s29;
	s26 =	sand.u32 $0x50, s24;
	[sflag:s22] =	ssyncset.done $0x0  }
0x113: {  	s26 =	sor.u32 s26, s28;
	[sflag:s22] =	ssyncadd.s32 $0xFFFFFF80  }
0x114: {  	[tilespmem:s14], [sflag:$0x7] =	stream.indirect.gather [hbm4b:s1+s4], $0x80, s15, s4, $0xb8;
	[tilespmem:$0x1C480] =	vst v63  }
0x115: {  	s28 =	sadd.s32 s5, s26  }
0x116: {  	[tilespmem:s8], [sflag:$0x3] =	stream.linear.gather [hbm4b:s28+s3], $0x80, $0x38;
	[tilespmem:$0x1C480] =	vst v63  }
0x117: {  	s26 =	sadd.s32 s6, s26  }
0x118: {  	[tilespmem:s9], [sflag:$0x3] =	stream.linear.gather [hbm4b:s26+s3], $0x80, $0x38;
	[tilespmem:$0x1C480] =	vst v63  }
0x119: {  	_ =	swait.ge [sflag:s17], $0x4000  }
0x11a: {  	[sflag:s17] =	ssyncset.done $0x0  }
0x11b: {  	[sflag:s17] =	ssyncadd.s32 $0xFFFFC000  }
0x11c: {  	[spmem:s2] =	stream.indirect.scatter.add.f32 [tilespmem:s31], [sflag:$0x8], $0x80, s11, s4, $0xb8;
	[tilespmem:$0x1C480] =	vst v63  }
0x11d: {  	_ =	swait.ge [sflag:s18], $0x4000  }
0x11e: {  	[sflag:s18] =	ssyncset.done $0x0  }
0x11f: {  	[sflag:s18] =	ssyncadd.s32 $0xFFFFC000  }
0x120: {  	_ =	swait.ge [sflag:s12], $0x80  }
0x121: {  	[sflag:s12] =	ssyncset.done $0x0  }
0x122: {  	[sflag:s12] =	ssyncadd.s32 $0xFFFFFF80  }
0x123: {  	s30 =	simm.s32 $0xA0;
	_ =	swait.ge [sflag:s12], $0x80  }
0x124: {  	s25 =	sand.u32 $0xFFFFF80, s25;
	s26 =	sand.u32 $0x60, s30;
	[sflag:s12] =	ssyncset.done $0x0  }
0x125: {  	s26 =	sor.u32 s26, s25;
	[sflag:s12] =	ssyncadd.s32 $0xFFFFFF80  }
0x126: {  	[tilespmem:s31], [sflag:$0x6] =	stream.indirect.gather [hbm4b:s1+s4], $0x80, s4, s4, $0xb8;
	[tilespmem:$0x1C480] =	vst v63  }
0x127: {  	s25 =	sadd.s32 s5, s26  }
0x128: {  	[tilespmem:s10], [sflag:$0x4] =	stream.linear.gather [hbm4b:s25+s3], $0x80, $0x38;
	[tilespmem:$0x1C480] =	vst v63  }
0x129: {  	s26 =	sadd.s32 s6, s26;
	s25 =	simm.s32 $0xE0  }
.LBB2_2:
0x12a: {  	[tilespmem:s11], [sflag:$0x4] =	stream.linear.gather [hbm4b:s26+s3], $0x80, $0x38;
	[tilespmem:$0x1C480] =	vst v63  }
0x12b: {  	_ =	swait.ge [sflag:s20], $0x4000  }
0x12c: {  	[sflag:s20] =	ssyncset.done $0x0  }
0x12d: {  	[sflag:s20] =	ssyncadd.s32 $0xFFFFC000  }
0x12e: {  	[spmem:s2] =	stream.indirect.scatter.add.f32 [tilespmem:s14], [sflag:$0x9], $0x80, s16, s4, $0xb8;
	[tilespmem:$0x1C480] =	vst v63  }
0x12f: {  	_ =	swait.ge [sflag:s21], $0x4000  }
0x130: {  	[sflag:s21] =	ssyncset.done $0x0  }
0x131: {  	[sflag:s21] =	ssyncadd.s32 $0xFFFFC000  }
0x132: {  	_ =	swait.ge [sflag:s13], $0x80  }
0x133: {  	[sflag:s13] =	ssyncset.done $0x0  }
0x134: {  	[sflag:s13] =	ssyncadd.s32 $0xFFFFFF80  }
0x135: {  	_ =	swait.ge [sflag:s13], $0x80  }
0x136: {  	s28 =	smov.u32 s25;
	[sflag:s13] =	ssyncset.done $0x0;
	s0 =	rddreg [dreg:$0x4]  }
0x137: {  	[sflag:s13] =	ssyncadd.s32 $0xFFFFFF80;
	s26 =	sadd.s32 s28, s0  }
0x138: {  	[tilespmem:s14], [sflag:$0x7] =	stream.indirect.gather [hbm4b:s1+s4], $0x80, s8, s4, $0xb8;
	[tilespmem:$0x1C480] =	vst v63  }
0x139: {  	s23 =	sadd.s32 $0xFFFFFFA0, s28;
	s24 =	sadd.s32 $0xFFFFFFA0, s26  }
0x13a: {  	s23 =	sand.u32 $0x40, s23;
	s24 =	sand.u32 $0xFFFFF80, s24  }
0x13b: {  	s29 =	sadd.s32 $0xFFFFFFE0, s28;
	s0 =	sadd.s32 $0xFFFFFFE0, s26;
	s23 =	sor.u32 s24, s23  }
0x13c: {  	s7 =	sadd.s32 $0xFFFFFFF0, s26;
	s0 =	sand.u32 $0xFFFFF80, s0;
	s23 =	sor.u32 $0x30, s23  }
0x13d: {  	s24 =	sand.u32 $0x40, s29;
	s29 =	sand.u32 $0xFFFFF80, s7;
	s7 =	sadd.s32 s5, s23  }
0x13e: {  	[tilespmem:s15], [sflag:$0x5] =	stream.linear.gather [hbm4b:s7+s3], $0x80, $0x38;
	[tilespmem:$0x1C480] =	vst v63  }
0x13f: {  	s0 =	sor.u32 s24, s0;
	s24 =	sadd.s32 s6, s23  }
0x140: {  	[tilespmem:s16], [sflag:$0x5] =	stream.linear.gather [hbm4b:s24+s3], $0x80, $0x38;
	[tilespmem:$0x1C480] =	vst v63  }
0x141: {  	_ =	swait.ge [sflag:s17], $0x4000  }
0x142: {  	[sflag:s17] =	ssyncset.done $0x0  }
0x143: {  	s24 =	simm.s32 $0x280;
	[sflag:s17] =	ssyncadd.s32 $0xFFFFC000  }
0x144: {  	[spmem:s2] =	stream.indirect.scatter.add.f32 [tilespmem:s31], [sflag:$0x8], $0x80, s24, s4, $0xb8;
	[tilespmem:$0x1C480] =	vst v63  }
0x145: {  	_ =	swait.ge [sflag:s18], $0x4000  }
0x146: {  	[sflag:s18] =	ssyncset.done $0x0  }
0x147: {  	[sflag:s18] =	ssyncadd.s32 $0xFFFFC000  }
0x148: {  	_ =	swait.ge [sflag:s19], $0x80  }
0x149: {  	[sflag:s19] =	ssyncset.done $0x0  }
0x14a: {  	[sflag:s19] =	ssyncadd.s32 $0xFFFFFF80  }
0x14b: {  	s30 =	sadd.s32 $0xFFFFFFF0, s28;
	_ =	swait.ge [sflag:s19], $0x80  }
0x14c: {  	s30 =	sand.u32 $0x50, s30;
	s26 =	sand.u32 $0xFFFFF80, s26;
	[sflag:s19] =	ssyncset.done $0x0  }
0x14d: {  	s29 =	sor.u32 s30, s29;
	s30 =	sand.u32 $0x60, s28;
	[sflag:s19] =	ssyncadd.s32 $0xFFFFFF80  }
0x14e: {  	[tilespmem:s31], [sflag:$0x6] =	stream.indirect.gather [hbm4b:s1+s4], $0x80, s10, s4, $0xb8;
	[tilespmem:$0x1C480] =	vst v63  }
0x14f: {  	s28 =	sor.u32 s30, s26;
	s30 =	sadd.s32 s5, s0  }
0x150: {  	[tilespmem:s4], [sflag:$0x2] =	stream.linear.gather [hbm4b:s30+s3], $0x80, $0x38;
	[tilespmem:$0x1C480] =	vst v63  }
0x151: {  	s0 =	sadd.s32 s6, s0  }
0x152: {  	[tilespmem:s24], [sflag:$0x2] =	stream.linear.gather [hbm4b:s0+s3], $0x80, $0x38;
	[tilespmem:$0x1C480] =	vst v63  }
0x153: {  	_ =	swait.ge [sflag:s20], $0x4000  }
0x154: {  	[sflag:s20] =	ssyncset.done $0x0  }
0x155: {  	[sflag:s20] =	ssyncadd.s32 $0xFFFFC000  }
0x156: {  	[spmem:s2] =	stream.indirect.scatter.add.f32 [tilespmem:s14], [sflag:$0x9], $0x80, s9, s4, $0xb8;
	[tilespmem:$0x1C480] =	vst v63  }
0x157: {  	_ =	swait.ge [sflag:s21], $0x4000  }
0x158: {  	[sflag:s21] =	ssyncset.done $0x0  }
0x159: {  	[sflag:s21] =	ssyncadd.s32 $0xFFFFC000  }
0x15a: {  	_ =	swait.ge [sflag:s22], $0x80  }
0x15b: {  	[sflag:s22] =	ssyncset.done $0x0  }
0x15c: {  	[sflag:s22] =	ssyncadd.s32 $0xFFFFFF80  }
0x15d: {  	_ =	swait.ge [sflag:s22], $0x80  }
0x15e: {  	[sflag:s22] =	ssyncset.done $0x0  }
0x15f: {  	[sflag:s22] =	ssyncadd.s32 $0xFFFFFF80  }
0x160: {  	[tilespmem:s14], [sflag:$0x7] =	stream.indirect.gather [hbm4b:s1+s4], $0x80, s15, s4, $0xb8;
	[tilespmem:$0x1C480] =	vst v63  }
0x161: {  	s24 =	sadd.s32 s5, s29  }
0x162: {  	[tilespmem:s8], [sflag:$0x3] =	stream.linear.gather [hbm4b:s24+s3], $0x80, $0x38;
	[tilespmem:$0x1C480] =	vst v63  }
0x163: {  	s29 =	sadd.s32 s6, s29  }
0x164: {  	[tilespmem:s9], [sflag:$0x3] =	stream.linear.gather [hbm4b:s29+s3], $0x80, $0x38;
	[tilespmem:$0x1C480] =	vst v63  }
0x165: {  	_ =	swait.ge [sflag:s17], $0x4000  }
0x166: {  	[sflag:s17] =	ssyncset.done $0x0  }
0x167: {  	[sflag:s17] =	ssyncadd.s32 $0xFFFFC000  }
0x168: {  	[spmem:s2] =	stream.indirect.scatter.add.f32 [tilespmem:s31], [sflag:$0x8], $0x80, s11, s4, $0xb8;
	[tilespmem:$0x1C480] =	vst v63  }
0x169: {  	_ =	swait.ge [sflag:s18], $0x4000  }
0x16a: {  	[sflag:s18] =	ssyncset.done $0x0  }
0x16b: {  	[sflag:s18] =	ssyncadd.s32 $0xFFFFC000  }
0x16c: {  	_ =	swait.ge [sflag:s12], $0x80  }
0x16d: {  	[sflag:s12] =	ssyncset.done $0x0  }
0x16e: {  	[sflag:s12] =	ssyncadd.s32 $0xFFFFFF80  }
0x16f: {  	p0 =	sne.s32 s25, $0x4E0;
	_ =	swait.ge [sflag:s12], $0x80  }
.Ltmp0:
0x170: {  	[sflag:s12] =	ssyncset.done $0x0;
	(pc) =	sbr.rel @p0 .LBB2_2-.Ltmp0, $4  }
0x171: {  	s25 =	sadd.s32 $0x40, s25;
	[sflag:s12] =	ssyncadd.s32 $0xFFFFFF80  }
0x172: {  	[tilespmem:s31], [sflag:$0x6] =	stream.indirect.gather [hbm4b:s1+s4], $0x80, s4, s4, $0xb8;
	[tilespmem:$0x1C480] =	vst v63  }
0x173: {  	s26 =	sadd.s32 s6, s28;
	s7 =	simm.s32 $0x280;
	s30 =	sadd.s32 s5, s28  }
0x174: {  	[tilespmem:s10], [sflag:$0x4] =	stream.linear.gather [hbm4b:s30+s3], $0x80, $0x38;
	[tilespmem:$0x1C480] =	vst v63  }
0x175: {  	[tilespmem:s11], [sflag:$0x4] =	stream.linear.gather [hbm4b:s26+s3], $0x80, $0x38;
	[tilespmem:$0x1C480] =	vst v63  }
0x176: {  	_ =	swait.ge [sflag:s20], $0x4000  }
0x177: {  	[sflag:s20] =	ssyncset.done $0x0  }
0x178: {  	[sflag:s20] =	ssyncadd.s32 $0xFFFFC000  }
0x179: {  	[spmem:s2] =	stream.indirect.scatter.add.f32 [tilespmem:s14], [sflag:$0x9], $0x80, s16, s4, $0xb8;
	[tilespmem:$0x1C480] =	vst v63  }
0x17a: {  	_ =	swait.ge [sflag:s21], $0x4000  }
0x17b: {  	[sflag:s21] =	ssyncset.done $0x0  }
0x17c: {  	[sflag:s21] =	ssyncadd.s32 $0xFFFFC000  }
0x17d: {  	_ =	swait.ge [sflag:s13], $0x80  }
0x17e: {  	[sflag:s13] =	ssyncset.done $0x0  }
0x17f: {  	[sflag:s13] =	ssyncadd.s32 $0xFFFFFF80  }
0x180: {  	_ =	swait.ge [sflag:s13], $0x80  }
0x181: {  	[sflag:s13] =	ssyncset.done $0x0  }
0x182: {  	[sflag:s13] =	ssyncadd.s32 $0xFFFFFF80  }
0x183: {  	[tilespmem:s14], [sflag:$0x7] =	stream.indirect.gather [hbm4b:s1+s4], $0x80, s8, s4, $0xb8;
	[tilespmem:$0x1C480] =	vst v63  }
0x184: {  	s0 =	rddreg [dreg:$0x15]  }
0x185: {  	[tilespmem:s15], [sflag:$0x5] =	stream.linear.gather [hbm4b:s0+s3], $0x80, $0x38;
	[tilespmem:$0x1C480] =	vst v63  }
0x186: {  	s30 =	rddreg [dreg:$0x16]  }
0x187: {  	[tilespmem:s16], [sflag:$0x5] =	stream.linear.gather [hbm4b:s30+s3], $0x80, $0x38;
	[tilespmem:$0x1C480] =	vst v63  }
0x188: {  	_ =	swait.ge [sflag:s17], $0x4000  }
0x189: {  	[sflag:s17] =	ssyncset.done $0x0  }
0x18a: {  	[sflag:s17] =	ssyncadd.s32 $0xFFFFC000  }
0x18b: {  	[spmem:s2] =	stream.indirect.scatter.add.f32 [tilespmem:s31], [sflag:$0x8], $0x80, s7, s4, $0xb8;
	[tilespmem:$0x1C480] =	vst v63  }
0x18c: {  	_ =	swait.ge [sflag:s18], $0x4000  }
0x18d: {  	[sflag:s18] =	ssyncset.done $0x0  }
0x18e: {  	[sflag:s18] =	ssyncadd.s32 $0xFFFFC000  }
0x18f: {  	_ =	swait.ge [sflag:s19], $0x80  }
0x190: {  	[sflag:s19] =	ssyncset.done $0x0  }
0x191: {  	[sflag:s19] =	ssyncadd.s32 $0xFFFFFF80  }
0x192: {  	_ =	swait.ge [sflag:s19], $0x80  }
0x193: {  	[sflag:s19] =	ssyncset.done $0x0  }
0x194: {  	[sflag:s19] =	ssyncadd.s32 $0xFFFFFF80  }
0x195: {  	[tilespmem:s31], [sflag:$0x6] =	stream.indirect.gather [hbm4b:s1+s4], $0x80, s10, s4, $0xb8;
	[tilespmem:$0x1C480] =	vst v63  }
0x196: {  	_ =	swait.ge [sflag:s20], $0x4000  }
0x197: {  	[sflag:s20] =	ssyncset.done $0x0  }
0x198: {  	[sflag:s20] =	ssyncadd.s32 $0xFFFFC000  }
0x199: {  	[spmem:s2] =	stream.indirect.scatter.add.f32 [tilespmem:s14], [sflag:$0x9], $0x80, s9, s4, $0xb8;
	[tilespmem:$0x1C480] =	vst v63  }
0x19a: {  	_ =	swait.ge [sflag:s21], $0x4000  }
0x19b: {  	[sflag:s21] =	ssyncset.done $0x0  }
0x19c: {  	[sflag:s21] =	ssyncadd.s32 $0xFFFFC000  }
0x19d: {  	_ =	swait.ge [sflag:s22], $0x80  }
0x19e: {  	[sflag:s22] =	ssyncset.done $0x0  }
0x19f: {  	[sflag:s22] =	ssyncadd.s32 $0xFFFFFF80  }
0x1a0: {  	_ =	swait.ge [sflag:s22], $0x80  }
0x1a1: {  	[sflag:s22] =	ssyncset.done $0x0  }
0x1a2: {  	[sflag:s22] =	ssyncadd.s32 $0xFFFFFF80  }
0x1a3: {  	[tilespmem:s14], [sflag:$0x7] =	stream.indirect.gather [hbm4b:s1+s4], $0x80, s15, s4, $0xb8;
	[tilespmem:$0x1C480] =	vst v63  }
0x1a4: {  	_ =	swait.ge [sflag:s17], $0x4000  }
0x1a5: {  	[sflag:s17] =	ssyncset.done $0x0  }
0x1a6: {  	[sflag:s17] =	ssyncadd.s32 $0xFFFFC000  }
0x1a7: {  	[spmem:s2] =	stream.indirect.scatter.add.f32 [tilespmem:s31], [sflag:$0x8], $0x80, s11, s4, $0xb8;
	[tilespmem:$0x1C480] =	vst v63  }
0x1a8: {  	_ =	swait.ge [sflag:s18], $0x4000  }
0x1a9: {  	[sflag:s18] =	ssyncset.done $0x0  }
0x1aa: {  	[sflag:s18] =	ssyncadd.s32 $0xFFFFC000  }
0x1ab: {  	_ =	swait.ge [sflag:s20], $0x4000  }
0x1ac: {  	[sflag:s20] =	ssyncset.done $0x0  }
0x1ad: {  	[sflag:s20] =	ssyncadd.s32 $0xFFFFC000  }
0x1ae: {  	[spmem:s2] =	stream.indirect.scatter.add.f32 [tilespmem:s14], [sflag:$0x9], $0x80, s16, s4, $0xb8;
	[tilespmem:$0x1C480] =	vst v63  }
0x1af: {  	_ =	swait.ge [sflag:s21], $0x4000  }
0x1b0: {  	[sflag:s21] =	ssyncset.done $0x0  }
0x1b1: {  	[sflag:s21] =	ssyncadd.s32 $0xFFFFC000  }
0x1b2: {  	[bflag:$0x0] =	sbarrier.arrive $0xFFFF  }
0x1b3: {  	[tilespmem:$0x0] =	vst v0  }
0x1b4: {  	[tilespmem:$0x10] =	vst v1  }
0x1b5: {  	[tilespmem:$0x20] =	vst v2  }
0x1b6: {  	[tilespmem:$0x30] =	vst v3  }
0x1b7: {  	[tilespmem:$0x40] =	vst v4  }
0x1b8: {  	[tilespmem:$0x50] =	vst v5  }
0x1b9: {  	[tilespmem:$0x60] =	vst v6  }
0x1ba: {  	s23 =	simm.s32 $0x1;
	[tilespmem:$0x70] =	vst v7  }
0x1bb: {  	[tilespmem:s31], [sflag:$0x1] =	stream.indirect.gather [spmem:s2], $0x80, s3, s4, $0xb8;
	[tilespmem:$0x1C480] =	vst v63  }
0x1bc: {  	_ =	swait.ge [sflag:s23], $0x4000  }
0x1bd: {  	[sflag:s23] =	ssyncset.done $0x0  }
0x1be: {  	s7 =	rddreg [dreg:$0x10];
	[sflag:s23] =	ssyncadd.s32 $0xFFFFC000  }
0x1bf: {  	[hbm4b:s7+s3] =	stream.linear.scatter [tilespmem:s31], [sflag:$0xA], $0x4000, $0x38;
	[tilespmem:$0x1C480] =	vst v63  }
0x1c0: {  	s7 =	simm.s32 $0xA  }
0x1c1: {  	_ =	swait.ge [sflag:s7], $0x4000  }
0x1c2: {  	[sflag:s7] =	ssyncset.done $0x0  }
0x1c3: {  	[sflag:s7] =	ssyncadd.s32 $0xFFFFC000  }
0x1c4: {  	[tilespmem:$0x0] =	vst v8  }
0x1c5: {  	[tilespmem:$0x10] =	vst v9  }
0x1c6: {  	[tilespmem:$0x20] =	vst v10  }
0x1c7: {  	[tilespmem:$0x30] =	vst v11  }
0x1c8: {  	[tilespmem:$0x40] =	vst v12  }
0x1c9: {  	[tilespmem:$0x50] =	vst v13  }
0x1ca: {  	[tilespmem:$0x60] =	vst v14  }
0x1cb: {  	[tilespmem:$0x70] =	vst v15  }
0x1cc: {  	[tilespmem:s31], [sflag:$0x1] =	stream.indirect.gather [spmem:s2], $0x80, s3, s4, $0xb8;
	[tilespmem:$0x1C480] =	vst v63  }
0x1cd: {  	_ =	swait.ge [sflag:s23], $0x4000  }
0x1ce: {  	[sflag:s23] =	ssyncset.done $0x0  }
0x1cf: {  	s24 =	rddreg [dreg:$0x17];
	[sflag:s23] =	ssyncadd.s32 $0xFFFFC000  }
0x1d0: {  	[hbm4b:s24+s3] =	stream.linear.scatter [tilespmem:s31], [sflag:$0xA], $0x4000, $0x38;
	[tilespmem:$0x1C480] =	vst v63  }
0x1d1: {  	_ =	swait.ge [sflag:s7], $0x4000  }
0x1d2: {  	[sflag:s7] =	ssyncset.done $0x0  }
0x1d3: {  	[sflag:s7] =	ssyncadd.s32 $0xFFFFC000  }
0x1d4: {  	[tilespmem:$0x0] =	vst v16  }
0x1d5: {  	[tilespmem:$0x10] =	vst v17  }
0x1d6: {  	[tilespmem:$0x20] =	vst v18  }
0x1d7: {  	[tilespmem:$0x30] =	vst v19  }
0x1d8: {  	[tilespmem:$0x40] =	vst v20  }
0x1d9: {  	[tilespmem:$0x50] =	vst v21  }
0x1da: {  	[tilespmem:$0x60] =	vst v22  }
0x1db: {  	[tilespmem:$0x70] =	vst v23  }
0x1dc: {  	[tilespmem:s31], [sflag:$0x1] =	stream.indirect.gather [spmem:s2], $0x80, s3, s4, $0xb8;
	[tilespmem:$0x1C480] =	vst v63  }
0x1dd: {  	_ =	swait.ge [sflag:s23], $0x4000  }
0x1de: {  	[sflag:s23] =	ssyncset.done $0x0  }
0x1df: {  	s25 =	rddreg [dreg:$0x18];
	[sflag:s23] =	ssyncadd.s32 $0xFFFFC000  }
0x1e0: {  	[hbm4b:s25+s3] =	stream.linear.scatter [tilespmem:s31], [sflag:$0xA], $0x4000, $0x38;
	[tilespmem:$0x1C480] =	vst v63  }
0x1e1: {  	_ =	swait.ge [sflag:s7], $0x4000  }
0x1e2: {  	[sflag:s7] =	ssyncset.done $0x0  }
0x1e3: {  	[sflag:s7] =	ssyncadd.s32 $0xFFFFC000  }
0x1e4: {  	[tilespmem:$0x0] =	vst v24  }
0x1e5: {  	[tilespmem:$0x10] =	vst v25  }
0x1e6: {  	[tilespmem:$0x20] =	vst v26  }
0x1e7: {  	[tilespmem:$0x30] =	vst v27  }
0x1e8: {  	[tilespmem:$0x40] =	vst v28  }
0x1e9: {  	[tilespmem:$0x50] =	vst v29  }
0x1ea: {  	[tilespmem:$0x60] =	vst v30  }
0x1eb: {  	[tilespmem:$0x70] =	vst v31  }
0x1ec: {  	[tilespmem:s31], [sflag:$0x1] =	stream.indirect.gather [spmem:s2], $0x80, s3, s4, $0xb8;
	[tilespmem:$0x1C480] =	vst v63  }
0x1ed: {  	_ =	swait.ge [sflag:s23], $0x4000  }
0x1ee: {  	[sflag:s23] =	ssyncset.done $0x0  }
0x1ef: {  	s26 =	rddreg [dreg:$0x19];
	[sflag:s23] =	ssyncadd.s32 $0xFFFFC000  }
0x1f0: {  	[hbm4b:s26+s3] =	stream.linear.scatter [tilespmem:s31], [sflag:$0xA], $0x4000, $0x38;
	[tilespmem:$0x1C480] =	vst v63  }
0x1f1: {  	_ =	swait.ge [sflag:s7], $0x4000  }
0x1f2: {  	[sflag:s7] =	ssyncset.done $0x0  }
0x1f3: {  	[sflag:s7] =	ssyncadd.s32 $0xFFFFC000  }
0x1f4: {  	[tilespmem:$0x0] =	vst v32  }
0x1f5: {  	[tilespmem:$0x10] =	vst v33  }
0x1f6: {  	[tilespmem:$0x20] =	vst v34  }
0x1f7: {  	[tilespmem:$0x30] =	vst v35  }
0x1f8: {  	[tilespmem:$0x40] =	vst v36  }
0x1f9: {  	[tilespmem:$0x50] =	vst v37  }
0x1fa: {  	[tilespmem:$0x60] =	vst v38  }
0x1fb: {  	[tilespmem:$0x70] =	vst v39  }
0x1fc: {  	[tilespmem:s31], [sflag:$0x1] =	stream.indirect.gather [spmem:s2], $0x80, s3, s4, $0xb8;
	[tilespmem:$0x1C480] =	vst v63  }
0x1fd: {  	_ =	swait.ge [sflag:s23], $0x4000  }
0x1fe: {  	[sflag:s23] =	ssyncset.done $0x0  }
0x1ff: {  	s28 =	rddreg [dreg:$0x1a];
	[sflag:s23] =	ssyncadd.s32 $0xFFFFC000  }
0x200: {  	[hbm4b:s28+s3] =	stream.linear.scatter [tilespmem:s31], [sflag:$0xA], $0x4000, $0x38;
	[tilespmem:$0x1C480] =	vst v63  }
0x201: {  	_ =	swait.ge [sflag:s7], $0x4000  }
0x202: {  	s29 =	rddreg [dreg:$0x1c]  }
0x203: {  	s30 =	rddreg [dreg:$0x1b];
	s23 =	sadd.s32 $0x1, s29  }
0x204: {  	p0 =	sne.s32 s23, s30  }
.Ltmp1:
0x205: {  	_ = 	snop;
	(pc) =	sbr.rel @p0 .LBB2_1-.Ltmp1, $3  }
0x206: {  	_ =	sdelay $0x1  }
0x207: {  	[sflag:s7] =	ssyncset.done $0x0  }
0x208: {  	[sflag:s7] =	ssyncadd.s32 $0xFFFFC000  }
0x209: {  	_ =	sfence.sel $0x180000  }
0x20a: {  	[bflag:$0x0] =	sbarrier.arrive $0xFFFF  }
0x20b: {  	_ =	strace $0x9000004A  }
0x20c: {  	s0 =	stileid.u32;
	[bflag:$0x2] =	sbarrier.arrive $0xFFFF  }
0x20d: {  	p0 =	sne.s32 s0, $0x0;
	s0 =	rddreg [dreg:$0x3]  }
0x20e: {  	s0 =	sadd.s32 @!p0 $0x100000, s0  }
0x20f: {  	[sflag:s0] =	ssyncadd.tile.s32 @!p0 $0x1;
	_ =	shalt  }
.Lfunc_end2:
_tile_overlayer_lowered:
.L_overlay_start_2:
0x210: {  	(tag) =	ssettag $0x2  }
0x211: {  	s0 =	rddreg [dreg:$0x0];
	s2 =	stileid.u32  }
0x212: {  	s1 =	rddreg [dreg:$0x1];
	p0 =	sne.s32 s2, $0x0  }
0x213: {  	s3 =	rddreg [dreg:$0x2];
	[bflag:$0x3] =	sbarrier.arrive $0xFFFF;
	s2 =	simm.s32 @!p0 $0x1C0A  }
0x214: {  	[timem:s3], [sflag:s2] =	dma.local @!p0 [hbm:s0], s1  }
0x215: {  	s0 =	simm.s32 @!p0 $0xA  }
0x216: {  	_ =	swait.ge @!p0 [sflag:s0], s1  }
0x217: {  	s1 =	ssub.s32 @!p0 $0x0, s1;
	[sflag:s0] =	ssyncset.done @!p0 $0x0  }
0x218: {  	[sflag:s0] =	ssyncadd.s32 @!p0 s1  }
0x219: {  	[bflag:$0x3] =	sbarrier.arrive $0xFFFF  }
0x21a: {  	_ =	shalt  }

</sc_bundles>
